<compile_context>
chip_gen: v7x
topology: tpu7x:2x2x1
jax: 0.10.2.dev20260603
libtpu: 0.0.44.dev20260713+nightly
codegen_flags: <defaults>
</compile_context>

<pallas_src>
import functools

import jax
import jax.numpy as jnp
from jax import lax
from jax.experimental import pallas as pl
from jax.experimental.pallas import tpu as pltpu
from jax.experimental.pallas import tpu_sc as plsc

HIDDEN = 768
EPS = 1e-05
LANES = 16
NCH = HIDDEN // LANES
NC, NS = 2, 16
NW = NC * NS
NBUF = 2 * NC


def _rsqrt(a):
    i = lax.bitcast_convert_type(a, jnp.int32)
    y = lax.bitcast_convert_type(jnp.int32(0x5F3759DF) - (i >> 1), jnp.float32)
    half = a * 0.5
    for _ in range(3):
        y = y * (1.5 - half * y * y)
    return y


def _build(total, chunk):
    per_w = total // NW
    n_chunks = per_w // chunk
    n_groups = n_chunks // NBUF
    mesh = plsc.VectorSubcoreMesh(
        core_axis_name="c", subcore_axis_name="s",
        num_cores=NC, num_subcores=NS)

    @functools.partial(
        pl.kernel,
        mesh=mesh,
        out_type=jax.ShapeDtypeStruct((total, HIDDEN), jnp.float32),
        compiler_params=pltpu.CompilerParams(needs_layout_passes=False),
        scratch_types=(
            [pltpu.VMEM((per_w,), jnp.int32),
             pltpu.VMEM((HIDDEN,), jnp.float32)]
            + [pltpu.VMEM((chunk, HIDDEN), jnp.float32)] * NBUF
            + [pltpu.SemaphoreType.DMA] * (2 * NBUF)
        ),
    )
    def emb_ln(ids_hbm, table_hbm, w_hbm, out_hbm, idx_all, w_v, *bufsem):
        bufs, ins, outs = bufsem[:NBUF], bufsem[NBUF:2 * NBUF], bufsem[2 * NBUF:]
        wid = lax.axis_index("s") * NC + lax.axis_index("c")
        base = wid * per_w
        pltpu.sync_copy(w_hbm, w_v)
        pltpu.sync_copy(ids_hbm.at[pl.ds(base, per_w)], idx_all)

        def gather(ci, b):
            pltpu.async_copy(
                table_hbm.at[idx_all.at[pl.ds(ci * chunk, chunk)]],
                bufs[b], ins[b])

        def wait_in(b):
            pltpu.make_async_copy(table_hbm.at[pl.ds(0, chunk)],
                                  bufs[b], ins[b]).wait()

        def wait_out(b):
            pltpu.make_async_copy(bufs[b], out_hbm.at[pl.ds(0, chunk)],
                                  outs[b]).wait()

        def ln_chunk(buf):
            def row_body(r, _):
                nacc = 8
                s = [None] * nacc
                q = [None] * nacc
                for c in range(NCH):
                    x = buf[r, pl.ds(c * LANES, LANES)]
                    a = c % nacc
                    if s[a] is None:
                        s[a], q[a] = x, x * x
                    else:
                        s[a] = s[a] + x
                        q[a] = q[a] + x * x
                for step in (4, 2, 1):
                    for a in range(step):
                        s[a] = s[a] + s[a + step]
                        q[a] = q[a] + q[a + step]
                mean = jnp.broadcast_to(jnp.sum(s[0]), (LANES,)) * (1.0 / HIDDEN)
                msq = jnp.broadcast_to(jnp.sum(q[0]), (LANES,)) * (1.0 / HIDDEN)
                scale = _rsqrt(msq - mean * mean + EPS)
                shift = mean * scale
                for c in range(NCH):
                    x = buf[r, pl.ds(c * LANES, LANES)]
                    wv = w_v[pl.ds(c * LANES, LANES)]
                    buf[r, pl.ds(c * LANES, LANES)] = (x * scale - shift) * wv
                return 0
            lax.fori_loop(0, chunk, row_body, 0)

        for b in range(2):
            gather(b, b)

        def group(g, _):
            for b in range(NBUF):
                ci = g * NBUF + b
                bn = (b + 2) % NBUF
                pred = ci + 2 < n_chunks

                @pl.when(jnp.logical_and(pred, ci >= 2))
                def _():
                    wait_out(bn)

                @pl.when(pred)
                def _():
                    gather(ci + 2, bn)

                wait_in(b)
                ln_chunk(bufs[b])
                pltpu.async_copy(
                    bufs[b], out_hbm.at[pl.ds(base + ci * chunk, chunk)],
                    outs[b])
            return 0

        lax.fori_loop(0, n_groups, group, 0)
        for b in range(NBUF):
            wait_out(b)

    return emb_ln


@jax.jit
def kernel(input_ids, tok_embeddings, norm_weight):
    b, s = input_ids.shape
    total = b * s
    ids = input_ids.reshape(total).astype(jnp.int32)
    out = _build(total, 32)(ids, tok_embeddings, norm_weight)
    return out.reshape(b, s, HIDDEN)

# --- scband reference (transcript-rebuilt; emitter-appended) ---
"""Pipeline reference for scband-modern-bert-embeddings-21500606284276 (READ-ONLY COPY).

The authoritative reference and input builder live on the scoring server;
editing this copy changes nothing except your own understanding.
"""

import jax, jax.numpy as jnp
import numpy as np

VOCAB = 50368
HIDDEN = 768
EPS = 1e-05

def setup_inputs(seed: int = 0) -> dict:
    key = jax.random.key(seed)
    k1, k2 = jax.random.split(key)
    input_ids = jax.random.randint(k1, (4, 8192), 0, VOCAB, dtype=jnp.int64 if jax.config.jax_enable_x64 else jnp.int32)
    tok_embeddings = jax.random.normal(k2, (VOCAB, HIDDEN), dtype=jnp.float32) * 0.02
    norm_weight = jnp.ones((HIDDEN,), dtype=jnp.float32)
    return {"input_ids": input_ids, "tok_embeddings": tok_embeddings, "norm_weight": norm_weight}

def reference(input_ids, tok_embeddings, norm_weight):
    # ModernBertEmbeddings.forward: drop(norm(tok_embeddings(input_ids)))
    # embedding lookup (gather)
    x = jnp.take(tok_embeddings, input_ids, axis=0)  # [B, S, H]
    # LayerNorm with bias=False (norm_bias=False), eps=1e-5
    mean = jnp.mean(x, axis=-1, keepdims=True)
    var = jnp.mean(jnp.square(x - mean), axis=-1, keepdims=True)
    x_norm = (x - mean) / jnp.sqrt(var + EPS)
    out = x_norm * norm_weight
    # embedding_dropout = 0.0 -> identity
    return out

if __name__ == "__main__":
    import jax
    _d = setup_inputs()
    print(jax.jit(kernel)(*tuple(_d.values())))

</pallas_src>

<mosaic_0001>
#map = affine_map<(d0, d1) -> (0)>
#map1 = affine_map<(d0, d1) -> (0, 0)>
module attributes {stable_mosaic.version = 14 : i64} {
  func.func @emb_ln(%arg0: i32, %arg1: i32, %arg2: memref<32768xi32, #tpu.memory_space<hbm>>, %arg3: memref<50368x768xf32, #tpu.memory_space<hbm>>, %arg4: memref<768xf32, #tpu.memory_space<hbm>>, %arg5: memref<32768x768xf32, #tpu.memory_space<hbm>>, %arg6: memref<1024xi32, #tpu.memory_space<vmem>>, %arg7: memref<768xf32, #tpu.memory_space<vmem>>, %arg8: memref<32x768xf32, #tpu.memory_space<vmem>>, %arg9: memref<32x768xf32, #tpu.memory_space<vmem>>, %arg10: memref<32x768xf32, #tpu.memory_space<vmem>>, %arg11: memref<32x768xf32, #tpu.memory_space<vmem>>, %arg12: memref<!tpu.dma_semaphore, #tpu.memory_space<semaphore_mem>>, %arg13: memref<!tpu.dma_semaphore, #tpu.memory_space<semaphore_mem>>, %arg14: memref<!tpu.dma_semaphore, #tpu.memory_space<semaphore_mem>>, %arg15: memref<!tpu.dma_semaphore, #tpu.memory_space<semaphore_mem>>, %arg16: memref<!tpu.dma_semaphore, #tpu.memory_space<semaphore_mem>>, %arg17: memref<!tpu.dma_semaphore, #tpu.memory_space<semaphore_mem>>, %arg18: memref<!tpu.dma_semaphore, #tpu.memory_space<semaphore_mem>>, %arg19: memref<!tpu.dma_semaphore, #tpu.memory_space<semaphore_mem>>) attributes {dimension_semantics = [#tpu.dimension_semantics<core_parallel>, #tpu.dimension_semantics<subcore_parallel>], iteration_bounds = array<i64: 2, 16>, scalar_prefetch = 0 : i64, scratch_operands = 14 : i64, tpu.core_type = #tpu.core_type<sc_vector_subcore>, window_params = [{transform_indices = #map}, {transform_indices = #map1}, {transform_indices = #map}, {transform_indices = #map1}]} {
    %mul3A = arith.constant 2 : i32
    %mul3A_0 = arith.muli %arg1, %mul3A : i32
    %add3A = arith.addi %mul3A_0, %arg0 : i32
    %mul3A_1 = arith.constant 1024 : i32
    %mul3A_2 = arith.muli %add3A, %mul3A_1 : i32
    "tpu.region"() ({
      %run_scoped3A = tpu.sem_alloc : memref<!tpu.dma_semaphore, #tpu.memory_space<semaphore_mem>>
      tpu.enqueue_dma source(%arg4 : memref<768xf32, #tpu.memory_space<hbm>>) target(%arg7 : memref<768xf32, #tpu.memory_space<vmem>>) target_semaphore(%run_scoped3A : memref<!tpu.dma_semaphore, #tpu.memory_space<semaphore_mem>>)
      tpu.wait_dma2 semaphore(%run_scoped3A : memref<!tpu.dma_semaphore, #tpu.memory_space<semaphore_mem>>) src(%arg4 : memref<768xf32, #tpu.memory_space<hbm>>) dst(%arg7 : memref<768xf32, #tpu.memory_space<vmem>>)
      tpu.yield
    }) : () -> ()
    "tpu.region"() ({
      %run_scoped3A = tpu.sem_alloc : memref<!tpu.dma_semaphore, #tpu.memory_space<semaphore_mem>>
      %dma_start3A_41 = tpu.memref_slice %arg2[%mul3A_2] : memref<32768xi32, #tpu.memory_space<hbm>> -> memref<1024xi32, #tpu.memory_space<hbm>>
      %dma_start3A_42 = tpu.memref_slice %arg2[%mul3A_2] : memref<32768xi32, #tpu.memory_space<hbm>> -> memref<1024xi32, #tpu.memory_space<hbm>>
      tpu.enqueue_dma source(%dma_start3A_42 : memref<1024xi32, #tpu.memory_space<hbm>>) target(%arg6 : memref<1024xi32, #tpu.memory_space<vmem>>) target_semaphore(%run_scoped3A : memref<!tpu.dma_semaphore, #tpu.memory_space<semaphore_mem>>)
      %dma_wait3A_43 = tpu.memref_slice %arg2[%mul3A_2] : memref<32768xi32, #tpu.memory_space<hbm>> -> memref<1024xi32, #tpu.memory_space<hbm>>
      %dma_wait3A_44 = tpu.memref_slice %arg2[%mul3A_2] : memref<32768xi32, #tpu.memory_space<hbm>> -> memref<1024xi32, #tpu.memory_space<hbm>>
      tpu.wait_dma2 semaphore(%run_scoped3A : memref<!tpu.dma_semaphore, #tpu.memory_space<semaphore_mem>>) src(%dma_wait3A_44 : memref<1024xi32, #tpu.memory_space<hbm>>) dst(%arg6 : memref<1024xi32, #tpu.memory_space<vmem>>)
      tpu.yield
    }) : () -> ()
    %dma_start3A = arith.constant 0 : i32
    %dma_start3A_3 = tpu.memref_slice %arg6[%dma_start3A] : memref<1024xi32, #tpu.memory_space<vmem>> -> memref<32xi32, #tpu.memory_space<vmem>>
    %dma_start3A_4 = arith.constant 0 : i32
    %dma_start3A_5 = arith.constant 0 : i32
    %dma_start3A_6 = tpu.memref_slice %arg3[%dma_start3A_4, %dma_start3A_5] : memref<50368x768xf32, #tpu.memory_space<hbm>> -> memref<50368x768xf32, #tpu.memory_space<hbm>>
    tpu.enqueue_indirect_dma source(%dma_start3A_6 : memref<50368x768xf32, #tpu.memory_space<hbm>>) target(%arg8 : memref<32x768xf32, #tpu.memory_space<vmem>>) offsets(%dma_start3A_3 : memref<32xi32, #tpu.memory_space<vmem>>) semaphore(%arg12 : memref<!tpu.dma_semaphore, #tpu.memory_space<semaphore_mem>>)
    %dma_start3A_7 = arith.constant 32 : i32
    %dma_start3A_8 = tpu.memref_slice %arg6[%dma_start3A_7] : memref<1024xi32, #tpu.memory_space<vmem>> -> memref<32xi32, #tpu.memory_space<vmem>>
    %dma_start3A_9 = arith.constant 0 : i32
    %dma_start3A_10 = arith.constant 0 : i32
    %dma_start3A_11 = tpu.memref_slice %arg3[%dma_start3A_9, %dma_start3A_10] : memref<50368x768xf32, #tpu.memory_space<hbm>> -> memref<50368x768xf32, #tpu.memory_space<hbm>>
    tpu.enqueue_indirect_dma source(%dma_start3A_11 : memref<50368x768xf32, #tpu.memory_space<hbm>>) target(%arg9 : memref<32x768xf32, #tpu.memory_space<vmem>>) offsets(%dma_start3A_8 : memref<32xi32, #tpu.memory_space<vmem>>) semaphore(%arg13 : memref<!tpu.dma_semaphore, #tpu.memory_space<semaphore_mem>>)
    %scan3A = arith.constant 0 : i32
    %scan3A_12 = arith.constant 0 : i32
    %scan3A_13 = arith.constant 8 : i32
    %scan3A_14 = arith.addi %scan3A_12, %scan3A_13 : i32
    %scan3A_15 = arith.constant 1 : i32
    %scan3A_16 = scf.for %scan3A_41 = %scan3A_12 to %scan3A_14 step %scan3A_15 iter_args(%scan3A_42 = %scan3A) -> (i32)  : i32 {
      %mul3A_43 = arith.constant 4 : i32
      %mul3A_44 = arith.muli %scan3A_41, %mul3A_43 : i32
      %add3A_45 = arith.constant 0 : i32
      %add3A_46 = arith.addi %mul3A_44, %add3A_45 : i32
      %add3A_47 = arith.constant 2 : i32
      %add3A_48 = arith.addi %add3A_46, %add3A_47 : i32
      %lt3A = arith.constant 32 : i32
      %lt3A_49 = arith.cmpi slt, %add3A_48, %lt3A : i32
      %ge3A = arith.constant 2 : i32
      %ge3A_50 = arith.cmpi sge, %add3A_46, %ge3A : i32
      %and3A = arith.andi %lt3A_49, %ge3A_50 : i1
      %convert_element_type3A = arith.extui %and3A : i1 to i32
      %cond3A = arith.constant 0 : i32
      %cond3A_51 = arith.cmpi ne, %convert_element_type3A, %cond3A : i32
      scf.if %cond3A_51 {
        %dma_wait3A_187 = arith.constant 0 : i32
        %dma_wait3A_188 = arith.constant 0 : i32
        %dma_wait3A_189 = tpu.memref_slice %arg5[%dma_wait3A_187, %dma_wait3A_188] : memref<32768x768xf32, #tpu.memory_space<hbm>> -> memref<32x768xf32, #tpu.memory_space<hbm>>
        %dma_wait3A_190 = arith.constant 0 : i32
        %dma_wait3A_191 = arith.constant 0 : i32
        %dma_wait3A_192 = tpu.memref_slice %arg5[%dma_wait3A_190, %dma_wait3A_191] : memref<32768x768xf32, #tpu.memory_space<hbm>> -> memref<32x768xf32, #tpu.memory_space<hbm>>
        tpu.wait_dma2 semaphore(%arg18 : memref<!tpu.dma_semaphore, #tpu.memory_space<semaphore_mem>>) src(%arg10 : memref<32x768xf32, #tpu.memory_space<vmem>>) dst(%dma_wait3A_192 : memref<32x768xf32, #tpu.memory_space<hbm>>)
      } else {
      }
      %convert_element_type3A_52 = arith.extui %lt3A_49 : i1 to i32
      %cond3A_53 = arith.constant 0 : i32
      %cond3A_54 = arith.cmpi ne, %convert_element_type3A_52, %cond3A_53 : i32
      scf.if %cond3A_54 {
        %add3A_187 = arith.constant 2 : i32
        %add3A_188 = arith.addi %add3A_46, %add3A_187 : i32
        %mul3A_189 = arith.constant 32 : i32
        %mul3A_190 = arith.muli %add3A_188, %mul3A_189 : i32
        %dma_start3A_191 = tpu.memref_slice %arg6[%mul3A_190] : memref<1024xi32, #tpu.memory_space<vmem>> -> memref<32xi32, #tpu.memory_space<vmem>>
        %dma_start3A_192 = arith.constant 0 : i32
        %dma_start3A_193 = arith.constant 0 : i32
        %dma_start3A_194 = tpu.memref_slice %arg3[%dma_start3A_192, %dma_start3A_193] : memref<50368x768xf32, #tpu.memory_space<hbm>> -> memref<50368x768xf32, #tpu.memory_space<hbm>>
        tpu.enqueue_indirect_dma source(%dma_start3A_194 : memref<50368x768xf32, #tpu.memory_space<hbm>>) target(%arg10 : memref<32x768xf32, #tpu.memory_space<vmem>>) offsets(%dma_start3A_191 : memref<32xi32, #tpu.memory_space<vmem>>) semaphore(%arg14 : memref<!tpu.dma_semaphore, #tpu.memory_space<semaphore_mem>>)
      } else {
      }
      %dma_wait3A_55 = arith.constant 0 : i32
      %dma_wait3A_56 = arith.constant 0 : i32
      %dma_wait3A_57 = tpu.memref_slice %arg3[%dma_wait3A_55, %dma_wait3A_56] : memref<50368x768xf32, #tpu.memory_space<hbm>> -> memref<32x768xf32, #tpu.memory_space<hbm>>
      %dma_wait3A_58 = arith.constant 0 : i32
      %dma_wait3A_59 = arith.constant 0 : i32
      %dma_wait3A_60 = tpu.memref_slice %arg3[%dma_wait3A_58, %dma_wait3A_59] : memref<50368x768xf32, #tpu.memory_space<hbm>> -> memref<32x768xf32, #tpu.memory_space<hbm>>
      tpu.wait_dma2 semaphore(%arg12 : memref<!tpu.dma_semaphore, #tpu.memory_space<semaphore_mem>>) src(%dma_wait3A_60 : memref<32x768xf32, #tpu.memory_space<hbm>>) dst(%arg8 : memref<32x768xf32, #tpu.memory_space<vmem>>)
      %scan3A_61 = arith.constant 0 : i32
      %scan3A_62 = arith.constant 0 : i32
      %scan3A_63 = arith.constant 32 : i32
      %scan3A_64 = arith.addi %scan3A_62, %scan3A_63 : i32
      %scan3A_65 = arith.constant 1 : i32
      %scan3A_66 = scf.for %scan3A_187 = %scan3A_62 to %scan3A_64 step %scan3A_65 iter_args(%scan3A_188 = %scan3A_61) -> (i32)  : i32 {
        %get3A = arith.index_cast %scan3A_187 : i32 to index
        %get3A_189 = arith.constant 0 : index
        %get3A_190 = tpu.vector_load %arg8[%get3A, %get3A_189] {strides = array<i32>} : memref<32x768xf32, #tpu.memory_space<vmem>>, vector<16xf32>,
        %mul3A_191 = arith.mulf %get3A_190, %get3A_190 : vector<16xf32>
        %get3A_192 = arith.index_cast %scan3A_187 : i32 to index
        %get3A_193 = arith.constant 16 : index
        %get3A_194 = tpu.vector_load %arg8[%get3A_192, %get3A_193] {strides = array<i32>} : memref<32x768xf32, #tpu.memory_space<vmem>>, vector<16xf32>,
        %mul3A_195 = arith.mulf %get3A_194, %get3A_194 : vector<16xf32>
        %get3A_196 = arith.index_cast %scan3A_187 : i32 to index
        %get3A_197 = arith.constant 32 : index
        %get3A_198 = tpu.vector_load %arg8[%get3A_196, %get3A_197] {strides = array<i32>} : memref<32x768xf32, #tpu.memory_space<vmem>>, vector<16xf32>,
        %mul3A_199 = arith.mulf %get3A_198, %get3A_198 : vector<16xf32>
        %get3A_200 = arith.index_cast %scan3A_187 : i32 to index
        %get3A_201 = arith.constant 48 : index
        %get3A_202 = tpu.vector_load %arg8[%get3A_200, %get3A_201] {strides = array<i32>} : memref<32x768xf32, #tpu.memory_space<vmem>>, vector<16xf32>,
        %mul3A_203 = arith.mulf %get3A_202, %get3A_202 : vector<16xf32>
        %get3A_204 = arith.index_cast %scan3A_187 : i32 to index
        %get3A_205 = arith.constant 64 : index
        %get3A_206 = tpu.vector_load %arg8[%get3A_204, %get3A_205] {strides = array<i32>} : memref<32x768xf32, #tpu.memory_space<vmem>>, vector<16xf32>,
        %mul3A_207 = arith.mulf %get3A_206, %get3A_206 : vector<16xf32>
        %get3A_208 = arith.index_cast %scan3A_187 : i32 to index
        %get3A_209 = arith.constant 80 : index
        %get3A_210 = tpu.vector_load %arg8[%get3A_208, %get3A_209] {strides = array<i32>} : memref<32x768xf32, #tpu.memory_space<vmem>>, vector<16xf32>,
        %mul3A_211 = arith.mulf %get3A_210, %get3A_210 : vector<16xf32>
        %get3A_212 = arith.index_cast %scan3A_187 : i32 to index
        %get3A_213 = arith.constant 96 : index
        %get3A_214 = tpu.vector_load %arg8[%get3A_212, %get3A_213] {strides = array<i32>} : memref<32x768xf32, #tpu.memory_space<vmem>>, vector<16xf32>,
        %mul3A_215 = arith.mulf %get3A_214, %get3A_214 : vector<16xf32>
        %get3A_216 = arith.index_cast %scan3A_187 : i32 to index
        %get3A_217 = arith.constant 112 : index
        %get3A_218 = tpu.vector_load %arg8[%get3A_216, %get3A_217] {strides = array<i32>} : memref<32x768xf32, #tpu.memory_space<vmem>>, vector<16xf32>,
        %mul3A_219 = arith.mulf %get3A_218, %get3A_218 : vector<16xf32>
        %get3A_220 = arith.index_cast %scan3A_187 : i32 to index
        %get3A_221 = arith.constant 128 : index
        %get3A_222 = tpu.vector_load %arg8[%get3A_220, %get3A_221] {strides = array<i32>} : memref<32x768xf32, #tpu.memory_space<vmem>>, vector<16xf32>,
        %add3A_223 = arith.addf %get3A_190, %get3A_222 : vector<16xf32>
        %mul3A_224 = arith.mulf %get3A_222, %get3A_222 : vector<16xf32>
        %add3A_225 = arith.addf %mul3A_191, %mul3A_224 : vector<16xf32>
        %get3A_226 = arith.index_cast %scan3A_187 : i32 to index
        %get3A_227 = arith.constant 144 : index
        %get3A_228 = tpu.vector_load %arg8[%get3A_226, %get3A_227] {strides = array<i32>} : memref<32x768xf32, #tpu.memory_space<vmem>>, vector<16xf32>,
        %add3A_229 = arith.addf %get3A_194, %get3A_228 : vector<16xf32>
        %mul3A_230 = arith.mulf %get3A_228, %get3A_228 : vector<16xf32>
        %add3A_231 = arith.addf %mul3A_195, %mul3A_230 : vector<16xf32>
        %get3A_232 = arith.index_cast %scan3A_187 : i32 to index
        %get3A_233 = arith.constant 160 : index
        %get3A_234 = tpu.vector_load %arg8[%get3A_232, %get3A_233] {strides = array<i32>} : memref<32x768xf32, #tpu.memory_space<vmem>>, vector<16xf32>,
        %add3A_235 = arith.addf %get3A_198, %get3A_234 : vector<16xf32>
        %mul3A_236 = arith.mulf %get3A_234, %get3A_234 : vector<16xf32>
        %add3A_237 = arith.addf %mul3A_199, %mul3A_236 : vector<16xf32>
        %get3A_238 = arith.index_cast %scan3A_187 : i32 to index
        %get3A_239 = arith.constant 176 : index
        %get3A_240 = tpu.vector_load %arg8[%get3A_238, %get3A_239] {strides = array<i32>} : memref<32x768xf32, #tpu.memory_space<vmem>>, vector<16xf32>,
        %add3A_241 = arith.addf %get3A_202, %get3A_240 : vector<16xf32>
        %mul3A_242 = arith.mulf %get3A_240, %get3A_240 : vector<16xf32>
        %add3A_243 = arith.addf %mul3A_203, %mul3A_242 : vector<16xf32>
        %get3A_244 = arith.index_cast %scan3A_187 : i32 to index
        %get3A_245 = arith.constant 192 : index
        %get3A_246 = tpu.vector_load %arg8[%get3A_244, %get3A_245] {strides = array<i32>} : memref<32x768xf32, #tpu.memory_space<vmem>>, vector<16xf32>,
        %add3A_247 = arith.addf %get3A_206, %get3A_246 : vector<16xf32>
        %mul3A_248 = arith.mulf %get3A_246, %get3A_246 : vector<16xf32>
        %add3A_249 = arith.addf %mul3A_207, %mul3A_248 : vector<16xf32>
        %get3A_250 = arith.index_cast %scan3A_187 : i32 to index
        %get3A_251 = arith.constant 208 : index
        %get3A_252 = tpu.vector_load %arg8[%get3A_250, %get3A_251] {strides = array<i32>} : memref<32x768xf32, #tpu.memory_space<vmem>>, vector<16xf32>,
        %add3A_253 = arith.addf %get3A_210, %get3A_252 : vector<16xf32>
        %mul3A_254 = arith.mulf %get3A_252, %get3A_252 : vector<16xf32>
        %add3A_255 = arith.addf %mul3A_211, %mul3A_254 : vector<16xf32>
        %get3A_256 = arith.index_cast %scan3A_187 : i32 to index
        %get3A_257 = arith.constant 224 : index
        %get3A_258 = tpu.vector_load %arg8[%get3A_256, %get3A_257] {strides = array<i32>} : memref<32x768xf32, #tpu.memory_space<vmem>>, vector<16xf32>,
        %add3A_259 = arith.addf %get3A_214, %get3A_258 : vector<16xf32>
        %mul3A_260 = arith.mulf %get3A_258, %get3A_258 : vector<16xf32>
        %add3A_261 = arith.addf %mul3A_215, %mul3A_260 : vector<16xf32>
        %get3A_262 = arith.index_cast %scan3A_187 : i32 to index
        %get3A_263 = arith.constant 240 : index
        %get3A_264 = tpu.vector_load %arg8[%get3A_262, %get3A_263] {strides = array<i32>} : memref<32x768xf32, #tpu.memory_space<vmem>>, vector<16xf32>,
        %add3A_265 = arith.addf %get3A_218, %get3A_264 : vector<16xf32>
        %mul3A_266 = arith.mulf %get3A_264, %get3A_264 : vector<16xf32>
        %add3A_267 = arith.addf %mul3A_219, %mul3A_266 : vector<16xf32>
        %get3A_268 = arith.index_cast %scan3A_187 : i32 to index
        %get3A_269 = arith.constant 256 : index
        %get3A_270 = tpu.vector_load %arg8[%get3A_268, %get3A_269] {strides = array<i32>} : memref<32x768xf32, #tpu.memory_space<vmem>>, vector<16xf32>,
        %add3A_271 = arith.addf %add3A_223, %get3A_270 : vector<16xf32>
        %mul3A_272 = arith.mulf %get3A_270, %get3A_270 : vector<16xf32>
        %add3A_273 = arith.addf %add3A_225, %mul3A_272 : vector<16xf32>
        %get3A_274 = arith.index_cast %scan3A_187 : i32 to index
        %get3A_275 = arith.constant 272 : index
        %get3A_276 = tpu.vector_load %arg8[%get3A_274, %get3A_275] {strides = array<i32>} : memref<32x768xf32, #tpu.memory_space<vmem>>, vector<16xf32>,
        %add3A_277 = arith.addf %add3A_229, %get3A_276 : vector<16xf32>
        %mul3A_278 = arith.mulf %get3A_276, %get3A_276 : vector<16xf32>
        %add3A_279 = arith.addf %add3A_231, %mul3A_278 : vector<16xf32>
        %get3A_280 = arith.index_cast %scan3A_187 : i32 to index
        %get3A_281 = arith.constant 288 : index
        %get3A_282 = tpu.vector_load %arg8[%get3A_280, %get3A_281] {strides = array<i32>} : memref<32x768xf32, #tpu.memory_space<vmem>>, vector<16xf32>,
        %add3A_283 = arith.addf %add3A_235, %get3A_282 : vector<16xf32>
        %mul3A_284 = arith.mulf %get3A_282, %get3A_282 : vector<16xf32>
        %add3A_285 = arith.addf %add3A_237, %mul3A_284 : vector<16xf32>
        %get3A_286 = arith.index_cast %scan3A_187 : i32 to index
        %get3A_287 = arith.constant 304 : index
        %get3A_288 = tpu.vector_load %arg8[%get3A_286, %get3A_287] {strides = array<i32>} : memref<32x768xf32, #tpu.memory_space<vmem>>, vector<16xf32>,
        %add3A_289 = arith.addf %add3A_241, %get3A_288 : vector<16xf32>
        %mul3A_290 = arith.mulf %get3A_288, %get3A_288 : vector<16xf32>
        %add3A_291 = arith.addf %add3A_243, %mul3A_290 : vector<16xf32>
        %get3A_292 = arith.index_cast %scan3A_187 : i32 to index
        %get3A_293 = arith.constant 320 : index
        %get3A_294 = tpu.vector_load %arg8[%get3A_292, %get3A_293] {strides = array<i32>} : memref<32x768xf32, #tpu.memory_space<vmem>>, vector<16xf32>,
        %add3A_295 = arith.addf %add3A_247, %get3A_294 : vector<16xf32>
        %mul3A_296 = arith.mulf %get3A_294, %get3A_294 : vector<16xf32>
        %add3A_297 = arith.addf %add3A_249, %mul3A_296 : vector<16xf32>
        %get3A_298 = arith.index_cast %scan3A_187 : i32 to index
        %get3A_299 = arith.constant 336 : index
        %get3A_300 = tpu.vector_load %arg8[%get3A_298, %get3A_299] {strides = array<i32>} : memref<32x768xf32, #tpu.memory_space<vmem>>, vector<16xf32>,
        %add3A_301 = arith.addf %add3A_253, %get3A_300 : vector<16xf32>
        %mul3A_302 = arith.mulf %get3A_300, %get3A_300 : vector<16xf32>
        %add3A_303 = arith.addf %add3A_255, %mul3A_302 : vector<16xf32>
        %get3A_304 = arith.index_cast %scan3A_187 : i32 to index
        %get3A_305 = arith.constant 352 : index
        %get3A_306 = tpu.vector_load %arg8[%get3A_304, %get3A_305] {strides = array<i32>} : memref<32x768xf32, #tpu.memory_space<vmem>>, vector<16xf32>,
        %add3A_307 = arith.addf %add3A_259, %get3A_306 : vector<16xf32>
        %mul3A_308 = arith.mulf %get3A_306, %get3A_306 : vector<16xf32>
        %add3A_309 = arith.addf %add3A_261, %mul3A_308 : vector<16xf32>
        %get3A_310 = arith.index_cast %scan3A_187 : i32 to index
        %get3A_311 = arith.constant 368 : index
        %get3A_312 = tpu.vector_load %arg8[%get3A_310, %get3A_311] {strides = array<i32>} : memref<32x768xf32, #tpu.memory_space<vmem>>, vector<16xf32>,
        %add3A_313 = arith.addf %add3A_265, %get3A_312 : vector<16xf32>
        %mul3A_314 = arith.mulf %get3A_312, %get3A_312 : vector<16xf32>
        %add3A_315 = arith.addf %add3A_267, %mul3A_314 : vector<16xf32>
        %get3A_316 = arith.index_cast %scan3A_187 : i32 to index
        %get3A_317 = arith.constant 384 : index
        %get3A_318 = tpu.vector_load %arg8[%get3A_316, %get3A_317] {strides = array<i32>} : memref<32x768xf32, #tpu.memory_space<vmem>>, vector<16xf32>,
        %add3A_319 = arith.addf %add3A_271, %get3A_318 : vector<16xf32>
        %mul3A_320 = arith.mulf %get3A_318, %get3A_318 : vector<16xf32>
        %add3A_321 = arith.addf %add3A_273, %mul3A_320 : vector<16xf32>
        %get3A_322 = arith.index_cast %scan3A_187 : i32 to index
        %get3A_323 = arith.constant 400 : index
        %get3A_324 = tpu.vector_load %arg8[%get3A_322, %get3A_323] {strides = array<i32>} : memref<32x768xf32, #tpu.memory_space<vmem>>, vector<16xf32>,
        %add3A_325 = arith.addf %add3A_277, %get3A_324 : vector<16xf32>
        %mul3A_326 = arith.mulf %get3A_324, %get3A_324 : vector<16xf32>
        %add3A_327 = arith.addf %add3A_279, %mul3A_326 : vector<16xf32>
        %get3A_328 = arith.index_cast %scan3A_187 : i32 to index
        %get3A_329 = arith.constant 416 : index
        %get3A_330 = tpu.vector_load %arg8[%get3A_328, %get3A_329] {strides = array<i32>} : memref<32x768xf32, #tpu.memory_space<vmem>>, vector<16xf32>,
        %add3A_331 = arith.addf %add3A_283, %get3A_330 : vector<16xf32>
        %mul3A_332 = arith.mulf %get3A_330, %get3A_330 : vector<16xf32>
        %add3A_333 = arith.addf %add3A_285, %mul3A_332 : vector<16xf32>
        %get3A_334 = arith.index_cast %scan3A_187 : i32 to index
        %get3A_335 = arith.constant 432 : index
        %get3A_336 = tpu.vector_load %arg8[%get3A_334, %get3A_335] {strides = array<i32>} : memref<32x768xf32, #tpu.memory_space<vmem>>, vector<16xf32>,
        %add3A_337 = arith.addf %add3A_289, %get3A_336 : vector<16xf32>
        %mul3A_338 = arith.mulf %get3A_336, %get3A_336 : vector<16xf32>
        %add3A_339 = arith.addf %add3A_291, %mul3A_338 : vector<16xf32>
        %get3A_340 = arith.index_cast %scan3A_187 : i32 to index
        %get3A_341 = arith.constant 448 : index
        %get3A_342 = tpu.vector_load %arg8[%get3A_340, %get3A_341] {strides = array<i32>} : memref<32x768xf32, #tpu.memory_space<vmem>>, vector<16xf32>,
        %add3A_343 = arith.addf %add3A_295, %get3A_342 : vector<16xf32>
        %mul3A_344 = arith.mulf %get3A_342, %get3A_342 : vector<16xf32>
        %add3A_345 = arith.addf %add3A_297, %mul3A_344 : vector<16xf32>
        %get3A_346 = arith.index_cast %scan3A_187 : i32 to index
        %get3A_347 = arith.constant 464 : index
        %get3A_348 = tpu.vector_load %arg8[%get3A_346, %get3A_347] {strides = array<i32>} : memref<32x768xf32, #tpu.memory_space<vmem>>, vector<16xf32>,
        %add3A_349 = arith.addf %add3A_301, %get3A_348 : vector<16xf32>
        %mul3A_350 = arith.mulf %get3A_348, %get3A_348 : vector<16xf32>
        %add3A_351 = arith.addf %add3A_303, %mul3A_350 : vector<16xf32>
        %get3A_352 = arith.index_cast %scan3A_187 : i32 to index
        %get3A_353 = arith.constant 480 : index
        %get3A_354 = tpu.vector_load %arg8[%get3A_352, %get3A_353] {strides = array<i32>} : memref<32x768xf32, #tpu.memory_space<vmem>>, vector<16xf32>,
        %add3A_355 = arith.addf %add3A_307, %get3A_354 : vector<16xf32>
        %mul3A_356 = arith.mulf %get3A_354, %get3A_354 : vector<16xf32>
        %add3A_357 = arith.addf %add3A_309, %mul3A_356 : vector<16xf32>
        %get3A_358 = arith.index_cast %scan3A_187 : i32 to index
        %get3A_359 = arith.constant 496 : index
        %get3A_360 = tpu.vector_load %arg8[%get3A_358, %get3A_359] {strides = array<i32>} : memref<32x768xf32, #tpu.memory_space<vmem>>, vector<16xf32>,
        %add3A_361 = arith.addf %add3A_313, %get3A_360 : vector<16xf32>
        %mul3A_362 = arith.mulf %get3A_360, %get3A_360 : vector<16xf32>
        %add3A_363 = arith.addf %add3A_315, %mul3A_362 : vector<16xf32>
        %get3A_364 = arith.index_cast %scan3A_187 : i32 to index
        %get3A_365 = arith.constant 512 : index
        %get3A_366 = tpu.vector_load %arg8[%get3A_364, %get3A_365] {strides = array<i32>} : memref<32x768xf32, #tpu.memory_space<vmem>>, vector<16xf32>,
        %add3A_367 = arith.addf %add3A_319, %get3A_366 : vector<16xf32>
        %mul3A_368 = arith.mulf %get3A_366, %get3A_366 : vector<16xf32>
        %add3A_369 = arith.addf %add3A_321, %mul3A_368 : vector<16xf32>
        %get3A_370 = arith.index_cast %scan3A_187 : i32 to index
        %get3A_371 = arith.constant 528 : index
        %get3A_372 = tpu.vector_load %arg8[%get3A_370, %get3A_371] {strides = array<i32>} : memref<32x768xf32, #tpu.memory_space<vmem>>, vector<16xf32>,
        %add3A_373 = arith.addf %add3A_325, %get3A_372 : vector<16xf32>
        %mul3A_374 = arith.mulf %get3A_372, %get3A_372 : vector<16xf32>
        %add3A_375 = arith.addf %add3A_327, %mul3A_374 : vector<16xf32>
        %get3A_376 = arith.index_cast %scan3A_187 : i32 to index
        %get3A_377 = arith.constant 544 : index
        %get3A_378 = tpu.vector_load %arg8[%get3A_376, %get3A_377] {strides = array<i32>} : memref<32x768xf32, #tpu.memory_space<vmem>>, vector<16xf32>,
        %add3A_379 = arith.addf %add3A_331, %get3A_378 : vector<16xf32>
        %mul3A_380 = arith.mulf %get3A_378, %get3A_378 : vector<16xf32>
        %add3A_381 = arith.addf %add3A_333, %mul3A_380 : vector<16xf32>
        %get3A_382 = arith.index_cast %scan3A_187 : i32 to index
        %get3A_383 = arith.constant 560 : index
        %get3A_384 = tpu.vector_load %arg8[%get3A_382, %get3A_383] {strides = array<i32>} : memref<32x768xf32, #tpu.memory_space<vmem>>, vector<16xf32>,
        %add3A_385 = arith.addf %add3A_337, %get3A_384 : vector<16xf32>
        %mul3A_386 = arith.mulf %get3A_384, %get3A_384 : vector<16xf32>
        %add3A_387 = arith.addf %add3A_339, %mul3A_386 : vector<16xf32>
        %get3A_388 = arith.index_cast %scan3A_187 : i32 to index
        %get3A_389 = arith.constant 576 : index
        %get3A_390 = tpu.vector_load %arg8[%get3A_388, %get3A_389] {strides = array<i32>} : memref<32x768xf32, #tpu.memory_space<vmem>>, vector<16xf32>,
        %add3A_391 = arith.addf %add3A_343, %get3A_390 : vector<16xf32>
        %mul3A_392 = arith.mulf %get3A_390, %get3A_390 : vector<16xf32>
        %add3A_393 = arith.addf %add3A_345, %mul3A_392 : vector<16xf32>
        %get3A_394 = arith.index_cast %scan3A_187 : i32 to index
        %get3A_395 = arith.constant 592 : index
        %get3A_396 = tpu.vector_load %arg8[%get3A_394, %get3A_395] {strides = array<i32>} : memref<32x768xf32, #tpu.memory_space<vmem>>, vector<16xf32>,
        %add3A_397 = arith.addf %add3A_349, %get3A_396 : vector<16xf32>
        %mul3A_398 = arith.mulf %get3A_396, %get3A_396 : vector<16xf32>
        %add3A_399 = arith.addf %add3A_351, %mul3A_398 : vector<16xf32>
        %get3A_400 = arith.index_cast %scan3A_187 : i32 to index
        %get3A_401 = arith.constant 608 : index
        %get3A_402 = tpu.vector_load %arg8[%get3A_400, %get3A_401] {strides = array<i32>} : memref<32x768xf32, #tpu.memory_space<vmem>>, vector<16xf32>,
        %add3A_403 = arith.addf %add3A_355, %get3A_402 : vector<16xf32>
        %mul3A_404 = arith.mulf %get3A_402, %get3A_402 : vector<16xf32>
        %add3A_405 = arith.addf %add3A_357, %mul3A_404 : vector<16xf32>
        %get3A_406 = arith.index_cast %scan3A_187 : i32 to index
        %get3A_407 = arith.constant 624 : index
        %get3A_408 = tpu.vector_load %arg8[%get3A_406, %get3A_407] {strides = array<i32>} : memref<32x768xf32, #tpu.memory_space<vmem>>, vector<16xf32>,
        %add3A_409 = arith.addf %add3A_361, %get3A_408 : vector<16xf32>
        %mul3A_410 = arith.mulf %get3A_408, %get3A_408 : vector<16xf32>
        %add3A_411 = arith.addf %add3A_363, %mul3A_410 : vector<16xf32>
        %get3A_412 = arith.index_cast %scan3A_187 : i32 to index
        %get3A_413 = arith.constant 640 : index
        %get3A_414 = tpu.vector_load %arg8[%get3A_412, %get3A_413] {strides = array<i32>} : memref<32x768xf32, #tpu.memory_space<vmem>>, vector<16xf32>,
        %add3A_415 = arith.addf %add3A_367, %get3A_414 : vector<16xf32>
        %mul3A_416 = arith.mulf %get3A_414, %get3A_414 : vector<16xf32>
        %add3A_417 = arith.addf %add3A_369, %mul3A_416 : vector<16xf32>
        %get3A_418 = arith.index_cast %scan3A_187 : i32 to index
        %get3A_419 = arith.constant 656 : index
        %get3A_420 = tpu.vector_load %arg8[%get3A_418, %get3A_419] {strides = array<i32>} : memref<32x768xf32, #tpu.memory_space<vmem>>, vector<16xf32>,
        %add3A_421 = arith.addf %add3A_373, %get3A_420 : vector<16xf32>
        %mul3A_422 = arith.mulf %get3A_420, %get3A_420 : vector<16xf32>
        %add3A_423 = arith.addf %add3A_375, %mul3A_422 : vector<16xf32>
        %get3A_424 = arith.index_cast %scan3A_187 : i32 to index
        %get3A_425 = arith.constant 672 : index
        %get3A_426 = tpu.vector_load %arg8[%get3A_424, %get3A_425] {strides = array<i32>} : memref<32x768xf32, #tpu.memory_space<vmem>>, vector<16xf32>,
        %add3A_427 = arith.addf %add3A_379, %get3A_426 : vector<16xf32>
        %mul3A_428 = arith.mulf %get3A_426, %get3A_426 : vector<16xf32>
        %add3A_429 = arith.addf %add3A_381, %mul3A_428 : vector<16xf32>
        %get3A_430 = arith.index_cast %scan3A_187 : i32 to index
        %get3A_431 = arith.constant 688 : index
        %get3A_432 = tpu.vector_load %arg8[%get3A_430, %get3A_431] {strides = array<i32>} : memref<32x768xf32, #tpu.memory_space<vmem>>, vector<16xf32>,
        %add3A_433 = arith.addf %add3A_385, %get3A_432 : vector<16xf32>
        %mul3A_434 = arith.mulf %get3A_432, %get3A_432 : vector<16xf32>
        %add3A_435 = arith.addf %add3A_387, %mul3A_434 : vector<16xf32>
        %get3A_436 = arith.index_cast %scan3A_187 : i32 to index
        %get3A_437 = arith.constant 704 : index
        %get3A_438 = tpu.vector_load %arg8[%get3A_436, %get3A_437] {strides = array<i32>} : memref<32x768xf32, #tpu.memory_space<vmem>>, vector<16xf32>,
        %add3A_439 = arith.addf %add3A_391, %get3A_438 : vector<16xf32>
        %mul3A_440 = arith.mulf %get3A_438, %get3A_438 : vector<16xf32>
        %add3A_441 = arith.addf %add3A_393, %mul3A_440 : vector<16xf32>
        %get3A_442 = arith.index_cast %scan3A_187 : i32 to index
        %get3A_443 = arith.constant 720 : index
        %get3A_444 = tpu.vector_load %arg8[%get3A_442, %get3A_443] {strides = array<i32>} : memref<32x768xf32, #tpu.memory_space<vmem>>, vector<16xf32>,
        %add3A_445 = arith.addf %add3A_397, %get3A_444 : vector<16xf32>
        %mul3A_446 = arith.mulf %get3A_444, %get3A_444 : vector<16xf32>
        %add3A_447 = arith.addf %add3A_399, %mul3A_446 : vector<16xf32>
        %get3A_448 = arith.index_cast %scan3A_187 : i32 to index
        %get3A_449 = arith.constant 736 : index
        %get3A_450 = tpu.vector_load %arg8[%get3A_448, %get3A_449] {strides = array<i32>} : memref<32x768xf32, #tpu.memory_space<vmem>>, vector<16xf32>,
        %add3A_451 = arith.addf %add3A_403, %get3A_450 : vector<16xf32>
        %mul3A_452 = arith.mulf %get3A_450, %get3A_450 : vector<16xf32>
        %add3A_453 = arith.addf %add3A_405, %mul3A_452 : vector<16xf32>
        %get3A_454 = arith.index_cast %scan3A_187 : i32 to index
        %get3A_455 = arith.constant 752 : index
        %get3A_456 = tpu.vector_load %arg8[%get3A_454, %get3A_455] {strides = array<i32>} : memref<32x768xf32, #tpu.memory_space<vmem>>, vector<16xf32>,
        %add3A_457 = arith.addf %add3A_409, %get3A_456 : vector<16xf32>
        %mul3A_458 = arith.mulf %get3A_456, %get3A_456 : vector<16xf32>
        %add3A_459 = arith.addf %add3A_411, %mul3A_458 : vector<16xf32>
        %add3A_460 = arith.addf %add3A_415, %add3A_439 : vector<16xf32>
        %add3A_461 = arith.addf %add3A_417, %add3A_441 : vector<16xf32>
        %add3A_462 = arith.addf %add3A_421, %add3A_445 : vector<16xf32>
        %add3A_463 = arith.addf %add3A_423, %add3A_447 : vector<16xf32>
        %add3A_464 = arith.addf %add3A_427, %add3A_451 : vector<16xf32>
        %add3A_465 = arith.addf %add3A_429, %add3A_453 : vector<16xf32>
        %add3A_466 = arith.addf %add3A_433, %add3A_457 : vector<16xf32>
        %add3A_467 = arith.addf %add3A_435, %add3A_459 : vector<16xf32>
        %add3A_468 = arith.addf %add3A_460, %add3A_464 : vector<16xf32>
        %add3A_469 = arith.addf %add3A_461, %add3A_465 : vector<16xf32>
        %add3A_470 = arith.addf %add3A_462, %add3A_466 : vector<16xf32>
        %add3A_471 = arith.addf %add3A_463, %add3A_467 : vector<16xf32>
        %add3A_472 = arith.addf %add3A_468, %add3A_470 : vector<16xf32>
        %add3A_473 = arith.addf %add3A_469, %add3A_471 : vector<16xf32>
        %reduce_sum3A = arith.constant true
        %reduce_sum3A_474 = vector.broadcast %reduce_sum3A : i1 to vector<16xi1>
        %reduce_sum3A_475 = tpu.scan <sum>, %add3A_472 masked %reduce_sum3A_474 : vector<16xf32>, vector<16xi1> -> vector<16xf32>
        %reduce_sum3A_476 = vector.extract %reduce_sum3A_475[15] : f32 from vector<16xf32>
        %broadcast_in_dim3A = vector.broadcast %reduce_sum3A_476 : f32 to vector<16xf32>
        %mul3A_477 = arith.constant 0.00130208337 : f32
        %mul3A_478 = vector.broadcast %mul3A_477 : f32 to vector<16xf32>
        %mul3A_479 = arith.mulf %broadcast_in_dim3A, %mul3A_478 : vector<16xf32>
        %reduce_sum3A_480 = arith.constant true
        %reduce_sum3A_481 = vector.broadcast %reduce_sum3A_480 : i1 to vector<16xi1>
        %reduce_sum3A_482 = tpu.scan <sum>, %add3A_473 masked %reduce_sum3A_481 : vector<16xf32>, vector<16xi1> -> vector<16xf32>
        %reduce_sum3A_483 = vector.extract %reduce_sum3A_482[15] : f32 from vector<16xf32>
        %broadcast_in_dim3A_484 = vector.broadcast %reduce_sum3A_483 : f32 to vector<16xf32>
        %mul3A_485 = arith.constant 0.00130208337 : f32
        %mul3A_486 = vector.broadcast %mul3A_485 : f32 to vector<16xf32>
        %mul3A_487 = arith.mulf %broadcast_in_dim3A_484, %mul3A_486 : vector<16xf32>
        %mul3A_488 = arith.mulf %mul3A_479, %mul3A_479 : vector<16xf32>
        %sub3A = arith.subf %mul3A_487, %mul3A_488 : vector<16xf32>
        %add3A_489 = arith.constant 9.99999974E-6 : f32
        %add3A_490 = vector.broadcast %add3A_489 : f32 to vector<16xf32>
        %add3A_491 = arith.addf %sub3A, %add3A_490 : vector<16xf32>
        %bitcast_convert_type3A = tpu.bitcast %add3A_491 : vector<16xf32> -> vector<16xi32>
        %shift_right_arithmetic3A = arith.constant 1 : i32
        %shift_right_arithmetic3A_492 = vector.broadcast %shift_right_arithmetic3A : i32 to vector<16xi32>
        %shift_right_arithmetic3A_493 = arith.shrsi %bitcast_convert_type3A, %shift_right_arithmetic3A_492 : vector<16xi32>
        %sub3A_494 = arith.constant 1597463007 : i32
        %sub3A_495 = vector.broadcast %sub3A_494 : i32 to vector<16xi32>
        %sub3A_496 = arith.subi %sub3A_495, %shift_right_arithmetic3A_493 : vector<16xi32>
        %bitcast_convert_type3A_497 = tpu.bitcast %sub3A_496 : vector<16xi32> -> vector<16xf32>
        %mul3A_498 = arith.constant 5.000000e-01 : f32
        %mul3A_499 = vector.broadcast %mul3A_498 : f32 to vector<16xf32>
        %mul3A_500 = arith.mulf %add3A_491, %mul3A_499 : vector<16xf32>
        %mul3A_501 = arith.mulf %mul3A_500, %bitcast_convert_type3A_497 : vector<16xf32>
        %mul3A_502 = arith.mulf %mul3A_501, %bitcast_convert_type3A_497 : vector<16xf32>
        %sub3A_503 = arith.constant 1.500000e+00 : f32
        %sub3A_504 = vector.broadcast %sub3A_503 : f32 to vector<16xf32>
        %sub3A_505 = arith.subf %sub3A_504, %mul3A_502 : vector<16xf32>
        %mul3A_506 = arith.mulf %bitcast_convert_type3A_497, %sub3A_505 : vector<16xf32>
        %mul3A_507 = arith.mulf %mul3A_500, %mul3A_506 : vector<16xf32>
        %mul3A_508 = arith.mulf %mul3A_507, %mul3A_506 : vector<16xf32>
        %sub3A_509 = arith.constant 1.500000e+00 : f32
        %sub3A_510 = vector.broadcast %sub3A_509 : f32 to vector<16xf32>
        %sub3A_511 = arith.subf %sub3A_510, %mul3A_508 : vector<16xf32>
        %mul3A_512 = arith.mulf %mul3A_506, %sub3A_511 : vector<16xf32>
        %mul3A_513 = arith.mulf %mul3A_500, %mul3A_512 : vector<16xf32>
        %mul3A_514 = arith.mulf %mul3A_513, %mul3A_512 : vector<16xf32>
        %sub3A_515 = arith.constant 1.500000e+00 : f32
        %sub3A_516 = vector.broadcast %sub3A_515 : f32 to vector<16xf32>
        %sub3A_517 = arith.subf %sub3A_516, %mul3A_514 : vector<16xf32>
        %mul3A_518 = arith.mulf %mul3A_512, %sub3A_517 : vector<16xf32>
        %mul3A_519 = arith.mulf %mul3A_479, %mul3A_518 : vector<16xf32>
        %get3A_520 = arith.index_cast %scan3A_187 : i32 to index
        %get3A_521 = arith.constant 0 : index
        %get3A_522 = tpu.vector_load %arg8[%get3A_520, %get3A_521] {strides = array<i32>} : memref<32x768xf32, #tpu.memory_space<vmem>>, vector<16xf32>,
        %get3A_523 = arith.constant 0 : index
        %get3A_524 = tpu.vector_load %arg7[%get3A_523] {strides = array<i32>} : memref<768xf32, #tpu.memory_space<vmem>>, vector<16xf32>,
        %mul3A_525 = arith.mulf %get3A_522, %mul3A_518 : vector<16xf32>
        %sub3A_526 = arith.subf %mul3A_525, %mul3A_519 : vector<16xf32>
        %mul3A_527 = arith.mulf %sub3A_526, %get3A_524 : vector<16xf32>
        %swap3A = arith.index_cast %scan3A_187 : i32 to index
        %swap3A_528 = arith.constant 0 : index
        %swap3A_529 = tpu.vector_load %arg8[%swap3A, %swap3A_528] {strides = array<i32>} : memref<32x768xf32, #tpu.memory_space<vmem>>, vector<16xf32>,
        tpu.vector_store %arg8[%swap3A, %swap3A_528], %mul3A_527 {strides = array<i32>} : memref<32x768xf32, #tpu.memory_space<vmem>>, vector<16xf32>,
        %get3A_530 = arith.index_cast %scan3A_187 : i32 to index
        %get3A_531 = arith.constant 16 : index
        %get3A_532 = tpu.vector_load %arg8[%get3A_530, %get3A_531] {strides = array<i32>} : memref<32x768xf32, #tpu.memory_space<vmem>>, vector<16xf32>,
        %get3A_533 = arith.constant 16 : index
        %get3A_534 = tpu.vector_load %arg7[%get3A_533] {strides = array<i32>} : memref<768xf32, #tpu.memory_space<vmem>>, vector<16xf32>,
        %mul3A_535 = arith.mulf %get3A_532, %mul3A_518 : vector<16xf32>
        %sub3A_536 = arith.subf %mul3A_535, %mul3A_519 : vector<16xf32>
        %mul3A_537 = arith.mulf %sub3A_536, %get3A_534 : vector<16xf32>
        %swap3A_538 = arith.index_cast %scan3A_187 : i32 to index
        %swap3A_539 = arith.constant 16 : index
        %swap3A_540 = tpu.vector_load %arg8[%swap3A_538, %swap3A_539] {strides = array<i32>} : memref<32x768xf32, #tpu.memory_space<vmem>>, vector<16xf32>,
        tpu.vector_store %arg8[%swap3A_538, %swap3A_539], %mul3A_537 {strides = array<i32>} : memref<32x768xf32, #tpu.memory_space<vmem>>, vector<16xf32>,
        %get3A_541 = arith.index_cast %scan3A_187 : i32 to index
        %get3A_542 = arith.constant 32 : index
        %get3A_543 = tpu.vector_load %arg8[%get3A_541, %get3A_542] {strides = array<i32>} : memref<32x768xf32, #tpu.memory_space<vmem>>, vector<16xf32>,
        %get3A_544 = arith.constant 32 : index
        %get3A_545 = tpu.vector_load %arg7[%get3A_544] {strides = array<i32>} : memref<768xf32, #tpu.memory_space<vmem>>, vector<16xf32>,
        %mul3A_546 = arith.mulf %get3A_543, %mul3A_518 : vector<16xf32>
        %sub3A_547 = arith.subf %mul3A_546, %mul3A_519 : vector<16xf32>
        %mul3A_548 = arith.mulf %sub3A_547, %get3A_545 : vector<16xf32>
        %swap3A_549 = arith.index_cast %scan3A_187 : i32 to index
        %swap3A_550 = arith.constant 32 : index
        %swap3A_551 = tpu.vector_load %arg8[%swap3A_549, %swap3A_550] {strides = array<i32>} : memref<32x768xf32, #tpu.memory_space<vmem>>, vector<16xf32>,
        tpu.vector_store %arg8[%swap3A_549, %swap3A_550], %mul3A_548 {strides = array<i32>} : memref<32x768xf32, #tpu.memory_space<vmem>>, vector<16xf32>,
        %get3A_552 = arith.index_cast %scan3A_187 : i32 to index
        %get3A_553 = arith.constant 48 : index
        %get3A_554 = tpu.vector_load %arg8[%get3A_552, %get3A_553] {strides = array<i32>} : memref<32x768xf32, #tpu.memory_space<vmem>>, vector<16xf32>,
        %get3A_555 = arith.constant 48 : index
        %get3A_556 = tpu.vector_load %arg7[%get3A_555] {strides = array<i32>} : memref<768xf32, #tpu.memory_space<vmem>>, vector<16xf32>,
        %mul3A_557 = arith.mulf %get3A_554, %mul3A_518 : vector<16xf32>
        %sub3A_558 = arith.subf %mul3A_557, %mul3A_519 : vector<16xf32>
        %mul3A_559 = arith.mulf %sub3A_558, %get3A_556 : vector<16xf32>
        %swap3A_560 = arith.index_cast %scan3A_187 : i32 to index
        %swap3A_561 = arith.constant 48 : index
        %swap3A_562 = tpu.vector_load %arg8[%swap3A_560, %swap3A_561] {strides = array<i32>} : memref<32x768xf32, #tpu.memory_space<vmem>>, vector<16xf32>,
        tpu.vector_store %arg8[%swap3A_560, %swap3A_561], %mul3A_559 {strides = array<i32>} : memref<32x768xf32, #tpu.memory_space<vmem>>, vector<16xf32>,
        %get3A_563 = arith.index_cast %scan3A_187 : i32 to index
        %get3A_564 = arith.constant 64 : index
        %get3A_565 = tpu.vector_load %arg8[%get3A_563, %get3A_564] {strides = array<i32>} : memref<32x768xf32, #tpu.memory_space<vmem>>, vector<16xf32>,
        %get3A_566 = arith.constant 64 : index
        %get3A_567 = tpu.vector_load %arg7[%get3A_566] {strides = array<i32>} : memref<768xf32, #tpu.memory_space<vmem>>, vector<16xf32>,
        %mul3A_568 = arith.mulf %get3A_565, %mul3A_518 : vector<16xf32>
        %sub3A_569 = arith.subf %mul3A_568, %mul3A_519 : vector<16xf32>
        %mul3A_570 = arith.mulf %sub3A_569, %get3A_567 : vector<16xf32>
        %swap3A_571 = arith.index_cast %scan3A_187 : i32 to index
        %swap3A_572 = arith.constant 64 : index
        %swap3A_573 = tpu.vector_load %arg8[%swap3A_571, %swap3A_572] {strides = array<i32>} : memref<32x768xf32, #tpu.memory_space<vmem>>, vector<16xf32>,
        tpu.vector_store %arg8[%swap3A_571, %swap3A_572], %mul3A_570 {strides = array<i32>} : memref<32x768xf32, #tpu.memory_space<vmem>>, vector<16xf32>,
        %get3A_574 = arith.index_cast %scan3A_187 : i32 to index
        %get3A_575 = arith.constant 80 : index
        %get3A_576 = tpu.vector_load %arg8[%get3A_574, %get3A_575] {strides = array<i32>} : memref<32x768xf32, #tpu.memory_space<vmem>>, vector<16xf32>,
        %get3A_577 = arith.constant 80 : index
        %get3A_578 = tpu.vector_load %arg7[%get3A_577] {strides = array<i32>} : memref<768xf32, #tpu.memory_space<vmem>>, vector<16xf32>,
        %mul3A_579 = arith.mulf %get3A_576, %mul3A_518 : vector<16xf32>
        %sub3A_580 = arith.subf %mul3A_579, %mul3A_519 : vector<16xf32>
        %mul3A_581 = arith.mulf %sub3A_580, %get3A_578 : vector<16xf32>
        %swap3A_582 = arith.index_cast %scan3A_187 : i32 to index
        %swap3A_583 = arith.constant 80 : index
        %swap3A_584 = tpu.vector_load %arg8[%swap3A_582, %swap3A_583] {strides = array<i32>} : memref<32x768xf32, #tpu.memory_space<vmem>>, vector<16xf32>,
        tpu.vector_store %arg8[%swap3A_582, %swap3A_583], %mul3A_581 {strides = array<i32>} : memref<32x768xf32, #tpu.memory_space<vmem>>, vector<16xf32>,
        %get3A_585 = arith.index_cast %scan3A_187 : i32 to index
        %get3A_586 = arith.constant 96 : index
        %get3A_587 = tpu.vector_load %arg8[%get3A_585, %get3A_586] {strides = array<i32>} : memref<32x768xf32, #tpu.memory_space<vmem>>, vector<16xf32>,
        %get3A_588 = arith.constant 96 : index
        %get3A_589 = tpu.vector_load %arg7[%get3A_588] {strides = array<i32>} : memref<768xf32, #tpu.memory_space<vmem>>, vector<16xf32>,
        %mul3A_590 = arith.mulf %get3A_587, %mul3A_518 : vector<16xf32>
        %sub3A_591 = arith.subf %mul3A_590, %mul3A_519 : vector<16xf32>
        %mul3A_592 = arith.mulf %sub3A_591, %get3A_589 : vector<16xf32>
        %swap3A_593 = arith.index_cast %scan3A_187 : i32 to index
        %swap3A_594 = arith.constant 96 : index
        %swap3A_595 = tpu.vector_load %arg8[%swap3A_593, %swap3A_594] {strides = array<i32>} : memref<32x768xf32, #tpu.memory_space<vmem>>, vector<16xf32>,
        tpu.vector_store %arg8[%swap3A_593, %swap3A_594], %mul3A_592 {strides = array<i32>} : memref<32x768xf32, #tpu.memory_space<vmem>>, vector<16xf32>,
        %get3A_596 = arith.index_cast %scan3A_187 : i32 to index
        %get3A_597 = arith.constant 112 : index
        %get3A_598 = tpu.vector_load %arg8[%get3A_596, %get3A_597] {strides = array<i32>} : memref<32x768xf32, #tpu.memory_space<vmem>>, vector<16xf32>,
        %get3A_599 = arith.constant 112 : index
        %get3A_600 = tpu.vector_load %arg7[%get3A_599] {strides = array<i32>} : memref<768xf32, #tpu.memory_space<vmem>>, vector<16xf32>,
        %mul3A_601 = arith.mulf %get3A_598, %mul3A_518 : vector<16xf32>
        %sub3A_602 = arith.subf %mul3A_601, %mul3A_519 : vector<16xf32>
        %mul3A_603 = arith.mulf %sub3A_602, %get3A_600 : vector<16xf32>
        %swap3A_604 = arith.index_cast %scan3A_187 : i32 to index
        %swap3A_605 = arith.constant 112 : index
        %swap3A_606 = tpu.vector_load %arg8[%swap3A_604, %swap3A_605] {strides = array<i32>} : memref<32x768xf32, #tpu.memory_space<vmem>>, vector<16xf32>,
        tpu.vector_store %arg8[%swap3A_604, %swap3A_605], %mul3A_603 {strides = array<i32>} : memref<32x768xf32, #tpu.memory_space<vmem>>, vector<16xf32>,
        %get3A_607 = arith.index_cast %scan3A_187 : i32 to index
        %get3A_608 = arith.constant 128 : index
        %get3A_609 = tpu.vector_load %arg8[%get3A_607, %get3A_608] {strides = array<i32>} : memref<32x768xf32, #tpu.memory_space<vmem>>, vector<16xf32>,
        %get3A_610 = arith.constant 128 : index
        %get3A_611 = tpu.vector_load %arg7[%get3A_610] {strides = array<i32>} : memref<768xf32, #tpu.memory_space<vmem>>, vector<16xf32>,
        %mul3A_612 = arith.mulf %get3A_609, %mul3A_518 : vector<16xf32>
        %sub3A_613 = arith.subf %mul3A_612, %mul3A_519 : vector<16xf32>
        %mul3A_614 = arith.mulf %sub3A_613, %get3A_611 : vector<16xf32>
        %swap3A_615 = arith.index_cast %scan3A_187 : i32 to index
        %swap3A_616 = arith.constant 128 : index
        %swap3A_617 = tpu.vector_load %arg8[%swap3A_615, %swap3A_616] {strides = array<i32>} : memref<32x768xf32, #tpu.memory_space<vmem>>, vector<16xf32>,
        tpu.vector_store %arg8[%swap3A_615, %swap3A_616], %mul3A_614 {strides = array<i32>} : memref<32x768xf32, #tpu.memory_space<vmem>>, vector<16xf32>,
        %get3A_618 = arith.index_cast %scan3A_187 : i32 to index
        %get3A_619 = arith.constant 144 : index
        %get3A_620 = tpu.vector_load %arg8[%get3A_618, %get3A_619] {strides = array<i32>} : memref<32x768xf32, #tpu.memory_space<vmem>>, vector<16xf32>,
        %get3A_621 = arith.constant 144 : index
        %get3A_622 = tpu.vector_load %arg7[%get3A_621] {strides = array<i32>} : memref<768xf32, #tpu.memory_space<vmem>>, vector<16xf32>,
        %mul3A_623 = arith.mulf %get3A_620, %mul3A_518 : vector<16xf32>
        %sub3A_624 = arith.subf %mul3A_623, %mul3A_519 : vector<16xf32>
        %mul3A_625 = arith.mulf %sub3A_624, %get3A_622 : vector<16xf32>
        %swap3A_626 = arith.index_cast %scan3A_187 : i32 to index
        %swap3A_627 = arith.constant 144 : index
        %swap3A_628 = tpu.vector_load %arg8[%swap3A_626, %swap3A_627] {strides = array<i32>} : memref<32x768xf32, #tpu.memory_space<vmem>>, vector<16xf32>,
        tpu.vector_store %arg8[%swap3A_626, %swap3A_627], %mul3A_625 {strides = array<i32>} : memref<32x768xf32, #tpu.memory_space<vmem>>, vector<16xf32>,
        %get3A_629 = arith.index_cast %scan3A_187 : i32 to index
        %get3A_630 = arith.constant 160 : index
        %get3A_631 = tpu.vector_load %arg8[%get3A_629, %get3A_630] {strides = array<i32>} : memref<32x768xf32, #tpu.memory_space<vmem>>, vector<16xf32>,
        %get3A_632 = arith.constant 160 : index
        %get3A_633 = tpu.vector_load %arg7[%get3A_632] {strides = array<i32>} : memref<768xf32, #tpu.memory_space<vmem>>, vector<16xf32>,
        %mul3A_634 = arith.mulf %get3A_631, %mul3A_518 : vector<16xf32>
        %sub3A_635 = arith.subf %mul3A_634, %mul3A_519 : vector<16xf32>
        %mul3A_636 = arith.mulf %sub3A_635, %get3A_633 : vector<16xf32>
        %swap3A_637 = arith.index_cast %scan3A_187 : i32 to index
        %swap3A_638 = arith.constant 160 : index
        %swap3A_639 = tpu.vector_load %arg8[%swap3A_637, %swap3A_638] {strides = array<i32>} : memref<32x768xf32, #tpu.memory_space<vmem>>, vector<16xf32>,
        tpu.vector_store %arg8[%swap3A_637, %swap3A_638], %mul3A_636 {strides = array<i32>} : memref<32x768xf32, #tpu.memory_space<vmem>>, vector<16xf32>,
        %get3A_640 = arith.index_cast %scan3A_187 : i32 to index
        %get3A_641 = arith.constant 176 : index
        %get3A_642 = tpu.vector_load %arg8[%get3A_640, %get3A_641] {strides = array<i32>} : memref<32x768xf32, #tpu.memory_space<vmem>>, vector<16xf32>,
        %get3A_643 = arith.constant 176 : index
        %get3A_644 = tpu.vector_load %arg7[%get3A_643] {strides = array<i32>} : memref<768xf32, #tpu.memory_space<vmem>>, vector<16xf32>,
        %mul3A_645 = arith.mulf %get3A_642, %mul3A_518 : vector<16xf32>
        %sub3A_646 = arith.subf %mul3A_645, %mul3A_519 : vector<16xf32>
        %mul3A_647 = arith.mulf %sub3A_646, %get3A_644 : vector<16xf32>
        %swap3A_648 = arith.index_cast %scan3A_187 : i32 to index
        %swap3A_649 = arith.constant 176 : index
        %swap3A_650 = tpu.vector_load %arg8[%swap3A_648, %swap3A_649] {strides = array<i32>} : memref<32x768xf32, #tpu.memory_space<vmem>>, vector<16xf32>,
        tpu.vector_store %arg8[%swap3A_648, %swap3A_649], %mul3A_647 {strides = array<i32>} : memref<32x768xf32, #tpu.memory_space<vmem>>, vector<16xf32>,
        %get3A_651 = arith.index_cast %scan3A_187 : i32 to index
        %get3A_652 = arith.constant 192 : index
        %get3A_653 = tpu.vector_load %arg8[%get3A_651, %get3A_652] {strides = array<i32>} : memref<32x768xf32, #tpu.memory_space<vmem>>, vector<16xf32>,
        %get3A_654 = arith.constant 192 : index
        %get3A_655 = tpu.vector_load %arg7[%get3A_654] {strides = array<i32>} : memref<768xf32, #tpu.memory_space<vmem>>, vector<16xf32>,
        %mul3A_656 = arith.mulf %get3A_653, %mul3A_518 : vector<16xf32>
        %sub3A_657 = arith.subf %mul3A_656, %mul3A_519 : vector<16xf32>
        %mul3A_658 = arith.mulf %sub3A_657, %get3A_655 : vector<16xf32>
        %swap3A_659 = arith.index_cast %scan3A_187 : i32 to index
        %swap3A_660 = arith.constant 192 : index
        %swap3A_661 = tpu.vector_load %arg8[%swap3A_659, %swap3A_660] {strides = array<i32>} : memref<32x768xf32, #tpu.memory_space<vmem>>, vector<16xf32>,
        tpu.vector_store %arg8[%swap3A_659, %swap3A_660], %mul3A_658 {strides = array<i32>} : memref<32x768xf32, #tpu.memory_space<vmem>>, vector<16xf32>,
        %get3A_662 = arith.index_cast %scan3A_187 : i32 to index
        %get3A_663 = arith.constant 208 : index
        %get3A_664 = tpu.vector_load %arg8[%get3A_662, %get3A_663] {strides = array<i32>} : memref<32x768xf32, #tpu.memory_space<vmem>>, vector<16xf32>,
        %get3A_665 = arith.constant 208 : index
        %get3A_666 = tpu.vector_load %arg7[%get3A_665] {strides = array<i32>} : memref<768xf32, #tpu.memory_space<vmem>>, vector<16xf32>,
        %mul3A_667 = arith.mulf %get3A_664, %mul3A_518 : vector<16xf32>
        %sub3A_668 = arith.subf %mul3A_667, %mul3A_519 : vector<16xf32>
        %mul3A_669 = arith.mulf %sub3A_668, %get3A_666 : vector<16xf32>
        %swap3A_670 = arith.index_cast %scan3A_187 : i32 to index
        %swap3A_671 = arith.constant 208 : index
        %swap3A_672 = tpu.vector_load %arg8[%swap3A_670, %swap3A_671] {strides = array<i32>} : memref<32x768xf32, #tpu.memory_space<vmem>>, vector<16xf32>,
        tpu.vector_store %arg8[%swap3A_670, %swap3A_671], %mul3A_669 {strides = array<i32>} : memref<32x768xf32, #tpu.memory_space<vmem>>, vector<16xf32>,
        %get3A_673 = arith.index_cast %scan3A_187 : i32 to index
        %get3A_674 = arith.constant 224 : index
        %get3A_675 = tpu.vector_load %arg8[%get3A_673, %get3A_674] {strides = array<i32>} : memref<32x768xf32, #tpu.memory_space<vmem>>, vector<16xf32>,
        %get3A_676 = arith.constant 224 : index
        %get3A_677 = tpu.vector_load %arg7[%get3A_676] {strides = array<i32>} : memref<768xf32, #tpu.memory_space<vmem>>, vector<16xf32>,
        %mul3A_678 = arith.mulf %get3A_675, %mul3A_518 : vector<16xf32>
        %sub3A_679 = arith.subf %mul3A_678, %mul3A_519 : vector<16xf32>
        %mul3A_680 = arith.mulf %sub3A_679, %get3A_677 : vector<16xf32>
        %swap3A_681 = arith.index_cast %scan3A_187 : i32 to index
        %swap3A_682 = arith.constant 224 : index
        %swap3A_683 = tpu.vector_load %arg8[%swap3A_681, %swap3A_682] {strides = array<i32>} : memref<32x768xf32, #tpu.memory_space<vmem>>, vector<16xf32>,
        tpu.vector_store %arg8[%swap3A_681, %swap3A_682], %mul3A_680 {strides = array<i32>} : memref<32x768xf32, #tpu.memory_space<vmem>>, vector<16xf32>,
        %get3A_684 = arith.index_cast %scan3A_187 : i32 to index
        %get3A_685 = arith.constant 240 : index
        %get3A_686 = tpu.vector_load %arg8[%get3A_684, %get3A_685] {strides = array<i32>} : memref<32x768xf32, #tpu.memory_space<vmem>>, vector<16xf32>,
        %get3A_687 = arith.constant 240 : index
        %get3A_688 = tpu.vector_load %arg7[%get3A_687] {strides = array<i32>} : memref<768xf32, #tpu.memory_space<vmem>>, vector<16xf32>,
        %mul3A_689 = arith.mulf %get3A_686, %mul3A_518 : vector<16xf32>
        %sub3A_690 = arith.subf %mul3A_689, %mul3A_519 : vector<16xf32>
        %mul3A_691 = arith.mulf %sub3A_690, %get3A_688 : vector<16xf32>
        %swap3A_692 = arith.index_cast %scan3A_187 : i32 to index
        %swap3A_693 = arith.constant 240 : index
        %swap3A_694 = tpu.vector_load %arg8[%swap3A_692, %swap3A_693] {strides = array<i32>} : memref<32x768xf32, #tpu.memory_space<vmem>>, vector<16xf32>,
        tpu.vector_store %arg8[%swap3A_692, %swap3A_693], %mul3A_691 {strides = array<i32>} : memref<32x768xf32, #tpu.memory_space<vmem>>, vector<16xf32>,
        %get3A_695 = arith.index_cast %scan3A_187 : i32 to index
        %get3A_696 = arith.constant 256 : index
        %get3A_697 = tpu.vector_load %arg8[%get3A_695, %get3A_696] {strides = array<i32>} : memref<32x768xf32, #tpu.memory_space<vmem>>, vector<16xf32>,
        %get3A_698 = arith.constant 256 : index
        %get3A_699 = tpu.vector_load %arg7[%get3A_698] {strides = array<i32>} : memref<768xf32, #tpu.memory_space<vmem>>, vector<16xf32>,
        %mul3A_700 = arith.mulf %get3A_697, %mul3A_518 : vector<16xf32>
        %sub3A_701 = arith.subf %mul3A_700, %mul3A_519 : vector<16xf32>
        %mul3A_702 = arith.mulf %sub3A_701, %get3A_699 : vector<16xf32>
        %swap3A_703 = arith.index_cast %scan3A_187 : i32 to index
        %swap3A_704 = arith.constant 256 : index
        %swap3A_705 = tpu.vector_load %arg8[%swap3A_703, %swap3A_704] {strides = array<i32>} : memref<32x768xf32, #tpu.memory_space<vmem>>, vector<16xf32>,
        tpu.vector_store %arg8[%swap3A_703, %swap3A_704], %mul3A_702 {strides = array<i32>} : memref<32x768xf32, #tpu.memory_space<vmem>>, vector<16xf32>,
        %get3A_706 = arith.index_cast %scan3A_187 : i32 to index
        %get3A_707 = arith.constant 272 : index
        %get3A_708 = tpu.vector_load %arg8[%get3A_706, %get3A_707] {strides = array<i32>} : memref<32x768xf32, #tpu.memory_space<vmem>>, vector<16xf32>,
        %get3A_709 = arith.constant 272 : index
        %get3A_710 = tpu.vector_load %arg7[%get3A_709] {strides = array<i32>} : memref<768xf32, #tpu.memory_space<vmem>>, vector<16xf32>,
        %mul3A_711 = arith.mulf %get3A_708, %mul3A_518 : vector<16xf32>
        %sub3A_712 = arith.subf %mul3A_711, %mul3A_519 : vector<16xf32>
        %mul3A_713 = arith.mulf %sub3A_712, %get3A_710 : vector<16xf32>
        %swap3A_714 = arith.index_cast %scan3A_187 : i32 to index
        %swap3A_715 = arith.constant 272 : index
        %swap3A_716 = tpu.vector_load %arg8[%swap3A_714, %swap3A_715] {strides = array<i32>} : memref<32x768xf32, #tpu.memory_space<vmem>>, vector<16xf32>,
        tpu.vector_store %arg8[%swap3A_714, %swap3A_715], %mul3A_713 {strides = array<i32>} : memref<32x768xf32, #tpu.memory_space<vmem>>, vector<16xf32>,
        %get3A_717 = arith.index_cast %scan3A_187 : i32 to index
        %get3A_718 = arith.constant 288 : index
        %get3A_719 = tpu.vector_load %arg8[%get3A_717, %get3A_718] {strides = array<i32>} : memref<32x768xf32, #tpu.memory_space<vmem>>, vector<16xf32>,
        %get3A_720 = arith.constant 288 : index
        %get3A_721 = tpu.vector_load %arg7[%get3A_720] {strides = array<i32>} : memref<768xf32, #tpu.memory_space<vmem>>, vector<16xf32>,
        %mul3A_722 = arith.mulf %get3A_719, %mul3A_518 : vector<16xf32>
        %sub3A_723 = arith.subf %mul3A_722, %mul3A_519 : vector<16xf32>
        %mul3A_724 = arith.mulf %sub3A_723, %get3A_721 : vector<16xf32>
        %swap3A_725 = arith.index_cast %scan3A_187 : i32 to index
        %swap3A_726 = arith.constant 288 : index
        %swap3A_727 = tpu.vector_load %arg8[%swap3A_725, %swap3A_726] {strides = array<i32>} : memref<32x768xf32, #tpu.memory_space<vmem>>, vector<16xf32>,
        tpu.vector_store %arg8[%swap3A_725, %swap3A_726], %mul3A_724 {strides = array<i32>} : memref<32x768xf32, #tpu.memory_space<vmem>>, vector<16xf32>,
        %get3A_728 = arith.index_cast %scan3A_187 : i32 to index
        %get3A_729 = arith.constant 304 : index
        %get3A_730 = tpu.vector_load %arg8[%get3A_728, %get3A_729] {strides = array<i32>} : memref<32x768xf32, #tpu.memory_space<vmem>>, vector<16xf32>,
        %get3A_731 = arith.constant 304 : index
        %get3A_732 = tpu.vector_load %arg7[%get3A_731] {strides = array<i32>} : memref<768xf32, #tpu.memory_space<vmem>>, vector<16xf32>,
        %mul3A_733 = arith.mulf %get3A_730, %mul3A_518 : vector<16xf32>
        %sub3A_734 = arith.subf %mul3A_733, %mul3A_519 : vector<16xf32>
        %mul3A_735 = arith.mulf %sub3A_734, %get3A_732 : vector<16xf32>
        %swap3A_736 = arith.index_cast %scan3A_187 : i32 to index
        %swap3A_737 = arith.constant 304 : index
        %swap3A_738 = tpu.vector_load %arg8[%swap3A_736, %swap3A_737] {strides = array<i32>} : memref<32x768xf32, #tpu.memory_space<vmem>>, vector<16xf32>,
        tpu.vector_store %arg8[%swap3A_736, %swap3A_737], %mul3A_735 {strides = array<i32>} : memref<32x768xf32, #tpu.memory_space<vmem>>, vector<16xf32>,
        %get3A_739 = arith.index_cast %scan3A_187 : i32 to index
        %get3A_740 = arith.constant 320 : index
        %get3A_741 = tpu.vector_load %arg8[%get3A_739, %get3A_740] {strides = array<i32>} : memref<32x768xf32, #tpu.memory_space<vmem>>, vector<16xf32>,
        %get3A_742 = arith.constant 320 : index
        %get3A_743 = tpu.vector_load %arg7[%get3A_742] {strides = array<i32>} : memref<768xf32, #tpu.memory_space<vmem>>, vector<16xf32>,
        %mul3A_744 = arith.mulf %get3A_741, %mul3A_518 : vector<16xf32>
        %sub3A_745 = arith.subf %mul3A_744, %mul3A_519 : vector<16xf32>
        %mul3A_746 = arith.mulf %sub3A_745, %get3A_743 : vector<16xf32>
        %swap3A_747 = arith.index_cast %scan3A_187 : i32 to index
        %swap3A_748 = arith.constant 320 : index
        %swap3A_749 = tpu.vector_load %arg8[%swap3A_747, %swap3A_748] {strides = array<i32>} : memref<32x768xf32, #tpu.memory_space<vmem>>, vector<16xf32>,
        tpu.vector_store %arg8[%swap3A_747, %swap3A_748], %mul3A_746 {strides = array<i32>} : memref<32x768xf32, #tpu.memory_space<vmem>>, vector<16xf32>,
        %get3A_750 = arith.index_cast %scan3A_187 : i32 to index
        %get3A_751 = arith.constant 336 : index
        %get3A_752 = tpu.vector_load %arg8[%get3A_750, %get3A_751] {strides = array<i32>} : memref<32x768xf32, #tpu.memory_space<vmem>>, vector<16xf32>,
        %get3A_753 = arith.constant 336 : index
        %get3A_754 = tpu.vector_load %arg7[%get3A_753] {strides = array<i32>} : memref<768xf32, #tpu.memory_space<vmem>>, vector<16xf32>,
        %mul3A_755 = arith.mulf %get3A_752, %mul3A_518 : vector<16xf32>
        %sub3A_756 = arith.subf %mul3A_755, %mul3A_519 : vector<16xf32>
        %mul3A_757 = arith.mulf %sub3A_756, %get3A_754 : vector<16xf32>
        %swap3A_758 = arith.index_cast %scan3A_187 : i32 to index
        %swap3A_759 = arith.constant 336 : index
        %swap3A_760 = tpu.vector_load %arg8[%swap3A_758, %swap3A_759] {strides = array<i32>} : memref<32x768xf32, #tpu.memory_space<vmem>>, vector<16xf32>,
        tpu.vector_store %arg8[%swap3A_758, %swap3A_759], %mul3A_757 {strides = array<i32>} : memref<32x768xf32, #tpu.memory_space<vmem>>, vector<16xf32>,
        %get3A_761 = arith.index_cast %scan3A_187 : i32 to index
        %get3A_762 = arith.constant 352 : index
        %get3A_763 = tpu.vector_load %arg8[%get3A_761, %get3A_762] {strides = array<i32>} : memref<32x768xf32, #tpu.memory_space<vmem>>, vector<16xf32>,
        %get3A_764 = arith.constant 352 : index
        %get3A_765 = tpu.vector_load %arg7[%get3A_764] {strides = array<i32>} : memref<768xf32, #tpu.memory_space<vmem>>, vector<16xf32>,
        %mul3A_766 = arith.mulf %get3A_763, %mul3A_518 : vector<16xf32>
        %sub3A_767 = arith.subf %mul3A_766, %mul3A_519 : vector<16xf32>
        %mul3A_768 = arith.mulf %sub3A_767, %get3A_765 : vector<16xf32>
        %swap3A_769 = arith.index_cast %scan3A_187 : i32 to index
        %swap3A_770 = arith.constant 352 : index
        %swap3A_771 = tpu.vector_load %arg8[%swap3A_769, %swap3A_770] {strides = array<i32>} : memref<32x768xf32, #tpu.memory_space<vmem>>, vector<16xf32>,
        tpu.vector_store %arg8[%swap3A_769, %swap3A_770], %mul3A_768 {strides = array<i32>} : memref<32x768xf32, #tpu.memory_space<vmem>>, vector<16xf32>,
        %get3A_772 = arith.index_cast %scan3A_187 : i32 to index
        %get3A_773 = arith.constant 368 : index
        %get3A_774 = tpu.vector_load %arg8[%get3A_772, %get3A_773] {strides = array<i32>} : memref<32x768xf32, #tpu.memory_space<vmem>>, vector<16xf32>,
        %get3A_775 = arith.constant 368 : index
        %get3A_776 = tpu.vector_load %arg7[%get3A_775] {strides = array<i32>} : memref<768xf32, #tpu.memory_space<vmem>>, vector<16xf32>,
        %mul3A_777 = arith.mulf %get3A_774, %mul3A_518 : vector<16xf32>
        %sub3A_778 = arith.subf %mul3A_777, %mul3A_519 : vector<16xf32>
        %mul3A_779 = arith.mulf %sub3A_778, %get3A_776 : vector<16xf32>
        %swap3A_780 = arith.index_cast %scan3A_187 : i32 to index
        %swap3A_781 = arith.constant 368 : index
        %swap3A_782 = tpu.vector_load %arg8[%swap3A_780, %swap3A_781] {strides = array<i32>} : memref<32x768xf32, #tpu.memory_space<vmem>>, vector<16xf32>,
        tpu.vector_store %arg8[%swap3A_780, %swap3A_781], %mul3A_779 {strides = array<i32>} : memref<32x768xf32, #tpu.memory_space<vmem>>, vector<16xf32>,
        %get3A_783 = arith.index_cast %scan3A_187 : i32 to index
        %get3A_784 = arith.constant 384 : index
        %get3A_785 = tpu.vector_load %arg8[%get3A_783, %get3A_784] {strides = array<i32>} : memref<32x768xf32, #tpu.memory_space<vmem>>, vector<16xf32>,
        %get3A_786 = arith.constant 384 : index
        %get3A_787 = tpu.vector_load %arg7[%get3A_786] {strides = array<i32>} : memref<768xf32, #tpu.memory_space<vmem>>, vector<16xf32>,
        %mul3A_788 = arith.mulf %get3A_785, %mul3A_518 : vector<16xf32>
        %sub3A_789 = arith.subf %mul3A_788, %mul3A_519 : vector<16xf32>
        %mul3A_790 = arith.mulf %sub3A_789, %get3A_787 : vector<16xf32>
        %swap3A_791 = arith.index_cast %scan3A_187 : i32 to index
        %swap3A_792 = arith.constant 384 : index
        %swap3A_793 = tpu.vector_load %arg8[%swap3A_791, %swap3A_792] {strides = array<i32>} : memref<32x768xf32, #tpu.memory_space<vmem>>, vector<16xf32>,
        tpu.vector_store %arg8[%swap3A_791, %swap3A_792], %mul3A_790 {strides = array<i32>} : memref<32x768xf32, #tpu.memory_space<vmem>>, vector<16xf32>,
        %get3A_794 = arith.index_cast %scan3A_187 : i32 to index
        %get3A_795 = arith.constant 400 : index
        %get3A_796 = tpu.vector_load %arg8[%get3A_794, %get3A_795] {strides = array<i32>} : memref<32x768xf32, #tpu.memory_space<vmem>>, vector<16xf32>,
        %get3A_797 = arith.constant 400 : index
        %get3A_798 = tpu.vector_load %arg7[%get3A_797] {strides = array<i32>} : memref<768xf32, #tpu.memory_space<vmem>>, vector<16xf32>,
        %mul3A_799 = arith.mulf %get3A_796, %mul3A_518 : vector<16xf32>
        %sub3A_800 = arith.subf %mul3A_799, %mul3A_519 : vector<16xf32>
        %mul3A_801 = arith.mulf %sub3A_800, %get3A_798 : vector<16xf32>
        %swap3A_802 = arith.index_cast %scan3A_187 : i32 to index
        %swap3A_803 = arith.constant 400 : index
        %swap3A_804 = tpu.vector_load %arg8[%swap3A_802, %swap3A_803] {strides = array<i32>} : memref<32x768xf32, #tpu.memory_space<vmem>>, vector<16xf32>,
        tpu.vector_store %arg8[%swap3A_802, %swap3A_803], %mul3A_801 {strides = array<i32>} : memref<32x768xf32, #tpu.memory_space<vmem>>, vector<16xf32>,
        %get3A_805 = arith.index_cast %scan3A_187 : i32 to index
        %get3A_806 = arith.constant 416 : index
        %get3A_807 = tpu.vector_load %arg8[%get3A_805, %get3A_806] {strides = array<i32>} : memref<32x768xf32, #tpu.memory_space<vmem>>, vector<16xf32>,
        %get3A_808 = arith.constant 416 : index
        %get3A_809 = tpu.vector_load %arg7[%get3A_808] {strides = array<i32>} : memref<768xf32, #tpu.memory_space<vmem>>, vector<16xf32>,
        %mul3A_810 = arith.mulf %get3A_807, %mul3A_518 : vector<16xf32>
        %sub3A_811 = arith.subf %mul3A_810, %mul3A_519 : vector<16xf32>
        %mul3A_812 = arith.mulf %sub3A_811, %get3A_809 : vector<16xf32>
        %swap3A_813 = arith.index_cast %scan3A_187 : i32 to index
        %swap3A_814 = arith.constant 416 : index
        %swap3A_815 = tpu.vector_load %arg8[%swap3A_813, %swap3A_814] {strides = array<i32>} : memref<32x768xf32, #tpu.memory_space<vmem>>, vector<16xf32>,
        tpu.vector_store %arg8[%swap3A_813, %swap3A_814], %mul3A_812 {strides = array<i32>} : memref<32x768xf32, #tpu.memory_space<vmem>>, vector<16xf32>,
        %get3A_816 = arith.index_cast %scan3A_187 : i32 to index
        %get3A_817 = arith.constant 432 : index
        %get3A_818 = tpu.vector_load %arg8[%get3A_816, %get3A_817] {strides = array<i32>} : memref<32x768xf32, #tpu.memory_space<vmem>>, vector<16xf32>,
        %get3A_819 = arith.constant 432 : index
        %get3A_820 = tpu.vector_load %arg7[%get3A_819] {strides = array<i32>} : memref<768xf32, #tpu.memory_space<vmem>>, vector<16xf32>,
        %mul3A_821 = arith.mulf %get3A_818, %mul3A_518 : vector<16xf32>
        %sub3A_822 = arith.subf %mul3A_821, %mul3A_519 : vector<16xf32>
        %mul3A_823 = arith.mulf %sub3A_822, %get3A_820 : vector<16xf32>
        %swap3A_824 = arith.index_cast %scan3A_187 : i32 to index
        %swap3A_825 = arith.constant 432 : index
        %swap3A_826 = tpu.vector_load %arg8[%swap3A_824, %swap3A_825] {strides = array<i32>} : memref<32x768xf32, #tpu.memory_space<vmem>>, vector<16xf32>,
        tpu.vector_store %arg8[%swap3A_824, %swap3A_825], %mul3A_823 {strides = array<i32>} : memref<32x768xf32, #tpu.memory_space<vmem>>, vector<16xf32>,
        %get3A_827 = arith.index_cast %scan3A_187 : i32 to index
        %get3A_828 = arith.constant 448 : index
        %get3A_829 = tpu.vector_load %arg8[%get3A_827, %get3A_828] {strides = array<i32>} : memref<32x768xf32, #tpu.memory_space<vmem>>, vector<16xf32>,
        %get3A_830 = arith.constant 448 : index
        %get3A_831 = tpu.vector_load %arg7[%get3A_830] {strides = array<i32>} : memref<768xf32, #tpu.memory_space<vmem>>, vector<16xf32>,
        %mul3A_832 = arith.mulf %get3A_829, %mul3A_518 : vector<16xf32>
        %sub3A_833 = arith.subf %mul3A_832, %mul3A_519 : vector<16xf32>
        %mul3A_834 = arith.mulf %sub3A_833, %get3A_831 : vector<16xf32>
        %swap3A_835 = arith.index_cast %scan3A_187 : i32 to index
        %swap3A_836 = arith.constant 448 : index
        %swap3A_837 = tpu.vector_load %arg8[%swap3A_835, %swap3A_836] {strides = array<i32>} : memref<32x768xf32, #tpu.memory_space<vmem>>, vector<16xf32>,
        tpu.vector_store %arg8[%swap3A_835, %swap3A_836], %mul3A_834 {strides = array<i32>} : memref<32x768xf32, #tpu.memory_space<vmem>>, vector<16xf32>,
        %get3A_838 = arith.index_cast %scan3A_187 : i32 to index
        %get3A_839 = arith.constant 464 : index
        %get3A_840 = tpu.vector_load %arg8[%get3A_838, %get3A_839] {strides = array<i32>} : memref<32x768xf32, #tpu.memory_space<vmem>>, vector<16xf32>,
        %get3A_841 = arith.constant 464 : index
        %get3A_842 = tpu.vector_load %arg7[%get3A_841] {strides = array<i32>} : memref<768xf32, #tpu.memory_space<vmem>>, vector<16xf32>,
        %mul3A_843 = arith.mulf %get3A_840, %mul3A_518 : vector<16xf32>
        %sub3A_844 = arith.subf %mul3A_843, %mul3A_519 : vector<16xf32>
        %mul3A_845 = arith.mulf %sub3A_844, %get3A_842 : vector<16xf32>
        %swap3A_846 = arith.index_cast %scan3A_187 : i32 to index
        %swap3A_847 = arith.constant 464 : index
        %swap3A_848 = tpu.vector_load %arg8[%swap3A_846, %swap3A_847] {strides = array<i32>} : memref<32x768xf32, #tpu.memory_space<vmem>>, vector<16xf32>,
        tpu.vector_store %arg8[%swap3A_846, %swap3A_847], %mul3A_845 {strides = array<i32>} : memref<32x768xf32, #tpu.memory_space<vmem>>, vector<16xf32>,
        %get3A_849 = arith.index_cast %scan3A_187 : i32 to index
        %get3A_850 = arith.constant 480 : index
        %get3A_851 = tpu.vector_load %arg8[%get3A_849, %get3A_850] {strides = array<i32>} : memref<32x768xf32, #tpu.memory_space<vmem>>, vector<16xf32>,
        %get3A_852 = arith.constant 480 : index
        %get3A_853 = tpu.vector_load %arg7[%get3A_852] {strides = array<i32>} : memref<768xf32, #tpu.memory_space<vmem>>, vector<16xf32>,
        %mul3A_854 = arith.mulf %get3A_851, %mul3A_518 : vector<16xf32>
        %sub3A_855 = arith.subf %mul3A_854, %mul3A_519 : vector<16xf32>
        %mul3A_856 = arith.mulf %sub3A_855, %get3A_853 : vector<16xf32>
        %swap3A_857 = arith.index_cast %scan3A_187 : i32 to index
        %swap3A_858 = arith.constant 480 : index
        %swap3A_859 = tpu.vector_load %arg8[%swap3A_857, %swap3A_858] {strides = array<i32>} : memref<32x768xf32, #tpu.memory_space<vmem>>, vector<16xf32>,
        tpu.vector_store %arg8[%swap3A_857, %swap3A_858], %mul3A_856 {strides = array<i32>} : memref<32x768xf32, #tpu.memory_space<vmem>>, vector<16xf32>,
        %get3A_860 = arith.index_cast %scan3A_187 : i32 to index
        %get3A_861 = arith.constant 496 : index
        %get3A_862 = tpu.vector_load %arg8[%get3A_860, %get3A_861] {strides = array<i32>} : memref<32x768xf32, #tpu.memory_space<vmem>>, vector<16xf32>,
        %get3A_863 = arith.constant 496 : index
        %get3A_864 = tpu.vector_load %arg7[%get3A_863] {strides = array<i32>} : memref<768xf32, #tpu.memory_space<vmem>>, vector<16xf32>,
        %mul3A_865 = arith.mulf %get3A_862, %mul3A_518 : vector<16xf32>
        %sub3A_866 = arith.subf %mul3A_865, %mul3A_519 : vector<16xf32>
        %mul3A_867 = arith.mulf %sub3A_866, %get3A_864 : vector<16xf32>
        %swap3A_868 = arith.index_cast %scan3A_187 : i32 to index
        %swap3A_869 = arith.constant 496 : index
        %swap3A_870 = tpu.vector_load %arg8[%swap3A_868, %swap3A_869] {strides = array<i32>} : memref<32x768xf32, #tpu.memory_space<vmem>>, vector<16xf32>,
        tpu.vector_store %arg8[%swap3A_868, %swap3A_869], %mul3A_867 {strides = array<i32>} : memref<32x768xf32, #tpu.memory_space<vmem>>, vector<16xf32>,
        %get3A_871 = arith.index_cast %scan3A_187 : i32 to index
        %get3A_872 = arith.constant 512 : index
        %get3A_873 = tpu.vector_load %arg8[%get3A_871, %get3A_872] {strides = array<i32>} : memref<32x768xf32, #tpu.memory_space<vmem>>, vector<16xf32>,
        %get3A_874 = arith.constant 512 : index
        %get3A_875 = tpu.vector_load %arg7[%get3A_874] {strides = array<i32>} : memref<768xf32, #tpu.memory_space<vmem>>, vector<16xf32>,
        %mul3A_876 = arith.mulf %get3A_873, %mul3A_518 : vector<16xf32>
        %sub3A_877 = arith.subf %mul3A_876, %mul3A_519 : vector<16xf32>
        %mul3A_878 = arith.mulf %sub3A_877, %get3A_875 : vector<16xf32>
        %swap3A_879 = arith.index_cast %scan3A_187 : i32 to index
        %swap3A_880 = arith.constant 512 : index
        %swap3A_881 = tpu.vector_load %arg8[%swap3A_879, %swap3A_880] {strides = array<i32>} : memref<32x768xf32, #tpu.memory_space<vmem>>, vector<16xf32>,
        tpu.vector_store %arg8[%swap3A_879, %swap3A_880], %mul3A_878 {strides = array<i32>} : memref<32x768xf32, #tpu.memory_space<vmem>>, vector<16xf32>,
        %get3A_882 = arith.index_cast %scan3A_187 : i32 to index
        %get3A_883 = arith.constant 528 : index
        %get3A_884 = tpu.vector_load %arg8[%get3A_882, %get3A_883] {strides = array<i32>} : memref<32x768xf32, #tpu.memory_space<vmem>>, vector<16xf32>,
        %get3A_885 = arith.constant 528 : index
        %get3A_886 = tpu.vector_load %arg7[%get3A_885] {strides = array<i32>} : memref<768xf32, #tpu.memory_space<vmem>>, vector<16xf32>,
        %mul3A_887 = arith.mulf %get3A_884, %mul3A_518 : vector<16xf32>
        %sub3A_888 = arith.subf %mul3A_887, %mul3A_519 : vector<16xf32>
        %mul3A_889 = arith.mulf %sub3A_888, %get3A_886 : vector<16xf32>
        %swap3A_890 = arith.index_cast %scan3A_187 : i32 to index
        %swap3A_891 = arith.constant 528 : index
        %swap3A_892 = tpu.vector_load %arg8[%swap3A_890, %swap3A_891] {strides = array<i32>} : memref<32x768xf32, #tpu.memory_space<vmem>>, vector<16xf32>,
        tpu.vector_store %arg8[%swap3A_890, %swap3A_891], %mul3A_889 {strides = array<i32>} : memref<32x768xf32, #tpu.memory_space<vmem>>, vector<16xf32>,
        %get3A_893 = arith.index_cast %scan3A_187 : i32 to index
        %get3A_894 = arith.constant 544 : index
        %get3A_895 = tpu.vector_load %arg8[%get3A_893, %get3A_894] {strides = array<i32>} : memref<32x768xf32, #tpu.memory_space<vmem>>, vector<16xf32>,
        %get3A_896 = arith.constant 544 : index
        %get3A_897 = tpu.vector_load %arg7[%get3A_896] {strides = array<i32>} : memref<768xf32, #tpu.memory_space<vmem>>, vector<16xf32>,
        %mul3A_898 = arith.mulf %get3A_895, %mul3A_518 : vector<16xf32>
        %sub3A_899 = arith.subf %mul3A_898, %mul3A_519 : vector<16xf32>
        %mul3A_900 = arith.mulf %sub3A_899, %get3A_897 : vector<16xf32>
        %swap3A_901 = arith.index_cast %scan3A_187 : i32 to index
        %swap3A_902 = arith.constant 544 : index
        %swap3A_903 = tpu.vector_load %arg8[%swap3A_901, %swap3A_902] {strides = array<i32>} : memref<32x768xf32, #tpu.memory_space<vmem>>, vector<16xf32>,
        tpu.vector_store %arg8[%swap3A_901, %swap3A_902], %mul3A_900 {strides = array<i32>} : memref<32x768xf32, #tpu.memory_space<vmem>>, vector<16xf32>,
        %get3A_904 = arith.index_cast %scan3A_187 : i32 to index
        %get3A_905 = arith.constant 560 : index
        %get3A_906 = tpu.vector_load %arg8[%get3A_904, %get3A_905] {strides = array<i32>} : memref<32x768xf32, #tpu.memory_space<vmem>>, vector<16xf32>,
        %get3A_907 = arith.constant 560 : index
        %get3A_908 = tpu.vector_load %arg7[%get3A_907] {strides = array<i32>} : memref<768xf32, #tpu.memory_space<vmem>>, vector<16xf32>,
        %mul3A_909 = arith.mulf %get3A_906, %mul3A_518 : vector<16xf32>
        %sub3A_910 = arith.subf %mul3A_909, %mul3A_519 : vector<16xf32>
        %mul3A_911 = arith.mulf %sub3A_910, %get3A_908 : vector<16xf32>
        %swap3A_912 = arith.index_cast %scan3A_187 : i32 to index
        %swap3A_913 = arith.constant 560 : index
        %swap3A_914 = tpu.vector_load %arg8[%swap3A_912, %swap3A_913] {strides = array<i32>} : memref<32x768xf32, #tpu.memory_space<vmem>>, vector<16xf32>,
        tpu.vector_store %arg8[%swap3A_912, %swap3A_913], %mul3A_911 {strides = array<i32>} : memref<32x768xf32, #tpu.memory_space<vmem>>, vector<16xf32>,
        %get3A_915 = arith.index_cast %scan3A_187 : i32 to index
        %get3A_916 = arith.constant 576 : index
        %get3A_917 = tpu.vector_load %arg8[%get3A_915, %get3A_916] {strides = array<i32>} : memref<32x768xf32, #tpu.memory_space<vmem>>, vector<16xf32>,
        %get3A_918 = arith.constant 576 : index
        %get3A_919 = tpu.vector_load %arg7[%get3A_918] {strides = array<i32>} : memref<768xf32, #tpu.memory_space<vmem>>, vector<16xf32>,
        %mul3A_920 = arith.mulf %get3A_917, %mul3A_518 : vector<16xf32>
        %sub3A_921 = arith.subf %mul3A_920, %mul3A_519 : vector<16xf32>
        %mul3A_922 = arith.mulf %sub3A_921, %get3A_919 : vector<16xf32>
        %swap3A_923 = arith.index_cast %scan3A_187 : i32 to index
        %swap3A_924 = arith.constant 576 : index
        %swap3A_925 = tpu.vector_load %arg8[%swap3A_923, %swap3A_924] {strides = array<i32>} : memref<32x768xf32, #tpu.memory_space<vmem>>, vector<16xf32>,
        tpu.vector_store %arg8[%swap3A_923, %swap3A_924], %mul3A_922 {strides = array<i32>} : memref<32x768xf32, #tpu.memory_space<vmem>>, vector<16xf32>,
        %get3A_926 = arith.index_cast %scan3A_187 : i32 to index
        %get3A_927 = arith.constant 592 : index
        %get3A_928 = tpu.vector_load %arg8[%get3A_926, %get3A_927] {strides = array<i32>} : memref<32x768xf32, #tpu.memory_space<vmem>>, vector<16xf32>,
        %get3A_929 = arith.constant 592 : index
        %get3A_930 = tpu.vector_load %arg7[%get3A_929] {strides = array<i32>} : memref<768xf32, #tpu.memory_space<vmem>>, vector<16xf32>,
        %mul3A_931 = arith.mulf %get3A_928, %mul3A_518 : vector<16xf32>
        %sub3A_932 = arith.subf %mul3A_931, %mul3A_519 : vector<16xf32>
        %mul3A_933 = arith.mulf %sub3A_932, %get3A_930 : vector<16xf32>
        %swap3A_934 = arith.index_cast %scan3A_187 : i32 to index
        %swap3A_935 = arith.constant 592 : index
        %swap3A_936 = tpu.vector_load %arg8[%swap3A_934, %swap3A_935] {strides = array<i32>} : memref<32x768xf32, #tpu.memory_space<vmem>>, vector<16xf32>,
        tpu.vector_store %arg8[%swap3A_934, %swap3A_935], %mul3A_933 {strides = array<i32>} : memref<32x768xf32, #tpu.memory_space<vmem>>, vector<16xf32>,
        %get3A_937 = arith.index_cast %scan3A_187 : i32 to index
        %get3A_938 = arith.constant 608 : index
        %get3A_939 = tpu.vector_load %arg8[%get3A_937, %get3A_938] {strides = array<i32>} : memref<32x768xf32, #tpu.memory_space<vmem>>, vector<16xf32>,
        %get3A_940 = arith.constant 608 : index
        %get3A_941 = tpu.vector_load %arg7[%get3A_940] {strides = array<i32>} : memref<768xf32, #tpu.memory_space<vmem>>, vector<16xf32>,
        %mul3A_942 = arith.mulf %get3A_939, %mul3A_518 : vector<16xf32>
        %sub3A_943 = arith.subf %mul3A_942, %mul3A_519 : vector<16xf32>
        %mul3A_944 = arith.mulf %sub3A_943, %get3A_941 : vector<16xf32>
        %swap3A_945 = arith.index_cast %scan3A_187 : i32 to index
        %swap3A_946 = arith.constant 608 : index
        %swap3A_947 = tpu.vector_load %arg8[%swap3A_945, %swap3A_946] {strides = array<i32>} : memref<32x768xf32, #tpu.memory_space<vmem>>, vector<16xf32>,
        tpu.vector_store %arg8[%swap3A_945, %swap3A_946], %mul3A_944 {strides = array<i32>} : memref<32x768xf32, #tpu.memory_space<vmem>>, vector<16xf32>,
        %get3A_948 = arith.index_cast %scan3A_187 : i32 to index
        %get3A_949 = arith.constant 624 : index
        %get3A_950 = tpu.vector_load %arg8[%get3A_948, %get3A_949] {strides = array<i32>} : memref<32x768xf32, #tpu.memory_space<vmem>>, vector<16xf32>,
        %get3A_951 = arith.constant 624 : index
        %get3A_952 = tpu.vector_load %arg7[%get3A_951] {strides = array<i32>} : memref<768xf32, #tpu.memory_space<vmem>>, vector<16xf32>,
        %mul3A_953 = arith.mulf %get3A_950, %mul3A_518 : vector<16xf32>
        %sub3A_954 = arith.subf %mul3A_953, %mul3A_519 : vector<16xf32>
        %mul3A_955 = arith.mulf %sub3A_954, %get3A_952 : vector<16xf32>
        %swap3A_956 = arith.index_cast %scan3A_187 : i32 to index
        %swap3A_957 = arith.constant 624 : index
        %swap3A_958 = tpu.vector_load %arg8[%swap3A_956, %swap3A_957] {strides = array<i32>} : memref<32x768xf32, #tpu.memory_space<vmem>>, vector<16xf32>,
        tpu.vector_store %arg8[%swap3A_956, %swap3A_957], %mul3A_955 {strides = array<i32>} : memref<32x768xf32, #tpu.memory_space<vmem>>, vector<16xf32>,
        %get3A_959 = arith.index_cast %scan3A_187 : i32 to index
        %get3A_960 = arith.constant 640 : index
        %get3A_961 = tpu.vector_load %arg8[%get3A_959, %get3A_960] {strides = array<i32>} : memref<32x768xf32, #tpu.memory_space<vmem>>, vector<16xf32>,
        %get3A_962 = arith.constant 640 : index
        %get3A_963 = tpu.vector_load %arg7[%get3A_962] {strides = array<i32>} : memref<768xf32, #tpu.memory_space<vmem>>, vector<16xf32>,
        %mul3A_964 = arith.mulf %get3A_961, %mul3A_518 : vector<16xf32>
        %sub3A_965 = arith.subf %mul3A_964, %mul3A_519 : vector<16xf32>
        %mul3A_966 = arith.mulf %sub3A_965, %get3A_963 : vector<16xf32>
        %swap3A_967 = arith.index_cast %scan3A_187 : i32 to index
        %swap3A_968 = arith.constant 640 : index
        %swap3A_969 = tpu.vector_load %arg8[%swap3A_967, %swap3A_968] {strides = array<i32>} : memref<32x768xf32, #tpu.memory_space<vmem>>, vector<16xf32>,
        tpu.vector_store %arg8[%swap3A_967, %swap3A_968], %mul3A_966 {strides = array<i32>} : memref<32x768xf32, #tpu.memory_space<vmem>>, vector<16xf32>,
        %get3A_970 = arith.index_cast %scan3A_187 : i32 to index
        %get3A_971 = arith.constant 656 : index
        %get3A_972 = tpu.vector_load %arg8[%get3A_970, %get3A_971] {strides = array<i32>} : memref<32x768xf32, #tpu.memory_space<vmem>>, vector<16xf32>,
        %get3A_973 = arith.constant 656 : index
        %get3A_974 = tpu.vector_load %arg7[%get3A_973] {strides = array<i32>} : memref<768xf32, #tpu.memory_space<vmem>>, vector<16xf32>,
        %mul3A_975 = arith.mulf %get3A_972, %mul3A_518 : vector<16xf32>
        %sub3A_976 = arith.subf %mul3A_975, %mul3A_519 : vector<16xf32>
        %mul3A_977 = arith.mulf %sub3A_976, %get3A_974 : vector<16xf32>
        %swap3A_978 = arith.index_cast %scan3A_187 : i32 to index
        %swap3A_979 = arith.constant 656 : index
        %swap3A_980 = tpu.vector_load %arg8[%swap3A_978, %swap3A_979] {strides = array<i32>} : memref<32x768xf32, #tpu.memory_space<vmem>>, vector<16xf32>,
        tpu.vector_store %arg8[%swap3A_978, %swap3A_979], %mul3A_977 {strides = array<i32>} : memref<32x768xf32, #tpu.memory_space<vmem>>, vector<16xf32>,
        %get3A_981 = arith.index_cast %scan3A_187 : i32 to index
        %get3A_982 = arith.constant 672 : index
        %get3A_983 = tpu.vector_load %arg8[%get3A_981, %get3A_982] {strides = array<i32>} : memref<32x768xf32, #tpu.memory_space<vmem>>, vector<16xf32>,
        %get3A_984 = arith.constant 672 : index
        %get3A_985 = tpu.vector_load %arg7[%get3A_984] {strides = array<i32>} : memref<768xf32, #tpu.memory_space<vmem>>, vector<16xf32>,
        %mul3A_986 = arith.mulf %get3A_983, %mul3A_518 : vector<16xf32>
        %sub3A_987 = arith.subf %mul3A_986, %mul3A_519 : vector<16xf32>
        %mul3A_988 = arith.mulf %sub3A_987, %get3A_985 : vector<16xf32>
        %swap3A_989 = arith.index_cast %scan3A_187 : i32 to index
        %swap3A_990 = arith.constant 672 : index
        %swap3A_991 = tpu.vector_load %arg8[%swap3A_989, %swap3A_990] {strides = array<i32>} : memref<32x768xf32, #tpu.memory_space<vmem>>, vector<16xf32>,
        tpu.vector_store %arg8[%swap3A_989, %swap3A_990], %mul3A_988 {strides = array<i32>} : memref<32x768xf32, #tpu.memory_space<vmem>>, vector<16xf32>,
        %get3A_992 = arith.index_cast %scan3A_187 : i32 to index
        %get3A_993 = arith.constant 688 : index
        %get3A_994 = tpu.vector_load %arg8[%get3A_992, %get3A_993] {strides = array<i32>} : memref<32x768xf32, #tpu.memory_space<vmem>>, vector<16xf32>,
        %get3A_995 = arith.constant 688 : index
        %get3A_996 = tpu.vector_load %arg7[%get3A_995] {strides = array<i32>} : memref<768xf32, #tpu.memory_space<vmem>>, vector<16xf32>,
        %mul3A_997 = arith.mulf %get3A_994, %mul3A_518 : vector<16xf32>
        %sub3A_998 = arith.subf %mul3A_997, %mul3A_519 : vector<16xf32>
        %mul3A_999 = arith.mulf %sub3A_998, %get3A_996 : vector<16xf32>
        %swap3A_1000 = arith.index_cast %scan3A_187 : i32 to index
        %swap3A_1001 = arith.constant 688 : index
        %swap3A_1002 = tpu.vector_load %arg8[%swap3A_1000, %swap3A_1001] {strides = array<i32>} : memref<32x768xf32, #tpu.memory_space<vmem>>, vector<16xf32>,
        tpu.vector_store %arg8[%swap3A_1000, %swap3A_1001], %mul3A_999 {strides = array<i32>} : memref<32x768xf32, #tpu.memory_space<vmem>>, vector<16xf32>,
        %get3A_1003 = arith.index_cast %scan3A_187 : i32 to index
        %get3A_1004 = arith.constant 704 : index
        %get3A_1005 = tpu.vector_load %arg8[%get3A_1003, %get3A_1004] {strides = array<i32>} : memref<32x768xf32, #tpu.memory_space<vmem>>, vector<16xf32>,
        %get3A_1006 = arith.constant 704 : index
        %get3A_1007 = tpu.vector_load %arg7[%get3A_1006] {strides = array<i32>} : memref<768xf32, #tpu.memory_space<vmem>>, vector<16xf32>,
        %mul3A_1008 = arith.mulf %get3A_1005, %mul3A_518 : vector<16xf32>
        %sub3A_1009 = arith.subf %mul3A_1008, %mul3A_519 : vector<16xf32>
        %mul3A_1010 = arith.mulf %sub3A_1009, %get3A_1007 : vector<16xf32>
        %swap3A_1011 = arith.index_cast %scan3A_187 : i32 to index
        %swap3A_1012 = arith.constant 704 : index
        %swap3A_1013 = tpu.vector_load %arg8[%swap3A_1011, %swap3A_1012] {strides = array<i32>} : memref<32x768xf32, #tpu.memory_space<vmem>>, vector<16xf32>,
        tpu.vector_store %arg8[%swap3A_1011, %swap3A_1012], %mul3A_1010 {strides = array<i32>} : memref<32x768xf32, #tpu.memory_space<vmem>>, vector<16xf32>,
        %get3A_1014 = arith.index_cast %scan3A_187 : i32 to index
        %get3A_1015 = arith.constant 720 : index
        %get3A_1016 = tpu.vector_load %arg8[%get3A_1014, %get3A_1015] {strides = array<i32>} : memref<32x768xf32, #tpu.memory_space<vmem>>, vector<16xf32>,
        %get3A_1017 = arith.constant 720 : index
        %get3A_1018 = tpu.vector_load %arg7[%get3A_1017] {strides = array<i32>} : memref<768xf32, #tpu.memory_space<vmem>>, vector<16xf32>,
        %mul3A_1019 = arith.mulf %get3A_1016, %mul3A_518 : vector<16xf32>
        %sub3A_1020 = arith.subf %mul3A_1019, %mul3A_519 : vector<16xf32>
        %mul3A_1021 = arith.mulf %sub3A_1020, %get3A_1018 : vector<16xf32>
        %swap3A_1022 = arith.index_cast %scan3A_187 : i32 to index
        %swap3A_1023 = arith.constant 720 : index
        %swap3A_1024 = tpu.vector_load %arg8[%swap3A_1022, %swap3A_1023] {strides = array<i32>} : memref<32x768xf32, #tpu.memory_space<vmem>>, vector<16xf32>,
        tpu.vector_store %arg8[%swap3A_1022, %swap3A_1023], %mul3A_1021 {strides = array<i32>} : memref<32x768xf32, #tpu.memory_space<vmem>>, vector<16xf32>,
        %get3A_1025 = arith.index_cast %scan3A_187 : i32 to index
        %get3A_1026 = arith.constant 736 : index
        %get3A_1027 = tpu.vector_load %arg8[%get3A_1025, %get3A_1026] {strides = array<i32>} : memref<32x768xf32, #tpu.memory_space<vmem>>, vector<16xf32>,
        %get3A_1028 = arith.constant 736 : index
        %get3A_1029 = tpu.vector_load %arg7[%get3A_1028] {strides = array<i32>} : memref<768xf32, #tpu.memory_space<vmem>>, vector<16xf32>,
        %mul3A_1030 = arith.mulf %get3A_1027, %mul3A_518 : vector<16xf32>
        %sub3A_1031 = arith.subf %mul3A_1030, %mul3A_519 : vector<16xf32>
        %mul3A_1032 = arith.mulf %sub3A_1031, %get3A_1029 : vector<16xf32>
        %swap3A_1033 = arith.index_cast %scan3A_187 : i32 to index
        %swap3A_1034 = arith.constant 736 : index
        %swap3A_1035 = tpu.vector_load %arg8[%swap3A_1033, %swap3A_1034] {strides = array<i32>} : memref<32x768xf32, #tpu.memory_space<vmem>>, vector<16xf32>,
        tpu.vector_store %arg8[%swap3A_1033, %swap3A_1034], %mul3A_1032 {strides = array<i32>} : memref<32x768xf32, #tpu.memory_space<vmem>>, vector<16xf32>,
        %get3A_1036 = arith.index_cast %scan3A_187 : i32 to index
        %get3A_1037 = arith.constant 752 : index
        %get3A_1038 = tpu.vector_load %arg8[%get3A_1036, %get3A_1037] {strides = array<i32>} : memref<32x768xf32, #tpu.memory_space<vmem>>, vector<16xf32>,
        %get3A_1039 = arith.constant 752 : index
        %get3A_1040 = tpu.vector_load %arg7[%get3A_1039] {strides = array<i32>} : memref<768xf32, #tpu.memory_space<vmem>>, vector<16xf32>,
        %mul3A_1041 = arith.mulf %get3A_1038, %mul3A_518 : vector<16xf32>
        %sub3A_1042 = arith.subf %mul3A_1041, %mul3A_519 : vector<16xf32>
        %mul3A_1043 = arith.mulf %sub3A_1042, %get3A_1040 : vector<16xf32>
        %swap3A_1044 = arith.index_cast %scan3A_187 : i32 to index
        %swap3A_1045 = arith.constant 752 : index
        %swap3A_1046 = tpu.vector_load %arg8[%swap3A_1044, %swap3A_1045] {strides = array<i32>} : memref<32x768xf32, #tpu.memory_space<vmem>>, vector<16xf32>,
        tpu.vector_store %arg8[%swap3A_1044, %swap3A_1045], %mul3A_1043 {strides = array<i32>} : memref<32x768xf32, #tpu.memory_space<vmem>>, vector<16xf32>,
        %scan3A_1047 = arith.constant 0 : i32
        scf.yield %scan3A_1047 : i32
      }
      %scan3A_67 = arith.constant 32 : i32
      %mul3A_68 = arith.constant 32 : i32
      %mul3A_69 = arith.muli %add3A_46, %mul3A_68 : i32
      %add3A_70 = arith.addi %mul3A_2, %mul3A_69 : i32
      %dma_start3A_71 = arith.constant 0 : i32
      %dma_start3A_72 = tpu.memref_slice %arg5[%add3A_70, %dma_start3A_71] : memref<32768x768xf32, #tpu.memory_space<hbm>> -> memref<32x768xf32, #tpu.memory_space<hbm>>
      %dma_start3A_73 = arith.constant 0 : i32
      %dma_start3A_74 = tpu.memref_slice %arg5[%add3A_70, %dma_start3A_73] : memref<32768x768xf32, #tpu.memory_space<hbm>> -> memref<32x768xf32, #tpu.memory_space<hbm>>
      tpu.enqueue_dma source(%arg8 : memref<32x768xf32, #tpu.memory_space<vmem>>) target(%dma_start3A_74 : memref<32x768xf32, #tpu.memory_space<hbm>>) target_semaphore(%arg16 : memref<!tpu.dma_semaphore, #tpu.memory_space<semaphore_mem>>)
      %mul3A_75 = arith.constant 4 : i32
      %mul3A_76 = arith.muli %scan3A_41, %mul3A_75 : i32
      %add3A_77 = arith.constant 1 : i32
      %add3A_78 = arith.addi %mul3A_76, %add3A_77 : i32
      %add3A_79 = arith.constant 2 : i32
      %add3A_80 = arith.addi %add3A_78, %add3A_79 : i32
      %lt3A_81 = arith.constant 32 : i32
      %lt3A_82 = arith.cmpi slt, %add3A_80, %lt3A_81 : i32
      %ge3A_83 = arith.constant 2 : i32
      %ge3A_84 = arith.cmpi sge, %add3A_78, %ge3A_83 : i32
      %and3A_85 = arith.andi %lt3A_82, %ge3A_84 : i1
      %convert_element_type3A_86 = arith.extui %and3A_85 : i1 to i32
      %cond3A_87 = arith.constant 0 : i32
      %cond3A_88 = arith.cmpi ne, %convert_element_type3A_86, %cond3A_87 : i32
      scf.if %cond3A_88 {
        %dma_wait3A_187 = arith.constant 0 : i32
        %dma_wait3A_188 = arith.constant 0 : i32
        %dma_wait3A_189 = tpu.memref_slice %arg5[%dma_wait3A_187, %dma_wait3A_188] : memref<32768x768xf32, #tpu.memory_space<hbm>> -> memref<32x768xf32, #tpu.memory_space<hbm>>
        %dma_wait3A_190 = arith.constant 0 : i32
        %dma_wait3A_191 = arith.constant 0 : i32
        %dma_wait3A_192 = tpu.memref_slice %arg5[%dma_wait3A_190, %dma_wait3A_191] : memref<32768x768xf32, #tpu.memory_space<hbm>> -> memref<32x768xf32, #tpu.memory_space<hbm>>
        tpu.wait_dma2 semaphore(%arg19 : memref<!tpu.dma_semaphore, #tpu.memory_space<semaphore_mem>>) src(%arg11 : memref<32x768xf32, #tpu.memory_space<vmem>>) dst(%dma_wait3A_192 : memref<32x768xf32, #tpu.memory_space<hbm>>)
      } else {
      }
      %convert_element_type3A_89 = arith.extui %lt3A_82 : i1 to i32
      %cond3A_90 = arith.constant 0 : i32
      %cond3A_91 = arith.cmpi ne, %convert_element_type3A_89, %cond3A_90 : i32
      scf.if %cond3A_91 {
        %add3A_187 = arith.constant 2 : i32
        %add3A_188 = arith.addi %add3A_78, %add3A_187 : i32
        %mul3A_189 = arith.constant 32 : i32
        %mul3A_190 = arith.muli %add3A_188, %mul3A_189 : i32
        %dma_start3A_191 = tpu.memref_slice %arg6[%mul3A_190] : memref<1024xi32, #tpu.memory_space<vmem>> -> memref<32xi32, #tpu.memory_space<vmem>>
        %dma_start3A_192 = arith.constant 0 : i32
        %dma_start3A_193 = arith.constant 0 : i32
        %dma_start3A_194 = tpu.memref_slice %arg3[%dma_start3A_192, %dma_start3A_193] : memref<50368x768xf32, #tpu.memory_space<hbm>> -> memref<50368x768xf32, #tpu.memory_space<hbm>>
        tpu.enqueue_indirect_dma source(%dma_start3A_194 : memref<50368x768xf32, #tpu.memory_space<hbm>>) target(%arg11 : memref<32x768xf32, #tpu.memory_space<vmem>>) offsets(%dma_start3A_191 : memref<32xi32, #tpu.memory_space<vmem>>) semaphore(%arg15 : memref<!tpu.dma_semaphore, #tpu.memory_space<semaphore_mem>>)
      } else {
      }
      %dma_wait3A_92 = arith.constant 0 : i32
      %dma_wait3A_93 = arith.constant 0 : i32
      %dma_wait3A_94 = tpu.memref_slice %arg3[%dma_wait3A_92, %dma_wait3A_93] : memref<50368x768xf32, #tpu.memory_space<hbm>> -> memref<32x768xf32, #tpu.memory_space<hbm>>
      %dma_wait3A_95 = arith.constant 0 : i32
      %dma_wait3A_96 = arith.constant 0 : i32
      %dma_wait3A_97 = tpu.memref_slice %arg3[%dma_wait3A_95, %dma_wait3A_96] : memref<50368x768xf32, #tpu.memory_space<hbm>> -> memref<32x768xf32, #tpu.memory_space<hbm>>
      tpu.wait_dma2 semaphore(%arg13 : memref<!tpu.dma_semaphore, #tpu.memory_space<semaphore_mem>>) src(%dma_wait3A_97 : memref<32x768xf32, #tpu.memory_space<hbm>>) dst(%arg9 : memref<32x768xf32, #tpu.memory_space<vmem>>)
      %scan3A_98 = arith.constant 0 : i32
      %scan3A_99 = arith.constant 0 : i32
      %scan3A_100 = arith.constant 32 : i32
      %scan3A_101 = arith.addi %scan3A_99, %scan3A_100 : i32
      %scan3A_102 = arith.constant 1 : i32
      %scan3A_103 = scf.for %scan3A_187 = %scan3A_99 to %scan3A_101 step %scan3A_102 iter_args(%scan3A_188 = %scan3A_98) -> (i32)  : i32 {
        %get3A = arith.index_cast %scan3A_187 : i32 to index
        %get3A_189 = arith.constant 0 : index
        %get3A_190 = tpu.vector_load %arg9[%get3A, %get3A_189] {strides = array<i32>} : memref<32x768xf32, #tpu.memory_space<vmem>>, vector<16xf32>,
        %mul3A_191 = arith.mulf %get3A_190, %get3A_190 : vector<16xf32>
        %get3A_192 = arith.index_cast %scan3A_187 : i32 to index
        %get3A_193 = arith.constant 16 : index
        %get3A_194 = tpu.vector_load %arg9[%get3A_192, %get3A_193] {strides = array<i32>} : memref<32x768xf32, #tpu.memory_space<vmem>>, vector<16xf32>,
        %mul3A_195 = arith.mulf %get3A_194, %get3A_194 : vector<16xf32>
        %get3A_196 = arith.index_cast %scan3A_187 : i32 to index
        %get3A_197 = arith.constant 32 : index
        %get3A_198 = tpu.vector_load %arg9[%get3A_196, %get3A_197] {strides = array<i32>} : memref<32x768xf32, #tpu.memory_space<vmem>>, vector<16xf32>,
        %mul3A_199 = arith.mulf %get3A_198, %get3A_198 : vector<16xf32>
        %get3A_200 = arith.index_cast %scan3A_187 : i32 to index
        %get3A_201 = arith.constant 48 : index
        %get3A_202 = tpu.vector_load %arg9[%get3A_200, %get3A_201] {strides = array<i32>} : memref<32x768xf32, #tpu.memory_space<vmem>>, vector<16xf32>,
        %mul3A_203 = arith.mulf %get3A_202, %get3A_202 : vector<16xf32>
        %get3A_204 = arith.index_cast %scan3A_187 : i32 to index
        %get3A_205 = arith.constant 64 : index
        %get3A_206 = tpu.vector_load %arg9[%get3A_204, %get3A_205] {strides = array<i32>} : memref<32x768xf32, #tpu.memory_space<vmem>>, vector<16xf32>,
        %mul3A_207 = arith.mulf %get3A_206, %get3A_206 : vector<16xf32>
        %get3A_208 = arith.index_cast %scan3A_187 : i32 to index
        %get3A_209 = arith.constant 80 : index
        %get3A_210 = tpu.vector_load %arg9[%get3A_208, %get3A_209] {strides = array<i32>} : memref<32x768xf32, #tpu.memory_space<vmem>>, vector<16xf32>,
        %mul3A_211 = arith.mulf %get3A_210, %get3A_210 : vector<16xf32>
        %get3A_212 = arith.index_cast %scan3A_187 : i32 to index
        %get3A_213 = arith.constant 96 : index
        %get3A_214 = tpu.vector_load %arg9[%get3A_212, %get3A_213] {strides = array<i32>} : memref<32x768xf32, #tpu.memory_space<vmem>>, vector<16xf32>,
        %mul3A_215 = arith.mulf %get3A_214, %get3A_214 : vector<16xf32>
        %get3A_216 = arith.index_cast %scan3A_187 : i32 to index
        %get3A_217 = arith.constant 112 : index
        %get3A_218 = tpu.vector_load %arg9[%get3A_216, %get3A_217] {strides = array<i32>} : memref<32x768xf32, #tpu.memory_space<vmem>>, vector<16xf32>,
        %mul3A_219 = arith.mulf %get3A_218, %get3A_218 : vector<16xf32>
        %get3A_220 = arith.index_cast %scan3A_187 : i32 to index
        %get3A_221 = arith.constant 128 : index
        %get3A_222 = tpu.vector_load %arg9[%get3A_220, %get3A_221] {strides = array<i32>} : memref<32x768xf32, #tpu.memory_space<vmem>>, vector<16xf32>,
        %add3A_223 = arith.addf %get3A_190, %get3A_222 : vector<16xf32>
        %mul3A_224 = arith.mulf %get3A_222, %get3A_222 : vector<16xf32>
        %add3A_225 = arith.addf %mul3A_191, %mul3A_224 : vector<16xf32>
        %get3A_226 = arith.index_cast %scan3A_187 : i32 to index
        %get3A_227 = arith.constant 144 : index
        %get3A_228 = tpu.vector_load %arg9[%get3A_226, %get3A_227] {strides = array<i32>} : memref<32x768xf32, #tpu.memory_space<vmem>>, vector<16xf32>,
        %add3A_229 = arith.addf %get3A_194, %get3A_228 : vector<16xf32>
        %mul3A_230 = arith.mulf %get3A_228, %get3A_228 : vector<16xf32>
        %add3A_231 = arith.addf %mul3A_195, %mul3A_230 : vector<16xf32>
        %get3A_232 = arith.index_cast %scan3A_187 : i32 to index
        %get3A_233 = arith.constant 160 : index
        %get3A_234 = tpu.vector_load %arg9[%get3A_232, %get3A_233] {strides = array<i32>} : memref<32x768xf32, #tpu.memory_space<vmem>>, vector<16xf32>,
        %add3A_235 = arith.addf %get3A_198, %get3A_234 : vector<16xf32>
        %mul3A_236 = arith.mulf %get3A_234, %get3A_234 : vector<16xf32>
        %add3A_237 = arith.addf %mul3A_199, %mul3A_236 : vector<16xf32>
        %get3A_238 = arith.index_cast %scan3A_187 : i32 to index
        %get3A_239 = arith.constant 176 : index
        %get3A_240 = tpu.vector_load %arg9[%get3A_238, %get3A_239] {strides = array<i32>} : memref<32x768xf32, #tpu.memory_space<vmem>>, vector<16xf32>,
        %add3A_241 = arith.addf %get3A_202, %get3A_240 : vector<16xf32>
        %mul3A_242 = arith.mulf %get3A_240, %get3A_240 : vector<16xf32>
        %add3A_243 = arith.addf %mul3A_203, %mul3A_242 : vector<16xf32>
        %get3A_244 = arith.index_cast %scan3A_187 : i32 to index
        %get3A_245 = arith.constant 192 : index
        %get3A_246 = tpu.vector_load %arg9[%get3A_244, %get3A_245] {strides = array<i32>} : memref<32x768xf32, #tpu.memory_space<vmem>>, vector<16xf32>,
        %add3A_247 = arith.addf %get3A_206, %get3A_246 : vector<16xf32>
        %mul3A_248 = arith.mulf %get3A_246, %get3A_246 : vector<16xf32>
        %add3A_249 = arith.addf %mul3A_207, %mul3A_248 : vector<16xf32>
        %get3A_250 = arith.index_cast %scan3A_187 : i32 to index
        %get3A_251 = arith.constant 208 : index
        %get3A_252 = tpu.vector_load %arg9[%get3A_250, %get3A_251] {strides = array<i32>} : memref<32x768xf32, #tpu.memory_space<vmem>>, vector<16xf32>,
        %add3A_253 = arith.addf %get3A_210, %get3A_252 : vector<16xf32>
        %mul3A_254 = arith.mulf %get3A_252, %get3A_252 : vector<16xf32>
        %add3A_255 = arith.addf %mul3A_211, %mul3A_254 : vector<16xf32>
        %get3A_256 = arith.index_cast %scan3A_187 : i32 to index
        %get3A_257 = arith.constant 224 : index
        %get3A_258 = tpu.vector_load %arg9[%get3A_256, %get3A_257] {strides = array<i32>} : memref<32x768xf32, #tpu.memory_space<vmem>>, vector<16xf32>,
        %add3A_259 = arith.addf %get3A_214, %get3A_258 : vector<16xf32>
        %mul3A_260 = arith.mulf %get3A_258, %get3A_258 : vector<16xf32>
        %add3A_261 = arith.addf %mul3A_215, %mul3A_260 : vector<16xf32>
        %get3A_262 = arith.index_cast %scan3A_187 : i32 to index
        %get3A_263 = arith.constant 240 : index
        %get3A_264 = tpu.vector_load %arg9[%get3A_262, %get3A_263] {strides = array<i32>} : memref<32x768xf32, #tpu.memory_space<vmem>>, vector<16xf32>,
        %add3A_265 = arith.addf %get3A_218, %get3A_264 : vector<16xf32>
        %mul3A_266 = arith.mulf %get3A_264, %get3A_264 : vector<16xf32>
        %add3A_267 = arith.addf %mul3A_219, %mul3A_266 : vector<16xf32>
        %get3A_268 = arith.index_cast %scan3A_187 : i32 to index
        %get3A_269 = arith.constant 256 : index
        %get3A_270 = tpu.vector_load %arg9[%get3A_268, %get3A_269] {strides = array<i32>} : memref<32x768xf32, #tpu.memory_space<vmem>>, vector<16xf32>,
        %add3A_271 = arith.addf %add3A_223, %get3A_270 : vector<16xf32>
        %mul3A_272 = arith.mulf %get3A_270, %get3A_270 : vector<16xf32>
        %add3A_273 = arith.addf %add3A_225, %mul3A_272 : vector<16xf32>
        %get3A_274 = arith.index_cast %scan3A_187 : i32 to index
        %get3A_275 = arith.constant 272 : index
        %get3A_276 = tpu.vector_load %arg9[%get3A_274, %get3A_275] {strides = array<i32>} : memref<32x768xf32, #tpu.memory_space<vmem>>, vector<16xf32>,
        %add3A_277 = arith.addf %add3A_229, %get3A_276 : vector<16xf32>
        %mul3A_278 = arith.mulf %get3A_276, %get3A_276 : vector<16xf32>
        %add3A_279 = arith.addf %add3A_231, %mul3A_278 : vector<16xf32>
        %get3A_280 = arith.index_cast %scan3A_187 : i32 to index
        %get3A_281 = arith.constant 288 : index
        %get3A_282 = tpu.vector_load %arg9[%get3A_280, %get3A_281] {strides = array<i32>} : memref<32x768xf32, #tpu.memory_space<vmem>>, vector<16xf32>,
        %add3A_283 = arith.addf %add3A_235, %get3A_282 : vector<16xf32>
        %mul3A_284 = arith.mulf %get3A_282, %get3A_282 : vector<16xf32>
        %add3A_285 = arith.addf %add3A_237, %mul3A_284 : vector<16xf32>
        %get3A_286 = arith.index_cast %scan3A_187 : i32 to index
        %get3A_287 = arith.constant 304 : index
        %get3A_288 = tpu.vector_load %arg9[%get3A_286, %get3A_287] {strides = array<i32>} : memref<32x768xf32, #tpu.memory_space<vmem>>, vector<16xf32>,
        %add3A_289 = arith.addf %add3A_241, %get3A_288 : vector<16xf32>
        %mul3A_290 = arith.mulf %get3A_288, %get3A_288 : vector<16xf32>
        %add3A_291 = arith.addf %add3A_243, %mul3A_290 : vector<16xf32>
        %get3A_292 = arith.index_cast %scan3A_187 : i32 to index
        %get3A_293 = arith.constant 320 : index
        %get3A_294 = tpu.vector_load %arg9[%get3A_292, %get3A_293] {strides = array<i32>} : memref<32x768xf32, #tpu.memory_space<vmem>>, vector<16xf32>,
        %add3A_295 = arith.addf %add3A_247, %get3A_294 : vector<16xf32>
        %mul3A_296 = arith.mulf %get3A_294, %get3A_294 : vector<16xf32>
        %add3A_297 = arith.addf %add3A_249, %mul3A_296 : vector<16xf32>
        %get3A_298 = arith.index_cast %scan3A_187 : i32 to index
        %get3A_299 = arith.constant 336 : index
        %get3A_300 = tpu.vector_load %arg9[%get3A_298, %get3A_299] {strides = array<i32>} : memref<32x768xf32, #tpu.memory_space<vmem>>, vector<16xf32>,
        %add3A_301 = arith.addf %add3A_253, %get3A_300 : vector<16xf32>
        %mul3A_302 = arith.mulf %get3A_300, %get3A_300 : vector<16xf32>
        %add3A_303 = arith.addf %add3A_255, %mul3A_302 : vector<16xf32>
        %get3A_304 = arith.index_cast %scan3A_187 : i32 to index
        %get3A_305 = arith.constant 352 : index
        %get3A_306 = tpu.vector_load %arg9[%get3A_304, %get3A_305] {strides = array<i32>} : memref<32x768xf32, #tpu.memory_space<vmem>>, vector<16xf32>,
        %add3A_307 = arith.addf %add3A_259, %get3A_306 : vector<16xf32>
        %mul3A_308 = arith.mulf %get3A_306, %get3A_306 : vector<16xf32>
        %add3A_309 = arith.addf %add3A_261, %mul3A_308 : vector<16xf32>
        %get3A_310 = arith.index_cast %scan3A_187 : i32 to index
        %get3A_311 = arith.constant 368 : index
        %get3A_312 = tpu.vector_load %arg9[%get3A_310, %get3A_311] {strides = array<i32>} : memref<32x768xf32, #tpu.memory_space<vmem>>, vector<16xf32>,
        %add3A_313 = arith.addf %add3A_265, %get3A_312 : vector<16xf32>
        %mul3A_314 = arith.mulf %get3A_312, %get3A_312 : vector<16xf32>
        %add3A_315 = arith.addf %add3A_267, %mul3A_314 : vector<16xf32>
        %get3A_316 = arith.index_cast %scan3A_187 : i32 to index
        %get3A_317 = arith.constant 384 : index
        %get3A_318 = tpu.vector_load %arg9[%get3A_316, %get3A_317] {strides = array<i32>} : memref<32x768xf32, #tpu.memory_space<vmem>>, vector<16xf32>,
        %add3A_319 = arith.addf %add3A_271, %get3A_318 : vector<16xf32>
        %mul3A_320 = arith.mulf %get3A_318, %get3A_318 : vector<16xf32>
        %add3A_321 = arith.addf %add3A_273, %mul3A_320 : vector<16xf32>
        %get3A_322 = arith.index_cast %scan3A_187 : i32 to index
        %get3A_323 = arith.constant 400 : index
        %get3A_324 = tpu.vector_load %arg9[%get3A_322, %get3A_323] {strides = array<i32>} : memref<32x768xf32, #tpu.memory_space<vmem>>, vector<16xf32>,
        %add3A_325 = arith.addf %add3A_277, %get3A_324 : vector<16xf32>
        %mul3A_326 = arith.mulf %get3A_324, %get3A_324 : vector<16xf32>
        %add3A_327 = arith.addf %add3A_279, %mul3A_326 : vector<16xf32>
        %get3A_328 = arith.index_cast %scan3A_187 : i32 to index
        %get3A_329 = arith.constant 416 : index
        %get3A_330 = tpu.vector_load %arg9[%get3A_328, %get3A_329] {strides = array<i32>} : memref<32x768xf32, #tpu.memory_space<vmem>>, vector<16xf32>,
        %add3A_331 = arith.addf %add3A_283, %get3A_330 : vector<16xf32>
        %mul3A_332 = arith.mulf %get3A_330, %get3A_330 : vector<16xf32>
        %add3A_333 = arith.addf %add3A_285, %mul3A_332 : vector<16xf32>
        %get3A_334 = arith.index_cast %scan3A_187 : i32 to index
        %get3A_335 = arith.constant 432 : index
        %get3A_336 = tpu.vector_load %arg9[%get3A_334, %get3A_335] {strides = array<i32>} : memref<32x768xf32, #tpu.memory_space<vmem>>, vector<16xf32>,
        %add3A_337 = arith.addf %add3A_289, %get3A_336 : vector<16xf32>
        %mul3A_338 = arith.mulf %get3A_336, %get3A_336 : vector<16xf32>
        %add3A_339 = arith.addf %add3A_291, %mul3A_338 : vector<16xf32>
        %get3A_340 = arith.index_cast %scan3A_187 : i32 to index
        %get3A_341 = arith.constant 448 : index
        %get3A_342 = tpu.vector_load %arg9[%get3A_340, %get3A_341] {strides = array<i32>} : memref<32x768xf32, #tpu.memory_space<vmem>>, vector<16xf32>,
        %add3A_343 = arith.addf %add3A_295, %get3A_342 : vector<16xf32>
        %mul3A_344 = arith.mulf %get3A_342, %get3A_342 : vector<16xf32>
        %add3A_345 = arith.addf %add3A_297, %mul3A_344 : vector<16xf32>
        %get3A_346 = arith.index_cast %scan3A_187 : i32 to index
        %get3A_347 = arith.constant 464 : index
        %get3A_348 = tpu.vector_load %arg9[%get3A_346, %get3A_347] {strides = array<i32>} : memref<32x768xf32, #tpu.memory_space<vmem>>, vector<16xf32>,
        %add3A_349 = arith.addf %add3A_301, %get3A_348 : vector<16xf32>
        %mul3A_350 = arith.mulf %get3A_348, %get3A_348 : vector<16xf32>
        %add3A_351 = arith.addf %add3A_303, %mul3A_350 : vector<16xf32>
        %get3A_352 = arith.index_cast %scan3A_187 : i32 to index
        %get3A_353 = arith.constant 480 : index
        %get3A_354 = tpu.vector_load %arg9[%get3A_352, %get3A_353] {strides = array<i32>} : memref<32x768xf32, #tpu.memory_space<vmem>>, vector<16xf32>,
        %add3A_355 = arith.addf %add3A_307, %get3A_354 : vector<16xf32>
        %mul3A_356 = arith.mulf %get3A_354, %get3A_354 : vector<16xf32>
        %add3A_357 = arith.addf %add3A_309, %mul3A_356 : vector<16xf32>
        %get3A_358 = arith.index_cast %scan3A_187 : i32 to index
        %get3A_359 = arith.constant 496 : index
        %get3A_360 = tpu.vector_load %arg9[%get3A_358, %get3A_359] {strides = array<i32>} : memref<32x768xf32, #tpu.memory_space<vmem>>, vector<16xf32>,
        %add3A_361 = arith.addf %add3A_313, %get3A_360 : vector<16xf32>
        %mul3A_362 = arith.mulf %get3A_360, %get3A_360 : vector<16xf32>
        %add3A_363 = arith.addf %add3A_315, %mul3A_362 : vector<16xf32>
        %get3A_364 = arith.index_cast %scan3A_187 : i32 to index
        %get3A_365 = arith.constant 512 : index
        %get3A_366 = tpu.vector_load %arg9[%get3A_364, %get3A_365] {strides = array<i32>} : memref<32x768xf32, #tpu.memory_space<vmem>>, vector<16xf32>,
        %add3A_367 = arith.addf %add3A_319, %get3A_366 : vector<16xf32>
        %mul3A_368 = arith.mulf %get3A_366, %get3A_366 : vector<16xf32>
        %add3A_369 = arith.addf %add3A_321, %mul3A_368 : vector<16xf32>
        %get3A_370 = arith.index_cast %scan3A_187 : i32 to index
        %get3A_371 = arith.constant 528 : index
        %get3A_372 = tpu.vector_load %arg9[%get3A_370, %get3A_371] {strides = array<i32>} : memref<32x768xf32, #tpu.memory_space<vmem>>, vector<16xf32>,
        %add3A_373 = arith.addf %add3A_325, %get3A_372 : vector<16xf32>
        %mul3A_374 = arith.mulf %get3A_372, %get3A_372 : vector<16xf32>
        %add3A_375 = arith.addf %add3A_327, %mul3A_374 : vector<16xf32>
        %get3A_376 = arith.index_cast %scan3A_187 : i32 to index
        %get3A_377 = arith.constant 544 : index
        %get3A_378 = tpu.vector_load %arg9[%get3A_376, %get3A_377] {strides = array<i32>} : memref<32x768xf32, #tpu.memory_space<vmem>>, vector<16xf32>,
        %add3A_379 = arith.addf %add3A_331, %get3A_378 : vector<16xf32>
        %mul3A_380 = arith.mulf %get3A_378, %get3A_378 : vector<16xf32>
        %add3A_381 = arith.addf %add3A_333, %mul3A_380 : vector<16xf32>
        %get3A_382 = arith.index_cast %scan3A_187 : i32 to index
        %get3A_383 = arith.constant 560 : index
        %get3A_384 = tpu.vector_load %arg9[%get3A_382, %get3A_383] {strides = array<i32>} : memref<32x768xf32, #tpu.memory_space<vmem>>, vector<16xf32>,
        %add3A_385 = arith.addf %add3A_337, %get3A_384 : vector<16xf32>
        %mul3A_386 = arith.mulf %get3A_384, %get3A_384 : vector<16xf32>
        %add3A_387 = arith.addf %add3A_339, %mul3A_386 : vector<16xf32>
        %get3A_388 = arith.index_cast %scan3A_187 : i32 to index
        %get3A_389 = arith.constant 576 : index
        %get3A_390 = tpu.vector_load %arg9[%get3A_388, %get3A_389] {strides = array<i32>} : memref<32x768xf32, #tpu.memory_space<vmem>>, vector<16xf32>,
        %add3A_391 = arith.addf %add3A_343, %get3A_390 : vector<16xf32>
        %mul3A_392 = arith.mulf %get3A_390, %get3A_390 : vector<16xf32>
        %add3A_393 = arith.addf %add3A_345, %mul3A_392 : vector<16xf32>
        %get3A_394 = arith.index_cast %scan3A_187 : i32 to index
        %get3A_395 = arith.constant 592 : index
        %get3A_396 = tpu.vector_load %arg9[%get3A_394, %get3A_395] {strides = array<i32>} : memref<32x768xf32, #tpu.memory_space<vmem>>, vector<16xf32>,
        %add3A_397 = arith.addf %add3A_349, %get3A_396 : vector<16xf32>
        %mul3A_398 = arith.mulf %get3A_396, %get3A_396 : vector<16xf32>
        %add3A_399 = arith.addf %add3A_351, %mul3A_398 : vector<16xf32>
        %get3A_400 = arith.index_cast %scan3A_187 : i32 to index
        %get3A_401 = arith.constant 608 : index
        %get3A_402 = tpu.vector_load %arg9[%get3A_400, %get3A_401] {strides = array<i32>} : memref<32x768xf32, #tpu.memory_space<vmem>>, vector<16xf32>,
        %add3A_403 = arith.addf %add3A_355, %get3A_402 : vector<16xf32>
        %mul3A_404 = arith.mulf %get3A_402, %get3A_402 : vector<16xf32>
        %add3A_405 = arith.addf %add3A_357, %mul3A_404 : vector<16xf32>
        %get3A_406 = arith.index_cast %scan3A_187 : i32 to index
        %get3A_407 = arith.constant 624 : index
        %get3A_408 = tpu.vector_load %arg9[%get3A_406, %get3A_407] {strides = array<i32>} : memref<32x768xf32, #tpu.memory_space<vmem>>, vector<16xf32>,
        %add3A_409 = arith.addf %add3A_361, %get3A_408 : vector<16xf32>
        %mul3A_410 = arith.mulf %get3A_408, %get3A_408 : vector<16xf32>
        %add3A_411 = arith.addf %add3A_363, %mul3A_410 : vector<16xf32>
        %get3A_412 = arith.index_cast %scan3A_187 : i32 to index
        %get3A_413 = arith.constant 640 : index
        %get3A_414 = tpu.vector_load %arg9[%get3A_412, %get3A_413] {strides = array<i32>} : memref<32x768xf32, #tpu.memory_space<vmem>>, vector<16xf32>,
        %add3A_415 = arith.addf %add3A_367, %get3A_414 : vector<16xf32>
        %mul3A_416 = arith.mulf %get3A_414, %get3A_414 : vector<16xf32>
        %add3A_417 = arith.addf %add3A_369, %mul3A_416 : vector<16xf32>
        %get3A_418 = arith.index_cast %scan3A_187 : i32 to index
        %get3A_419 = arith.constant 656 : index
        %get3A_420 = tpu.vector_load %arg9[%get3A_418, %get3A_419] {strides = array<i32>} : memref<32x768xf32, #tpu.memory_space<vmem>>, vector<16xf32>,
        %add3A_421 = arith.addf %add3A_373, %get3A_420 : vector<16xf32>
        %mul3A_422 = arith.mulf %get3A_420, %get3A_420 : vector<16xf32>
        %add3A_423 = arith.addf %add3A_375, %mul3A_422 : vector<16xf32>
        %get3A_424 = arith.index_cast %scan3A_187 : i32 to index
        %get3A_425 = arith.constant 672 : index
        %get3A_426 = tpu.vector_load %arg9[%get3A_424, %get3A_425] {strides = array<i32>} : memref<32x768xf32, #tpu.memory_space<vmem>>, vector<16xf32>,
        %add3A_427 = arith.addf %add3A_379, %get3A_426 : vector<16xf32>
        %mul3A_428 = arith.mulf %get3A_426, %get3A_426 : vector<16xf32>
        %add3A_429 = arith.addf %add3A_381, %mul3A_428 : vector<16xf32>
        %get3A_430 = arith.index_cast %scan3A_187 : i32 to index
        %get3A_431 = arith.constant 688 : index
        %get3A_432 = tpu.vector_load %arg9[%get3A_430, %get3A_431] {strides = array<i32>} : memref<32x768xf32, #tpu.memory_space<vmem>>, vector<16xf32>,
        %add3A_433 = arith.addf %add3A_385, %get3A_432 : vector<16xf32>
        %mul3A_434 = arith.mulf %get3A_432, %get3A_432 : vector<16xf32>
        %add3A_435 = arith.addf %add3A_387, %mul3A_434 : vector<16xf32>
        %get3A_436 = arith.index_cast %scan3A_187 : i32 to index
        %get3A_437 = arith.constant 704 : index
        %get3A_438 = tpu.vector_load %arg9[%get3A_436, %get3A_437] {strides = array<i32>} : memref<32x768xf32, #tpu.memory_space<vmem>>, vector<16xf32>,
        %add3A_439 = arith.addf %add3A_391, %get3A_438 : vector<16xf32>
        %mul3A_440 = arith.mulf %get3A_438, %get3A_438 : vector<16xf32>
        %add3A_441 = arith.addf %add3A_393, %mul3A_440 : vector<16xf32>
        %get3A_442 = arith.index_cast %scan3A_187 : i32 to index
        %get3A_443 = arith.constant 720 : index
        %get3A_444 = tpu.vector_load %arg9[%get3A_442, %get3A_443] {strides = array<i32>} : memref<32x768xf32, #tpu.memory_space<vmem>>, vector<16xf32>,
        %add3A_445 = arith.addf %add3A_397, %get3A_444 : vector<16xf32>
        %mul3A_446 = arith.mulf %get3A_444, %get3A_444 : vector<16xf32>
        %add3A_447 = arith.addf %add3A_399, %mul3A_446 : vector<16xf32>
        %get3A_448 = arith.index_cast %scan3A_187 : i32 to index
        %get3A_449 = arith.constant 736 : index
        %get3A_450 = tpu.vector_load %arg9[%get3A_448, %get3A_449] {strides = array<i32>} : memref<32x768xf32, #tpu.memory_space<vmem>>, vector<16xf32>,
        %add3A_451 = arith.addf %add3A_403, %get3A_450 : vector<16xf32>
        %mul3A_452 = arith.mulf %get3A_450, %get3A_450 : vector<16xf32>
        %add3A_453 = arith.addf %add3A_405, %mul3A_452 : vector<16xf32>
        %get3A_454 = arith.index_cast %scan3A_187 : i32 to index
        %get3A_455 = arith.constant 752 : index
        %get3A_456 = tpu.vector_load %arg9[%get3A_454, %get3A_455] {strides = array<i32>} : memref<32x768xf32, #tpu.memory_space<vmem>>, vector<16xf32>,
        %add3A_457 = arith.addf %add3A_409, %get3A_456 : vector<16xf32>
        %mul3A_458 = arith.mulf %get3A_456, %get3A_456 : vector<16xf32>
        %add3A_459 = arith.addf %add3A_411, %mul3A_458 : vector<16xf32>
        %add3A_460 = arith.addf %add3A_415, %add3A_439 : vector<16xf32>
        %add3A_461 = arith.addf %add3A_417, %add3A_441 : vector<16xf32>
        %add3A_462 = arith.addf %add3A_421, %add3A_445 : vector<16xf32>
        %add3A_463 = arith.addf %add3A_423, %add3A_447 : vector<16xf32>
        %add3A_464 = arith.addf %add3A_427, %add3A_451 : vector<16xf32>
        %add3A_465 = arith.addf %add3A_429, %add3A_453 : vector<16xf32>
        %add3A_466 = arith.addf %add3A_433, %add3A_457 : vector<16xf32>
        %add3A_467 = arith.addf %add3A_435, %add3A_459 : vector<16xf32>
        %add3A_468 = arith.addf %add3A_460, %add3A_464 : vector<16xf32>
        %add3A_469 = arith.addf %add3A_461, %add3A_465 : vector<16xf32>
        %add3A_470 = arith.addf %add3A_462, %add3A_466 : vector<16xf32>
        %add3A_471 = arith.addf %add3A_463, %add3A_467 : vector<16xf32>
        %add3A_472 = arith.addf %add3A_468, %add3A_470 : vector<16xf32>
        %add3A_473 = arith.addf %add3A_469, %add3A_471 : vector<16xf32>
        %reduce_sum3A = arith.constant true
        %reduce_sum3A_474 = vector.broadcast %reduce_sum3A : i1 to vector<16xi1>
        %reduce_sum3A_475 = tpu.scan <sum>, %add3A_472 masked %reduce_sum3A_474 : vector<16xf32>, vector<16xi1> -> vector<16xf32>
        %reduce_sum3A_476 = vector.extract %reduce_sum3A_475[15] : f32 from vector<16xf32>
        %broadcast_in_dim3A = vector.broadcast %reduce_sum3A_476 : f32 to vector<16xf32>
        %mul3A_477 = arith.constant 0.00130208337 : f32
        %mul3A_478 = vector.broadcast %mul3A_477 : f32 to vector<16xf32>
        %mul3A_479 = arith.mulf %broadcast_in_dim3A, %mul3A_478 : vector<16xf32>
        %reduce_sum3A_480 = arith.constant true
        %reduce_sum3A_481 = vector.broadcast %reduce_sum3A_480 : i1 to vector<16xi1>
        %reduce_sum3A_482 = tpu.scan <sum>, %add3A_473 masked %reduce_sum3A_481 : vector<16xf32>, vector<16xi1> -> vector<16xf32>
        %reduce_sum3A_483 = vector.extract %reduce_sum3A_482[15] : f32 from vector<16xf32>
        %broadcast_in_dim3A_484 = vector.broadcast %reduce_sum3A_483 : f32 to vector<16xf32>
        %mul3A_485 = arith.constant 0.00130208337 : f32
        %mul3A_486 = vector.broadcast %mul3A_485 : f32 to vector<16xf32>
        %mul3A_487 = arith.mulf %broadcast_in_dim3A_484, %mul3A_486 : vector<16xf32>
        %mul3A_488 = arith.mulf %mul3A_479, %mul3A_479 : vector<16xf32>
        %sub3A = arith.subf %mul3A_487, %mul3A_488 : vector<16xf32>
        %add3A_489 = arith.constant 9.99999974E-6 : f32
        %add3A_490 = vector.broadcast %add3A_489 : f32 to vector<16xf32>
        %add3A_491 = arith.addf %sub3A, %add3A_490 : vector<16xf32>
        %bitcast_convert_type3A = tpu.bitcast %add3A_491 : vector<16xf32> -> vector<16xi32>
        %shift_right_arithmetic3A = arith.constant 1 : i32
        %shift_right_arithmetic3A_492 = vector.broadcast %shift_right_arithmetic3A : i32 to vector<16xi32>
        %shift_right_arithmetic3A_493 = arith.shrsi %bitcast_convert_type3A, %shift_right_arithmetic3A_492 : vector<16xi32>
        %sub3A_494 = arith.constant 1597463007 : i32
        %sub3A_495 = vector.broadcast %sub3A_494 : i32 to vector<16xi32>
        %sub3A_496 = arith.subi %sub3A_495, %shift_right_arithmetic3A_493 : vector<16xi32>
        %bitcast_convert_type3A_497 = tpu.bitcast %sub3A_496 : vector<16xi32> -> vector<16xf32>
        %mul3A_498 = arith.constant 5.000000e-01 : f32
        %mul3A_499 = vector.broadcast %mul3A_498 : f32 to vector<16xf32>
        %mul3A_500 = arith.mulf %add3A_491, %mul3A_499 : vector<16xf32>
        %mul3A_501 = arith.mulf %mul3A_500, %bitcast_convert_type3A_497 : vector<16xf32>
        %mul3A_502 = arith.mulf %mul3A_501, %bitcast_convert_type3A_497 : vector<16xf32>
        %sub3A_503 = arith.constant 1.500000e+00 : f32
        %sub3A_504 = vector.broadcast %sub3A_503 : f32 to vector<16xf32>
        %sub3A_505 = arith.subf %sub3A_504, %mul3A_502 : vector<16xf32>
        %mul3A_506 = arith.mulf %bitcast_convert_type3A_497, %sub3A_505 : vector<16xf32>
        %mul3A_507 = arith.mulf %mul3A_500, %mul3A_506 : vector<16xf32>
        %mul3A_508 = arith.mulf %mul3A_507, %mul3A_506 : vector<16xf32>
        %sub3A_509 = arith.constant 1.500000e+00 : f32
        %sub3A_510 = vector.broadcast %sub3A_509 : f32 to vector<16xf32>
        %sub3A_511 = arith.subf %sub3A_510, %mul3A_508 : vector<16xf32>
        %mul3A_512 = arith.mulf %mul3A_506, %sub3A_511 : vector<16xf32>
        %mul3A_513 = arith.mulf %mul3A_500, %mul3A_512 : vector<16xf32>
        %mul3A_514 = arith.mulf %mul3A_513, %mul3A_512 : vector<16xf32>
        %sub3A_515 = arith.constant 1.500000e+00 : f32
        %sub3A_516 = vector.broadcast %sub3A_515 : f32 to vector<16xf32>
        %sub3A_517 = arith.subf %sub3A_516, %mul3A_514 : vector<16xf32>
        %mul3A_518 = arith.mulf %mul3A_512, %sub3A_517 : vector<16xf32>
        %mul3A_519 = arith.mulf %mul3A_479, %mul3A_518 : vector<16xf32>
        %get3A_520 = arith.index_cast %scan3A_187 : i32 to index
        %get3A_521 = arith.constant 0 : index
        %get3A_522 = tpu.vector_load %arg9[%get3A_520, %get3A_521] {strides = array<i32>} : memref<32x768xf32, #tpu.memory_space<vmem>>, vector<16xf32>,
        %get3A_523 = arith.constant 0 : index
        %get3A_524 = tpu.vector_load %arg7[%get3A_523] {strides = array<i32>} : memref<768xf32, #tpu.memory_space<vmem>>, vector<16xf32>,
        %mul3A_525 = arith.mulf %get3A_522, %mul3A_518 : vector<16xf32>
        %sub3A_526 = arith.subf %mul3A_525, %mul3A_519 : vector<16xf32>
        %mul3A_527 = arith.mulf %sub3A_526, %get3A_524 : vector<16xf32>
        %swap3A = arith.index_cast %scan3A_187 : i32 to index
        %swap3A_528 = arith.constant 0 : index
        %swap3A_529 = tpu.vector_load %arg9[%swap3A, %swap3A_528] {strides = array<i32>} : memref<32x768xf32, #tpu.memory_space<vmem>>, vector<16xf32>,
        tpu.vector_store %arg9[%swap3A, %swap3A_528], %mul3A_527 {strides = array<i32>} : memref<32x768xf32, #tpu.memory_space<vmem>>, vector<16xf32>,
        %get3A_530 = arith.index_cast %scan3A_187 : i32 to index
        %get3A_531 = arith.constant 16 : index
        %get3A_532 = tpu.vector_load %arg9[%get3A_530, %get3A_531] {strides = array<i32>} : memref<32x768xf32, #tpu.memory_space<vmem>>, vector<16xf32>,
        %get3A_533 = arith.constant 16 : index
        %get3A_534 = tpu.vector_load %arg7[%get3A_533] {strides = array<i32>} : memref<768xf32, #tpu.memory_space<vmem>>, vector<16xf32>,
        %mul3A_535 = arith.mulf %get3A_532, %mul3A_518 : vector<16xf32>
        %sub3A_536 = arith.subf %mul3A_535, %mul3A_519 : vector<16xf32>
        %mul3A_537 = arith.mulf %sub3A_536, %get3A_534 : vector<16xf32>
        %swap3A_538 = arith.index_cast %scan3A_187 : i32 to index
        %swap3A_539 = arith.constant 16 : index
        %swap3A_540 = tpu.vector_load %arg9[%swap3A_538, %swap3A_539] {strides = array<i32>} : memref<32x768xf32, #tpu.memory_space<vmem>>, vector<16xf32>,
        tpu.vector_store %arg9[%swap3A_538, %swap3A_539], %mul3A_537 {strides = array<i32>} : memref<32x768xf32, #tpu.memory_space<vmem>>, vector<16xf32>,
        %get3A_541 = arith.index_cast %scan3A_187 : i32 to index
        %get3A_542 = arith.constant 32 : index
        %get3A_543 = tpu.vector_load %arg9[%get3A_541, %get3A_542] {strides = array<i32>} : memref<32x768xf32, #tpu.memory_space<vmem>>, vector<16xf32>,
        %get3A_544 = arith.constant 32 : index
        %get3A_545 = tpu.vector_load %arg7[%get3A_544] {strides = array<i32>} : memref<768xf32, #tpu.memory_space<vmem>>, vector<16xf32>,
        %mul3A_546 = arith.mulf %get3A_543, %mul3A_518 : vector<16xf32>
        %sub3A_547 = arith.subf %mul3A_546, %mul3A_519 : vector<16xf32>
        %mul3A_548 = arith.mulf %sub3A_547, %get3A_545 : vector<16xf32>
        %swap3A_549 = arith.index_cast %scan3A_187 : i32 to index
        %swap3A_550 = arith.constant 32 : index
        %swap3A_551 = tpu.vector_load %arg9[%swap3A_549, %swap3A_550] {strides = array<i32>} : memref<32x768xf32, #tpu.memory_space<vmem>>, vector<16xf32>,
        tpu.vector_store %arg9[%swap3A_549, %swap3A_550], %mul3A_548 {strides = array<i32>} : memref<32x768xf32, #tpu.memory_space<vmem>>, vector<16xf32>,
        %get3A_552 = arith.index_cast %scan3A_187 : i32 to index
        %get3A_553 = arith.constant 48 : index
        %get3A_554 = tpu.vector_load %arg9[%get3A_552, %get3A_553] {strides = array<i32>} : memref<32x768xf32, #tpu.memory_space<vmem>>, vector<16xf32>,
        %get3A_555 = arith.constant 48 : index
        %get3A_556 = tpu.vector_load %arg7[%get3A_555] {strides = array<i32>} : memref<768xf32, #tpu.memory_space<vmem>>, vector<16xf32>,
        %mul3A_557 = arith.mulf %get3A_554, %mul3A_518 : vector<16xf32>
        %sub3A_558 = arith.subf %mul3A_557, %mul3A_519 : vector<16xf32>
        %mul3A_559 = arith.mulf %sub3A_558, %get3A_556 : vector<16xf32>
        %swap3A_560 = arith.index_cast %scan3A_187 : i32 to index
        %swap3A_561 = arith.constant 48 : index
        %swap3A_562 = tpu.vector_load %arg9[%swap3A_560, %swap3A_561] {strides = array<i32>} : memref<32x768xf32, #tpu.memory_space<vmem>>, vector<16xf32>,
        tpu.vector_store %arg9[%swap3A_560, %swap3A_561], %mul3A_559 {strides = array<i32>} : memref<32x768xf32, #tpu.memory_space<vmem>>, vector<16xf32>,
        %get3A_563 = arith.index_cast %scan3A_187 : i32 to index
        %get3A_564 = arith.constant 64 : index
        %get3A_565 = tpu.vector_load %arg9[%get3A_563, %get3A_564] {strides = array<i32>} : memref<32x768xf32, #tpu.memory_space<vmem>>, vector<16xf32>,
        %get3A_566 = arith.constant 64 : index
        %get3A_567 = tpu.vector_load %arg7[%get3A_566] {strides = array<i32>} : memref<768xf32, #tpu.memory_space<vmem>>, vector<16xf32>,
        %mul3A_568 = arith.mulf %get3A_565, %mul3A_518 : vector<16xf32>
        %sub3A_569 = arith.subf %mul3A_568, %mul3A_519 : vector<16xf32>
        %mul3A_570 = arith.mulf %sub3A_569, %get3A_567 : vector<16xf32>
        %swap3A_571 = arith.index_cast %scan3A_187 : i32 to index
        %swap3A_572 = arith.constant 64 : index
        %swap3A_573 = tpu.vector_load %arg9[%swap3A_571, %swap3A_572] {strides = array<i32>} : memref<32x768xf32, #tpu.memory_space<vmem>>, vector<16xf32>,
        tpu.vector_store %arg9[%swap3A_571, %swap3A_572], %mul3A_570 {strides = array<i32>} : memref<32x768xf32, #tpu.memory_space<vmem>>, vector<16xf32>,
        %get3A_574 = arith.index_cast %scan3A_187 : i32 to index
        %get3A_575 = arith.constant 80 : index
        %get3A_576 = tpu.vector_load %arg9[%get3A_574, %get3A_575] {strides = array<i32>} : memref<32x768xf32, #tpu.memory_space<vmem>>, vector<16xf32>,
        %get3A_577 = arith.constant 80 : index
        %get3A_578 = tpu.vector_load %arg7[%get3A_577] {strides = array<i32>} : memref<768xf32, #tpu.memory_space<vmem>>, vector<16xf32>,
        %mul3A_579 = arith.mulf %get3A_576, %mul3A_518 : vector<16xf32>
        %sub3A_580 = arith.subf %mul3A_579, %mul3A_519 : vector<16xf32>
        %mul3A_581 = arith.mulf %sub3A_580, %get3A_578 : vector<16xf32>
        %swap3A_582 = arith.index_cast %scan3A_187 : i32 to index
        %swap3A_583 = arith.constant 80 : index
        %swap3A_584 = tpu.vector_load %arg9[%swap3A_582, %swap3A_583] {strides = array<i32>} : memref<32x768xf32, #tpu.memory_space<vmem>>, vector<16xf32>,
        tpu.vector_store %arg9[%swap3A_582, %swap3A_583], %mul3A_581 {strides = array<i32>} : memref<32x768xf32, #tpu.memory_space<vmem>>, vector<16xf32>,
        %get3A_585 = arith.index_cast %scan3A_187 : i32 to index
        %get3A_586 = arith.constant 96 : index
        %get3A_587 = tpu.vector_load %arg9[%get3A_585, %get3A_586] {strides = array<i32>} : memref<32x768xf32, #tpu.memory_space<vmem>>, vector<16xf32>,
        %get3A_588 = arith.constant 96 : index
        %get3A_589 = tpu.vector_load %arg7[%get3A_588] {strides = array<i32>} : memref<768xf32, #tpu.memory_space<vmem>>, vector<16xf32>,
        %mul3A_590 = arith.mulf %get3A_587, %mul3A_518 : vector<16xf32>
        %sub3A_591 = arith.subf %mul3A_590, %mul3A_519 : vector<16xf32>
        %mul3A_592 = arith.mulf %sub3A_591, %get3A_589 : vector<16xf32>
        %swap3A_593 = arith.index_cast %scan3A_187 : i32 to index
        %swap3A_594 = arith.constant 96 : index
        %swap3A_595 = tpu.vector_load %arg9[%swap3A_593, %swap3A_594] {strides = array<i32>} : memref<32x768xf32, #tpu.memory_space<vmem>>, vector<16xf32>,
        tpu.vector_store %arg9[%swap3A_593, %swap3A_594], %mul3A_592 {strides = array<i32>} : memref<32x768xf32, #tpu.memory_space<vmem>>, vector<16xf32>,
        %get3A_596 = arith.index_cast %scan3A_187 : i32 to index
        %get3A_597 = arith.constant 112 : index
        %get3A_598 = tpu.vector_load %arg9[%get3A_596, %get3A_597] {strides = array<i32>} : memref<32x768xf32, #tpu.memory_space<vmem>>, vector<16xf32>,
        %get3A_599 = arith.constant 112 : index
        %get3A_600 = tpu.vector_load %arg7[%get3A_599] {strides = array<i32>} : memref<768xf32, #tpu.memory_space<vmem>>, vector<16xf32>,
        %mul3A_601 = arith.mulf %get3A_598, %mul3A_518 : vector<16xf32>
        %sub3A_602 = arith.subf %mul3A_601, %mul3A_519 : vector<16xf32>
        %mul3A_603 = arith.mulf %sub3A_602, %get3A_600 : vector<16xf32>
        %swap3A_604 = arith.index_cast %scan3A_187 : i32 to index
        %swap3A_605 = arith.constant 112 : index
        %swap3A_606 = tpu.vector_load %arg9[%swap3A_604, %swap3A_605] {strides = array<i32>} : memref<32x768xf32, #tpu.memory_space<vmem>>, vector<16xf32>,
        tpu.vector_store %arg9[%swap3A_604, %swap3A_605], %mul3A_603 {strides = array<i32>} : memref<32x768xf32, #tpu.memory_space<vmem>>, vector<16xf32>,
        %get3A_607 = arith.index_cast %scan3A_187 : i32 to index
        %get3A_608 = arith.constant 128 : index
        %get3A_609 = tpu.vector_load %arg9[%get3A_607, %get3A_608] {strides = array<i32>} : memref<32x768xf32, #tpu.memory_space<vmem>>, vector<16xf32>,
        %get3A_610 = arith.constant 128 : index
        %get3A_611 = tpu.vector_load %arg7[%get3A_610] {strides = array<i32>} : memref<768xf32, #tpu.memory_space<vmem>>, vector<16xf32>,
        %mul3A_612 = arith.mulf %get3A_609, %mul3A_518 : vector<16xf32>
        %sub3A_613 = arith.subf %mul3A_612, %mul3A_519 : vector<16xf32>
        %mul3A_614 = arith.mulf %sub3A_613, %get3A_611 : vector<16xf32>
        %swap3A_615 = arith.index_cast %scan3A_187 : i32 to index
        %swap3A_616 = arith.constant 128 : index
        %swap3A_617 = tpu.vector_load %arg9[%swap3A_615, %swap3A_616] {strides = array<i32>} : memref<32x768xf32, #tpu.memory_space<vmem>>, vector<16xf32>,
        tpu.vector_store %arg9[%swap3A_615, %swap3A_616], %mul3A_614 {strides = array<i32>} : memref<32x768xf32, #tpu.memory_space<vmem>>, vector<16xf32>,
        %get3A_618 = arith.index_cast %scan3A_187 : i32 to index
        %get3A_619 = arith.constant 144 : index
        %get3A_620 = tpu.vector_load %arg9[%get3A_618, %get3A_619] {strides = array<i32>} : memref<32x768xf32, #tpu.memory_space<vmem>>, vector<16xf32>,
        %get3A_621 = arith.constant 144 : index
        %get3A_622 = tpu.vector_load %arg7[%get3A_621] {strides = array<i32>} : memref<768xf32, #tpu.memory_space<vmem>>, vector<16xf32>,
        %mul3A_623 = arith.mulf %get3A_620, %mul3A_518 : vector<16xf32>
        %sub3A_624 = arith.subf %mul3A_623, %mul3A_519 : vector<16xf32>
        %mul3A_625 = arith.mulf %sub3A_624, %get3A_622 : vector<16xf32>
        %swap3A_626 = arith.index_cast %scan3A_187 : i32 to index
        %swap3A_627 = arith.constant 144 : index
        %swap3A_628 = tpu.vector_load %arg9[%swap3A_626, %swap3A_627] {strides = array<i32>} : memref<32x768xf32, #tpu.memory_space<vmem>>, vector<16xf32>,
        tpu.vector_store %arg9[%swap3A_626, %swap3A_627], %mul3A_625 {strides = array<i32>} : memref<32x768xf32, #tpu.memory_space<vmem>>, vector<16xf32>,
        %get3A_629 = arith.index_cast %scan3A_187 : i32 to index
        %get3A_630 = arith.constant 160 : index
        %get3A_631 = tpu.vector_load %arg9[%get3A_629, %get3A_630] {strides = array<i32>} : memref<32x768xf32, #tpu.memory_space<vmem>>, vector<16xf32>,
        %get3A_632 = arith.constant 160 : index
        %get3A_633 = tpu.vector_load %arg7[%get3A_632] {strides = array<i32>} : memref<768xf32, #tpu.memory_space<vmem>>, vector<16xf32>,
        %mul3A_634 = arith.mulf %get3A_631, %mul3A_518 : vector<16xf32>
        %sub3A_635 = arith.subf %mul3A_634, %mul3A_519 : vector<16xf32>
        %mul3A_636 = arith.mulf %sub3A_635, %get3A_633 : vector<16xf32>
        %swap3A_637 = arith.index_cast %scan3A_187 : i32 to index
        %swap3A_638 = arith.constant 160 : index
        %swap3A_639 = tpu.vector_load %arg9[%swap3A_637, %swap3A_638] {strides = array<i32>} : memref<32x768xf32, #tpu.memory_space<vmem>>, vector<16xf32>,
        tpu.vector_store %arg9[%swap3A_637, %swap3A_638], %mul3A_636 {strides = array<i32>} : memref<32x768xf32, #tpu.memory_space<vmem>>, vector<16xf32>,
        %get3A_640 = arith.index_cast %scan3A_187 : i32 to index
        %get3A_641 = arith.constant 176 : index
        %get3A_642 = tpu.vector_load %arg9[%get3A_640, %get3A_641] {strides = array<i32>} : memref<32x768xf32, #tpu.memory_space<vmem>>, vector<16xf32>,
        %get3A_643 = arith.constant 176 : index
        %get3A_644 = tpu.vector_load %arg7[%get3A_643] {strides = array<i32>} : memref<768xf32, #tpu.memory_space<vmem>>, vector<16xf32>,
        %mul3A_645 = arith.mulf %get3A_642, %mul3A_518 : vector<16xf32>
        %sub3A_646 = arith.subf %mul3A_645, %mul3A_519 : vector<16xf32>
        %mul3A_647 = arith.mulf %sub3A_646, %get3A_644 : vector<16xf32>
        %swap3A_648 = arith.index_cast %scan3A_187 : i32 to index
        %swap3A_649 = arith.constant 176 : index
        %swap3A_650 = tpu.vector_load %arg9[%swap3A_648, %swap3A_649] {strides = array<i32>} : memref<32x768xf32, #tpu.memory_space<vmem>>, vector<16xf32>,
        tpu.vector_store %arg9[%swap3A_648, %swap3A_649], %mul3A_647 {strides = array<i32>} : memref<32x768xf32, #tpu.memory_space<vmem>>, vector<16xf32>,
        %get3A_651 = arith.index_cast %scan3A_187 : i32 to index
        %get3A_652 = arith.constant 192 : index
        %get3A_653 = tpu.vector_load %arg9[%get3A_651, %get3A_652] {strides = array<i32>} : memref<32x768xf32, #tpu.memory_space<vmem>>, vector<16xf32>,
        %get3A_654 = arith.constant 192 : index
        %get3A_655 = tpu.vector_load %arg7[%get3A_654] {strides = array<i32>} : memref<768xf32, #tpu.memory_space<vmem>>, vector<16xf32>,
        %mul3A_656 = arith.mulf %get3A_653, %mul3A_518 : vector<16xf32>
        %sub3A_657 = arith.subf %mul3A_656, %mul3A_519 : vector<16xf32>
        %mul3A_658 = arith.mulf %sub3A_657, %get3A_655 : vector<16xf32>
        %swap3A_659 = arith.index_cast %scan3A_187 : i32 to index
        %swap3A_660 = arith.constant 192 : index
        %swap3A_661 = tpu.vector_load %arg9[%swap3A_659, %swap3A_660] {strides = array<i32>} : memref<32x768xf32, #tpu.memory_space<vmem>>, vector<16xf32>,
        tpu.vector_store %arg9[%swap3A_659, %swap3A_660], %mul3A_658 {strides = array<i32>} : memref<32x768xf32, #tpu.memory_space<vmem>>, vector<16xf32>,
        %get3A_662 = arith.index_cast %scan3A_187 : i32 to index
        %get3A_663 = arith.constant 208 : index
        %get3A_664 = tpu.vector_load %arg9[%get3A_662, %get3A_663] {strides = array<i32>} : memref<32x768xf32, #tpu.memory_space<vmem>>, vector<16xf32>,
        %get3A_665 = arith.constant 208 : index
        %get3A_666 = tpu.vector_load %arg7[%get3A_665] {strides = array<i32>} : memref<768xf32, #tpu.memory_space<vmem>>, vector<16xf32>,
        %mul3A_667 = arith.mulf %get3A_664, %mul3A_518 : vector<16xf32>
        %sub3A_668 = arith.subf %mul3A_667, %mul3A_519 : vector<16xf32>
        %mul3A_669 = arith.mulf %sub3A_668, %get3A_666 : vector<16xf32>
        %swap3A_670 = arith.index_cast %scan3A_187 : i32 to index
        %swap3A_671 = arith.constant 208 : index
        %swap3A_672 = tpu.vector_load %arg9[%swap3A_670, %swap3A_671] {strides = array<i32>} : memref<32x768xf32, #tpu.memory_space<vmem>>, vector<16xf32>,
        tpu.vector_store %arg9[%swap3A_670, %swap3A_671], %mul3A_669 {strides = array<i32>} : memref<32x768xf32, #tpu.memory_space<vmem>>, vector<16xf32>,
        %get3A_673 = arith.index_cast %scan3A_187 : i32 to index
        %get3A_674 = arith.constant 224 : index
        %get3A_675 = tpu.vector_load %arg9[%get3A_673, %get3A_674] {strides = array<i32>} : memref<32x768xf32, #tpu.memory_space<vmem>>, vector<16xf32>,
        %get3A_676 = arith.constant 224 : index
        %get3A_677 = tpu.vector_load %arg7[%get3A_676] {strides = array<i32>} : memref<768xf32, #tpu.memory_space<vmem>>, vector<16xf32>,
        %mul3A_678 = arith.mulf %get3A_675, %mul3A_518 : vector<16xf32>
        %sub3A_679 = arith.subf %mul3A_678, %mul3A_519 : vector<16xf32>
        %mul3A_680 = arith.mulf %sub3A_679, %get3A_677 : vector<16xf32>
        %swap3A_681 = arith.index_cast %scan3A_187 : i32 to index
        %swap3A_682 = arith.constant 224 : index
        %swap3A_683 = tpu.vector_load %arg9[%swap3A_681, %swap3A_682] {strides = array<i32>} : memref<32x768xf32, #tpu.memory_space<vmem>>, vector<16xf32>,
        tpu.vector_store %arg9[%swap3A_681, %swap3A_682], %mul3A_680 {strides = array<i32>} : memref<32x768xf32, #tpu.memory_space<vmem>>, vector<16xf32>,
        %get3A_684 = arith.index_cast %scan3A_187 : i32 to index
        %get3A_685 = arith.constant 240 : index
        %get3A_686 = tpu.vector_load %arg9[%get3A_684, %get3A_685] {strides = array<i32>} : memref<32x768xf32, #tpu.memory_space<vmem>>, vector<16xf32>,
        %get3A_687 = arith.constant 240 : index
        %get3A_688 = tpu.vector_load %arg7[%get3A_687] {strides = array<i32>} : memref<768xf32, #tpu.memory_space<vmem>>, vector<16xf32>,
        %mul3A_689 = arith.mulf %get3A_686, %mul3A_518 : vector<16xf32>
        %sub3A_690 = arith.subf %mul3A_689, %mul3A_519 : vector<16xf32>
        %mul3A_691 = arith.mulf %sub3A_690, %get3A_688 : vector<16xf32>
        %swap3A_692 = arith.index_cast %scan3A_187 : i32 to index
        %swap3A_693 = arith.constant 240 : index
        %swap3A_694 = tpu.vector_load %arg9[%swap3A_692, %swap3A_693] {strides = array<i32>} : memref<32x768xf32, #tpu.memory_space<vmem>>, vector<16xf32>,
        tpu.vector_store %arg9[%swap3A_692, %swap3A_693], %mul3A_691 {strides = array<i32>} : memref<32x768xf32, #tpu.memory_space<vmem>>, vector<16xf32>,
        %get3A_695 = arith.index_cast %scan3A_187 : i32 to index
        %get3A_696 = arith.constant 256 : index
        %get3A_697 = tpu.vector_load %arg9[%get3A_695, %get3A_696] {strides = array<i32>} : memref<32x768xf32, #tpu.memory_space<vmem>>, vector<16xf32>,
        %get3A_698 = arith.constant 256 : index
        %get3A_699 = tpu.vector_load %arg7[%get3A_698] {strides = array<i32>} : memref<768xf32, #tpu.memory_space<vmem>>, vector<16xf32>,
        %mul3A_700 = arith.mulf %get3A_697, %mul3A_518 : vector<16xf32>
        %sub3A_701 = arith.subf %mul3A_700, %mul3A_519 : vector<16xf32>
        %mul3A_702 = arith.mulf %sub3A_701, %get3A_699 : vector<16xf32>
        %swap3A_703 = arith.index_cast %scan3A_187 : i32 to index
        %swap3A_704 = arith.constant 256 : index
        %swap3A_705 = tpu.vector_load %arg9[%swap3A_703, %swap3A_704] {strides = array<i32>} : memref<32x768xf32, #tpu.memory_space<vmem>>, vector<16xf32>,
        tpu.vector_store %arg9[%swap3A_703, %swap3A_704], %mul3A_702 {strides = array<i32>} : memref<32x768xf32, #tpu.memory_space<vmem>>, vector<16xf32>,
        %get3A_706 = arith.index_cast %scan3A_187 : i32 to index
        %get3A_707 = arith.constant 272 : index
        %get3A_708 = tpu.vector_load %arg9[%get3A_706, %get3A_707] {strides = array<i32>} : memref<32x768xf32, #tpu.memory_space<vmem>>, vector<16xf32>,
        %get3A_709 = arith.constant 272 : index
        %get3A_710 = tpu.vector_load %arg7[%get3A_709] {strides = array<i32>} : memref<768xf32, #tpu.memory_space<vmem>>, vector<16xf32>,
        %mul3A_711 = arith.mulf %get3A_708, %mul3A_518 : vector<16xf32>
        %sub3A_712 = arith.subf %mul3A_711, %mul3A_519 : vector<16xf32>
        %mul3A_713 = arith.mulf %sub3A_712, %get3A_710 : vector<16xf32>
        %swap3A_714 = arith.index_cast %scan3A_187 : i32 to index
        %swap3A_715 = arith.constant 272 : index
        %swap3A_716 = tpu.vector_load %arg9[%swap3A_714, %swap3A_715] {strides = array<i32>} : memref<32x768xf32, #tpu.memory_space<vmem>>, vector<16xf32>,
        tpu.vector_store %arg9[%swap3A_714, %swap3A_715], %mul3A_713 {strides = array<i32>} : memref<32x768xf32, #tpu.memory_space<vmem>>, vector<16xf32>,
        %get3A_717 = arith.index_cast %scan3A_187 : i32 to index
        %get3A_718 = arith.constant 288 : index
        %get3A_719 = tpu.vector_load %arg9[%get3A_717, %get3A_718] {strides = array<i32>} : memref<32x768xf32, #tpu.memory_space<vmem>>, vector<16xf32>,
        %get3A_720 = arith.constant 288 : index
        %get3A_721 = tpu.vector_load %arg7[%get3A_720] {strides = array<i32>} : memref<768xf32, #tpu.memory_space<vmem>>, vector<16xf32>,
        %mul3A_722 = arith.mulf %get3A_719, %mul3A_518 : vector<16xf32>
        %sub3A_723 = arith.subf %mul3A_722, %mul3A_519 : vector<16xf32>
        %mul3A_724 = arith.mulf %sub3A_723, %get3A_721 : vector<16xf32>
        %swap3A_725 = arith.index_cast %scan3A_187 : i32 to index
        %swap3A_726 = arith.constant 288 : index
        %swap3A_727 = tpu.vector_load %arg9[%swap3A_725, %swap3A_726] {strides = array<i32>} : memref<32x768xf32, #tpu.memory_space<vmem>>, vector<16xf32>,
        tpu.vector_store %arg9[%swap3A_725, %swap3A_726], %mul3A_724 {strides = array<i32>} : memref<32x768xf32, #tpu.memory_space<vmem>>, vector<16xf32>,
        %get3A_728 = arith.index_cast %scan3A_187 : i32 to index
        %get3A_729 = arith.constant 304 : index
        %get3A_730 = tpu.vector_load %arg9[%get3A_728, %get3A_729] {strides = array<i32>} : memref<32x768xf32, #tpu.memory_space<vmem>>, vector<16xf32>,
        %get3A_731 = arith.constant 304 : index
        %get3A_732 = tpu.vector_load %arg7[%get3A_731] {strides = array<i32>} : memref<768xf32, #tpu.memory_space<vmem>>, vector<16xf32>,
        %mul3A_733 = arith.mulf %get3A_730, %mul3A_518 : vector<16xf32>
        %sub3A_734 = arith.subf %mul3A_733, %mul3A_519 : vector<16xf32>
        %mul3A_735 = arith.mulf %sub3A_734, %get3A_732 : vector<16xf32>
        %swap3A_736 = arith.index_cast %scan3A_187 : i32 to index
        %swap3A_737 = arith.constant 304 : index
        %swap3A_738 = tpu.vector_load %arg9[%swap3A_736, %swap3A_737] {strides = array<i32>} : memref<32x768xf32, #tpu.memory_space<vmem>>, vector<16xf32>,
        tpu.vector_store %arg9[%swap3A_736, %swap3A_737], %mul3A_735 {strides = array<i32>} : memref<32x768xf32, #tpu.memory_space<vmem>>, vector<16xf32>,
        %get3A_739 = arith.index_cast %scan3A_187 : i32 to index
        %get3A_740 = arith.constant 320 : index
        %get3A_741 = tpu.vector_load %arg9[%get3A_739, %get3A_740] {strides = array<i32>} : memref<32x768xf32, #tpu.memory_space<vmem>>, vector<16xf32>,
        %get3A_742 = arith.constant 320 : index
        %get3A_743 = tpu.vector_load %arg7[%get3A_742] {strides = array<i32>} : memref<768xf32, #tpu.memory_space<vmem>>, vector<16xf32>,
        %mul3A_744 = arith.mulf %get3A_741, %mul3A_518 : vector<16xf32>
        %sub3A_745 = arith.subf %mul3A_744, %mul3A_519 : vector<16xf32>
        %mul3A_746 = arith.mulf %sub3A_745, %get3A_743 : vector<16xf32>
        %swap3A_747 = arith.index_cast %scan3A_187 : i32 to index
        %swap3A_748 = arith.constant 320 : index
        %swap3A_749 = tpu.vector_load %arg9[%swap3A_747, %swap3A_748] {strides = array<i32>} : memref<32x768xf32, #tpu.memory_space<vmem>>, vector<16xf32>,
        tpu.vector_store %arg9[%swap3A_747, %swap3A_748], %mul3A_746 {strides = array<i32>} : memref<32x768xf32, #tpu.memory_space<vmem>>, vector<16xf32>,
        %get3A_750 = arith.index_cast %scan3A_187 : i32 to index
        %get3A_751 = arith.constant 336 : index
        %get3A_752 = tpu.vector_load %arg9[%get3A_750, %get3A_751] {strides = array<i32>} : memref<32x768xf32, #tpu.memory_space<vmem>>, vector<16xf32>,
        %get3A_753 = arith.constant 336 : index
        %get3A_754 = tpu.vector_load %arg7[%get3A_753] {strides = array<i32>} : memref<768xf32, #tpu.memory_space<vmem>>, vector<16xf32>,
        %mul3A_755 = arith.mulf %get3A_752, %mul3A_518 : vector<16xf32>
        %sub3A_756 = arith.subf %mul3A_755, %mul3A_519 : vector<16xf32>
        %mul3A_757 = arith.mulf %sub3A_756, %get3A_754 : vector<16xf32>
        %swap3A_758 = arith.index_cast %scan3A_187 : i32 to index
        %swap3A_759 = arith.constant 336 : index
        %swap3A_760 = tpu.vector_load %arg9[%swap3A_758, %swap3A_759] {strides = array<i32>} : memref<32x768xf32, #tpu.memory_space<vmem>>, vector<16xf32>,
        tpu.vector_store %arg9[%swap3A_758, %swap3A_759], %mul3A_757 {strides = array<i32>} : memref<32x768xf32, #tpu.memory_space<vmem>>, vector<16xf32>,
        %get3A_761 = arith.index_cast %scan3A_187 : i32 to index
        %get3A_762 = arith.constant 352 : index
        %get3A_763 = tpu.vector_load %arg9[%get3A_761, %get3A_762] {strides = array<i32>} : memref<32x768xf32, #tpu.memory_space<vmem>>, vector<16xf32>,
        %get3A_764 = arith.constant 352 : index
        %get3A_765 = tpu.vector_load %arg7[%get3A_764] {strides = array<i32>} : memref<768xf32, #tpu.memory_space<vmem>>, vector<16xf32>,
        %mul3A_766 = arith.mulf %get3A_763, %mul3A_518 : vector<16xf32>
        %sub3A_767 = arith.subf %mul3A_766, %mul3A_519 : vector<16xf32>
        %mul3A_768 = arith.mulf %sub3A_767, %get3A_765 : vector<16xf32>
        %swap3A_769 = arith.index_cast %scan3A_187 : i32 to index
        %swap3A_770 = arith.constant 352 : index
        %swap3A_771 = tpu.vector_load %arg9[%swap3A_769, %swap3A_770] {strides = array<i32>} : memref<32x768xf32, #tpu.memory_space<vmem>>, vector<16xf32>,
        tpu.vector_store %arg9[%swap3A_769, %swap3A_770], %mul3A_768 {strides = array<i32>} : memref<32x768xf32, #tpu.memory_space<vmem>>, vector<16xf32>,
        %get3A_772 = arith.index_cast %scan3A_187 : i32 to index
        %get3A_773 = arith.constant 368 : index
        %get3A_774 = tpu.vector_load %arg9[%get3A_772, %get3A_773] {strides = array<i32>} : memref<32x768xf32, #tpu.memory_space<vmem>>, vector<16xf32>,
        %get3A_775 = arith.constant 368 : index
        %get3A_776 = tpu.vector_load %arg7[%get3A_775] {strides = array<i32>} : memref<768xf32, #tpu.memory_space<vmem>>, vector<16xf32>,
        %mul3A_777 = arith.mulf %get3A_774, %mul3A_518 : vector<16xf32>
        %sub3A_778 = arith.subf %mul3A_777, %mul3A_519 : vector<16xf32>
        %mul3A_779 = arith.mulf %sub3A_778, %get3A_776 : vector<16xf32>
        %swap3A_780 = arith.index_cast %scan3A_187 : i32 to index
        %swap3A_781 = arith.constant 368 : index
        %swap3A_782 = tpu.vector_load %arg9[%swap3A_780, %swap3A_781] {strides = array<i32>} : memref<32x768xf32, #tpu.memory_space<vmem>>, vector<16xf32>,
        tpu.vector_store %arg9[%swap3A_780, %swap3A_781], %mul3A_779 {strides = array<i32>} : memref<32x768xf32, #tpu.memory_space<vmem>>, vector<16xf32>,
        %get3A_783 = arith.index_cast %scan3A_187 : i32 to index
        %get3A_784 = arith.constant 384 : index
        %get3A_785 = tpu.vector_load %arg9[%get3A_783, %get3A_784] {strides = array<i32>} : memref<32x768xf32, #tpu.memory_space<vmem>>, vector<16xf32>,
        %get3A_786 = arith.constant 384 : index
        %get3A_787 = tpu.vector_load %arg7[%get3A_786] {strides = array<i32>} : memref<768xf32, #tpu.memory_space<vmem>>, vector<16xf32>,
        %mul3A_788 = arith.mulf %get3A_785, %mul3A_518 : vector<16xf32>
        %sub3A_789 = arith.subf %mul3A_788, %mul3A_519 : vector<16xf32>
        %mul3A_790 = arith.mulf %sub3A_789, %get3A_787 : vector<16xf32>
        %swap3A_791 = arith.index_cast %scan3A_187 : i32 to index
        %swap3A_792 = arith.constant 384 : index
        %swap3A_793 = tpu.vector_load %arg9[%swap3A_791, %swap3A_792] {strides = array<i32>} : memref<32x768xf32, #tpu.memory_space<vmem>>, vector<16xf32>,
        tpu.vector_store %arg9[%swap3A_791, %swap3A_792], %mul3A_790 {strides = array<i32>} : memref<32x768xf32, #tpu.memory_space<vmem>>, vector<16xf32>,
        %get3A_794 = arith.index_cast %scan3A_187 : i32 to index
        %get3A_795 = arith.constant 400 : index
        %get3A_796 = tpu.vector_load %arg9[%get3A_794, %get3A_795] {strides = array<i32>} : memref<32x768xf32, #tpu.memory_space<vmem>>, vector<16xf32>,
        %get3A_797 = arith.constant 400 : index
        %get3A_798 = tpu.vector_load %arg7[%get3A_797] {strides = array<i32>} : memref<768xf32, #tpu.memory_space<vmem>>, vector<16xf32>,
        %mul3A_799 = arith.mulf %get3A_796, %mul3A_518 : vector<16xf32>
        %sub3A_800 = arith.subf %mul3A_799, %mul3A_519 : vector<16xf32>
        %mul3A_801 = arith.mulf %sub3A_800, %get3A_798 : vector<16xf32>
        %swap3A_802 = arith.index_cast %scan3A_187 : i32 to index
        %swap3A_803 = arith.constant 400 : index
        %swap3A_804 = tpu.vector_load %arg9[%swap3A_802, %swap3A_803] {strides = array<i32>} : memref<32x768xf32, #tpu.memory_space<vmem>>, vector<16xf32>,
        tpu.vector_store %arg9[%swap3A_802, %swap3A_803], %mul3A_801 {strides = array<i32>} : memref<32x768xf32, #tpu.memory_space<vmem>>, vector<16xf32>,
        %get3A_805 = arith.index_cast %scan3A_187 : i32 to index
        %get3A_806 = arith.constant 416 : index
        %get3A_807 = tpu.vector_load %arg9[%get3A_805, %get3A_806] {strides = array<i32>} : memref<32x768xf32, #tpu.memory_space<vmem>>, vector<16xf32>,
        %get3A_808 = arith.constant 416 : index
        %get3A_809 = tpu.vector_load %arg7[%get3A_808] {strides = array<i32>} : memref<768xf32, #tpu.memory_space<vmem>>, vector<16xf32>,
        %mul3A_810 = arith.mulf %get3A_807, %mul3A_518 : vector<16xf32>
        %sub3A_811 = arith.subf %mul3A_810, %mul3A_519 : vector<16xf32>
        %mul3A_812 = arith.mulf %sub3A_811, %get3A_809 : vector<16xf32>
        %swap3A_813 = arith.index_cast %scan3A_187 : i32 to index
        %swap3A_814 = arith.constant 416 : index
        %swap3A_815 = tpu.vector_load %arg9[%swap3A_813, %swap3A_814] {strides = array<i32>} : memref<32x768xf32, #tpu.memory_space<vmem>>, vector<16xf32>,
        tpu.vector_store %arg9[%swap3A_813, %swap3A_814], %mul3A_812 {strides = array<i32>} : memref<32x768xf32, #tpu.memory_space<vmem>>, vector<16xf32>,
        %get3A_816 = arith.index_cast %scan3A_187 : i32 to index
        %get3A_817 = arith.constant 432 : index
        %get3A_818 = tpu.vector_load %arg9[%get3A_816, %get3A_817] {strides = array<i32>} : memref<32x768xf32, #tpu.memory_space<vmem>>, vector<16xf32>,
        %get3A_819 = arith.constant 432 : index
        %get3A_820 = tpu.vector_load %arg7[%get3A_819] {strides = array<i32>} : memref<768xf32, #tpu.memory_space<vmem>>, vector<16xf32>,
        %mul3A_821 = arith.mulf %get3A_818, %mul3A_518 : vector<16xf32>
        %sub3A_822 = arith.subf %mul3A_821, %mul3A_519 : vector<16xf32>
        %mul3A_823 = arith.mulf %sub3A_822, %get3A_820 : vector<16xf32>
        %swap3A_824 = arith.index_cast %scan3A_187 : i32 to index
        %swap3A_825 = arith.constant 432 : index
        %swap3A_826 = tpu.vector_load %arg9[%swap3A_824, %swap3A_825] {strides = array<i32>} : memref<32x768xf32, #tpu.memory_space<vmem>>, vector<16xf32>,
        tpu.vector_store %arg9[%swap3A_824, %swap3A_825], %mul3A_823 {strides = array<i32>} : memref<32x768xf32, #tpu.memory_space<vmem>>, vector<16xf32>,
        %get3A_827 = arith.index_cast %scan3A_187 : i32 to index
        %get3A_828 = arith.constant 448 : index
        %get3A_829 = tpu.vector_load %arg9[%get3A_827, %get3A_828] {strides = array<i32>} : memref<32x768xf32, #tpu.memory_space<vmem>>, vector<16xf32>,
        %get3A_830 = arith.constant 448 : index
        %get3A_831 = tpu.vector_load %arg7[%get3A_830] {strides = array<i32>} : memref<768xf32, #tpu.memory_space<vmem>>, vector<16xf32>,
        %mul3A_832 = arith.mulf %get3A_829, %mul3A_518 : vector<16xf32>
        %sub3A_833 = arith.subf %mul3A_832, %mul3A_519 : vector<16xf32>
        %mul3A_834 = arith.mulf %sub3A_833, %get3A_831 : vector<16xf32>
        %swap3A_835 = arith.index_cast %scan3A_187 : i32 to index
        %swap3A_836 = arith.constant 448 : index
        %swap3A_837 = tpu.vector_load %arg9[%swap3A_835, %swap3A_836] {strides = array<i32>} : memref<32x768xf32, #tpu.memory_space<vmem>>, vector<16xf32>,
        tpu.vector_store %arg9[%swap3A_835, %swap3A_836], %mul3A_834 {strides = array<i32>} : memref<32x768xf32, #tpu.memory_space<vmem>>, vector<16xf32>,
        %get3A_838 = arith.index_cast %scan3A_187 : i32 to index
        %get3A_839 = arith.constant 464 : index
        %get3A_840 = tpu.vector_load %arg9[%get3A_838, %get3A_839] {strides = array<i32>} : memref<32x768xf32, #tpu.memory_space<vmem>>, vector<16xf32>,
        %get3A_841 = arith.constant 464 : index
        %get3A_842 = tpu.vector_load %arg7[%get3A_841] {strides = array<i32>} : memref<768xf32, #tpu.memory_space<vmem>>, vector<16xf32>,
        %mul3A_843 = arith.mulf %get3A_840, %mul3A_518 : vector<16xf32>
        %sub3A_844 = arith.subf %mul3A_843, %mul3A_519 : vector<16xf32>
        %mul3A_845 = arith.mulf %sub3A_844, %get3A_842 : vector<16xf32>
        %swap3A_846 = arith.index_cast %scan3A_187 : i32 to index
        %swap3A_847 = arith.constant 464 : index
        %swap3A_848 = tpu.vector_load %arg9[%swap3A_846, %swap3A_847] {strides = array<i32>} : memref<32x768xf32, #tpu.memory_space<vmem>>, vector<16xf32>,
        tpu.vector_store %arg9[%swap3A_846, %swap3A_847], %mul3A_845 {strides = array<i32>} : memref<32x768xf32, #tpu.memory_space<vmem>>, vector<16xf32>,
        %get3A_849 = arith.index_cast %scan3A_187 : i32 to index
        %get3A_850 = arith.constant 480 : index
        %get3A_851 = tpu.vector_load %arg9[%get3A_849, %get3A_850] {strides = array<i32>} : memref<32x768xf32, #tpu.memory_space<vmem>>, vector<16xf32>,
        %get3A_852 = arith.constant 480 : index
        %get3A_853 = tpu.vector_load %arg7[%get3A_852] {strides = array<i32>} : memref<768xf32, #tpu.memory_space<vmem>>, vector<16xf32>,
        %mul3A_854 = arith.mulf %get3A_851, %mul3A_518 : vector<16xf32>
        %sub3A_855 = arith.subf %mul3A_854, %mul3A_519 : vector<16xf32>
        %mul3A_856 = arith.mulf %sub3A_855, %get3A_853 : vector<16xf32>
        %swap3A_857 = arith.index_cast %scan3A_187 : i32 to index
        %swap3A_858 = arith.constant 480 : index
        %swap3A_859 = tpu.vector_load %arg9[%swap3A_857, %swap3A_858] {strides = array<i32>} : memref<32x768xf32, #tpu.memory_space<vmem>>, vector<16xf32>,
        tpu.vector_store %arg9[%swap3A_857, %swap3A_858], %mul3A_856 {strides = array<i32>} : memref<32x768xf32, #tpu.memory_space<vmem>>, vector<16xf32>,
        %get3A_860 = arith.index_cast %scan3A_187 : i32 to index
        %get3A_861 = arith.constant 496 : index
        %get3A_862 = tpu.vector_load %arg9[%get3A_860, %get3A_861] {strides = array<i32>} : memref<32x768xf32, #tpu.memory_space<vmem>>, vector<16xf32>,
        %get3A_863 = arith.constant 496 : index
        %get3A_864 = tpu.vector_load %arg7[%get3A_863] {strides = array<i32>} : memref<768xf32, #tpu.memory_space<vmem>>, vector<16xf32>,
        %mul3A_865 = arith.mulf %get3A_862, %mul3A_518 : vector<16xf32>
        %sub3A_866 = arith.subf %mul3A_865, %mul3A_519 : vector<16xf32>
        %mul3A_867 = arith.mulf %sub3A_866, %get3A_864 : vector<16xf32>
        %swap3A_868 = arith.index_cast %scan3A_187 : i32 to index
        %swap3A_869 = arith.constant 496 : index
        %swap3A_870 = tpu.vector_load %arg9[%swap3A_868, %swap3A_869] {strides = array<i32>} : memref<32x768xf32, #tpu.memory_space<vmem>>, vector<16xf32>,
        tpu.vector_store %arg9[%swap3A_868, %swap3A_869], %mul3A_867 {strides = array<i32>} : memref<32x768xf32, #tpu.memory_space<vmem>>, vector<16xf32>,
        %get3A_871 = arith.index_cast %scan3A_187 : i32 to index
        %get3A_872 = arith.constant 512 : index
        %get3A_873 = tpu.vector_load %arg9[%get3A_871, %get3A_872] {strides = array<i32>} : memref<32x768xf32, #tpu.memory_space<vmem>>, vector<16xf32>,
        %get3A_874 = arith.constant 512 : index
        %get3A_875 = tpu.vector_load %arg7[%get3A_874] {strides = array<i32>} : memref<768xf32, #tpu.memory_space<vmem>>, vector<16xf32>,
        %mul3A_876 = arith.mulf %get3A_873, %mul3A_518 : vector<16xf32>
        %sub3A_877 = arith.subf %mul3A_876, %mul3A_519 : vector<16xf32>
        %mul3A_878 = arith.mulf %sub3A_877, %get3A_875 : vector<16xf32>
        %swap3A_879 = arith.index_cast %scan3A_187 : i32 to index
        %swap3A_880 = arith.constant 512 : index
        %swap3A_881 = tpu.vector_load %arg9[%swap3A_879, %swap3A_880] {strides = array<i32>} : memref<32x768xf32, #tpu.memory_space<vmem>>, vector<16xf32>,
        tpu.vector_store %arg9[%swap3A_879, %swap3A_880], %mul3A_878 {strides = array<i32>} : memref<32x768xf32, #tpu.memory_space<vmem>>, vector<16xf32>,
        %get3A_882 = arith.index_cast %scan3A_187 : i32 to index
        %get3A_883 = arith.constant 528 : index
        %get3A_884 = tpu.vector_load %arg9[%get3A_882, %get3A_883] {strides = array<i32>} : memref<32x768xf32, #tpu.memory_space<vmem>>, vector<16xf32>,
        %get3A_885 = arith.constant 528 : index
        %get3A_886 = tpu.vector_load %arg7[%get3A_885] {strides = array<i32>} : memref<768xf32, #tpu.memory_space<vmem>>, vector<16xf32>,
        %mul3A_887 = arith.mulf %get3A_884, %mul3A_518 : vector<16xf32>
        %sub3A_888 = arith.subf %mul3A_887, %mul3A_519 : vector<16xf32>
        %mul3A_889 = arith.mulf %sub3A_888, %get3A_886 : vector<16xf32>
        %swap3A_890 = arith.index_cast %scan3A_187 : i32 to index
        %swap3A_891 = arith.constant 528 : index
        %swap3A_892 = tpu.vector_load %arg9[%swap3A_890, %swap3A_891] {strides = array<i32>} : memref<32x768xf32, #tpu.memory_space<vmem>>, vector<16xf32>,
        tpu.vector_store %arg9[%swap3A_890, %swap3A_891], %mul3A_889 {strides = array<i32>} : memref<32x768xf32, #tpu.memory_space<vmem>>, vector<16xf32>,
        %get3A_893 = arith.index_cast %scan3A_187 : i32 to index
        %get3A_894 = arith.constant 544 : index
        %get3A_895 = tpu.vector_load %arg9[%get3A_893, %get3A_894] {strides = array<i32>} : memref<32x768xf32, #tpu.memory_space<vmem>>, vector<16xf32>,
        %get3A_896 = arith.constant 544 : index
        %get3A_897 = tpu.vector_load %arg7[%get3A_896] {strides = array<i32>} : memref<768xf32, #tpu.memory_space<vmem>>, vector<16xf32>,
        %mul3A_898 = arith.mulf %get3A_895, %mul3A_518 : vector<16xf32>
        %sub3A_899 = arith.subf %mul3A_898, %mul3A_519 : vector<16xf32>
        %mul3A_900 = arith.mulf %sub3A_899, %get3A_897 : vector<16xf32>
        %swap3A_901 = arith.index_cast %scan3A_187 : i32 to index
        %swap3A_902 = arith.constant 544 : index
        %swap3A_903 = tpu.vector_load %arg9[%swap3A_901, %swap3A_902] {strides = array<i32>} : memref<32x768xf32, #tpu.memory_space<vmem>>, vector<16xf32>,
        tpu.vector_store %arg9[%swap3A_901, %swap3A_902], %mul3A_900 {strides = array<i32>} : memref<32x768xf32, #tpu.memory_space<vmem>>, vector<16xf32>,
        %get3A_904 = arith.index_cast %scan3A_187 : i32 to index
        %get3A_905 = arith.constant 560 : index
        %get3A_906 = tpu.vector_load %arg9[%get3A_904, %get3A_905] {strides = array<i32>} : memref<32x768xf32, #tpu.memory_space<vmem>>, vector<16xf32>,
        %get3A_907 = arith.constant 560 : index
        %get3A_908 = tpu.vector_load %arg7[%get3A_907] {strides = array<i32>} : memref<768xf32, #tpu.memory_space<vmem>>, vector<16xf32>,
        %mul3A_909 = arith.mulf %get3A_906, %mul3A_518 : vector<16xf32>
        %sub3A_910 = arith.subf %mul3A_909, %mul3A_519 : vector<16xf32>
        %mul3A_911 = arith.mulf %sub3A_910, %get3A_908 : vector<16xf32>
        %swap3A_912 = arith.index_cast %scan3A_187 : i32 to index
        %swap3A_913 = arith.constant 560 : index
        %swap3A_914 = tpu.vector_load %arg9[%swap3A_912, %swap3A_913] {strides = array<i32>} : memref<32x768xf32, #tpu.memory_space<vmem>>, vector<16xf32>,
        tpu.vector_store %arg9[%swap3A_912, %swap3A_913], %mul3A_911 {strides = array<i32>} : memref<32x768xf32, #tpu.memory_space<vmem>>, vector<16xf32>,
        %get3A_915 = arith.index_cast %scan3A_187 : i32 to index
        %get3A_916 = arith.constant 576 : index
        %get3A_917 = tpu.vector_load %arg9[%get3A_915, %get3A_916] {strides = array<i32>} : memref<32x768xf32, #tpu.memory_space<vmem>>, vector<16xf32>,
        %get3A_918 = arith.constant 576 : index
        %get3A_919 = tpu.vector_load %arg7[%get3A_918] {strides = array<i32>} : memref<768xf32, #tpu.memory_space<vmem>>, vector<16xf32>,
        %mul3A_920 = arith.mulf %get3A_917, %mul3A_518 : vector<16xf32>
        %sub3A_921 = arith.subf %mul3A_920, %mul3A_519 : vector<16xf32>
        %mul3A_922 = arith.mulf %sub3A_921, %get3A_919 : vector<16xf32>
        %swap3A_923 = arith.index_cast %scan3A_187 : i32 to index
        %swap3A_924 = arith.constant 576 : index
        %swap3A_925 = tpu.vector_load %arg9[%swap3A_923, %swap3A_924] {strides = array<i32>} : memref<32x768xf32, #tpu.memory_space<vmem>>, vector<16xf32>,
        tpu.vector_store %arg9[%swap3A_923, %swap3A_924], %mul3A_922 {strides = array<i32>} : memref<32x768xf32, #tpu.memory_space<vmem>>, vector<16xf32>,
        %get3A_926 = arith.index_cast %scan3A_187 : i32 to index
        %get3A_927 = arith.constant 592 : index
        %get3A_928 = tpu.vector_load %arg9[%get3A_926, %get3A_927] {strides = array<i32>} : memref<32x768xf32, #tpu.memory_space<vmem>>, vector<16xf32>,
        %get3A_929 = arith.constant 592 : index
        %get3A_930 = tpu.vector_load %arg7[%get3A_929] {strides = array<i32>} : memref<768xf32, #tpu.memory_space<vmem>>, vector<16xf32>,
        %mul3A_931 = arith.mulf %get3A_928, %mul3A_518 : vector<16xf32>
        %sub3A_932 = arith.subf %mul3A_931, %mul3A_519 : vector<16xf32>
        %mul3A_933 = arith.mulf %sub3A_932, %get3A_930 : vector<16xf32>
        %swap3A_934 = arith.index_cast %scan3A_187 : i32 to index
        %swap3A_935 = arith.constant 592 : index
        %swap3A_936 = tpu.vector_load %arg9[%swap3A_934, %swap3A_935] {strides = array<i32>} : memref<32x768xf32, #tpu.memory_space<vmem>>, vector<16xf32>,
        tpu.vector_store %arg9[%swap3A_934, %swap3A_935], %mul3A_933 {strides = array<i32>} : memref<32x768xf32, #tpu.memory_space<vmem>>, vector<16xf32>,
        %get3A_937 = arith.index_cast %scan3A_187 : i32 to index
        %get3A_938 = arith.constant 608 : index
        %get3A_939 = tpu.vector_load %arg9[%get3A_937, %get3A_938] {strides = array<i32>} : memref<32x768xf32, #tpu.memory_space<vmem>>, vector<16xf32>,
        %get3A_940 = arith.constant 608 : index
        %get3A_941 = tpu.vector_load %arg7[%get3A_940] {strides = array<i32>} : memref<768xf32, #tpu.memory_space<vmem>>, vector<16xf32>,
        %mul3A_942 = arith.mulf %get3A_939, %mul3A_518 : vector<16xf32>
        %sub3A_943 = arith.subf %mul3A_942, %mul3A_519 : vector<16xf32>
        %mul3A_944 = arith.mulf %sub3A_943, %get3A_941 : vector<16xf32>
        %swap3A_945 = arith.index_cast %scan3A_187 : i32 to index
        %swap3A_946 = arith.constant 608 : index
        %swap3A_947 = tpu.vector_load %arg9[%swap3A_945, %swap3A_946] {strides = array<i32>} : memref<32x768xf32, #tpu.memory_space<vmem>>, vector<16xf32>,
        tpu.vector_store %arg9[%swap3A_945, %swap3A_946], %mul3A_944 {strides = array<i32>} : memref<32x768xf32, #tpu.memory_space<vmem>>, vector<16xf32>,
        %get3A_948 = arith.index_cast %scan3A_187 : i32 to index
        %get3A_949 = arith.constant 624 : index
        %get3A_950 = tpu.vector_load %arg9[%get3A_948, %get3A_949] {strides = array<i32>} : memref<32x768xf32, #tpu.memory_space<vmem>>, vector<16xf32>,
        %get3A_951 = arith.constant 624 : index
        %get3A_952 = tpu.vector_load %arg7[%get3A_951] {strides = array<i32>} : memref<768xf32, #tpu.memory_space<vmem>>, vector<16xf32>,
        %mul3A_953 = arith.mulf %get3A_950, %mul3A_518 : vector<16xf32>
        %sub3A_954 = arith.subf %mul3A_953, %mul3A_519 : vector<16xf32>
        %mul3A_955 = arith.mulf %sub3A_954, %get3A_952 : vector<16xf32>
        %swap3A_956 = arith.index_cast %scan3A_187 : i32 to index
        %swap3A_957 = arith.constant 624 : index
        %swap3A_958 = tpu.vector_load %arg9[%swap3A_956, %swap3A_957] {strides = array<i32>} : memref<32x768xf32, #tpu.memory_space<vmem>>, vector<16xf32>,
        tpu.vector_store %arg9[%swap3A_956, %swap3A_957], %mul3A_955 {strides = array<i32>} : memref<32x768xf32, #tpu.memory_space<vmem>>, vector<16xf32>,
        %get3A_959 = arith.index_cast %scan3A_187 : i32 to index
        %get3A_960 = arith.constant 640 : index
        %get3A_961 = tpu.vector_load %arg9[%get3A_959, %get3A_960] {strides = array<i32>} : memref<32x768xf32, #tpu.memory_space<vmem>>, vector<16xf32>,
        %get3A_962 = arith.constant 640 : index
        %get3A_963 = tpu.vector_load %arg7[%get3A_962] {strides = array<i32>} : memref<768xf32, #tpu.memory_space<vmem>>, vector<16xf32>,
        %mul3A_964 = arith.mulf %get3A_961, %mul3A_518 : vector<16xf32>
        %sub3A_965 = arith.subf %mul3A_964, %mul3A_519 : vector<16xf32>
        %mul3A_966 = arith.mulf %sub3A_965, %get3A_963 : vector<16xf32>
        %swap3A_967 = arith.index_cast %scan3A_187 : i32 to index
        %swap3A_968 = arith.constant 640 : index
        %swap3A_969 = tpu.vector_load %arg9[%swap3A_967, %swap3A_968] {strides = array<i32>} : memref<32x768xf32, #tpu.memory_space<vmem>>, vector<16xf32>,
        tpu.vector_store %arg9[%swap3A_967, %swap3A_968], %mul3A_966 {strides = array<i32>} : memref<32x768xf32, #tpu.memory_space<vmem>>, vector<16xf32>,
        %get3A_970 = arith.index_cast %scan3A_187 : i32 to index
        %get3A_971 = arith.constant 656 : index
        %get3A_972 = tpu.vector_load %arg9[%get3A_970, %get3A_971] {strides = array<i32>} : memref<32x768xf32, #tpu.memory_space<vmem>>, vector<16xf32>,
        %get3A_973 = arith.constant 656 : index
        %get3A_974 = tpu.vector_load %arg7[%get3A_973] {strides = array<i32>} : memref<768xf32, #tpu.memory_space<vmem>>, vector<16xf32>,
        %mul3A_975 = arith.mulf %get3A_972, %mul3A_518 : vector<16xf32>
        %sub3A_976 = arith.subf %mul3A_975, %mul3A_519 : vector<16xf32>
        %mul3A_977 = arith.mulf %sub3A_976, %get3A_974 : vector<16xf32>
        %swap3A_978 = arith.index_cast %scan3A_187 : i32 to index
        %swap3A_979 = arith.constant 656 : index
        %swap3A_980 = tpu.vector_load %arg9[%swap3A_978, %swap3A_979] {strides = array<i32>} : memref<32x768xf32, #tpu.memory_space<vmem>>, vector<16xf32>,
        tpu.vector_store %arg9[%swap3A_978, %swap3A_979], %mul3A_977 {strides = array<i32>} : memref<32x768xf32, #tpu.memory_space<vmem>>, vector<16xf32>,
        %get3A_981 = arith.index_cast %scan3A_187 : i32 to index
        %get3A_982 = arith.constant 672 : index
        %get3A_983 = tpu.vector_load %arg9[%get3A_981, %get3A_982] {strides = array<i32>} : memref<32x768xf32, #tpu.memory_space<vmem>>, vector<16xf32>,
        %get3A_984 = arith.constant 672 : index
        %get3A_985 = tpu.vector_load %arg7[%get3A_984] {strides = array<i32>} : memref<768xf32, #tpu.memory_space<vmem>>, vector<16xf32>,
        %mul3A_986 = arith.mulf %get3A_983, %mul3A_518 : vector<16xf32>
        %sub3A_987 = arith.subf %mul3A_986, %mul3A_519 : vector<16xf32>
        %mul3A_988 = arith.mulf %sub3A_987, %get3A_985 : vector<16xf32>
        %swap3A_989 = arith.index_cast %scan3A_187 : i32 to index
        %swap3A_990 = arith.constant 672 : index
        %swap3A_991 = tpu.vector_load %arg9[%swap3A_989, %swap3A_990] {strides = array<i32>} : memref<32x768xf32, #tpu.memory_space<vmem>>, vector<16xf32>,
        tpu.vector_store %arg9[%swap3A_989, %swap3A_990], %mul3A_988 {strides = array<i32>} : memref<32x768xf32, #tpu.memory_space<vmem>>, vector<16xf32>,
        %get3A_992 = arith.index_cast %scan3A_187 : i32 to index
        %get3A_993 = arith.constant 688 : index
        %get3A_994 = tpu.vector_load %arg9[%get3A_992, %get3A_993] {strides = array<i32>} : memref<32x768xf32, #tpu.memory_space<vmem>>, vector<16xf32>,
        %get3A_995 = arith.constant 688 : index
        %get3A_996 = tpu.vector_load %arg7[%get3A_995] {strides = array<i32>} : memref<768xf32, #tpu.memory_space<vmem>>, vector<16xf32>,
        %mul3A_997 = arith.mulf %get3A_994, %mul3A_518 : vector<16xf32>
        %sub3A_998 = arith.subf %mul3A_997, %mul3A_519 : vector<16xf32>
        %mul3A_999 = arith.mulf %sub3A_998, %get3A_996 : vector<16xf32>
        %swap3A_1000 = arith.index_cast %scan3A_187 : i32 to index
        %swap3A_1001 = arith.constant 688 : index
        %swap3A_1002 = tpu.vector_load %arg9[%swap3A_1000, %swap3A_1001] {strides = array<i32>} : memref<32x768xf32, #tpu.memory_space<vmem>>, vector<16xf32>,
        tpu.vector_store %arg9[%swap3A_1000, %swap3A_1001], %mul3A_999 {strides = array<i32>} : memref<32x768xf32, #tpu.memory_space<vmem>>, vector<16xf32>,
        %get3A_1003 = arith.index_cast %scan3A_187 : i32 to index
        %get3A_1004 = arith.constant 704 : index
        %get3A_1005 = tpu.vector_load %arg9[%get3A_1003, %get3A_1004] {strides = array<i32>} : memref<32x768xf32, #tpu.memory_space<vmem>>, vector<16xf32>,
        %get3A_1006 = arith.constant 704 : index
        %get3A_1007 = tpu.vector_load %arg7[%get3A_1006] {strides = array<i32>} : memref<768xf32, #tpu.memory_space<vmem>>, vector<16xf32>,
        %mul3A_1008 = arith.mulf %get3A_1005, %mul3A_518 : vector<16xf32>
        %sub3A_1009 = arith.subf %mul3A_1008, %mul3A_519 : vector<16xf32>
        %mul3A_1010 = arith.mulf %sub3A_1009, %get3A_1007 : vector<16xf32>
        %swap3A_1011 = arith.index_cast %scan3A_187 : i32 to index
        %swap3A_1012 = arith.constant 704 : index
        %swap3A_1013 = tpu.vector_load %arg9[%swap3A_1011, %swap3A_1012] {strides = array<i32>} : memref<32x768xf32, #tpu.memory_space<vmem>>, vector<16xf32>,
        tpu.vector_store %arg9[%swap3A_1011, %swap3A_1012], %mul3A_1010 {strides = array<i32>} : memref<32x768xf32, #tpu.memory_space<vmem>>, vector<16xf32>,
        %get3A_1014 = arith.index_cast %scan3A_187 : i32 to index
        %get3A_1015 = arith.constant 720 : index
        %get3A_1016 = tpu.vector_load %arg9[%get3A_1014, %get3A_1015] {strides = array<i32>} : memref<32x768xf32, #tpu.memory_space<vmem>>, vector<16xf32>,
        %get3A_1017 = arith.constant 720 : index
        %get3A_1018 = tpu.vector_load %arg7[%get3A_1017] {strides = array<i32>} : memref<768xf32, #tpu.memory_space<vmem>>, vector<16xf32>,
        %mul3A_1019 = arith.mulf %get3A_1016, %mul3A_518 : vector<16xf32>
        %sub3A_1020 = arith.subf %mul3A_1019, %mul3A_519 : vector<16xf32>
        %mul3A_1021 = arith.mulf %sub3A_1020, %get3A_1018 : vector<16xf32>
        %swap3A_1022 = arith.index_cast %scan3A_187 : i32 to index
        %swap3A_1023 = arith.constant 720 : index
        %swap3A_1024 = tpu.vector_load %arg9[%swap3A_1022, %swap3A_1023] {strides = array<i32>} : memref<32x768xf32, #tpu.memory_space<vmem>>, vector<16xf32>,
        tpu.vector_store %arg9[%swap3A_1022, %swap3A_1023], %mul3A_1021 {strides = array<i32>} : memref<32x768xf32, #tpu.memory_space<vmem>>, vector<16xf32>,
        %get3A_1025 = arith.index_cast %scan3A_187 : i32 to index
        %get3A_1026 = arith.constant 736 : index
        %get3A_1027 = tpu.vector_load %arg9[%get3A_1025, %get3A_1026] {strides = array<i32>} : memref<32x768xf32, #tpu.memory_space<vmem>>, vector<16xf32>,
        %get3A_1028 = arith.constant 736 : index
        %get3A_1029 = tpu.vector_load %arg7[%get3A_1028] {strides = array<i32>} : memref<768xf32, #tpu.memory_space<vmem>>, vector<16xf32>,
        %mul3A_1030 = arith.mulf %get3A_1027, %mul3A_518 : vector<16xf32>
        %sub3A_1031 = arith.subf %mul3A_1030, %mul3A_519 : vector<16xf32>
        %mul3A_1032 = arith.mulf %sub3A_1031, %get3A_1029 : vector<16xf32>
        %swap3A_1033 = arith.index_cast %scan3A_187 : i32 to index
        %swap3A_1034 = arith.constant 736 : index
        %swap3A_1035 = tpu.vector_load %arg9[%swap3A_1033, %swap3A_1034] {strides = array<i32>} : memref<32x768xf32, #tpu.memory_space<vmem>>, vector<16xf32>,
        tpu.vector_store %arg9[%swap3A_1033, %swap3A_1034], %mul3A_1032 {strides = array<i32>} : memref<32x768xf32, #tpu.memory_space<vmem>>, vector<16xf32>,
        %get3A_1036 = arith.index_cast %scan3A_187 : i32 to index
        %get3A_1037 = arith.constant 752 : index
        %get3A_1038 = tpu.vector_load %arg9[%get3A_1036, %get3A_1037] {strides = array<i32>} : memref<32x768xf32, #tpu.memory_space<vmem>>, vector<16xf32>,
        %get3A_1039 = arith.constant 752 : index
        %get3A_1040 = tpu.vector_load %arg7[%get3A_1039] {strides = array<i32>} : memref<768xf32, #tpu.memory_space<vmem>>, vector<16xf32>,
        %mul3A_1041 = arith.mulf %get3A_1038, %mul3A_518 : vector<16xf32>
        %sub3A_1042 = arith.subf %mul3A_1041, %mul3A_519 : vector<16xf32>
        %mul3A_1043 = arith.mulf %sub3A_1042, %get3A_1040 : vector<16xf32>
        %swap3A_1044 = arith.index_cast %scan3A_187 : i32 to index
        %swap3A_1045 = arith.constant 752 : index
        %swap3A_1046 = tpu.vector_load %arg9[%swap3A_1044, %swap3A_1045] {strides = array<i32>} : memref<32x768xf32, #tpu.memory_space<vmem>>, vector<16xf32>,
        tpu.vector_store %arg9[%swap3A_1044, %swap3A_1045], %mul3A_1043 {strides = array<i32>} : memref<32x768xf32, #tpu.memory_space<vmem>>, vector<16xf32>,
        %scan3A_1047 = arith.constant 0 : i32
        scf.yield %scan3A_1047 : i32
      }
      %scan3A_104 = arith.constant 32 : i32
      %mul3A_105 = arith.constant 32 : i32
      %mul3A_106 = arith.muli %add3A_78, %mul3A_105 : i32
      %add3A_107 = arith.addi %mul3A_2, %mul3A_106 : i32
      %dma_start3A_108 = arith.constant 0 : i32
      %dma_start3A_109 = tpu.memref_slice %arg5[%add3A_107, %dma_start3A_108] : memref<32768x768xf32, #tpu.memory_space<hbm>> -> memref<32x768xf32, #tpu.memory_space<hbm>>
      %dma_start3A_110 = arith.constant 0 : i32
      %dma_start3A_111 = tpu.memref_slice %arg5[%add3A_107, %dma_start3A_110] : memref<32768x768xf32, #tpu.memory_space<hbm>> -> memref<32x768xf32, #tpu.memory_space<hbm>>
      tpu.enqueue_dma source(%arg9 : memref<32x768xf32, #tpu.memory_space<vmem>>) target(%dma_start3A_111 : memref<32x768xf32, #tpu.memory_space<hbm>>) target_semaphore(%arg17 : memref<!tpu.dma_semaphore, #tpu.memory_space<semaphore_mem>>)
      %mul3A_112 = arith.constant 4 : i32
      %mul3A_113 = arith.muli %scan3A_41, %mul3A_112 : i32
      %add3A_114 = arith.constant 2 : i32
      %add3A_115 = arith.addi %mul3A_113, %add3A_114 : i32
      %add3A_116 = arith.constant 2 : i32
      %add3A_117 = arith.addi %add3A_115, %add3A_116 : i32
      %lt3A_118 = arith.constant 32 : i32
      %lt3A_119 = arith.cmpi slt, %add3A_117, %lt3A_118 : i32
      %ge3A_120 = arith.constant 2 : i32
      %ge3A_121 = arith.cmpi sge, %add3A_115, %ge3A_120 : i32
      %and3A_122 = arith.andi %lt3A_119, %ge3A_121 : i1
      %convert_element_type3A_123 = arith.extui %and3A_122 : i1 to i32
      %cond3A_124 = arith.constant 0 : i32
      %cond3A_125 = arith.cmpi ne, %convert_element_type3A_123, %cond3A_124 : i32
      scf.if %cond3A_125 {
        %dma_wait3A_187 = arith.constant 0 : i32
        %dma_wait3A_188 = arith.constant 0 : i32
        %dma_wait3A_189 = tpu.memref_slice %arg5[%dma_wait3A_187, %dma_wait3A_188] : memref<32768x768xf32, #tpu.memory_space<hbm>> -> memref<32x768xf32, #tpu.memory_space<hbm>>
        %dma_wait3A_190 = arith.constant 0 : i32
        %dma_wait3A_191 = arith.constant 0 : i32
        %dma_wait3A_192 = tpu.memref_slice %arg5[%dma_wait3A_190, %dma_wait3A_191] : memref<32768x768xf32, #tpu.memory_space<hbm>> -> memref<32x768xf32, #tpu.memory_space<hbm>>
        tpu.wait_dma2 semaphore(%arg16 : memref<!tpu.dma_semaphore, #tpu.memory_space<semaphore_mem>>) src(%arg8 : memref<32x768xf32, #tpu.memory_space<vmem>>) dst(%dma_wait3A_192 : memref<32x768xf32, #tpu.memory_space<hbm>>)
      } else {
      }
      %convert_element_type3A_126 = arith.extui %lt3A_119 : i1 to i32
      %cond3A_127 = arith.constant 0 : i32
      %cond3A_128 = arith.cmpi ne, %convert_element_type3A_126, %cond3A_127 : i32
      scf.if %cond3A_128 {
        %add3A_187 = arith.constant 2 : i32
        %add3A_188 = arith.addi %add3A_115, %add3A_187 : i32
        %mul3A_189 = arith.constant 32 : i32
        %mul3A_190 = arith.muli %add3A_188, %mul3A_189 : i32
        %dma_start3A_191 = tpu.memref_slice %arg6[%mul3A_190] : memref<1024xi32, #tpu.memory_space<vmem>> -> memref<32xi32, #tpu.memory_space<vmem>>
        %dma_start3A_192 = arith.constant 0 : i32
        %dma_start3A_193 = arith.constant 0 : i32
        %dma_start3A_194 = tpu.memref_slice %arg3[%dma_start3A_192, %dma_start3A_193] : memref<50368x768xf32, #tpu.memory_space<hbm>> -> memref<50368x768xf32, #tpu.memory_space<hbm>>
        tpu.enqueue_indirect_dma source(%dma_start3A_194 : memref<50368x768xf32, #tpu.memory_space<hbm>>) target(%arg8 : memref<32x768xf32, #tpu.memory_space<vmem>>) offsets(%dma_start3A_191 : memref<32xi32, #tpu.memory_space<vmem>>) semaphore(%arg12 : memref<!tpu.dma_semaphore, #tpu.memory_space<semaphore_mem>>)
      } else {
      }
      %dma_wait3A_129 = arith.constant 0 : i32
      %dma_wait3A_130 = arith.constant 0 : i32
      %dma_wait3A_131 = tpu.memref_slice %arg3[%dma_wait3A_129, %dma_wait3A_130] : memref<50368x768xf32, #tpu.memory_space<hbm>> -> memref<32x768xf32, #tpu.memory_space<hbm>>
      %dma_wait3A_132 = arith.constant 0 : i32
      %dma_wait3A_133 = arith.constant 0 : i32
      %dma_wait3A_134 = tpu.memref_slice %arg3[%dma_wait3A_132, %dma_wait3A_133] : memref<50368x768xf32, #tpu.memory_space<hbm>> -> memref<32x768xf32, #tpu.memory_space<hbm>>
      tpu.wait_dma2 semaphore(%arg14 : memref<!tpu.dma_semaphore, #tpu.memory_space<semaphore_mem>>) src(%dma_wait3A_134 : memref<32x768xf32, #tpu.memory_space<hbm>>) dst(%arg10 : memref<32x768xf32, #tpu.memory_space<vmem>>)
      %scan3A_135 = arith.constant 0 : i32
      %scan3A_136 = arith.constant 0 : i32
      %scan3A_137 = arith.constant 32 : i32
      %scan3A_138 = arith.addi %scan3A_136, %scan3A_137 : i32
      %scan3A_139 = arith.constant 1 : i32
      %scan3A_140 = scf.for %scan3A_187 = %scan3A_136 to %scan3A_138 step %scan3A_139 iter_args(%scan3A_188 = %scan3A_135) -> (i32)  : i32 {
        %get3A = arith.index_cast %scan3A_187 : i32 to index
        %get3A_189 = arith.constant 0 : index
        %get3A_190 = tpu.vector_load %arg10[%get3A, %get3A_189] {strides = array<i32>} : memref<32x768xf32, #tpu.memory_space<vmem>>, vector<16xf32>,
        %mul3A_191 = arith.mulf %get3A_190, %get3A_190 : vector<16xf32>
        %get3A_192 = arith.index_cast %scan3A_187 : i32 to index
        %get3A_193 = arith.constant 16 : index
        %get3A_194 = tpu.vector_load %arg10[%get3A_192, %get3A_193] {strides = array<i32>} : memref<32x768xf32, #tpu.memory_space<vmem>>, vector<16xf32>,
        %mul3A_195 = arith.mulf %get3A_194, %get3A_194 : vector<16xf32>
        %get3A_196 = arith.index_cast %scan3A_187 : i32 to index
        %get3A_197 = arith.constant 32 : index
        %get3A_198 = tpu.vector_load %arg10[%get3A_196, %get3A_197] {strides = array<i32>} : memref<32x768xf32, #tpu.memory_space<vmem>>, vector<16xf32>,
        %mul3A_199 = arith.mulf %get3A_198, %get3A_198 : vector<16xf32>
        %get3A_200 = arith.index_cast %scan3A_187 : i32 to index
        %get3A_201 = arith.constant 48 : index
        %get3A_202 = tpu.vector_load %arg10[%get3A_200, %get3A_201] {strides = array<i32>} : memref<32x768xf32, #tpu.memory_space<vmem>>, vector<16xf32>,
        %mul3A_203 = arith.mulf %get3A_202, %get3A_202 : vector<16xf32>
        %get3A_204 = arith.index_cast %scan3A_187 : i32 to index
        %get3A_205 = arith.constant 64 : index
        %get3A_206 = tpu.vector_load %arg10[%get3A_204, %get3A_205] {strides = array<i32>} : memref<32x768xf32, #tpu.memory_space<vmem>>, vector<16xf32>,
        %mul3A_207 = arith.mulf %get3A_206, %get3A_206 : vector<16xf32>
        %get3A_208 = arith.index_cast %scan3A_187 : i32 to index
        %get3A_209 = arith.constant 80 : index
        %get3A_210 = tpu.vector_load %arg10[%get3A_208, %get3A_209] {strides = array<i32>} : memref<32x768xf32, #tpu.memory_space<vmem>>, vector<16xf32>,
        %mul3A_211 = arith.mulf %get3A_210, %get3A_210 : vector<16xf32>
        %get3A_212 = arith.index_cast %scan3A_187 : i32 to index
        %get3A_213 = arith.constant 96 : index
        %get3A_214 = tpu.vector_load %arg10[%get3A_212, %get3A_213] {strides = array<i32>} : memref<32x768xf32, #tpu.memory_space<vmem>>, vector<16xf32>,
        %mul3A_215 = arith.mulf %get3A_214, %get3A_214 : vector<16xf32>
        %get3A_216 = arith.index_cast %scan3A_187 : i32 to index
        %get3A_217 = arith.constant 112 : index
        %get3A_218 = tpu.vector_load %arg10[%get3A_216, %get3A_217] {strides = array<i32>} : memref<32x768xf32, #tpu.memory_space<vmem>>, vector<16xf32>,
        %mul3A_219 = arith.mulf %get3A_218, %get3A_218 : vector<16xf32>
        %get3A_220 = arith.index_cast %scan3A_187 : i32 to index
        %get3A_221 = arith.constant 128 : index
        %get3A_222 = tpu.vector_load %arg10[%get3A_220, %get3A_221] {strides = array<i32>} : memref<32x768xf32, #tpu.memory_space<vmem>>, vector<16xf32>,
        %add3A_223 = arith.addf %get3A_190, %get3A_222 : vector<16xf32>
        %mul3A_224 = arith.mulf %get3A_222, %get3A_222 : vector<16xf32>
        %add3A_225 = arith.addf %mul3A_191, %mul3A_224 : vector<16xf32>
        %get3A_226 = arith.index_cast %scan3A_187 : i32 to index
        %get3A_227 = arith.constant 144 : index
        %get3A_228 = tpu.vector_load %arg10[%get3A_226, %get3A_227] {strides = array<i32>} : memref<32x768xf32, #tpu.memory_space<vmem>>, vector<16xf32>,
        %add3A_229 = arith.addf %get3A_194, %get3A_228 : vector<16xf32>
        %mul3A_230 = arith.mulf %get3A_228, %get3A_228 : vector<16xf32>
        %add3A_231 = arith.addf %mul3A_195, %mul3A_230 : vector<16xf32>
        %get3A_232 = arith.index_cast %scan3A_187 : i32 to index
        %get3A_233 = arith.constant 160 : index
        %get3A_234 = tpu.vector_load %arg10[%get3A_232, %get3A_233] {strides = array<i32>} : memref<32x768xf32, #tpu.memory_space<vmem>>, vector<16xf32>,
        %add3A_235 = arith.addf %get3A_198, %get3A_234 : vector<16xf32>
        %mul3A_236 = arith.mulf %get3A_234, %get3A_234 : vector<16xf32>
        %add3A_237 = arith.addf %mul3A_199, %mul3A_236 : vector<16xf32>
        %get3A_238 = arith.index_cast %scan3A_187 : i32 to index
        %get3A_239 = arith.constant 176 : index
        %get3A_240 = tpu.vector_load %arg10[%get3A_238, %get3A_239] {strides = array<i32>} : memref<32x768xf32, #tpu.memory_space<vmem>>, vector<16xf32>,
        %add3A_241 = arith.addf %get3A_202, %get3A_240 : vector<16xf32>
        %mul3A_242 = arith.mulf %get3A_240, %get3A_240 : vector<16xf32>
        %add3A_243 = arith.addf %mul3A_203, %mul3A_242 : vector<16xf32>
        %get3A_244 = arith.index_cast %scan3A_187 : i32 to index
        %get3A_245 = arith.constant 192 : index
        %get3A_246 = tpu.vector_load %arg10[%get3A_244, %get3A_245] {strides = array<i32>} : memref<32x768xf32, #tpu.memory_space<vmem>>, vector<16xf32>,
        %add3A_247 = arith.addf %get3A_206, %get3A_246 : vector<16xf32>
        %mul3A_248 = arith.mulf %get3A_246, %get3A_246 : vector<16xf32>
        %add3A_249 = arith.addf %mul3A_207, %mul3A_248 : vector<16xf32>
        %get3A_250 = arith.index_cast %scan3A_187 : i32 to index
        %get3A_251 = arith.constant 208 : index
        %get3A_252 = tpu.vector_load %arg10[%get3A_250, %get3A_251] {strides = array<i32>} : memref<32x768xf32, #tpu.memory_space<vmem>>, vector<16xf32>,
        %add3A_253 = arith.addf %get3A_210, %get3A_252 : vector<16xf32>
        %mul3A_254 = arith.mulf %get3A_252, %get3A_252 : vector<16xf32>
        %add3A_255 = arith.addf %mul3A_211, %mul3A_254 : vector<16xf32>
        %get3A_256 = arith.index_cast %scan3A_187 : i32 to index
        %get3A_257 = arith.constant 224 : index
        %get3A_258 = tpu.vector_load %arg10[%get3A_256, %get3A_257] {strides = array<i32>} : memref<32x768xf32, #tpu.memory_space<vmem>>, vector<16xf32>,
        %add3A_259 = arith.addf %get3A_214, %get3A_258 : vector<16xf32>
        %mul3A_260 = arith.mulf %get3A_258, %get3A_258 : vector<16xf32>
        %add3A_261 = arith.addf %mul3A_215, %mul3A_260 : vector<16xf32>
        %get3A_262 = arith.index_cast %scan3A_187 : i32 to index
        %get3A_263 = arith.constant 240 : index
        %get3A_264 = tpu.vector_load %arg10[%get3A_262, %get3A_263] {strides = array<i32>} : memref<32x768xf32, #tpu.memory_space<vmem>>, vector<16xf32>,
        %add3A_265 = arith.addf %get3A_218, %get3A_264 : vector<16xf32>
        %mul3A_266 = arith.mulf %get3A_264, %get3A_264 : vector<16xf32>
        %add3A_267 = arith.addf %mul3A_219, %mul3A_266 : vector<16xf32>
        %get3A_268 = arith.index_cast %scan3A_187 : i32 to index
        %get3A_269 = arith.constant 256 : index
        %get3A_270 = tpu.vector_load %arg10[%get3A_268, %get3A_269] {strides = array<i32>} : memref<32x768xf32, #tpu.memory_space<vmem>>, vector<16xf32>,
        %add3A_271 = arith.addf %add3A_223, %get3A_270 : vector<16xf32>
        %mul3A_272 = arith.mulf %get3A_270, %get3A_270 : vector<16xf32>
        %add3A_273 = arith.addf %add3A_225, %mul3A_272 : vector<16xf32>
        %get3A_274 = arith.index_cast %scan3A_187 : i32 to index
        %get3A_275 = arith.constant 272 : index
        %get3A_276 = tpu.vector_load %arg10[%get3A_274, %get3A_275] {strides = array<i32>} : memref<32x768xf32, #tpu.memory_space<vmem>>, vector<16xf32>,
        %add3A_277 = arith.addf %add3A_229, %get3A_276 : vector<16xf32>
        %mul3A_278 = arith.mulf %get3A_276, %get3A_276 : vector<16xf32>
        %add3A_279 = arith.addf %add3A_231, %mul3A_278 : vector<16xf32>
        %get3A_280 = arith.index_cast %scan3A_187 : i32 to index
        %get3A_281 = arith.constant 288 : index
        %get3A_282 = tpu.vector_load %arg10[%get3A_280, %get3A_281] {strides = array<i32>} : memref<32x768xf32, #tpu.memory_space<vmem>>, vector<16xf32>,
        %add3A_283 = arith.addf %add3A_235, %get3A_282 : vector<16xf32>
        %mul3A_284 = arith.mulf %get3A_282, %get3A_282 : vector<16xf32>
        %add3A_285 = arith.addf %add3A_237, %mul3A_284 : vector<16xf32>
        %get3A_286 = arith.index_cast %scan3A_187 : i32 to index
        %get3A_287 = arith.constant 304 : index
        %get3A_288 = tpu.vector_load %arg10[%get3A_286, %get3A_287] {strides = array<i32>} : memref<32x768xf32, #tpu.memory_space<vmem>>, vector<16xf32>,
        %add3A_289 = arith.addf %add3A_241, %get3A_288 : vector<16xf32>
        %mul3A_290 = arith.mulf %get3A_288, %get3A_288 : vector<16xf32>
        %add3A_291 = arith.addf %add3A_243, %mul3A_290 : vector<16xf32>
        %get3A_292 = arith.index_cast %scan3A_187 : i32 to index
        %get3A_293 = arith.constant 320 : index
        %get3A_294 = tpu.vector_load %arg10[%get3A_292, %get3A_293] {strides = array<i32>} : memref<32x768xf32, #tpu.memory_space<vmem>>, vector<16xf32>,
        %add3A_295 = arith.addf %add3A_247, %get3A_294 : vector<16xf32>
        %mul3A_296 = arith.mulf %get3A_294, %get3A_294 : vector<16xf32>
        %add3A_297 = arith.addf %add3A_249, %mul3A_296 : vector<16xf32>
        %get3A_298 = arith.index_cast %scan3A_187 : i32 to index
        %get3A_299 = arith.constant 336 : index
        %get3A_300 = tpu.vector_load %arg10[%get3A_298, %get3A_299] {strides = array<i32>} : memref<32x768xf32, #tpu.memory_space<vmem>>, vector<16xf32>,
        %add3A_301 = arith.addf %add3A_253, %get3A_300 : vector<16xf32>
        %mul3A_302 = arith.mulf %get3A_300, %get3A_300 : vector<16xf32>
        %add3A_303 = arith.addf %add3A_255, %mul3A_302 : vector<16xf32>
        %get3A_304 = arith.index_cast %scan3A_187 : i32 to index
        %get3A_305 = arith.constant 352 : index
        %get3A_306 = tpu.vector_load %arg10[%get3A_304, %get3A_305] {strides = array<i32>} : memref<32x768xf32, #tpu.memory_space<vmem>>, vector<16xf32>,
        %add3A_307 = arith.addf %add3A_259, %get3A_306 : vector<16xf32>
        %mul3A_308 = arith.mulf %get3A_306, %get3A_306 : vector<16xf32>
        %add3A_309 = arith.addf %add3A_261, %mul3A_308 : vector<16xf32>
        %get3A_310 = arith.index_cast %scan3A_187 : i32 to index
        %get3A_311 = arith.constant 368 : index
        %get3A_312 = tpu.vector_load %arg10[%get3A_310, %get3A_311] {strides = array<i32>} : memref<32x768xf32, #tpu.memory_space<vmem>>, vector<16xf32>,
        %add3A_313 = arith.addf %add3A_265, %get3A_312 : vector<16xf32>
        %mul3A_314 = arith.mulf %get3A_312, %get3A_312 : vector<16xf32>
        %add3A_315 = arith.addf %add3A_267, %mul3A_314 : vector<16xf32>
        %get3A_316 = arith.index_cast %scan3A_187 : i32 to index
        %get3A_317 = arith.constant 384 : index
        %get3A_318 = tpu.vector_load %arg10[%get3A_316, %get3A_317] {strides = array<i32>} : memref<32x768xf32, #tpu.memory_space<vmem>>, vector<16xf32>,
        %add3A_319 = arith.addf %add3A_271, %get3A_318 : vector<16xf32>
        %mul3A_320 = arith.mulf %get3A_318, %get3A_318 : vector<16xf32>
        %add3A_321 = arith.addf %add3A_273, %mul3A_320 : vector<16xf32>
        %get3A_322 = arith.index_cast %scan3A_187 : i32 to index
        %get3A_323 = arith.constant 400 : index
        %get3A_324 = tpu.vector_load %arg10[%get3A_322, %get3A_323] {strides = array<i32>} : memref<32x768xf32, #tpu.memory_space<vmem>>, vector<16xf32>,
        %add3A_325 = arith.addf %add3A_277, %get3A_324 : vector<16xf32>
        %mul3A_326 = arith.mulf %get3A_324, %get3A_324 : vector<16xf32>
        %add3A_327 = arith.addf %add3A_279, %mul3A_326 : vector<16xf32>
        %get3A_328 = arith.index_cast %scan3A_187 : i32 to index
        %get3A_329 = arith.constant 416 : index
        %get3A_330 = tpu.vector_load %arg10[%get3A_328, %get3A_329] {strides = array<i32>} : memref<32x768xf32, #tpu.memory_space<vmem>>, vector<16xf32>,
        %add3A_331 = arith.addf %add3A_283, %get3A_330 : vector<16xf32>
        %mul3A_332 = arith.mulf %get3A_330, %get3A_330 : vector<16xf32>
        %add3A_333 = arith.addf %add3A_285, %mul3A_332 : vector<16xf32>
        %get3A_334 = arith.index_cast %scan3A_187 : i32 to index
        %get3A_335 = arith.constant 432 : index
        %get3A_336 = tpu.vector_load %arg10[%get3A_334, %get3A_335] {strides = array<i32>} : memref<32x768xf32, #tpu.memory_space<vmem>>, vector<16xf32>,
        %add3A_337 = arith.addf %add3A_289, %get3A_336 : vector<16xf32>
        %mul3A_338 = arith.mulf %get3A_336, %get3A_336 : vector<16xf32>
        %add3A_339 = arith.addf %add3A_291, %mul3A_338 : vector<16xf32>
        %get3A_340 = arith.index_cast %scan3A_187 : i32 to index
        %get3A_341 = arith.constant 448 : index
        %get3A_342 = tpu.vector_load %arg10[%get3A_340, %get3A_341] {strides = array<i32>} : memref<32x768xf32, #tpu.memory_space<vmem>>, vector<16xf32>,
        %add3A_343 = arith.addf %add3A_295, %get3A_342 : vector<16xf32>
        %mul3A_344 = arith.mulf %get3A_342, %get3A_342 : vector<16xf32>
        %add3A_345 = arith.addf %add3A_297, %mul3A_344 : vector<16xf32>
        %get3A_346 = arith.index_cast %scan3A_187 : i32 to index
        %get3A_347 = arith.constant 464 : index
        %get3A_348 = tpu.vector_load %arg10[%get3A_346, %get3A_347] {strides = array<i32>} : memref<32x768xf32, #tpu.memory_space<vmem>>, vector<16xf32>,
        %add3A_349 = arith.addf %add3A_301, %get3A_348 : vector<16xf32>
        %mul3A_350 = arith.mulf %get3A_348, %get3A_348 : vector<16xf32>
        %add3A_351 = arith.addf %add3A_303, %mul3A_350 : vector<16xf32>
        %get3A_352 = arith.index_cast %scan3A_187 : i32 to index
        %get3A_353 = arith.constant 480 : index
        %get3A_354 = tpu.vector_load %arg10[%get3A_352, %get3A_353] {strides = array<i32>} : memref<32x768xf32, #tpu.memory_space<vmem>>, vector<16xf32>,
        %add3A_355 = arith.addf %add3A_307, %get3A_354 : vector<16xf32>
        %mul3A_356 = arith.mulf %get3A_354, %get3A_354 : vector<16xf32>
        %add3A_357 = arith.addf %add3A_309, %mul3A_356 : vector<16xf32>
        %get3A_358 = arith.index_cast %scan3A_187 : i32 to index
        %get3A_359 = arith.constant 496 : index
        %get3A_360 = tpu.vector_load %arg10[%get3A_358, %get3A_359] {strides = array<i32>} : memref<32x768xf32, #tpu.memory_space<vmem>>, vector<16xf32>,
        %add3A_361 = arith.addf %add3A_313, %get3A_360 : vector<16xf32>
        %mul3A_362 = arith.mulf %get3A_360, %get3A_360 : vector<16xf32>
        %add3A_363 = arith.addf %add3A_315, %mul3A_362 : vector<16xf32>
        %get3A_364 = arith.index_cast %scan3A_187 : i32 to index
        %get3A_365 = arith.constant 512 : index
        %get3A_366 = tpu.vector_load %arg10[%get3A_364, %get3A_365] {strides = array<i32>} : memref<32x768xf32, #tpu.memory_space<vmem>>, vector<16xf32>,
        %add3A_367 = arith.addf %add3A_319, %get3A_366 : vector<16xf32>
        %mul3A_368 = arith.mulf %get3A_366, %get3A_366 : vector<16xf32>
        %add3A_369 = arith.addf %add3A_321, %mul3A_368 : vector<16xf32>
        %get3A_370 = arith.index_cast %scan3A_187 : i32 to index
        %get3A_371 = arith.constant 528 : index
        %get3A_372 = tpu.vector_load %arg10[%get3A_370, %get3A_371] {strides = array<i32>} : memref<32x768xf32, #tpu.memory_space<vmem>>, vector<16xf32>,
        %add3A_373 = arith.addf %add3A_325, %get3A_372 : vector<16xf32>
        %mul3A_374 = arith.mulf %get3A_372, %get3A_372 : vector<16xf32>
        %add3A_375 = arith.addf %add3A_327, %mul3A_374 : vector<16xf32>
        %get3A_376 = arith.index_cast %scan3A_187 : i32 to index
        %get3A_377 = arith.constant 544 : index
        %get3A_378 = tpu.vector_load %arg10[%get3A_376, %get3A_377] {strides = array<i32>} : memref<32x768xf32, #tpu.memory_space<vmem>>, vector<16xf32>,
        %add3A_379 = arith.addf %add3A_331, %get3A_378 : vector<16xf32>
        %mul3A_380 = arith.mulf %get3A_378, %get3A_378 : vector<16xf32>
        %add3A_381 = arith.addf %add3A_333, %mul3A_380 : vector<16xf32>
        %get3A_382 = arith.index_cast %scan3A_187 : i32 to index
        %get3A_383 = arith.constant 560 : index
        %get3A_384 = tpu.vector_load %arg10[%get3A_382, %get3A_383] {strides = array<i32>} : memref<32x768xf32, #tpu.memory_space<vmem>>, vector<16xf32>,
        %add3A_385 = arith.addf %add3A_337, %get3A_384 : vector<16xf32>
        %mul3A_386 = arith.mulf %get3A_384, %get3A_384 : vector<16xf32>
        %add3A_387 = arith.addf %add3A_339, %mul3A_386 : vector<16xf32>
        %get3A_388 = arith.index_cast %scan3A_187 : i32 to index
        %get3A_389 = arith.constant 576 : index
        %get3A_390 = tpu.vector_load %arg10[%get3A_388, %get3A_389] {strides = array<i32>} : memref<32x768xf32, #tpu.memory_space<vmem>>, vector<16xf32>,
        %add3A_391 = arith.addf %add3A_343, %get3A_390 : vector<16xf32>
        %mul3A_392 = arith.mulf %get3A_390, %get3A_390 : vector<16xf32>
        %add3A_393 = arith.addf %add3A_345, %mul3A_392 : vector<16xf32>
        %get3A_394 = arith.index_cast %scan3A_187 : i32 to index
        %get3A_395 = arith.constant 592 : index
        %get3A_396 = tpu.vector_load %arg10[%get3A_394, %get3A_395] {strides = array<i32>} : memref<32x768xf32, #tpu.memory_space<vmem>>, vector<16xf32>,
        %add3A_397 = arith.addf %add3A_349, %get3A_396 : vector<16xf32>
        %mul3A_398 = arith.mulf %get3A_396, %get3A_396 : vector<16xf32>
        %add3A_399 = arith.addf %add3A_351, %mul3A_398 : vector<16xf32>
        %get3A_400 = arith.index_cast %scan3A_187 : i32 to index
        %get3A_401 = arith.constant 608 : index
        %get3A_402 = tpu.vector_load %arg10[%get3A_400, %get3A_401] {strides = array<i32>} : memref<32x768xf32, #tpu.memory_space<vmem>>, vector<16xf32>,
        %add3A_403 = arith.addf %add3A_355, %get3A_402 : vector<16xf32>
        %mul3A_404 = arith.mulf %get3A_402, %get3A_402 : vector<16xf32>
        %add3A_405 = arith.addf %add3A_357, %mul3A_404 : vector<16xf32>
        %get3A_406 = arith.index_cast %scan3A_187 : i32 to index
        %get3A_407 = arith.constant 624 : index
        %get3A_408 = tpu.vector_load %arg10[%get3A_406, %get3A_407] {strides = array<i32>} : memref<32x768xf32, #tpu.memory_space<vmem>>, vector<16xf32>,
        %add3A_409 = arith.addf %add3A_361, %get3A_408 : vector<16xf32>
        %mul3A_410 = arith.mulf %get3A_408, %get3A_408 : vector<16xf32>
        %add3A_411 = arith.addf %add3A_363, %mul3A_410 : vector<16xf32>
        %get3A_412 = arith.index_cast %scan3A_187 : i32 to index
        %get3A_413 = arith.constant 640 : index
        %get3A_414 = tpu.vector_load %arg10[%get3A_412, %get3A_413] {strides = array<i32>} : memref<32x768xf32, #tpu.memory_space<vmem>>, vector<16xf32>,
        %add3A_415 = arith.addf %add3A_367, %get3A_414 : vector<16xf32>
        %mul3A_416 = arith.mulf %get3A_414, %get3A_414 : vector<16xf32>
        %add3A_417 = arith.addf %add3A_369, %mul3A_416 : vector<16xf32>
        %get3A_418 = arith.index_cast %scan3A_187 : i32 to index
        %get3A_419 = arith.constant 656 : index
        %get3A_420 = tpu.vector_load %arg10[%get3A_418, %get3A_419] {strides = array<i32>} : memref<32x768xf32, #tpu.memory_space<vmem>>, vector<16xf32>,
        %add3A_421 = arith.addf %add3A_373, %get3A_420 : vector<16xf32>
        %mul3A_422 = arith.mulf %get3A_420, %get3A_420 : vector<16xf32>
        %add3A_423 = arith.addf %add3A_375, %mul3A_422 : vector<16xf32>
        %get3A_424 = arith.index_cast %scan3A_187 : i32 to index
        %get3A_425 = arith.constant 672 : index
        %get3A_426 = tpu.vector_load %arg10[%get3A_424, %get3A_425] {strides = array<i32>} : memref<32x768xf32, #tpu.memory_space<vmem>>, vector<16xf32>,
        %add3A_427 = arith.addf %add3A_379, %get3A_426 : vector<16xf32>
        %mul3A_428 = arith.mulf %get3A_426, %get3A_426 : vector<16xf32>
        %add3A_429 = arith.addf %add3A_381, %mul3A_428 : vector<16xf32>
        %get3A_430 = arith.index_cast %scan3A_187 : i32 to index
        %get3A_431 = arith.constant 688 : index
        %get3A_432 = tpu.vector_load %arg10[%get3A_430, %get3A_431] {strides = array<i32>} : memref<32x768xf32, #tpu.memory_space<vmem>>, vector<16xf32>,
        %add3A_433 = arith.addf %add3A_385, %get3A_432 : vector<16xf32>
        %mul3A_434 = arith.mulf %get3A_432, %get3A_432 : vector<16xf32>
        %add3A_435 = arith.addf %add3A_387, %mul3A_434 : vector<16xf32>
        %get3A_436 = arith.index_cast %scan3A_187 : i32 to index
        %get3A_437 = arith.constant 704 : index
        %get3A_438 = tpu.vector_load %arg10[%get3A_436, %get3A_437] {strides = array<i32>} : memref<32x768xf32, #tpu.memory_space<vmem>>, vector<16xf32>,
        %add3A_439 = arith.addf %add3A_391, %get3A_438 : vector<16xf32>
        %mul3A_440 = arith.mulf %get3A_438, %get3A_438 : vector<16xf32>
        %add3A_441 = arith.addf %add3A_393, %mul3A_440 : vector<16xf32>
        %get3A_442 = arith.index_cast %scan3A_187 : i32 to index
        %get3A_443 = arith.constant 720 : index
        %get3A_444 = tpu.vector_load %arg10[%get3A_442, %get3A_443] {strides = array<i32>} : memref<32x768xf32, #tpu.memory_space<vmem>>, vector<16xf32>,
        %add3A_445 = arith.addf %add3A_397, %get3A_444 : vector<16xf32>
        %mul3A_446 = arith.mulf %get3A_444, %get3A_444 : vector<16xf32>
        %add3A_447 = arith.addf %add3A_399, %mul3A_446 : vector<16xf32>
        %get3A_448 = arith.index_cast %scan3A_187 : i32 to index
        %get3A_449 = arith.constant 736 : index
        %get3A_450 = tpu.vector_load %arg10[%get3A_448, %get3A_449] {strides = array<i32>} : memref<32x768xf32, #tpu.memory_space<vmem>>, vector<16xf32>,
        %add3A_451 = arith.addf %add3A_403, %get3A_450 : vector<16xf32>
        %mul3A_452 = arith.mulf %get3A_450, %get3A_450 : vector<16xf32>
        %add3A_453 = arith.addf %add3A_405, %mul3A_452 : vector<16xf32>
        %get3A_454 = arith.index_cast %scan3A_187 : i32 to index
        %get3A_455 = arith.constant 752 : index
        %get3A_456 = tpu.vector_load %arg10[%get3A_454, %get3A_455] {strides = array<i32>} : memref<32x768xf32, #tpu.memory_space<vmem>>, vector<16xf32>,
        %add3A_457 = arith.addf %add3A_409, %get3A_456 : vector<16xf32>
        %mul3A_458 = arith.mulf %get3A_456, %get3A_456 : vector<16xf32>
        %add3A_459 = arith.addf %add3A_411, %mul3A_458 : vector<16xf32>
        %add3A_460 = arith.addf %add3A_415, %add3A_439 : vector<16xf32>
        %add3A_461 = arith.addf %add3A_417, %add3A_441 : vector<16xf32>
        %add3A_462 = arith.addf %add3A_421, %add3A_445 : vector<16xf32>
        %add3A_463 = arith.addf %add3A_423, %add3A_447 : vector<16xf32>
        %add3A_464 = arith.addf %add3A_427, %add3A_451 : vector<16xf32>
        %add3A_465 = arith.addf %add3A_429, %add3A_453 : vector<16xf32>
        %add3A_466 = arith.addf %add3A_433, %add3A_457 : vector<16xf32>
        %add3A_467 = arith.addf %add3A_435, %add3A_459 : vector<16xf32>
        %add3A_468 = arith.addf %add3A_460, %add3A_464 : vector<16xf32>
        %add3A_469 = arith.addf %add3A_461, %add3A_465 : vector<16xf32>
        %add3A_470 = arith.addf %add3A_462, %add3A_466 : vector<16xf32>
        %add3A_471 = arith.addf %add3A_463, %add3A_467 : vector<16xf32>
        %add3A_472 = arith.addf %add3A_468, %add3A_470 : vector<16xf32>
        %add3A_473 = arith.addf %add3A_469, %add3A_471 : vector<16xf32>
        %reduce_sum3A = arith.constant true
        %reduce_sum3A_474 = vector.broadcast %reduce_sum3A : i1 to vector<16xi1>
        %reduce_sum3A_475 = tpu.scan <sum>, %add3A_472 masked %reduce_sum3A_474 : vector<16xf32>, vector<16xi1> -> vector<16xf32>
        %reduce_sum3A_476 = vector.extract %reduce_sum3A_475[15] : f32 from vector<16xf32>
        %broadcast_in_dim3A = vector.broadcast %reduce_sum3A_476 : f32 to vector<16xf32>
        %mul3A_477 = arith.constant 0.00130208337 : f32
        %mul3A_478 = vector.broadcast %mul3A_477 : f32 to vector<16xf32>
        %mul3A_479 = arith.mulf %broadcast_in_dim3A, %mul3A_478 : vector<16xf32>
        %reduce_sum3A_480 = arith.constant true
        %reduce_sum3A_481 = vector.broadcast %reduce_sum3A_480 : i1 to vector<16xi1>
        %reduce_sum3A_482 = tpu.scan <sum>, %add3A_473 masked %reduce_sum3A_481 : vector<16xf32>, vector<16xi1> -> vector<16xf32>
        %reduce_sum3A_483 = vector.extract %reduce_sum3A_482[15] : f32 from vector<16xf32>
        %broadcast_in_dim3A_484 = vector.broadcast %reduce_sum3A_483 : f32 to vector<16xf32>
        %mul3A_485 = arith.constant 0.00130208337 : f32
        %mul3A_486 = vector.broadcast %mul3A_485 : f32 to vector<16xf32>
        %mul3A_487 = arith.mulf %broadcast_in_dim3A_484, %mul3A_486 : vector<16xf32>
        %mul3A_488 = arith.mulf %mul3A_479, %mul3A_479 : vector<16xf32>
        %sub3A = arith.subf %mul3A_487, %mul3A_488 : vector<16xf32>
        %add3A_489 = arith.constant 9.99999974E-6 : f32
        %add3A_490 = vector.broadcast %add3A_489 : f32 to vector<16xf32>
        %add3A_491 = arith.addf %sub3A, %add3A_490 : vector<16xf32>
        %bitcast_convert_type3A = tpu.bitcast %add3A_491 : vector<16xf32> -> vector<16xi32>
        %shift_right_arithmetic3A = arith.constant 1 : i32
        %shift_right_arithmetic3A_492 = vector.broadcast %shift_right_arithmetic3A : i32 to vector<16xi32>
        %shift_right_arithmetic3A_493 = arith.shrsi %bitcast_convert_type3A, %shift_right_arithmetic3A_492 : vector<16xi32>
        %sub3A_494 = arith.constant 1597463007 : i32
        %sub3A_495 = vector.broadcast %sub3A_494 : i32 to vector<16xi32>
        %sub3A_496 = arith.subi %sub3A_495, %shift_right_arithmetic3A_493 : vector<16xi32>
        %bitcast_convert_type3A_497 = tpu.bitcast %sub3A_496 : vector<16xi32> -> vector<16xf32>
        %mul3A_498 = arith.constant 5.000000e-01 : f32
        %mul3A_499 = vector.broadcast %mul3A_498 : f32 to vector<16xf32>
        %mul3A_500 = arith.mulf %add3A_491, %mul3A_499 : vector<16xf32>
        %mul3A_501 = arith.mulf %mul3A_500, %bitcast_convert_type3A_497 : vector<16xf32>
        %mul3A_502 = arith.mulf %mul3A_501, %bitcast_convert_type3A_497 : vector<16xf32>
        %sub3A_503 = arith.constant 1.500000e+00 : f32
        %sub3A_504 = vector.broadcast %sub3A_503 : f32 to vector<16xf32>
        %sub3A_505 = arith.subf %sub3A_504, %mul3A_502 : vector<16xf32>
        %mul3A_506 = arith.mulf %bitcast_convert_type3A_497, %sub3A_505 : vector<16xf32>
        %mul3A_507 = arith.mulf %mul3A_500, %mul3A_506 : vector<16xf32>
        %mul3A_508 = arith.mulf %mul3A_507, %mul3A_506 : vector<16xf32>
        %sub3A_509 = arith.constant 1.500000e+00 : f32
        %sub3A_510 = vector.broadcast %sub3A_509 : f32 to vector<16xf32>
        %sub3A_511 = arith.subf %sub3A_510, %mul3A_508 : vector<16xf32>
        %mul3A_512 = arith.mulf %mul3A_506, %sub3A_511 : vector<16xf32>
        %mul3A_513 = arith.mulf %mul3A_500, %mul3A_512 : vector<16xf32>
        %mul3A_514 = arith.mulf %mul3A_513, %mul3A_512 : vector<16xf32>
        %sub3A_515 = arith.constant 1.500000e+00 : f32
        %sub3A_516 = vector.broadcast %sub3A_515 : f32 to vector<16xf32>
        %sub3A_517 = arith.subf %sub3A_516, %mul3A_514 : vector<16xf32>
        %mul3A_518 = arith.mulf %mul3A_512, %sub3A_517 : vector<16xf32>
        %mul3A_519 = arith.mulf %mul3A_479, %mul3A_518 : vector<16xf32>
        %get3A_520 = arith.index_cast %scan3A_187 : i32 to index
        %get3A_521 = arith.constant 0 : index
        %get3A_522 = tpu.vector_load %arg10[%get3A_520, %get3A_521] {strides = array<i32>} : memref<32x768xf32, #tpu.memory_space<vmem>>, vector<16xf32>,
        %get3A_523 = arith.constant 0 : index
        %get3A_524 = tpu.vector_load %arg7[%get3A_523] {strides = array<i32>} : memref<768xf32, #tpu.memory_space<vmem>>, vector<16xf32>,
        %mul3A_525 = arith.mulf %get3A_522, %mul3A_518 : vector<16xf32>
        %sub3A_526 = arith.subf %mul3A_525, %mul3A_519 : vector<16xf32>
        %mul3A_527 = arith.mulf %sub3A_526, %get3A_524 : vector<16xf32>
        %swap3A = arith.index_cast %scan3A_187 : i32 to index
        %swap3A_528 = arith.constant 0 : index
        %swap3A_529 = tpu.vector_load %arg10[%swap3A, %swap3A_528] {strides = array<i32>} : memref<32x768xf32, #tpu.memory_space<vmem>>, vector<16xf32>,
        tpu.vector_store %arg10[%swap3A, %swap3A_528], %mul3A_527 {strides = array<i32>} : memref<32x768xf32, #tpu.memory_space<vmem>>, vector<16xf32>,
        %get3A_530 = arith.index_cast %scan3A_187 : i32 to index
        %get3A_531 = arith.constant 16 : index
        %get3A_532 = tpu.vector_load %arg10[%get3A_530, %get3A_531] {strides = array<i32>} : memref<32x768xf32, #tpu.memory_space<vmem>>, vector<16xf32>,
        %get3A_533 = arith.constant 16 : index
        %get3A_534 = tpu.vector_load %arg7[%get3A_533] {strides = array<i32>} : memref<768xf32, #tpu.memory_space<vmem>>, vector<16xf32>,
        %mul3A_535 = arith.mulf %get3A_532, %mul3A_518 : vector<16xf32>
        %sub3A_536 = arith.subf %mul3A_535, %mul3A_519 : vector<16xf32>
        %mul3A_537 = arith.mulf %sub3A_536, %get3A_534 : vector<16xf32>
        %swap3A_538 = arith.index_cast %scan3A_187 : i32 to index
        %swap3A_539 = arith.constant 16 : index
        %swap3A_540 = tpu.vector_load %arg10[%swap3A_538, %swap3A_539] {strides = array<i32>} : memref<32x768xf32, #tpu.memory_space<vmem>>, vector<16xf32>,
        tpu.vector_store %arg10[%swap3A_538, %swap3A_539], %mul3A_537 {strides = array<i32>} : memref<32x768xf32, #tpu.memory_space<vmem>>, vector<16xf32>,
        %get3A_541 = arith.index_cast %scan3A_187 : i32 to index
        %get3A_542 = arith.constant 32 : index
        %get3A_543 = tpu.vector_load %arg10[%get3A_541, %get3A_542] {strides = array<i32>} : memref<32x768xf32, #tpu.memory_space<vmem>>, vector<16xf32>,
        %get3A_544 = arith.constant 32 : index
        %get3A_545 = tpu.vector_load %arg7[%get3A_544] {strides = array<i32>} : memref<768xf32, #tpu.memory_space<vmem>>, vector<16xf32>,
        %mul3A_546 = arith.mulf %get3A_543, %mul3A_518 : vector<16xf32>
        %sub3A_547 = arith.subf %mul3A_546, %mul3A_519 : vector<16xf32>
        %mul3A_548 = arith.mulf %sub3A_547, %get3A_545 : vector<16xf32>
        %swap3A_549 = arith.index_cast %scan3A_187 : i32 to index
        %swap3A_550 = arith.constant 32 : index
        %swap3A_551 = tpu.vector_load %arg10[%swap3A_549, %swap3A_550] {strides = array<i32>} : memref<32x768xf32, #tpu.memory_space<vmem>>, vector<16xf32>,
        tpu.vector_store %arg10[%swap3A_549, %swap3A_550], %mul3A_548 {strides = array<i32>} : memref<32x768xf32, #tpu.memory_space<vmem>>, vector<16xf32>,
        %get3A_552 = arith.index_cast %scan3A_187 : i32 to index
        %get3A_553 = arith.constant 48 : index
        %get3A_554 = tpu.vector_load %arg10[%get3A_552, %get3A_553] {strides = array<i32>} : memref<32x768xf32, #tpu.memory_space<vmem>>, vector<16xf32>,
        %get3A_555 = arith.constant 48 : index
        %get3A_556 = tpu.vector_load %arg7[%get3A_555] {strides = array<i32>} : memref<768xf32, #tpu.memory_space<vmem>>, vector<16xf32>,
        %mul3A_557 = arith.mulf %get3A_554, %mul3A_518 : vector<16xf32>
        %sub3A_558 = arith.subf %mul3A_557, %mul3A_519 : vector<16xf32>
        %mul3A_559 = arith.mulf %sub3A_558, %get3A_556 : vector<16xf32>
        %swap3A_560 = arith.index_cast %scan3A_187 : i32 to index
        %swap3A_561 = arith.constant 48 : index
        %swap3A_562 = tpu.vector_load %arg10[%swap3A_560, %swap3A_561] {strides = array<i32>} : memref<32x768xf32, #tpu.memory_space<vmem>>, vector<16xf32>,
        tpu.vector_store %arg10[%swap3A_560, %swap3A_561], %mul3A_559 {strides = array<i32>} : memref<32x768xf32, #tpu.memory_space<vmem>>, vector<16xf32>,
        %get3A_563 = arith.index_cast %scan3A_187 : i32 to index
        %get3A_564 = arith.constant 64 : index
        %get3A_565 = tpu.vector_load %arg10[%get3A_563, %get3A_564] {strides = array<i32>} : memref<32x768xf32, #tpu.memory_space<vmem>>, vector<16xf32>,
        %get3A_566 = arith.constant 64 : index
        %get3A_567 = tpu.vector_load %arg7[%get3A_566] {strides = array<i32>} : memref<768xf32, #tpu.memory_space<vmem>>, vector<16xf32>,
        %mul3A_568 = arith.mulf %get3A_565, %mul3A_518 : vector<16xf32>
        %sub3A_569 = arith.subf %mul3A_568, %mul3A_519 : vector<16xf32>
        %mul3A_570 = arith.mulf %sub3A_569, %get3A_567 : vector<16xf32>
        %swap3A_571 = arith.index_cast %scan3A_187 : i32 to index
        %swap3A_572 = arith.constant 64 : index
        %swap3A_573 = tpu.vector_load %arg10[%swap3A_571, %swap3A_572] {strides = array<i32>} : memref<32x768xf32, #tpu.memory_space<vmem>>, vector<16xf32>,
        tpu.vector_store %arg10[%swap3A_571, %swap3A_572], %mul3A_570 {strides = array<i32>} : memref<32x768xf32, #tpu.memory_space<vmem>>, vector<16xf32>,
        %get3A_574 = arith.index_cast %scan3A_187 : i32 to index
        %get3A_575 = arith.constant 80 : index
        %get3A_576 = tpu.vector_load %arg10[%get3A_574, %get3A_575] {strides = array<i32>} : memref<32x768xf32, #tpu.memory_space<vmem>>, vector<16xf32>,
        %get3A_577 = arith.constant 80 : index
        %get3A_578 = tpu.vector_load %arg7[%get3A_577] {strides = array<i32>} : memref<768xf32, #tpu.memory_space<vmem>>, vector<16xf32>,
        %mul3A_579 = arith.mulf %get3A_576, %mul3A_518 : vector<16xf32>
        %sub3A_580 = arith.subf %mul3A_579, %mul3A_519 : vector<16xf32>
        %mul3A_581 = arith.mulf %sub3A_580, %get3A_578 : vector<16xf32>
        %swap3A_582 = arith.index_cast %scan3A_187 : i32 to index
        %swap3A_583 = arith.constant 80 : index
        %swap3A_584 = tpu.vector_load %arg10[%swap3A_582, %swap3A_583] {strides = array<i32>} : memref<32x768xf32, #tpu.memory_space<vmem>>, vector<16xf32>,
        tpu.vector_store %arg10[%swap3A_582, %swap3A_583], %mul3A_581 {strides = array<i32>} : memref<32x768xf32, #tpu.memory_space<vmem>>, vector<16xf32>,
        %get3A_585 = arith.index_cast %scan3A_187 : i32 to index
        %get3A_586 = arith.constant 96 : index
        %get3A_587 = tpu.vector_load %arg10[%get3A_585, %get3A_586] {strides = array<i32>} : memref<32x768xf32, #tpu.memory_space<vmem>>, vector<16xf32>,
        %get3A_588 = arith.constant 96 : index
        %get3A_589 = tpu.vector_load %arg7[%get3A_588] {strides = array<i32>} : memref<768xf32, #tpu.memory_space<vmem>>, vector<16xf32>,
        %mul3A_590 = arith.mulf %get3A_587, %mul3A_518 : vector<16xf32>
        %sub3A_591 = arith.subf %mul3A_590, %mul3A_519 : vector<16xf32>
        %mul3A_592 = arith.mulf %sub3A_591, %get3A_589 : vector<16xf32>
        %swap3A_593 = arith.index_cast %scan3A_187 : i32 to index
        %swap3A_594 = arith.constant 96 : index
        %swap3A_595 = tpu.vector_load %arg10[%swap3A_593, %swap3A_594] {strides = array<i32>} : memref<32x768xf32, #tpu.memory_space<vmem>>, vector<16xf32>,
        tpu.vector_store %arg10[%swap3A_593, %swap3A_594], %mul3A_592 {strides = array<i32>} : memref<32x768xf32, #tpu.memory_space<vmem>>, vector<16xf32>,
        %get3A_596 = arith.index_cast %scan3A_187 : i32 to index
        %get3A_597 = arith.constant 112 : index
        %get3A_598 = tpu.vector_load %arg10[%get3A_596, %get3A_597] {strides = array<i32>} : memref<32x768xf32, #tpu.memory_space<vmem>>, vector<16xf32>,
        %get3A_599 = arith.constant 112 : index
        %get3A_600 = tpu.vector_load %arg7[%get3A_599] {strides = array<i32>} : memref<768xf32, #tpu.memory_space<vmem>>, vector<16xf32>,
        %mul3A_601 = arith.mulf %get3A_598, %mul3A_518 : vector<16xf32>
        %sub3A_602 = arith.subf %mul3A_601, %mul3A_519 : vector<16xf32>
        %mul3A_603 = arith.mulf %sub3A_602, %get3A_600 : vector<16xf32>
        %swap3A_604 = arith.index_cast %scan3A_187 : i32 to index
        %swap3A_605 = arith.constant 112 : index
        %swap3A_606 = tpu.vector_load %arg10[%swap3A_604, %swap3A_605] {strides = array<i32>} : memref<32x768xf32, #tpu.memory_space<vmem>>, vector<16xf32>,
        tpu.vector_store %arg10[%swap3A_604, %swap3A_605], %mul3A_603 {strides = array<i32>} : memref<32x768xf32, #tpu.memory_space<vmem>>, vector<16xf32>,
        %get3A_607 = arith.index_cast %scan3A_187 : i32 to index
        %get3A_608 = arith.constant 128 : index
        %get3A_609 = tpu.vector_load %arg10[%get3A_607, %get3A_608] {strides = array<i32>} : memref<32x768xf32, #tpu.memory_space<vmem>>, vector<16xf32>,
        %get3A_610 = arith.constant 128 : index
        %get3A_611 = tpu.vector_load %arg7[%get3A_610] {strides = array<i32>} : memref<768xf32, #tpu.memory_space<vmem>>, vector<16xf32>,
        %mul3A_612 = arith.mulf %get3A_609, %mul3A_518 : vector<16xf32>
        %sub3A_613 = arith.subf %mul3A_612, %mul3A_519 : vector<16xf32>
        %mul3A_614 = arith.mulf %sub3A_613, %get3A_611 : vector<16xf32>
        %swap3A_615 = arith.index_cast %scan3A_187 : i32 to index
        %swap3A_616 = arith.constant 128 : index
        %swap3A_617 = tpu.vector_load %arg10[%swap3A_615, %swap3A_616] {strides = array<i32>} : memref<32x768xf32, #tpu.memory_space<vmem>>, vector<16xf32>,
        tpu.vector_store %arg10[%swap3A_615, %swap3A_616], %mul3A_614 {strides = array<i32>} : memref<32x768xf32, #tpu.memory_space<vmem>>, vector<16xf32>,
        %get3A_618 = arith.index_cast %scan3A_187 : i32 to index
        %get3A_619 = arith.constant 144 : index
        %get3A_620 = tpu.vector_load %arg10[%get3A_618, %get3A_619] {strides = array<i32>} : memref<32x768xf32, #tpu.memory_space<vmem>>, vector<16xf32>,
        %get3A_621 = arith.constant 144 : index
        %get3A_622 = tpu.vector_load %arg7[%get3A_621] {strides = array<i32>} : memref<768xf32, #tpu.memory_space<vmem>>, vector<16xf32>,
        %mul3A_623 = arith.mulf %get3A_620, %mul3A_518 : vector<16xf32>
        %sub3A_624 = arith.subf %mul3A_623, %mul3A_519 : vector<16xf32>
        %mul3A_625 = arith.mulf %sub3A_624, %get3A_622 : vector<16xf32>
        %swap3A_626 = arith.index_cast %scan3A_187 : i32 to index
        %swap3A_627 = arith.constant 144 : index
        %swap3A_628 = tpu.vector_load %arg10[%swap3A_626, %swap3A_627] {strides = array<i32>} : memref<32x768xf32, #tpu.memory_space<vmem>>, vector<16xf32>,
        tpu.vector_store %arg10[%swap3A_626, %swap3A_627], %mul3A_625 {strides = array<i32>} : memref<32x768xf32, #tpu.memory_space<vmem>>, vector<16xf32>,
        %get3A_629 = arith.index_cast %scan3A_187 : i32 to index
        %get3A_630 = arith.constant 160 : index
        %get3A_631 = tpu.vector_load %arg10[%get3A_629, %get3A_630] {strides = array<i32>} : memref<32x768xf32, #tpu.memory_space<vmem>>, vector<16xf32>,
        %get3A_632 = arith.constant 160 : index
        %get3A_633 = tpu.vector_load %arg7[%get3A_632] {strides = array<i32>} : memref<768xf32, #tpu.memory_space<vmem>>, vector<16xf32>,
        %mul3A_634 = arith.mulf %get3A_631, %mul3A_518 : vector<16xf32>
        %sub3A_635 = arith.subf %mul3A_634, %mul3A_519 : vector<16xf32>
        %mul3A_636 = arith.mulf %sub3A_635, %get3A_633 : vector<16xf32>
        %swap3A_637 = arith.index_cast %scan3A_187 : i32 to index
        %swap3A_638 = arith.constant 160 : index
        %swap3A_639 = tpu.vector_load %arg10[%swap3A_637, %swap3A_638] {strides = array<i32>} : memref<32x768xf32, #tpu.memory_space<vmem>>, vector<16xf32>,
        tpu.vector_store %arg10[%swap3A_637, %swap3A_638], %mul3A_636 {strides = array<i32>} : memref<32x768xf32, #tpu.memory_space<vmem>>, vector<16xf32>,
        %get3A_640 = arith.index_cast %scan3A_187 : i32 to index
        %get3A_641 = arith.constant 176 : index
        %get3A_642 = tpu.vector_load %arg10[%get3A_640, %get3A_641] {strides = array<i32>} : memref<32x768xf32, #tpu.memory_space<vmem>>, vector<16xf32>,
        %get3A_643 = arith.constant 176 : index
        %get3A_644 = tpu.vector_load %arg7[%get3A_643] {strides = array<i32>} : memref<768xf32, #tpu.memory_space<vmem>>, vector<16xf32>,
        %mul3A_645 = arith.mulf %get3A_642, %mul3A_518 : vector<16xf32>
        %sub3A_646 = arith.subf %mul3A_645, %mul3A_519 : vector<16xf32>
        %mul3A_647 = arith.mulf %sub3A_646, %get3A_644 : vector<16xf32>
        %swap3A_648 = arith.index_cast %scan3A_187 : i32 to index
        %swap3A_649 = arith.constant 176 : index
        %swap3A_650 = tpu.vector_load %arg10[%swap3A_648, %swap3A_649] {strides = array<i32>} : memref<32x768xf32, #tpu.memory_space<vmem>>, vector<16xf32>,
        tpu.vector_store %arg10[%swap3A_648, %swap3A_649], %mul3A_647 {strides = array<i32>} : memref<32x768xf32, #tpu.memory_space<vmem>>, vector<16xf32>,
        %get3A_651 = arith.index_cast %scan3A_187 : i32 to index
        %get3A_652 = arith.constant 192 : index
        %get3A_653 = tpu.vector_load %arg10[%get3A_651, %get3A_652] {strides = array<i32>} : memref<32x768xf32, #tpu.memory_space<vmem>>, vector<16xf32>,
        %get3A_654 = arith.constant 192 : index
        %get3A_655 = tpu.vector_load %arg7[%get3A_654] {strides = array<i32>} : memref<768xf32, #tpu.memory_space<vmem>>, vector<16xf32>,
        %mul3A_656 = arith.mulf %get3A_653, %mul3A_518 : vector<16xf32>
        %sub3A_657 = arith.subf %mul3A_656, %mul3A_519 : vector<16xf32>
        %mul3A_658 = arith.mulf %sub3A_657, %get3A_655 : vector<16xf32>
        %swap3A_659 = arith.index_cast %scan3A_187 : i32 to index
        %swap3A_660 = arith.constant 192 : index
        %swap3A_661 = tpu.vector_load %arg10[%swap3A_659, %swap3A_660] {strides = array<i32>} : memref<32x768xf32, #tpu.memory_space<vmem>>, vector<16xf32>,
        tpu.vector_store %arg10[%swap3A_659, %swap3A_660], %mul3A_658 {strides = array<i32>} : memref<32x768xf32, #tpu.memory_space<vmem>>, vector<16xf32>,
        %get3A_662 = arith.index_cast %scan3A_187 : i32 to index
        %get3A_663 = arith.constant 208 : index
        %get3A_664 = tpu.vector_load %arg10[%get3A_662, %get3A_663] {strides = array<i32>} : memref<32x768xf32, #tpu.memory_space<vmem>>, vector<16xf32>,
        %get3A_665 = arith.constant 208 : index
        %get3A_666 = tpu.vector_load %arg7[%get3A_665] {strides = array<i32>} : memref<768xf32, #tpu.memory_space<vmem>>, vector<16xf32>,
        %mul3A_667 = arith.mulf %get3A_664, %mul3A_518 : vector<16xf32>
        %sub3A_668 = arith.subf %mul3A_667, %mul3A_519 : vector<16xf32>
        %mul3A_669 = arith.mulf %sub3A_668, %get3A_666 : vector<16xf32>
        %swap3A_670 = arith.index_cast %scan3A_187 : i32 to index
        %swap3A_671 = arith.constant 208 : index
        %swap3A_672 = tpu.vector_load %arg10[%swap3A_670, %swap3A_671] {strides = array<i32>} : memref<32x768xf32, #tpu.memory_space<vmem>>, vector<16xf32>,
        tpu.vector_store %arg10[%swap3A_670, %swap3A_671], %mul3A_669 {strides = array<i32>} : memref<32x768xf32, #tpu.memory_space<vmem>>, vector<16xf32>,
        %get3A_673 = arith.index_cast %scan3A_187 : i32 to index
        %get3A_674 = arith.constant 224 : index
        %get3A_675 = tpu.vector_load %arg10[%get3A_673, %get3A_674] {strides = array<i32>} : memref<32x768xf32, #tpu.memory_space<vmem>>, vector<16xf32>,
        %get3A_676 = arith.constant 224 : index
        %get3A_677 = tpu.vector_load %arg7[%get3A_676] {strides = array<i32>} : memref<768xf32, #tpu.memory_space<vmem>>, vector<16xf32>,
        %mul3A_678 = arith.mulf %get3A_675, %mul3A_518 : vector<16xf32>
        %sub3A_679 = arith.subf %mul3A_678, %mul3A_519 : vector<16xf32>
        %mul3A_680 = arith.mulf %sub3A_679, %get3A_677 : vector<16xf32>
        %swap3A_681 = arith.index_cast %scan3A_187 : i32 to index
        %swap3A_682 = arith.constant 224 : index
        %swap3A_683 = tpu.vector_load %arg10[%swap3A_681, %swap3A_682] {strides = array<i32>} : memref<32x768xf32, #tpu.memory_space<vmem>>, vector<16xf32>,
        tpu.vector_store %arg10[%swap3A_681, %swap3A_682], %mul3A_680 {strides = array<i32>} : memref<32x768xf32, #tpu.memory_space<vmem>>, vector<16xf32>,
        %get3A_684 = arith.index_cast %scan3A_187 : i32 to index
        %get3A_685 = arith.constant 240 : index
        %get3A_686 = tpu.vector_load %arg10[%get3A_684, %get3A_685] {strides = array<i32>} : memref<32x768xf32, #tpu.memory_space<vmem>>, vector<16xf32>,
        %get3A_687 = arith.constant 240 : index
        %get3A_688 = tpu.vector_load %arg7[%get3A_687] {strides = array<i32>} : memref<768xf32, #tpu.memory_space<vmem>>, vector<16xf32>,
        %mul3A_689 = arith.mulf %get3A_686, %mul3A_518 : vector<16xf32>
        %sub3A_690 = arith.subf %mul3A_689, %mul3A_519 : vector<16xf32>
        %mul3A_691 = arith.mulf %sub3A_690, %get3A_688 : vector<16xf32>
        %swap3A_692 = arith.index_cast %scan3A_187 : i32 to index
        %swap3A_693 = arith.constant 240 : index
        %swap3A_694 = tpu.vector_load %arg10[%swap3A_692, %swap3A_693] {strides = array<i32>} : memref<32x768xf32, #tpu.memory_space<vmem>>, vector<16xf32>,
        tpu.vector_store %arg10[%swap3A_692, %swap3A_693], %mul3A_691 {strides = array<i32>} : memref<32x768xf32, #tpu.memory_space<vmem>>, vector<16xf32>,
        %get3A_695 = arith.index_cast %scan3A_187 : i32 to index
        %get3A_696 = arith.constant 256 : index
        %get3A_697 = tpu.vector_load %arg10[%get3A_695, %get3A_696] {strides = array<i32>} : memref<32x768xf32, #tpu.memory_space<vmem>>, vector<16xf32>,
        %get3A_698 = arith.constant 256 : index
        %get3A_699 = tpu.vector_load %arg7[%get3A_698] {strides = array<i32>} : memref<768xf32, #tpu.memory_space<vmem>>, vector<16xf32>,
        %mul3A_700 = arith.mulf %get3A_697, %mul3A_518 : vector<16xf32>
        %sub3A_701 = arith.subf %mul3A_700, %mul3A_519 : vector<16xf32>
        %mul3A_702 = arith.mulf %sub3A_701, %get3A_699 : vector<16xf32>
        %swap3A_703 = arith.index_cast %scan3A_187 : i32 to index
        %swap3A_704 = arith.constant 256 : index
        %swap3A_705 = tpu.vector_load %arg10[%swap3A_703, %swap3A_704] {strides = array<i32>} : memref<32x768xf32, #tpu.memory_space<vmem>>, vector<16xf32>,
        tpu.vector_store %arg10[%swap3A_703, %swap3A_704], %mul3A_702 {strides = array<i32>} : memref<32x768xf32, #tpu.memory_space<vmem>>, vector<16xf32>,
        %get3A_706 = arith.index_cast %scan3A_187 : i32 to index
        %get3A_707 = arith.constant 272 : index
        %get3A_708 = tpu.vector_load %arg10[%get3A_706, %get3A_707] {strides = array<i32>} : memref<32x768xf32, #tpu.memory_space<vmem>>, vector<16xf32>,
        %get3A_709 = arith.constant 272 : index
        %get3A_710 = tpu.vector_load %arg7[%get3A_709] {strides = array<i32>} : memref<768xf32, #tpu.memory_space<vmem>>, vector<16xf32>,
        %mul3A_711 = arith.mulf %get3A_708, %mul3A_518 : vector<16xf32>
        %sub3A_712 = arith.subf %mul3A_711, %mul3A_519 : vector<16xf32>
        %mul3A_713 = arith.mulf %sub3A_712, %get3A_710 : vector<16xf32>
        %swap3A_714 = arith.index_cast %scan3A_187 : i32 to index
        %swap3A_715 = arith.constant 272 : index
        %swap3A_716 = tpu.vector_load %arg10[%swap3A_714, %swap3A_715] {strides = array<i32>} : memref<32x768xf32, #tpu.memory_space<vmem>>, vector<16xf32>,
        tpu.vector_store %arg10[%swap3A_714, %swap3A_715], %mul3A_713 {strides = array<i32>} : memref<32x768xf32, #tpu.memory_space<vmem>>, vector<16xf32>,
        %get3A_717 = arith.index_cast %scan3A_187 : i32 to index
        %get3A_718 = arith.constant 288 : index
        %get3A_719 = tpu.vector_load %arg10[%get3A_717, %get3A_718] {strides = array<i32>} : memref<32x768xf32, #tpu.memory_space<vmem>>, vector<16xf32>,
        %get3A_720 = arith.constant 288 : index
        %get3A_721 = tpu.vector_load %arg7[%get3A_720] {strides = array<i32>} : memref<768xf32, #tpu.memory_space<vmem>>, vector<16xf32>,
        %mul3A_722 = arith.mulf %get3A_719, %mul3A_518 : vector<16xf32>
        %sub3A_723 = arith.subf %mul3A_722, %mul3A_519 : vector<16xf32>
        %mul3A_724 = arith.mulf %sub3A_723, %get3A_721 : vector<16xf32>
        %swap3A_725 = arith.index_cast %scan3A_187 : i32 to index
        %swap3A_726 = arith.constant 288 : index
        %swap3A_727 = tpu.vector_load %arg10[%swap3A_725, %swap3A_726] {strides = array<i32>} : memref<32x768xf32, #tpu.memory_space<vmem>>, vector<16xf32>,
        tpu.vector_store %arg10[%swap3A_725, %swap3A_726], %mul3A_724 {strides = array<i32>} : memref<32x768xf32, #tpu.memory_space<vmem>>, vector<16xf32>,
        %get3A_728 = arith.index_cast %scan3A_187 : i32 to index
        %get3A_729 = arith.constant 304 : index
        %get3A_730 = tpu.vector_load %arg10[%get3A_728, %get3A_729] {strides = array<i32>} : memref<32x768xf32, #tpu.memory_space<vmem>>, vector<16xf32>,
        %get3A_731 = arith.constant 304 : index
        %get3A_732 = tpu.vector_load %arg7[%get3A_731] {strides = array<i32>} : memref<768xf32, #tpu.memory_space<vmem>>, vector<16xf32>,
        %mul3A_733 = arith.mulf %get3A_730, %mul3A_518 : vector<16xf32>
        %sub3A_734 = arith.subf %mul3A_733, %mul3A_519 : vector<16xf32>
        %mul3A_735 = arith.mulf %sub3A_734, %get3A_732 : vector<16xf32>
        %swap3A_736 = arith.index_cast %scan3A_187 : i32 to index
        %swap3A_737 = arith.constant 304 : index
        %swap3A_738 = tpu.vector_load %arg10[%swap3A_736, %swap3A_737] {strides = array<i32>} : memref<32x768xf32, #tpu.memory_space<vmem>>, vector<16xf32>,
        tpu.vector_store %arg10[%swap3A_736, %swap3A_737], %mul3A_735 {strides = array<i32>} : memref<32x768xf32, #tpu.memory_space<vmem>>, vector<16xf32>,
        %get3A_739 = arith.index_cast %scan3A_187 : i32 to index
        %get3A_740 = arith.constant 320 : index
        %get3A_741 = tpu.vector_load %arg10[%get3A_739, %get3A_740] {strides = array<i32>} : memref<32x768xf32, #tpu.memory_space<vmem>>, vector<16xf32>,
        %get3A_742 = arith.constant 320 : index
        %get3A_743 = tpu.vector_load %arg7[%get3A_742] {strides = array<i32>} : memref<768xf32, #tpu.memory_space<vmem>>, vector<16xf32>,
        %mul3A_744 = arith.mulf %get3A_741, %mul3A_518 : vector<16xf32>
        %sub3A_745 = arith.subf %mul3A_744, %mul3A_519 : vector<16xf32>
        %mul3A_746 = arith.mulf %sub3A_745, %get3A_743 : vector<16xf32>
        %swap3A_747 = arith.index_cast %scan3A_187 : i32 to index
        %swap3A_748 = arith.constant 320 : index
        %swap3A_749 = tpu.vector_load %arg10[%swap3A_747, %swap3A_748] {strides = array<i32>} : memref<32x768xf32, #tpu.memory_space<vmem>>, vector<16xf32>,
        tpu.vector_store %arg10[%swap3A_747, %swap3A_748], %mul3A_746 {strides = array<i32>} : memref<32x768xf32, #tpu.memory_space<vmem>>, vector<16xf32>,
        %get3A_750 = arith.index_cast %scan3A_187 : i32 to index
        %get3A_751 = arith.constant 336 : index
        %get3A_752 = tpu.vector_load %arg10[%get3A_750, %get3A_751] {strides = array<i32>} : memref<32x768xf32, #tpu.memory_space<vmem>>, vector<16xf32>,
        %get3A_753 = arith.constant 336 : index
        %get3A_754 = tpu.vector_load %arg7[%get3A_753] {strides = array<i32>} : memref<768xf32, #tpu.memory_space<vmem>>, vector<16xf32>,
        %mul3A_755 = arith.mulf %get3A_752, %mul3A_518 : vector<16xf32>
        %sub3A_756 = arith.subf %mul3A_755, %mul3A_519 : vector<16xf32>
        %mul3A_757 = arith.mulf %sub3A_756, %get3A_754 : vector<16xf32>
        %swap3A_758 = arith.index_cast %scan3A_187 : i32 to index
        %swap3A_759 = arith.constant 336 : index
        %swap3A_760 = tpu.vector_load %arg10[%swap3A_758, %swap3A_759] {strides = array<i32>} : memref<32x768xf32, #tpu.memory_space<vmem>>, vector<16xf32>,
        tpu.vector_store %arg10[%swap3A_758, %swap3A_759], %mul3A_757 {strides = array<i32>} : memref<32x768xf32, #tpu.memory_space<vmem>>, vector<16xf32>,
        %get3A_761 = arith.index_cast %scan3A_187 : i32 to index
        %get3A_762 = arith.constant 352 : index
        %get3A_763 = tpu.vector_load %arg10[%get3A_761, %get3A_762] {strides = array<i32>} : memref<32x768xf32, #tpu.memory_space<vmem>>, vector<16xf32>,
        %get3A_764 = arith.constant 352 : index
        %get3A_765 = tpu.vector_load %arg7[%get3A_764] {strides = array<i32>} : memref<768xf32, #tpu.memory_space<vmem>>, vector<16xf32>,
        %mul3A_766 = arith.mulf %get3A_763, %mul3A_518 : vector<16xf32>
        %sub3A_767 = arith.subf %mul3A_766, %mul3A_519 : vector<16xf32>
        %mul3A_768 = arith.mulf %sub3A_767, %get3A_765 : vector<16xf32>
        %swap3A_769 = arith.index_cast %scan3A_187 : i32 to index
        %swap3A_770 = arith.constant 352 : index
        %swap3A_771 = tpu.vector_load %arg10[%swap3A_769, %swap3A_770] {strides = array<i32>} : memref<32x768xf32, #tpu.memory_space<vmem>>, vector<16xf32>,
        tpu.vector_store %arg10[%swap3A_769, %swap3A_770], %mul3A_768 {strides = array<i32>} : memref<32x768xf32, #tpu.memory_space<vmem>>, vector<16xf32>,
        %get3A_772 = arith.index_cast %scan3A_187 : i32 to index
        %get3A_773 = arith.constant 368 : index
        %get3A_774 = tpu.vector_load %arg10[%get3A_772, %get3A_773] {strides = array<i32>} : memref<32x768xf32, #tpu.memory_space<vmem>>, vector<16xf32>,
        %get3A_775 = arith.constant 368 : index
        %get3A_776 = tpu.vector_load %arg7[%get3A_775] {strides = array<i32>} : memref<768xf32, #tpu.memory_space<vmem>>, vector<16xf32>,
        %mul3A_777 = arith.mulf %get3A_774, %mul3A_518 : vector<16xf32>
        %sub3A_778 = arith.subf %mul3A_777, %mul3A_519 : vector<16xf32>
        %mul3A_779 = arith.mulf %sub3A_778, %get3A_776 : vector<16xf32>
        %swap3A_780 = arith.index_cast %scan3A_187 : i32 to index
        %swap3A_781 = arith.constant 368 : index
        %swap3A_782 = tpu.vector_load %arg10[%swap3A_780, %swap3A_781] {strides = array<i32>} : memref<32x768xf32, #tpu.memory_space<vmem>>, vector<16xf32>,
        tpu.vector_store %arg10[%swap3A_780, %swap3A_781], %mul3A_779 {strides = array<i32>} : memref<32x768xf32, #tpu.memory_space<vmem>>, vector<16xf32>,
        %get3A_783 = arith.index_cast %scan3A_187 : i32 to index
        %get3A_784 = arith.constant 384 : index
        %get3A_785 = tpu.vector_load %arg10[%get3A_783, %get3A_784] {strides = array<i32>} : memref<32x768xf32, #tpu.memory_space<vmem>>, vector<16xf32>,
        %get3A_786 = arith.constant 384 : index
        %get3A_787 = tpu.vector_load %arg7[%get3A_786] {strides = array<i32>} : memref<768xf32, #tpu.memory_space<vmem>>, vector<16xf32>,
        %mul3A_788 = arith.mulf %get3A_785, %mul3A_518 : vector<16xf32>
        %sub3A_789 = arith.subf %mul3A_788, %mul3A_519 : vector<16xf32>
        %mul3A_790 = arith.mulf %sub3A_789, %get3A_787 : vector<16xf32>
        %swap3A_791 = arith.index_cast %scan3A_187 : i32 to index
        %swap3A_792 = arith.constant 384 : index
        %swap3A_793 = tpu.vector_load %arg10[%swap3A_791, %swap3A_792] {strides = array<i32>} : memref<32x768xf32, #tpu.memory_space<vmem>>, vector<16xf32>,
        tpu.vector_store %arg10[%swap3A_791, %swap3A_792], %mul3A_790 {strides = array<i32>} : memref<32x768xf32, #tpu.memory_space<vmem>>, vector<16xf32>,
        %get3A_794 = arith.index_cast %scan3A_187 : i32 to index
        %get3A_795 = arith.constant 400 : index
        %get3A_796 = tpu.vector_load %arg10[%get3A_794, %get3A_795] {strides = array<i32>} : memref<32x768xf32, #tpu.memory_space<vmem>>, vector<16xf32>,
        %get3A_797 = arith.constant 400 : index
        %get3A_798 = tpu.vector_load %arg7[%get3A_797] {strides = array<i32>} : memref<768xf32, #tpu.memory_space<vmem>>, vector<16xf32>,
        %mul3A_799 = arith.mulf %get3A_796, %mul3A_518 : vector<16xf32>
        %sub3A_800 = arith.subf %mul3A_799, %mul3A_519 : vector<16xf32>
        %mul3A_801 = arith.mulf %sub3A_800, %get3A_798 : vector<16xf32>
        %swap3A_802 = arith.index_cast %scan3A_187 : i32 to index
        %swap3A_803 = arith.constant 400 : index
        %swap3A_804 = tpu.vector_load %arg10[%swap3A_802, %swap3A_803] {strides = array<i32>} : memref<32x768xf32, #tpu.memory_space<vmem>>, vector<16xf32>,
        tpu.vector_store %arg10[%swap3A_802, %swap3A_803], %mul3A_801 {strides = array<i32>} : memref<32x768xf32, #tpu.memory_space<vmem>>, vector<16xf32>,
        %get3A_805 = arith.index_cast %scan3A_187 : i32 to index
        %get3A_806 = arith.constant 416 : index
        %get3A_807 = tpu.vector_load %arg10[%get3A_805, %get3A_806] {strides = array<i32>} : memref<32x768xf32, #tpu.memory_space<vmem>>, vector<16xf32>,
        %get3A_808 = arith.constant 416 : index
        %get3A_809 = tpu.vector_load %arg7[%get3A_808] {strides = array<i32>} : memref<768xf32, #tpu.memory_space<vmem>>, vector<16xf32>,
        %mul3A_810 = arith.mulf %get3A_807, %mul3A_518 : vector<16xf32>
        %sub3A_811 = arith.subf %mul3A_810, %mul3A_519 : vector<16xf32>
        %mul3A_812 = arith.mulf %sub3A_811, %get3A_809 : vector<16xf32>
        %swap3A_813 = arith.index_cast %scan3A_187 : i32 to index
        %swap3A_814 = arith.constant 416 : index
        %swap3A_815 = tpu.vector_load %arg10[%swap3A_813, %swap3A_814] {strides = array<i32>} : memref<32x768xf32, #tpu.memory_space<vmem>>, vector<16xf32>,
        tpu.vector_store %arg10[%swap3A_813, %swap3A_814], %mul3A_812 {strides = array<i32>} : memref<32x768xf32, #tpu.memory_space<vmem>>, vector<16xf32>,
        %get3A_816 = arith.index_cast %scan3A_187 : i32 to index
        %get3A_817 = arith.constant 432 : index
        %get3A_818 = tpu.vector_load %arg10[%get3A_816, %get3A_817] {strides = array<i32>} : memref<32x768xf32, #tpu.memory_space<vmem>>, vector<16xf32>,
        %get3A_819 = arith.constant 432 : index
        %get3A_820 = tpu.vector_load %arg7[%get3A_819] {strides = array<i32>} : memref<768xf32, #tpu.memory_space<vmem>>, vector<16xf32>,
        %mul3A_821 = arith.mulf %get3A_818, %mul3A_518 : vector<16xf32>
        %sub3A_822 = arith.subf %mul3A_821, %mul3A_519 : vector<16xf32>
        %mul3A_823 = arith.mulf %sub3A_822, %get3A_820 : vector<16xf32>
        %swap3A_824 = arith.index_cast %scan3A_187 : i32 to index
        %swap3A_825 = arith.constant 432 : index
        %swap3A_826 = tpu.vector_load %arg10[%swap3A_824, %swap3A_825] {strides = array<i32>} : memref<32x768xf32, #tpu.memory_space<vmem>>, vector<16xf32>,
        tpu.vector_store %arg10[%swap3A_824, %swap3A_825], %mul3A_823 {strides = array<i32>} : memref<32x768xf32, #tpu.memory_space<vmem>>, vector<16xf32>,
        %get3A_827 = arith.index_cast %scan3A_187 : i32 to index
        %get3A_828 = arith.constant 448 : index
        %get3A_829 = tpu.vector_load %arg10[%get3A_827, %get3A_828] {strides = array<i32>} : memref<32x768xf32, #tpu.memory_space<vmem>>, vector<16xf32>,
        %get3A_830 = arith.constant 448 : index
        %get3A_831 = tpu.vector_load %arg7[%get3A_830] {strides = array<i32>} : memref<768xf32, #tpu.memory_space<vmem>>, vector<16xf32>,
        %mul3A_832 = arith.mulf %get3A_829, %mul3A_518 : vector<16xf32>
        %sub3A_833 = arith.subf %mul3A_832, %mul3A_519 : vector<16xf32>
        %mul3A_834 = arith.mulf %sub3A_833, %get3A_831 : vector<16xf32>
        %swap3A_835 = arith.index_cast %scan3A_187 : i32 to index
        %swap3A_836 = arith.constant 448 : index
        %swap3A_837 = tpu.vector_load %arg10[%swap3A_835, %swap3A_836] {strides = array<i32>} : memref<32x768xf32, #tpu.memory_space<vmem>>, vector<16xf32>,
        tpu.vector_store %arg10[%swap3A_835, %swap3A_836], %mul3A_834 {strides = array<i32>} : memref<32x768xf32, #tpu.memory_space<vmem>>, vector<16xf32>,
        %get3A_838 = arith.index_cast %scan3A_187 : i32 to index
        %get3A_839 = arith.constant 464 : index
        %get3A_840 = tpu.vector_load %arg10[%get3A_838, %get3A_839] {strides = array<i32>} : memref<32x768xf32, #tpu.memory_space<vmem>>, vector<16xf32>,
        %get3A_841 = arith.constant 464 : index
        %get3A_842 = tpu.vector_load %arg7[%get3A_841] {strides = array<i32>} : memref<768xf32, #tpu.memory_space<vmem>>, vector<16xf32>,
        %mul3A_843 = arith.mulf %get3A_840, %mul3A_518 : vector<16xf32>
        %sub3A_844 = arith.subf %mul3A_843, %mul3A_519 : vector<16xf32>
        %mul3A_845 = arith.mulf %sub3A_844, %get3A_842 : vector<16xf32>
        %swap3A_846 = arith.index_cast %scan3A_187 : i32 to index
        %swap3A_847 = arith.constant 464 : index
        %swap3A_848 = tpu.vector_load %arg10[%swap3A_846, %swap3A_847] {strides = array<i32>} : memref<32x768xf32, #tpu.memory_space<vmem>>, vector<16xf32>,
        tpu.vector_store %arg10[%swap3A_846, %swap3A_847], %mul3A_845 {strides = array<i32>} : memref<32x768xf32, #tpu.memory_space<vmem>>, vector<16xf32>,
        %get3A_849 = arith.index_cast %scan3A_187 : i32 to index
        %get3A_850 = arith.constant 480 : index
        %get3A_851 = tpu.vector_load %arg10[%get3A_849, %get3A_850] {strides = array<i32>} : memref<32x768xf32, #tpu.memory_space<vmem>>, vector<16xf32>,
        %get3A_852 = arith.constant 480 : index
        %get3A_853 = tpu.vector_load %arg7[%get3A_852] {strides = array<i32>} : memref<768xf32, #tpu.memory_space<vmem>>, vector<16xf32>,
        %mul3A_854 = arith.mulf %get3A_851, %mul3A_518 : vector<16xf32>
        %sub3A_855 = arith.subf %mul3A_854, %mul3A_519 : vector<16xf32>
        %mul3A_856 = arith.mulf %sub3A_855, %get3A_853 : vector<16xf32>
        %swap3A_857 = arith.index_cast %scan3A_187 : i32 to index
        %swap3A_858 = arith.constant 480 : index
        %swap3A_859 = tpu.vector_load %arg10[%swap3A_857, %swap3A_858] {strides = array<i32>} : memref<32x768xf32, #tpu.memory_space<vmem>>, vector<16xf32>,
        tpu.vector_store %arg10[%swap3A_857, %swap3A_858], %mul3A_856 {strides = array<i32>} : memref<32x768xf32, #tpu.memory_space<vmem>>, vector<16xf32>,
        %get3A_860 = arith.index_cast %scan3A_187 : i32 to index
        %get3A_861 = arith.constant 496 : index
        %get3A_862 = tpu.vector_load %arg10[%get3A_860, %get3A_861] {strides = array<i32>} : memref<32x768xf32, #tpu.memory_space<vmem>>, vector<16xf32>,
        %get3A_863 = arith.constant 496 : index
        %get3A_864 = tpu.vector_load %arg7[%get3A_863] {strides = array<i32>} : memref<768xf32, #tpu.memory_space<vmem>>, vector<16xf32>,
        %mul3A_865 = arith.mulf %get3A_862, %mul3A_518 : vector<16xf32>
        %sub3A_866 = arith.subf %mul3A_865, %mul3A_519 : vector<16xf32>
        %mul3A_867 = arith.mulf %sub3A_866, %get3A_864 : vector<16xf32>
        %swap3A_868 = arith.index_cast %scan3A_187 : i32 to index
        %swap3A_869 = arith.constant 496 : index
        %swap3A_870 = tpu.vector_load %arg10[%swap3A_868, %swap3A_869] {strides = array<i32>} : memref<32x768xf32, #tpu.memory_space<vmem>>, vector<16xf32>,
        tpu.vector_store %arg10[%swap3A_868, %swap3A_869], %mul3A_867 {strides = array<i32>} : memref<32x768xf32, #tpu.memory_space<vmem>>, vector<16xf32>,
        %get3A_871 = arith.index_cast %scan3A_187 : i32 to index
        %get3A_872 = arith.constant 512 : index
        %get3A_873 = tpu.vector_load %arg10[%get3A_871, %get3A_872] {strides = array<i32>} : memref<32x768xf32, #tpu.memory_space<vmem>>, vector<16xf32>,
        %get3A_874 = arith.constant 512 : index
        %get3A_875 = tpu.vector_load %arg7[%get3A_874] {strides = array<i32>} : memref<768xf32, #tpu.memory_space<vmem>>, vector<16xf32>,
        %mul3A_876 = arith.mulf %get3A_873, %mul3A_518 : vector<16xf32>
        %sub3A_877 = arith.subf %mul3A_876, %mul3A_519 : vector<16xf32>
        %mul3A_878 = arith.mulf %sub3A_877, %get3A_875 : vector<16xf32>
        %swap3A_879 = arith.index_cast %scan3A_187 : i32 to index
        %swap3A_880 = arith.constant 512 : index
        %swap3A_881 = tpu.vector_load %arg10[%swap3A_879, %swap3A_880] {strides = array<i32>} : memref<32x768xf32, #tpu.memory_space<vmem>>, vector<16xf32>,
        tpu.vector_store %arg10[%swap3A_879, %swap3A_880], %mul3A_878 {strides = array<i32>} : memref<32x768xf32, #tpu.memory_space<vmem>>, vector<16xf32>,
        %get3A_882 = arith.index_cast %scan3A_187 : i32 to index
        %get3A_883 = arith.constant 528 : index
        %get3A_884 = tpu.vector_load %arg10[%get3A_882, %get3A_883] {strides = array<i32>} : memref<32x768xf32, #tpu.memory_space<vmem>>, vector<16xf32>,
        %get3A_885 = arith.constant 528 : index
        %get3A_886 = tpu.vector_load %arg7[%get3A_885] {strides = array<i32>} : memref<768xf32, #tpu.memory_space<vmem>>, vector<16xf32>,
        %mul3A_887 = arith.mulf %get3A_884, %mul3A_518 : vector<16xf32>
        %sub3A_888 = arith.subf %mul3A_887, %mul3A_519 : vector<16xf32>
        %mul3A_889 = arith.mulf %sub3A_888, %get3A_886 : vector<16xf32>
        %swap3A_890 = arith.index_cast %scan3A_187 : i32 to index
        %swap3A_891 = arith.constant 528 : index
        %swap3A_892 = tpu.vector_load %arg10[%swap3A_890, %swap3A_891] {strides = array<i32>} : memref<32x768xf32, #tpu.memory_space<vmem>>, vector<16xf32>,
        tpu.vector_store %arg10[%swap3A_890, %swap3A_891], %mul3A_889 {strides = array<i32>} : memref<32x768xf32, #tpu.memory_space<vmem>>, vector<16xf32>,
        %get3A_893 = arith.index_cast %scan3A_187 : i32 to index
        %get3A_894 = arith.constant 544 : index
        %get3A_895 = tpu.vector_load %arg10[%get3A_893, %get3A_894] {strides = array<i32>} : memref<32x768xf32, #tpu.memory_space<vmem>>, vector<16xf32>,
        %get3A_896 = arith.constant 544 : index
        %get3A_897 = tpu.vector_load %arg7[%get3A_896] {strides = array<i32>} : memref<768xf32, #tpu.memory_space<vmem>>, vector<16xf32>,
        %mul3A_898 = arith.mulf %get3A_895, %mul3A_518 : vector<16xf32>
        %sub3A_899 = arith.subf %mul3A_898, %mul3A_519 : vector<16xf32>
        %mul3A_900 = arith.mulf %sub3A_899, %get3A_897 : vector<16xf32>
        %swap3A_901 = arith.index_cast %scan3A_187 : i32 to index
        %swap3A_902 = arith.constant 544 : index
        %swap3A_903 = tpu.vector_load %arg10[%swap3A_901, %swap3A_902] {strides = array<i32>} : memref<32x768xf32, #tpu.memory_space<vmem>>, vector<16xf32>,
        tpu.vector_store %arg10[%swap3A_901, %swap3A_902], %mul3A_900 {strides = array<i32>} : memref<32x768xf32, #tpu.memory_space<vmem>>, vector<16xf32>,
        %get3A_904 = arith.index_cast %scan3A_187 : i32 to index
        %get3A_905 = arith.constant 560 : index
        %get3A_906 = tpu.vector_load %arg10[%get3A_904, %get3A_905] {strides = array<i32>} : memref<32x768xf32, #tpu.memory_space<vmem>>, vector<16xf32>,
        %get3A_907 = arith.constant 560 : index
        %get3A_908 = tpu.vector_load %arg7[%get3A_907] {strides = array<i32>} : memref<768xf32, #tpu.memory_space<vmem>>, vector<16xf32>,
        %mul3A_909 = arith.mulf %get3A_906, %mul3A_518 : vector<16xf32>
        %sub3A_910 = arith.subf %mul3A_909, %mul3A_519 : vector<16xf32>
        %mul3A_911 = arith.mulf %sub3A_910, %get3A_908 : vector<16xf32>
        %swap3A_912 = arith.index_cast %scan3A_187 : i32 to index
        %swap3A_913 = arith.constant 560 : index
        %swap3A_914 = tpu.vector_load %arg10[%swap3A_912, %swap3A_913] {strides = array<i32>} : memref<32x768xf32, #tpu.memory_space<vmem>>, vector<16xf32>,
        tpu.vector_store %arg10[%swap3A_912, %swap3A_913], %mul3A_911 {strides = array<i32>} : memref<32x768xf32, #tpu.memory_space<vmem>>, vector<16xf32>,
        %get3A_915 = arith.index_cast %scan3A_187 : i32 to index
        %get3A_916 = arith.constant 576 : index
        %get3A_917 = tpu.vector_load %arg10[%get3A_915, %get3A_916] {strides = array<i32>} : memref<32x768xf32, #tpu.memory_space<vmem>>, vector<16xf32>,
        %get3A_918 = arith.constant 576 : index
        %get3A_919 = tpu.vector_load %arg7[%get3A_918] {strides = array<i32>} : memref<768xf32, #tpu.memory_space<vmem>>, vector<16xf32>,
        %mul3A_920 = arith.mulf %get3A_917, %mul3A_518 : vector<16xf32>
        %sub3A_921 = arith.subf %mul3A_920, %mul3A_519 : vector<16xf32>
        %mul3A_922 = arith.mulf %sub3A_921, %get3A_919 : vector<16xf32>
        %swap3A_923 = arith.index_cast %scan3A_187 : i32 to index
        %swap3A_924 = arith.constant 576 : index
        %swap3A_925 = tpu.vector_load %arg10[%swap3A_923, %swap3A_924] {strides = array<i32>} : memref<32x768xf32, #tpu.memory_space<vmem>>, vector<16xf32>,
        tpu.vector_store %arg10[%swap3A_923, %swap3A_924], %mul3A_922 {strides = array<i32>} : memref<32x768xf32, #tpu.memory_space<vmem>>, vector<16xf32>,
        %get3A_926 = arith.index_cast %scan3A_187 : i32 to index
        %get3A_927 = arith.constant 592 : index
        %get3A_928 = tpu.vector_load %arg10[%get3A_926, %get3A_927] {strides = array<i32>} : memref<32x768xf32, #tpu.memory_space<vmem>>, vector<16xf32>,
        %get3A_929 = arith.constant 592 : index
        %get3A_930 = tpu.vector_load %arg7[%get3A_929] {strides = array<i32>} : memref<768xf32, #tpu.memory_space<vmem>>, vector<16xf32>,
        %mul3A_931 = arith.mulf %get3A_928, %mul3A_518 : vector<16xf32>
        %sub3A_932 = arith.subf %mul3A_931, %mul3A_519 : vector<16xf32>
        %mul3A_933 = arith.mulf %sub3A_932, %get3A_930 : vector<16xf32>
        %swap3A_934 = arith.index_cast %scan3A_187 : i32 to index
        %swap3A_935 = arith.constant 592 : index
        %swap3A_936 = tpu.vector_load %arg10[%swap3A_934, %swap3A_935] {strides = array<i32>} : memref<32x768xf32, #tpu.memory_space<vmem>>, vector<16xf32>,
        tpu.vector_store %arg10[%swap3A_934, %swap3A_935], %mul3A_933 {strides = array<i32>} : memref<32x768xf32, #tpu.memory_space<vmem>>, vector<16xf32>,
        %get3A_937 = arith.index_cast %scan3A_187 : i32 to index
        %get3A_938 = arith.constant 608 : index
        %get3A_939 = tpu.vector_load %arg10[%get3A_937, %get3A_938] {strides = array<i32>} : memref<32x768xf32, #tpu.memory_space<vmem>>, vector<16xf32>,
        %get3A_940 = arith.constant 608 : index
        %get3A_941 = tpu.vector_load %arg7[%get3A_940] {strides = array<i32>} : memref<768xf32, #tpu.memory_space<vmem>>, vector<16xf32>,
        %mul3A_942 = arith.mulf %get3A_939, %mul3A_518 : vector<16xf32>
        %sub3A_943 = arith.subf %mul3A_942, %mul3A_519 : vector<16xf32>
        %mul3A_944 = arith.mulf %sub3A_943, %get3A_941 : vector<16xf32>
        %swap3A_945 = arith.index_cast %scan3A_187 : i32 to index
        %swap3A_946 = arith.constant 608 : index
        %swap3A_947 = tpu.vector_load %arg10[%swap3A_945, %swap3A_946] {strides = array<i32>} : memref<32x768xf32, #tpu.memory_space<vmem>>, vector<16xf32>,
        tpu.vector_store %arg10[%swap3A_945, %swap3A_946], %mul3A_944 {strides = array<i32>} : memref<32x768xf32, #tpu.memory_space<vmem>>, vector<16xf32>,
        %get3A_948 = arith.index_cast %scan3A_187 : i32 to index
        %get3A_949 = arith.constant 624 : index
        %get3A_950 = tpu.vector_load %arg10[%get3A_948, %get3A_949] {strides = array<i32>} : memref<32x768xf32, #tpu.memory_space<vmem>>, vector<16xf32>,
        %get3A_951 = arith.constant 624 : index
        %get3A_952 = tpu.vector_load %arg7[%get3A_951] {strides = array<i32>} : memref<768xf32, #tpu.memory_space<vmem>>, vector<16xf32>,
        %mul3A_953 = arith.mulf %get3A_950, %mul3A_518 : vector<16xf32>
        %sub3A_954 = arith.subf %mul3A_953, %mul3A_519 : vector<16xf32>
        %mul3A_955 = arith.mulf %sub3A_954, %get3A_952 : vector<16xf32>
        %swap3A_956 = arith.index_cast %scan3A_187 : i32 to index
        %swap3A_957 = arith.constant 624 : index
        %swap3A_958 = tpu.vector_load %arg10[%swap3A_956, %swap3A_957] {strides = array<i32>} : memref<32x768xf32, #tpu.memory_space<vmem>>, vector<16xf32>,
        tpu.vector_store %arg10[%swap3A_956, %swap3A_957], %mul3A_955 {strides = array<i32>} : memref<32x768xf32, #tpu.memory_space<vmem>>, vector<16xf32>,
        %get3A_959 = arith.index_cast %scan3A_187 : i32 to index
        %get3A_960 = arith.constant 640 : index
        %get3A_961 = tpu.vector_load %arg10[%get3A_959, %get3A_960] {strides = array<i32>} : memref<32x768xf32, #tpu.memory_space<vmem>>, vector<16xf32>,
        %get3A_962 = arith.constant 640 : index
        %get3A_963 = tpu.vector_load %arg7[%get3A_962] {strides = array<i32>} : memref<768xf32, #tpu.memory_space<vmem>>, vector<16xf32>,
        %mul3A_964 = arith.mulf %get3A_961, %mul3A_518 : vector<16xf32>
        %sub3A_965 = arith.subf %mul3A_964, %mul3A_519 : vector<16xf32>
        %mul3A_966 = arith.mulf %sub3A_965, %get3A_963 : vector<16xf32>
        %swap3A_967 = arith.index_cast %scan3A_187 : i32 to index
        %swap3A_968 = arith.constant 640 : index
        %swap3A_969 = tpu.vector_load %arg10[%swap3A_967, %swap3A_968] {strides = array<i32>} : memref<32x768xf32, #tpu.memory_space<vmem>>, vector<16xf32>,
        tpu.vector_store %arg10[%swap3A_967, %swap3A_968], %mul3A_966 {strides = array<i32>} : memref<32x768xf32, #tpu.memory_space<vmem>>, vector<16xf32>,
        %get3A_970 = arith.index_cast %scan3A_187 : i32 to index
        %get3A_971 = arith.constant 656 : index
        %get3A_972 = tpu.vector_load %arg10[%get3A_970, %get3A_971] {strides = array<i32>} : memref<32x768xf32, #tpu.memory_space<vmem>>, vector<16xf32>,
        %get3A_973 = arith.constant 656 : index
        %get3A_974 = tpu.vector_load %arg7[%get3A_973] {strides = array<i32>} : memref<768xf32, #tpu.memory_space<vmem>>, vector<16xf32>,
        %mul3A_975 = arith.mulf %get3A_972, %mul3A_518 : vector<16xf32>
        %sub3A_976 = arith.subf %mul3A_975, %mul3A_519 : vector<16xf32>
        %mul3A_977 = arith.mulf %sub3A_976, %get3A_974 : vector<16xf32>
        %swap3A_978 = arith.index_cast %scan3A_187 : i32 to index
        %swap3A_979 = arith.constant 656 : index
        %swap3A_980 = tpu.vector_load %arg10[%swap3A_978, %swap3A_979] {strides = array<i32>} : memref<32x768xf32, #tpu.memory_space<vmem>>, vector<16xf32>,
        tpu.vector_store %arg10[%swap3A_978, %swap3A_979], %mul3A_977 {strides = array<i32>} : memref<32x768xf32, #tpu.memory_space<vmem>>, vector<16xf32>,
        %get3A_981 = arith.index_cast %scan3A_187 : i32 to index
        %get3A_982 = arith.constant 672 : index
        %get3A_983 = tpu.vector_load %arg10[%get3A_981, %get3A_982] {strides = array<i32>} : memref<32x768xf32, #tpu.memory_space<vmem>>, vector<16xf32>,
        %get3A_984 = arith.constant 672 : index
        %get3A_985 = tpu.vector_load %arg7[%get3A_984] {strides = array<i32>} : memref<768xf32, #tpu.memory_space<vmem>>, vector<16xf32>,
        %mul3A_986 = arith.mulf %get3A_983, %mul3A_518 : vector<16xf32>
        %sub3A_987 = arith.subf %mul3A_986, %mul3A_519 : vector<16xf32>
        %mul3A_988 = arith.mulf %sub3A_987, %get3A_985 : vector<16xf32>
        %swap3A_989 = arith.index_cast %scan3A_187 : i32 to index
        %swap3A_990 = arith.constant 672 : index
        %swap3A_991 = tpu.vector_load %arg10[%swap3A_989, %swap3A_990] {strides = array<i32>} : memref<32x768xf32, #tpu.memory_space<vmem>>, vector<16xf32>,
        tpu.vector_store %arg10[%swap3A_989, %swap3A_990], %mul3A_988 {strides = array<i32>} : memref<32x768xf32, #tpu.memory_space<vmem>>, vector<16xf32>,
        %get3A_992 = arith.index_cast %scan3A_187 : i32 to index
        %get3A_993 = arith.constant 688 : index
        %get3A_994 = tpu.vector_load %arg10[%get3A_992, %get3A_993] {strides = array<i32>} : memref<32x768xf32, #tpu.memory_space<vmem>>, vector<16xf32>,
        %get3A_995 = arith.constant 688 : index
        %get3A_996 = tpu.vector_load %arg7[%get3A_995] {strides = array<i32>} : memref<768xf32, #tpu.memory_space<vmem>>, vector<16xf32>,
        %mul3A_997 = arith.mulf %get3A_994, %mul3A_518 : vector<16xf32>
        %sub3A_998 = arith.subf %mul3A_997, %mul3A_519 : vector<16xf32>
        %mul3A_999 = arith.mulf %sub3A_998, %get3A_996 : vector<16xf32>
        %swap3A_1000 = arith.index_cast %scan3A_187 : i32 to index
        %swap3A_1001 = arith.constant 688 : index
        %swap3A_1002 = tpu.vector_load %arg10[%swap3A_1000, %swap3A_1001] {strides = array<i32>} : memref<32x768xf32, #tpu.memory_space<vmem>>, vector<16xf32>,
        tpu.vector_store %arg10[%swap3A_1000, %swap3A_1001], %mul3A_999 {strides = array<i32>} : memref<32x768xf32, #tpu.memory_space<vmem>>, vector<16xf32>,
        %get3A_1003 = arith.index_cast %scan3A_187 : i32 to index
        %get3A_1004 = arith.constant 704 : index
        %get3A_1005 = tpu.vector_load %arg10[%get3A_1003, %get3A_1004] {strides = array<i32>} : memref<32x768xf32, #tpu.memory_space<vmem>>, vector<16xf32>,
        %get3A_1006 = arith.constant 704 : index
        %get3A_1007 = tpu.vector_load %arg7[%get3A_1006] {strides = array<i32>} : memref<768xf32, #tpu.memory_space<vmem>>, vector<16xf32>,
        %mul3A_1008 = arith.mulf %get3A_1005, %mul3A_518 : vector<16xf32>
        %sub3A_1009 = arith.subf %mul3A_1008, %mul3A_519 : vector<16xf32>
        %mul3A_1010 = arith.mulf %sub3A_1009, %get3A_1007 : vector<16xf32>
        %swap3A_1011 = arith.index_cast %scan3A_187 : i32 to index
        %swap3A_1012 = arith.constant 704 : index
        %swap3A_1013 = tpu.vector_load %arg10[%swap3A_1011, %swap3A_1012] {strides = array<i32>} : memref<32x768xf32, #tpu.memory_space<vmem>>, vector<16xf32>,
        tpu.vector_store %arg10[%swap3A_1011, %swap3A_1012], %mul3A_1010 {strides = array<i32>} : memref<32x768xf32, #tpu.memory_space<vmem>>, vector<16xf32>,
        %get3A_1014 = arith.index_cast %scan3A_187 : i32 to index
        %get3A_1015 = arith.constant 720 : index
        %get3A_1016 = tpu.vector_load %arg10[%get3A_1014, %get3A_1015] {strides = array<i32>} : memref<32x768xf32, #tpu.memory_space<vmem>>, vector<16xf32>,
        %get3A_1017 = arith.constant 720 : index
        %get3A_1018 = tpu.vector_load %arg7[%get3A_1017] {strides = array<i32>} : memref<768xf32, #tpu.memory_space<vmem>>, vector<16xf32>,
        %mul3A_1019 = arith.mulf %get3A_1016, %mul3A_518 : vector<16xf32>
        %sub3A_1020 = arith.subf %mul3A_1019, %mul3A_519 : vector<16xf32>
        %mul3A_1021 = arith.mulf %sub3A_1020, %get3A_1018 : vector<16xf32>
        %swap3A_1022 = arith.index_cast %scan3A_187 : i32 to index
        %swap3A_1023 = arith.constant 720 : index
        %swap3A_1024 = tpu.vector_load %arg10[%swap3A_1022, %swap3A_1023] {strides = array<i32>} : memref<32x768xf32, #tpu.memory_space<vmem>>, vector<16xf32>,
        tpu.vector_store %arg10[%swap3A_1022, %swap3A_1023], %mul3A_1021 {strides = array<i32>} : memref<32x768xf32, #tpu.memory_space<vmem>>, vector<16xf32>,
        %get3A_1025 = arith.index_cast %scan3A_187 : i32 to index
        %get3A_1026 = arith.constant 736 : index
        %get3A_1027 = tpu.vector_load %arg10[%get3A_1025, %get3A_1026] {strides = array<i32>} : memref<32x768xf32, #tpu.memory_space<vmem>>, vector<16xf32>,
        %get3A_1028 = arith.constant 736 : index
        %get3A_1029 = tpu.vector_load %arg7[%get3A_1028] {strides = array<i32>} : memref<768xf32, #tpu.memory_space<vmem>>, vector<16xf32>,
        %mul3A_1030 = arith.mulf %get3A_1027, %mul3A_518 : vector<16xf32>
        %sub3A_1031 = arith.subf %mul3A_1030, %mul3A_519 : vector<16xf32>
        %mul3A_1032 = arith.mulf %sub3A_1031, %get3A_1029 : vector<16xf32>
        %swap3A_1033 = arith.index_cast %scan3A_187 : i32 to index
        %swap3A_1034 = arith.constant 736 : index
        %swap3A_1035 = tpu.vector_load %arg10[%swap3A_1033, %swap3A_1034] {strides = array<i32>} : memref<32x768xf32, #tpu.memory_space<vmem>>, vector<16xf32>,
        tpu.vector_store %arg10[%swap3A_1033, %swap3A_1034], %mul3A_1032 {strides = array<i32>} : memref<32x768xf32, #tpu.memory_space<vmem>>, vector<16xf32>,
        %get3A_1036 = arith.index_cast %scan3A_187 : i32 to index
        %get3A_1037 = arith.constant 752 : index
        %get3A_1038 = tpu.vector_load %arg10[%get3A_1036, %get3A_1037] {strides = array<i32>} : memref<32x768xf32, #tpu.memory_space<vmem>>, vector<16xf32>,
        %get3A_1039 = arith.constant 752 : index
        %get3A_1040 = tpu.vector_load %arg7[%get3A_1039] {strides = array<i32>} : memref<768xf32, #tpu.memory_space<vmem>>, vector<16xf32>,
        %mul3A_1041 = arith.mulf %get3A_1038, %mul3A_518 : vector<16xf32>
        %sub3A_1042 = arith.subf %mul3A_1041, %mul3A_519 : vector<16xf32>
        %mul3A_1043 = arith.mulf %sub3A_1042, %get3A_1040 : vector<16xf32>
        %swap3A_1044 = arith.index_cast %scan3A_187 : i32 to index
        %swap3A_1045 = arith.constant 752 : index
        %swap3A_1046 = tpu.vector_load %arg10[%swap3A_1044, %swap3A_1045] {strides = array<i32>} : memref<32x768xf32, #tpu.memory_space<vmem>>, vector<16xf32>,
        tpu.vector_store %arg10[%swap3A_1044, %swap3A_1045], %mul3A_1043 {strides = array<i32>} : memref<32x768xf32, #tpu.memory_space<vmem>>, vector<16xf32>,
        %scan3A_1047 = arith.constant 0 : i32
        scf.yield %scan3A_1047 : i32
      }
      %scan3A_141 = arith.constant 32 : i32
      %mul3A_142 = arith.constant 32 : i32
      %mul3A_143 = arith.muli %add3A_115, %mul3A_142 : i32
      %add3A_144 = arith.addi %mul3A_2, %mul3A_143 : i32
      %dma_start3A_145 = arith.constant 0 : i32
      %dma_start3A_146 = tpu.memref_slice %arg5[%add3A_144, %dma_start3A_145] : memref<32768x768xf32, #tpu.memory_space<hbm>> -> memref<32x768xf32, #tpu.memory_space<hbm>>
      %dma_start3A_147 = arith.constant 0 : i32
      %dma_start3A_148 = tpu.memref_slice %arg5[%add3A_144, %dma_start3A_147] : memref<32768x768xf32, #tpu.memory_space<hbm>> -> memref<32x768xf32, #tpu.memory_space<hbm>>
      tpu.enqueue_dma source(%arg10 : memref<32x768xf32, #tpu.memory_space<vmem>>) target(%dma_start3A_148 : memref<32x768xf32, #tpu.memory_space<hbm>>) target_semaphore(%arg18 : memref<!tpu.dma_semaphore, #tpu.memory_space<semaphore_mem>>)
      %mul3A_149 = arith.constant 4 : i32
      %mul3A_150 = arith.muli %scan3A_41, %mul3A_149 : i32
      %add3A_151 = arith.constant 3 : i32
      %add3A_152 = arith.addi %mul3A_150, %add3A_151 : i32
      %add3A_153 = arith.constant 2 : i32
      %add3A_154 = arith.addi %add3A_152, %add3A_153 : i32
      %lt3A_155 = arith.constant 32 : i32
      %lt3A_156 = arith.cmpi slt, %add3A_154, %lt3A_155 : i32
      %ge3A_157 = arith.constant 2 : i32
      %ge3A_158 = arith.cmpi sge, %add3A_152, %ge3A_157 : i32
      %and3A_159 = arith.andi %lt3A_156, %ge3A_158 : i1
      %convert_element_type3A_160 = arith.extui %and3A_159 : i1 to i32
      %cond3A_161 = arith.constant 0 : i32
      %cond3A_162 = arith.cmpi ne, %convert_element_type3A_160, %cond3A_161 : i32
      scf.if %cond3A_162 {
        %dma_wait3A_187 = arith.constant 0 : i32
        %dma_wait3A_188 = arith.constant 0 : i32
        %dma_wait3A_189 = tpu.memref_slice %arg5[%dma_wait3A_187, %dma_wait3A_188] : memref<32768x768xf32, #tpu.memory_space<hbm>> -> memref<32x768xf32, #tpu.memory_space<hbm>>
        %dma_wait3A_190 = arith.constant 0 : i32
        %dma_wait3A_191 = arith.constant 0 : i32
        %dma_wait3A_192 = tpu.memref_slice %arg5[%dma_wait3A_190, %dma_wait3A_191] : memref<32768x768xf32, #tpu.memory_space<hbm>> -> memref<32x768xf32, #tpu.memory_space<hbm>>
        tpu.wait_dma2 semaphore(%arg17 : memref<!tpu.dma_semaphore, #tpu.memory_space<semaphore_mem>>) src(%arg9 : memref<32x768xf32, #tpu.memory_space<vmem>>) dst(%dma_wait3A_192 : memref<32x768xf32, #tpu.memory_space<hbm>>)
      } else {
      }
      %convert_element_type3A_163 = arith.extui %lt3A_156 : i1 to i32
      %cond3A_164 = arith.constant 0 : i32
      %cond3A_165 = arith.cmpi ne, %convert_element_type3A_163, %cond3A_164 : i32
      scf.if %cond3A_165 {
        %add3A_187 = arith.constant 2 : i32
        %add3A_188 = arith.addi %add3A_152, %add3A_187 : i32
        %mul3A_189 = arith.constant 32 : i32
        %mul3A_190 = arith.muli %add3A_188, %mul3A_189 : i32
        %dma_start3A_191 = tpu.memref_slice %arg6[%mul3A_190] : memref<1024xi32, #tpu.memory_space<vmem>> -> memref<32xi32, #tpu.memory_space<vmem>>
        %dma_start3A_192 = arith.constant 0 : i32
        %dma_start3A_193 = arith.constant 0 : i32
        %dma_start3A_194 = tpu.memref_slice %arg3[%dma_start3A_192, %dma_start3A_193] : memref<50368x768xf32, #tpu.memory_space<hbm>> -> memref<50368x768xf32, #tpu.memory_space<hbm>>
        tpu.enqueue_indirect_dma source(%dma_start3A_194 : memref<50368x768xf32, #tpu.memory_space<hbm>>) target(%arg9 : memref<32x768xf32, #tpu.memory_space<vmem>>) offsets(%dma_start3A_191 : memref<32xi32, #tpu.memory_space<vmem>>) semaphore(%arg13 : memref<!tpu.dma_semaphore, #tpu.memory_space<semaphore_mem>>)
      } else {
      }
      %dma_wait3A_166 = arith.constant 0 : i32
      %dma_wait3A_167 = arith.constant 0 : i32
      %dma_wait3A_168 = tpu.memref_slice %arg3[%dma_wait3A_166, %dma_wait3A_167] : memref<50368x768xf32, #tpu.memory_space<hbm>> -> memref<32x768xf32, #tpu.memory_space<hbm>>
      %dma_wait3A_169 = arith.constant 0 : i32
      %dma_wait3A_170 = arith.constant 0 : i32
      %dma_wait3A_171 = tpu.memref_slice %arg3[%dma_wait3A_169, %dma_wait3A_170] : memref<50368x768xf32, #tpu.memory_space<hbm>> -> memref<32x768xf32, #tpu.memory_space<hbm>>
      tpu.wait_dma2 semaphore(%arg15 : memref<!tpu.dma_semaphore, #tpu.memory_space<semaphore_mem>>) src(%dma_wait3A_171 : memref<32x768xf32, #tpu.memory_space<hbm>>) dst(%arg11 : memref<32x768xf32, #tpu.memory_space<vmem>>)
      %scan3A_172 = arith.constant 0 : i32
      %scan3A_173 = arith.constant 0 : i32
      %scan3A_174 = arith.constant 32 : i32
      %scan3A_175 = arith.addi %scan3A_173, %scan3A_174 : i32
      %scan3A_176 = arith.constant 1 : i32
      %scan3A_177 = scf.for %scan3A_187 = %scan3A_173 to %scan3A_175 step %scan3A_176 iter_args(%scan3A_188 = %scan3A_172) -> (i32)  : i32 {
        %get3A = arith.index_cast %scan3A_187 : i32 to index
        %get3A_189 = arith.constant 0 : index
        %get3A_190 = tpu.vector_load %arg11[%get3A, %get3A_189] {strides = array<i32>} : memref<32x768xf32, #tpu.memory_space<vmem>>, vector<16xf32>,
        %mul3A_191 = arith.mulf %get3A_190, %get3A_190 : vector<16xf32>
        %get3A_192 = arith.index_cast %scan3A_187 : i32 to index
        %get3A_193 = arith.constant 16 : index
        %get3A_194 = tpu.vector_load %arg11[%get3A_192, %get3A_193] {strides = array<i32>} : memref<32x768xf32, #tpu.memory_space<vmem>>, vector<16xf32>,
        %mul3A_195 = arith.mulf %get3A_194, %get3A_194 : vector<16xf32>
        %get3A_196 = arith.index_cast %scan3A_187 : i32 to index
        %get3A_197 = arith.constant 32 : index
        %get3A_198 = tpu.vector_load %arg11[%get3A_196, %get3A_197] {strides = array<i32>} : memref<32x768xf32, #tpu.memory_space<vmem>>, vector<16xf32>,
        %mul3A_199 = arith.mulf %get3A_198, %get3A_198 : vector<16xf32>
        %get3A_200 = arith.index_cast %scan3A_187 : i32 to index
        %get3A_201 = arith.constant 48 : index
        %get3A_202 = tpu.vector_load %arg11[%get3A_200, %get3A_201] {strides = array<i32>} : memref<32x768xf32, #tpu.memory_space<vmem>>, vector<16xf32>,
        %mul3A_203 = arith.mulf %get3A_202, %get3A_202 : vector<16xf32>
        %get3A_204 = arith.index_cast %scan3A_187 : i32 to index
        %get3A_205 = arith.constant 64 : index
        %get3A_206 = tpu.vector_load %arg11[%get3A_204, %get3A_205] {strides = array<i32>} : memref<32x768xf32, #tpu.memory_space<vmem>>, vector<16xf32>,
        %mul3A_207 = arith.mulf %get3A_206, %get3A_206 : vector<16xf32>
        %get3A_208 = arith.index_cast %scan3A_187 : i32 to index
        %get3A_209 = arith.constant 80 : index
        %get3A_210 = tpu.vector_load %arg11[%get3A_208, %get3A_209] {strides = array<i32>} : memref<32x768xf32, #tpu.memory_space<vmem>>, vector<16xf32>,
        %mul3A_211 = arith.mulf %get3A_210, %get3A_210 : vector<16xf32>
        %get3A_212 = arith.index_cast %scan3A_187 : i32 to index
        %get3A_213 = arith.constant 96 : index
        %get3A_214 = tpu.vector_load %arg11[%get3A_212, %get3A_213] {strides = array<i32>} : memref<32x768xf32, #tpu.memory_space<vmem>>, vector<16xf32>,
        %mul3A_215 = arith.mulf %get3A_214, %get3A_214 : vector<16xf32>
        %get3A_216 = arith.index_cast %scan3A_187 : i32 to index
        %get3A_217 = arith.constant 112 : index
        %get3A_218 = tpu.vector_load %arg11[%get3A_216, %get3A_217] {strides = array<i32>} : memref<32x768xf32, #tpu.memory_space<vmem>>, vector<16xf32>,
        %mul3A_219 = arith.mulf %get3A_218, %get3A_218 : vector<16xf32>
        %get3A_220 = arith.index_cast %scan3A_187 : i32 to index
        %get3A_221 = arith.constant 128 : index
        %get3A_222 = tpu.vector_load %arg11[%get3A_220, %get3A_221] {strides = array<i32>} : memref<32x768xf32, #tpu.memory_space<vmem>>, vector<16xf32>,
        %add3A_223 = arith.addf %get3A_190, %get3A_222 : vector<16xf32>
        %mul3A_224 = arith.mulf %get3A_222, %get3A_222 : vector<16xf32>
        %add3A_225 = arith.addf %mul3A_191, %mul3A_224 : vector<16xf32>
        %get3A_226 = arith.index_cast %scan3A_187 : i32 to index
        %get3A_227 = arith.constant 144 : index
        %get3A_228 = tpu.vector_load %arg11[%get3A_226, %get3A_227] {strides = array<i32>} : memref<32x768xf32, #tpu.memory_space<vmem>>, vector<16xf32>,
        %add3A_229 = arith.addf %get3A_194, %get3A_228 : vector<16xf32>
        %mul3A_230 = arith.mulf %get3A_228, %get3A_228 : vector<16xf32>
        %add3A_231 = arith.addf %mul3A_195, %mul3A_230 : vector<16xf32>
        %get3A_232 = arith.index_cast %scan3A_187 : i32 to index
        %get3A_233 = arith.constant 160 : index
        %get3A_234 = tpu.vector_load %arg11[%get3A_232, %get3A_233] {strides = array<i32>} : memref<32x768xf32, #tpu.memory_space<vmem>>, vector<16xf32>,
        %add3A_235 = arith.addf %get3A_198, %get3A_234 : vector<16xf32>
        %mul3A_236 = arith.mulf %get3A_234, %get3A_234 : vector<16xf32>
        %add3A_237 = arith.addf %mul3A_199, %mul3A_236 : vector<16xf32>
        %get3A_238 = arith.index_cast %scan3A_187 : i32 to index
        %get3A_239 = arith.constant 176 : index
        %get3A_240 = tpu.vector_load %arg11[%get3A_238, %get3A_239] {strides = array<i32>} : memref<32x768xf32, #tpu.memory_space<vmem>>, vector<16xf32>,
        %add3A_241 = arith.addf %get3A_202, %get3A_240 : vector<16xf32>
        %mul3A_242 = arith.mulf %get3A_240, %get3A_240 : vector<16xf32>
        %add3A_243 = arith.addf %mul3A_203, %mul3A_242 : vector<16xf32>
        %get3A_244 = arith.index_cast %scan3A_187 : i32 to index
        %get3A_245 = arith.constant 192 : index
        %get3A_246 = tpu.vector_load %arg11[%get3A_244, %get3A_245] {strides = array<i32>} : memref<32x768xf32, #tpu.memory_space<vmem>>, vector<16xf32>,
        %add3A_247 = arith.addf %get3A_206, %get3A_246 : vector<16xf32>
        %mul3A_248 = arith.mulf %get3A_246, %get3A_246 : vector<16xf32>
        %add3A_249 = arith.addf %mul3A_207, %mul3A_248 : vector<16xf32>
        %get3A_250 = arith.index_cast %scan3A_187 : i32 to index
        %get3A_251 = arith.constant 208 : index
        %get3A_252 = tpu.vector_load %arg11[%get3A_250, %get3A_251] {strides = array<i32>} : memref<32x768xf32, #tpu.memory_space<vmem>>, vector<16xf32>,
        %add3A_253 = arith.addf %get3A_210, %get3A_252 : vector<16xf32>
        %mul3A_254 = arith.mulf %get3A_252, %get3A_252 : vector<16xf32>
        %add3A_255 = arith.addf %mul3A_211, %mul3A_254 : vector<16xf32>
        %get3A_256 = arith.index_cast %scan3A_187 : i32 to index
        %get3A_257 = arith.constant 224 : index
        %get3A_258 = tpu.vector_load %arg11[%get3A_256, %get3A_257] {strides = array<i32>} : memref<32x768xf32, #tpu.memory_space<vmem>>, vector<16xf32>,
        %add3A_259 = arith.addf %get3A_214, %get3A_258 : vector<16xf32>
        %mul3A_260 = arith.mulf %get3A_258, %get3A_258 : vector<16xf32>
        %add3A_261 = arith.addf %mul3A_215, %mul3A_260 : vector<16xf32>
        %get3A_262 = arith.index_cast %scan3A_187 : i32 to index
        %get3A_263 = arith.constant 240 : index
        %get3A_264 = tpu.vector_load %arg11[%get3A_262, %get3A_263] {strides = array<i32>} : memref<32x768xf32, #tpu.memory_space<vmem>>, vector<16xf32>,
        %add3A_265 = arith.addf %get3A_218, %get3A_264 : vector<16xf32>
        %mul3A_266 = arith.mulf %get3A_264, %get3A_264 : vector<16xf32>
        %add3A_267 = arith.addf %mul3A_219, %mul3A_266 : vector<16xf32>
        %get3A_268 = arith.index_cast %scan3A_187 : i32 to index
        %get3A_269 = arith.constant 256 : index
        %get3A_270 = tpu.vector_load %arg11[%get3A_268, %get3A_269] {strides = array<i32>} : memref<32x768xf32, #tpu.memory_space<vmem>>, vector<16xf32>,
        %add3A_271 = arith.addf %add3A_223, %get3A_270 : vector<16xf32>
        %mul3A_272 = arith.mulf %get3A_270, %get3A_270 : vector<16xf32>
        %add3A_273 = arith.addf %add3A_225, %mul3A_272 : vector<16xf32>
        %get3A_274 = arith.index_cast %scan3A_187 : i32 to index
        %get3A_275 = arith.constant 272 : index
        %get3A_276 = tpu.vector_load %arg11[%get3A_274, %get3A_275] {strides = array<i32>} : memref<32x768xf32, #tpu.memory_space<vmem>>, vector<16xf32>,
        %add3A_277 = arith.addf %add3A_229, %get3A_276 : vector<16xf32>
        %mul3A_278 = arith.mulf %get3A_276, %get3A_276 : vector<16xf32>
        %add3A_279 = arith.addf %add3A_231, %mul3A_278 : vector<16xf32>
        %get3A_280 = arith.index_cast %scan3A_187 : i32 to index
        %get3A_281 = arith.constant 288 : index
        %get3A_282 = tpu.vector_load %arg11[%get3A_280, %get3A_281] {strides = array<i32>} : memref<32x768xf32, #tpu.memory_space<vmem>>, vector<16xf32>,
        %add3A_283 = arith.addf %add3A_235, %get3A_282 : vector<16xf32>
        %mul3A_284 = arith.mulf %get3A_282, %get3A_282 : vector<16xf32>
        %add3A_285 = arith.addf %add3A_237, %mul3A_284 : vector<16xf32>
        %get3A_286 = arith.index_cast %scan3A_187 : i32 to index
        %get3A_287 = arith.constant 304 : index
        %get3A_288 = tpu.vector_load %arg11[%get3A_286, %get3A_287] {strides = array<i32>} : memref<32x768xf32, #tpu.memory_space<vmem>>, vector<16xf32>,
        %add3A_289 = arith.addf %add3A_241, %get3A_288 : vector<16xf32>
        %mul3A_290 = arith.mulf %get3A_288, %get3A_288 : vector<16xf32>
        %add3A_291 = arith.addf %add3A_243, %mul3A_290 : vector<16xf32>
        %get3A_292 = arith.index_cast %scan3A_187 : i32 to index
        %get3A_293 = arith.constant 320 : index
        %get3A_294 = tpu.vector_load %arg11[%get3A_292, %get3A_293] {strides = array<i32>} : memref<32x768xf32, #tpu.memory_space<vmem>>, vector<16xf32>,
        %add3A_295 = arith.addf %add3A_247, %get3A_294 : vector<16xf32>
        %mul3A_296 = arith.mulf %get3A_294, %get3A_294 : vector<16xf32>
        %add3A_297 = arith.addf %add3A_249, %mul3A_296 : vector<16xf32>
        %get3A_298 = arith.index_cast %scan3A_187 : i32 to index
        %get3A_299 = arith.constant 336 : index
        %get3A_300 = tpu.vector_load %arg11[%get3A_298, %get3A_299] {strides = array<i32>} : memref<32x768xf32, #tpu.memory_space<vmem>>, vector<16xf32>,
        %add3A_301 = arith.addf %add3A_253, %get3A_300 : vector<16xf32>
        %mul3A_302 = arith.mulf %get3A_300, %get3A_300 : vector<16xf32>
        %add3A_303 = arith.addf %add3A_255, %mul3A_302 : vector<16xf32>
        %get3A_304 = arith.index_cast %scan3A_187 : i32 to index
        %get3A_305 = arith.constant 352 : index
        %get3A_306 = tpu.vector_load %arg11[%get3A_304, %get3A_305] {strides = array<i32>} : memref<32x768xf32, #tpu.memory_space<vmem>>, vector<16xf32>,
        %add3A_307 = arith.addf %add3A_259, %get3A_306 : vector<16xf32>
        %mul3A_308 = arith.mulf %get3A_306, %get3A_306 : vector<16xf32>
        %add3A_309 = arith.addf %add3A_261, %mul3A_308 : vector<16xf32>
        %get3A_310 = arith.index_cast %scan3A_187 : i32 to index
        %get3A_311 = arith.constant 368 : index
        %get3A_312 = tpu.vector_load %arg11[%get3A_310, %get3A_311] {strides = array<i32>} : memref<32x768xf32, #tpu.memory_space<vmem>>, vector<16xf32>,
        %add3A_313 = arith.addf %add3A_265, %get3A_312 : vector<16xf32>
        %mul3A_314 = arith.mulf %get3A_312, %get3A_312 : vector<16xf32>
        %add3A_315 = arith.addf %add3A_267, %mul3A_314 : vector<16xf32>
        %get3A_316 = arith.index_cast %scan3A_187 : i32 to index
        %get3A_317 = arith.constant 384 : index
        %get3A_318 = tpu.vector_load %arg11[%get3A_316, %get3A_317] {strides = array<i32>} : memref<32x768xf32, #tpu.memory_space<vmem>>, vector<16xf32>,
        %add3A_319 = arith.addf %add3A_271, %get3A_318 : vector<16xf32>
        %mul3A_320 = arith.mulf %get3A_318, %get3A_318 : vector<16xf32>
        %add3A_321 = arith.addf %add3A_273, %mul3A_320 : vector<16xf32>
        %get3A_322 = arith.index_cast %scan3A_187 : i32 to index
        %get3A_323 = arith.constant 400 : index
        %get3A_324 = tpu.vector_load %arg11[%get3A_322, %get3A_323] {strides = array<i32>} : memref<32x768xf32, #tpu.memory_space<vmem>>, vector<16xf32>,
        %add3A_325 = arith.addf %add3A_277, %get3A_324 : vector<16xf32>
        %mul3A_326 = arith.mulf %get3A_324, %get3A_324 : vector<16xf32>
        %add3A_327 = arith.addf %add3A_279, %mul3A_326 : vector<16xf32>
        %get3A_328 = arith.index_cast %scan3A_187 : i32 to index
        %get3A_329 = arith.constant 416 : index
        %get3A_330 = tpu.vector_load %arg11[%get3A_328, %get3A_329] {strides = array<i32>} : memref<32x768xf32, #tpu.memory_space<vmem>>, vector<16xf32>,
        %add3A_331 = arith.addf %add3A_283, %get3A_330 : vector<16xf32>
        %mul3A_332 = arith.mulf %get3A_330, %get3A_330 : vector<16xf32>
        %add3A_333 = arith.addf %add3A_285, %mul3A_332 : vector<16xf32>
        %get3A_334 = arith.index_cast %scan3A_187 : i32 to index
        %get3A_335 = arith.constant 432 : index
        %get3A_336 = tpu.vector_load %arg11[%get3A_334, %get3A_335] {strides = array<i32>} : memref<32x768xf32, #tpu.memory_space<vmem>>, vector<16xf32>,
        %add3A_337 = arith.addf %add3A_289, %get3A_336 : vector<16xf32>
        %mul3A_338 = arith.mulf %get3A_336, %get3A_336 : vector<16xf32>
        %add3A_339 = arith.addf %add3A_291, %mul3A_338 : vector<16xf32>
        %get3A_340 = arith.index_cast %scan3A_187 : i32 to index
        %get3A_341 = arith.constant 448 : index
        %get3A_342 = tpu.vector_load %arg11[%get3A_340, %get3A_341] {strides = array<i32>} : memref<32x768xf32, #tpu.memory_space<vmem>>, vector<16xf32>,
        %add3A_343 = arith.addf %add3A_295, %get3A_342 : vector<16xf32>
        %mul3A_344 = arith.mulf %get3A_342, %get3A_342 : vector<16xf32>
        %add3A_345 = arith.addf %add3A_297, %mul3A_344 : vector<16xf32>
        %get3A_346 = arith.index_cast %scan3A_187 : i32 to index
        %get3A_347 = arith.constant 464 : index
        %get3A_348 = tpu.vector_load %arg11[%get3A_346, %get3A_347] {strides = array<i32>} : memref<32x768xf32, #tpu.memory_space<vmem>>, vector<16xf32>,
        %add3A_349 = arith.addf %add3A_301, %get3A_348 : vector<16xf32>
        %mul3A_350 = arith.mulf %get3A_348, %get3A_348 : vector<16xf32>
        %add3A_351 = arith.addf %add3A_303, %mul3A_350 : vector<16xf32>
        %get3A_352 = arith.index_cast %scan3A_187 : i32 to index
        %get3A_353 = arith.constant 480 : index
        %get3A_354 = tpu.vector_load %arg11[%get3A_352, %get3A_353] {strides = array<i32>} : memref<32x768xf32, #tpu.memory_space<vmem>>, vector<16xf32>,
        %add3A_355 = arith.addf %add3A_307, %get3A_354 : vector<16xf32>
        %mul3A_356 = arith.mulf %get3A_354, %get3A_354 : vector<16xf32>
        %add3A_357 = arith.addf %add3A_309, %mul3A_356 : vector<16xf32>
        %get3A_358 = arith.index_cast %scan3A_187 : i32 to index
        %get3A_359 = arith.constant 496 : index
        %get3A_360 = tpu.vector_load %arg11[%get3A_358, %get3A_359] {strides = array<i32>} : memref<32x768xf32, #tpu.memory_space<vmem>>, vector<16xf32>,
        %add3A_361 = arith.addf %add3A_313, %get3A_360 : vector<16xf32>
        %mul3A_362 = arith.mulf %get3A_360, %get3A_360 : vector<16xf32>
        %add3A_363 = arith.addf %add3A_315, %mul3A_362 : vector<16xf32>
        %get3A_364 = arith.index_cast %scan3A_187 : i32 to index
        %get3A_365 = arith.constant 512 : index
        %get3A_366 = tpu.vector_load %arg11[%get3A_364, %get3A_365] {strides = array<i32>} : memref<32x768xf32, #tpu.memory_space<vmem>>, vector<16xf32>,
        %add3A_367 = arith.addf %add3A_319, %get3A_366 : vector<16xf32>
        %mul3A_368 = arith.mulf %get3A_366, %get3A_366 : vector<16xf32>
        %add3A_369 = arith.addf %add3A_321, %mul3A_368 : vector<16xf32>
        %get3A_370 = arith.index_cast %scan3A_187 : i32 to index
        %get3A_371 = arith.constant 528 : index
        %get3A_372 = tpu.vector_load %arg11[%get3A_370, %get3A_371] {strides = array<i32>} : memref<32x768xf32, #tpu.memory_space<vmem>>, vector<16xf32>,
        %add3A_373 = arith.addf %add3A_325, %get3A_372 : vector<16xf32>
        %mul3A_374 = arith.mulf %get3A_372, %get3A_372 : vector<16xf32>
        %add3A_375 = arith.addf %add3A_327, %mul3A_374 : vector<16xf32>
        %get3A_376 = arith.index_cast %scan3A_187 : i32 to index
        %get3A_377 = arith.constant 544 : index
        %get3A_378 = tpu.vector_load %arg11[%get3A_376, %get3A_377] {strides = array<i32>} : memref<32x768xf32, #tpu.memory_space<vmem>>, vector<16xf32>,
        %add3A_379 = arith.addf %add3A_331, %get3A_378 : vector<16xf32>
        %mul3A_380 = arith.mulf %get3A_378, %get3A_378 : vector<16xf32>
        %add3A_381 = arith.addf %add3A_333, %mul3A_380 : vector<16xf32>
        %get3A_382 = arith.index_cast %scan3A_187 : i32 to index
        %get3A_383 = arith.constant 560 : index
        %get3A_384 = tpu.vector_load %arg11[%get3A_382, %get3A_383] {strides = array<i32>} : memref<32x768xf32, #tpu.memory_space<vmem>>, vector<16xf32>,
        %add3A_385 = arith.addf %add3A_337, %get3A_384 : vector<16xf32>
        %mul3A_386 = arith.mulf %get3A_384, %get3A_384 : vector<16xf32>
        %add3A_387 = arith.addf %add3A_339, %mul3A_386 : vector<16xf32>
        %get3A_388 = arith.index_cast %scan3A_187 : i32 to index
        %get3A_389 = arith.constant 576 : index
        %get3A_390 = tpu.vector_load %arg11[%get3A_388, %get3A_389] {strides = array<i32>} : memref<32x768xf32, #tpu.memory_space<vmem>>, vector<16xf32>,
        %add3A_391 = arith.addf %add3A_343, %get3A_390 : vector<16xf32>
        %mul3A_392 = arith.mulf %get3A_390, %get3A_390 : vector<16xf32>
        %add3A_393 = arith.addf %add3A_345, %mul3A_392 : vector<16xf32>
        %get3A_394 = arith.index_cast %scan3A_187 : i32 to index
        %get3A_395 = arith.constant 592 : index
        %get3A_396 = tpu.vector_load %arg11[%get3A_394, %get3A_395] {strides = array<i32>} : memref<32x768xf32, #tpu.memory_space<vmem>>, vector<16xf32>,
        %add3A_397 = arith.addf %add3A_349, %get3A_396 : vector<16xf32>
        %mul3A_398 = arith.mulf %get3A_396, %get3A_396 : vector<16xf32>
        %add3A_399 = arith.addf %add3A_351, %mul3A_398 : vector<16xf32>
        %get3A_400 = arith.index_cast %scan3A_187 : i32 to index
        %get3A_401 = arith.constant 608 : index
        %get3A_402 = tpu.vector_load %arg11[%get3A_400, %get3A_401] {strides = array<i32>} : memref<32x768xf32, #tpu.memory_space<vmem>>, vector<16xf32>,
        %add3A_403 = arith.addf %add3A_355, %get3A_402 : vector<16xf32>
        %mul3A_404 = arith.mulf %get3A_402, %get3A_402 : vector<16xf32>
        %add3A_405 = arith.addf %add3A_357, %mul3A_404 : vector<16xf32>
        %get3A_406 = arith.index_cast %scan3A_187 : i32 to index
        %get3A_407 = arith.constant 624 : index
        %get3A_408 = tpu.vector_load %arg11[%get3A_406, %get3A_407] {strides = array<i32>} : memref<32x768xf32, #tpu.memory_space<vmem>>, vector<16xf32>,
        %add3A_409 = arith.addf %add3A_361, %get3A_408 : vector<16xf32>
        %mul3A_410 = arith.mulf %get3A_408, %get3A_408 : vector<16xf32>
        %add3A_411 = arith.addf %add3A_363, %mul3A_410 : vector<16xf32>
        %get3A_412 = arith.index_cast %scan3A_187 : i32 to index
        %get3A_413 = arith.constant 640 : index
        %get3A_414 = tpu.vector_load %arg11[%get3A_412, %get3A_413] {strides = array<i32>} : memref<32x768xf32, #tpu.memory_space<vmem>>, vector<16xf32>,
        %add3A_415 = arith.addf %add3A_367, %get3A_414 : vector<16xf32>
        %mul3A_416 = arith.mulf %get3A_414, %get3A_414 : vector<16xf32>
        %add3A_417 = arith.addf %add3A_369, %mul3A_416 : vector<16xf32>
        %get3A_418 = arith.index_cast %scan3A_187 : i32 to index
        %get3A_419 = arith.constant 656 : index
        %get3A_420 = tpu.vector_load %arg11[%get3A_418, %get3A_419] {strides = array<i32>} : memref<32x768xf32, #tpu.memory_space<vmem>>, vector<16xf32>,
        %add3A_421 = arith.addf %add3A_373, %get3A_420 : vector<16xf32>
        %mul3A_422 = arith.mulf %get3A_420, %get3A_420 : vector<16xf32>
        %add3A_423 = arith.addf %add3A_375, %mul3A_422 : vector<16xf32>
        %get3A_424 = arith.index_cast %scan3A_187 : i32 to index
        %get3A_425 = arith.constant 672 : index
        %get3A_426 = tpu.vector_load %arg11[%get3A_424, %get3A_425] {strides = array<i32>} : memref<32x768xf32, #tpu.memory_space<vmem>>, vector<16xf32>,
        %add3A_427 = arith.addf %add3A_379, %get3A_426 : vector<16xf32>
        %mul3A_428 = arith.mulf %get3A_426, %get3A_426 : vector<16xf32>
        %add3A_429 = arith.addf %add3A_381, %mul3A_428 : vector<16xf32>
        %get3A_430 = arith.index_cast %scan3A_187 : i32 to index
        %get3A_431 = arith.constant 688 : index
        %get3A_432 = tpu.vector_load %arg11[%get3A_430, %get3A_431] {strides = array<i32>} : memref<32x768xf32, #tpu.memory_space<vmem>>, vector<16xf32>,
        %add3A_433 = arith.addf %add3A_385, %get3A_432 : vector<16xf32>
        %mul3A_434 = arith.mulf %get3A_432, %get3A_432 : vector<16xf32>
        %add3A_435 = arith.addf %add3A_387, %mul3A_434 : vector<16xf32>
        %get3A_436 = arith.index_cast %scan3A_187 : i32 to index
        %get3A_437 = arith.constant 704 : index
        %get3A_438 = tpu.vector_load %arg11[%get3A_436, %get3A_437] {strides = array<i32>} : memref<32x768xf32, #tpu.memory_space<vmem>>, vector<16xf32>,
        %add3A_439 = arith.addf %add3A_391, %get3A_438 : vector<16xf32>
        %mul3A_440 = arith.mulf %get3A_438, %get3A_438 : vector<16xf32>
        %add3A_441 = arith.addf %add3A_393, %mul3A_440 : vector<16xf32>
        %get3A_442 = arith.index_cast %scan3A_187 : i32 to index
        %get3A_443 = arith.constant 720 : index
        %get3A_444 = tpu.vector_load %arg11[%get3A_442, %get3A_443] {strides = array<i32>} : memref<32x768xf32, #tpu.memory_space<vmem>>, vector<16xf32>,
        %add3A_445 = arith.addf %add3A_397, %get3A_444 : vector<16xf32>
        %mul3A_446 = arith.mulf %get3A_444, %get3A_444 : vector<16xf32>
        %add3A_447 = arith.addf %add3A_399, %mul3A_446 : vector<16xf32>
        %get3A_448 = arith.index_cast %scan3A_187 : i32 to index
        %get3A_449 = arith.constant 736 : index
        %get3A_450 = tpu.vector_load %arg11[%get3A_448, %get3A_449] {strides = array<i32>} : memref<32x768xf32, #tpu.memory_space<vmem>>, vector<16xf32>,
        %add3A_451 = arith.addf %add3A_403, %get3A_450 : vector<16xf32>
        %mul3A_452 = arith.mulf %get3A_450, %get3A_450 : vector<16xf32>
        %add3A_453 = arith.addf %add3A_405, %mul3A_452 : vector<16xf32>
        %get3A_454 = arith.index_cast %scan3A_187 : i32 to index
        %get3A_455 = arith.constant 752 : index
        %get3A_456 = tpu.vector_load %arg11[%get3A_454, %get3A_455] {strides = array<i32>} : memref<32x768xf32, #tpu.memory_space<vmem>>, vector<16xf32>,
        %add3A_457 = arith.addf %add3A_409, %get3A_456 : vector<16xf32>
        %mul3A_458 = arith.mulf %get3A_456, %get3A_456 : vector<16xf32>
        %add3A_459 = arith.addf %add3A_411, %mul3A_458 : vector<16xf32>
        %add3A_460 = arith.addf %add3A_415, %add3A_439 : vector<16xf32>
        %add3A_461 = arith.addf %add3A_417, %add3A_441 : vector<16xf32>
        %add3A_462 = arith.addf %add3A_421, %add3A_445 : vector<16xf32>
        %add3A_463 = arith.addf %add3A_423, %add3A_447 : vector<16xf32>
        %add3A_464 = arith.addf %add3A_427, %add3A_451 : vector<16xf32>
        %add3A_465 = arith.addf %add3A_429, %add3A_453 : vector<16xf32>
        %add3A_466 = arith.addf %add3A_433, %add3A_457 : vector<16xf32>
        %add3A_467 = arith.addf %add3A_435, %add3A_459 : vector<16xf32>
        %add3A_468 = arith.addf %add3A_460, %add3A_464 : vector<16xf32>
        %add3A_469 = arith.addf %add3A_461, %add3A_465 : vector<16xf32>
        %add3A_470 = arith.addf %add3A_462, %add3A_466 : vector<16xf32>
        %add3A_471 = arith.addf %add3A_463, %add3A_467 : vector<16xf32>
        %add3A_472 = arith.addf %add3A_468, %add3A_470 : vector<16xf32>
        %add3A_473 = arith.addf %add3A_469, %add3A_471 : vector<16xf32>
        %reduce_sum3A = arith.constant true
        %reduce_sum3A_474 = vector.broadcast %reduce_sum3A : i1 to vector<16xi1>
        %reduce_sum3A_475 = tpu.scan <sum>, %add3A_472 masked %reduce_sum3A_474 : vector<16xf32>, vector<16xi1> -> vector<16xf32>
        %reduce_sum3A_476 = vector.extract %reduce_sum3A_475[15] : f32 from vector<16xf32>
        %broadcast_in_dim3A = vector.broadcast %reduce_sum3A_476 : f32 to vector<16xf32>
        %mul3A_477 = arith.constant 0.00130208337 : f32
        %mul3A_478 = vector.broadcast %mul3A_477 : f32 to vector<16xf32>
        %mul3A_479 = arith.mulf %broadcast_in_dim3A, %mul3A_478 : vector<16xf32>
        %reduce_sum3A_480 = arith.constant true
        %reduce_sum3A_481 = vector.broadcast %reduce_sum3A_480 : i1 to vector<16xi1>
        %reduce_sum3A_482 = tpu.scan <sum>, %add3A_473 masked %reduce_sum3A_481 : vector<16xf32>, vector<16xi1> -> vector<16xf32>
        %reduce_sum3A_483 = vector.extract %reduce_sum3A_482[15] : f32 from vector<16xf32>
        %broadcast_in_dim3A_484 = vector.broadcast %reduce_sum3A_483 : f32 to vector<16xf32>
        %mul3A_485 = arith.constant 0.00130208337 : f32
        %mul3A_486 = vector.broadcast %mul3A_485 : f32 to vector<16xf32>
        %mul3A_487 = arith.mulf %broadcast_in_dim3A_484, %mul3A_486 : vector<16xf32>
        %mul3A_488 = arith.mulf %mul3A_479, %mul3A_479 : vector<16xf32>
        %sub3A = arith.subf %mul3A_487, %mul3A_488 : vector<16xf32>
        %add3A_489 = arith.constant 9.99999974E-6 : f32
        %add3A_490 = vector.broadcast %add3A_489 : f32 to vector<16xf32>
        %add3A_491 = arith.addf %sub3A, %add3A_490 : vector<16xf32>
        %bitcast_convert_type3A = tpu.bitcast %add3A_491 : vector<16xf32> -> vector<16xi32>
        %shift_right_arithmetic3A = arith.constant 1 : i32
        %shift_right_arithmetic3A_492 = vector.broadcast %shift_right_arithmetic3A : i32 to vector<16xi32>
        %shift_right_arithmetic3A_493 = arith.shrsi %bitcast_convert_type3A, %shift_right_arithmetic3A_492 : vector<16xi32>
        %sub3A_494 = arith.constant 1597463007 : i32
        %sub3A_495 = vector.broadcast %sub3A_494 : i32 to vector<16xi32>
        %sub3A_496 = arith.subi %sub3A_495, %shift_right_arithmetic3A_493 : vector<16xi32>
        %bitcast_convert_type3A_497 = tpu.bitcast %sub3A_496 : vector<16xi32> -> vector<16xf32>
        %mul3A_498 = arith.constant 5.000000e-01 : f32
        %mul3A_499 = vector.broadcast %mul3A_498 : f32 to vector<16xf32>
        %mul3A_500 = arith.mulf %add3A_491, %mul3A_499 : vector<16xf32>
        %mul3A_501 = arith.mulf %mul3A_500, %bitcast_convert_type3A_497 : vector<16xf32>
        %mul3A_502 = arith.mulf %mul3A_501, %bitcast_convert_type3A_497 : vector<16xf32>
        %sub3A_503 = arith.constant 1.500000e+00 : f32
        %sub3A_504 = vector.broadcast %sub3A_503 : f32 to vector<16xf32>
        %sub3A_505 = arith.subf %sub3A_504, %mul3A_502 : vector<16xf32>
        %mul3A_506 = arith.mulf %bitcast_convert_type3A_497, %sub3A_505 : vector<16xf32>
        %mul3A_507 = arith.mulf %mul3A_500, %mul3A_506 : vector<16xf32>
        %mul3A_508 = arith.mulf %mul3A_507, %mul3A_506 : vector<16xf32>
        %sub3A_509 = arith.constant 1.500000e+00 : f32
        %sub3A_510 = vector.broadcast %sub3A_509 : f32 to vector<16xf32>
        %sub3A_511 = arith.subf %sub3A_510, %mul3A_508 : vector<16xf32>
        %mul3A_512 = arith.mulf %mul3A_506, %sub3A_511 : vector<16xf32>
        %mul3A_513 = arith.mulf %mul3A_500, %mul3A_512 : vector<16xf32>
        %mul3A_514 = arith.mulf %mul3A_513, %mul3A_512 : vector<16xf32>
        %sub3A_515 = arith.constant 1.500000e+00 : f32
        %sub3A_516 = vector.broadcast %sub3A_515 : f32 to vector<16xf32>
        %sub3A_517 = arith.subf %sub3A_516, %mul3A_514 : vector<16xf32>
        %mul3A_518 = arith.mulf %mul3A_512, %sub3A_517 : vector<16xf32>
        %mul3A_519 = arith.mulf %mul3A_479, %mul3A_518 : vector<16xf32>
        %get3A_520 = arith.index_cast %scan3A_187 : i32 to index
        %get3A_521 = arith.constant 0 : index
        %get3A_522 = tpu.vector_load %arg11[%get3A_520, %get3A_521] {strides = array<i32>} : memref<32x768xf32, #tpu.memory_space<vmem>>, vector<16xf32>,
        %get3A_523 = arith.constant 0 : index
        %get3A_524 = tpu.vector_load %arg7[%get3A_523] {strides = array<i32>} : memref<768xf32, #tpu.memory_space<vmem>>, vector<16xf32>,
        %mul3A_525 = arith.mulf %get3A_522, %mul3A_518 : vector<16xf32>
        %sub3A_526 = arith.subf %mul3A_525, %mul3A_519 : vector<16xf32>
        %mul3A_527 = arith.mulf %sub3A_526, %get3A_524 : vector<16xf32>
        %swap3A = arith.index_cast %scan3A_187 : i32 to index
        %swap3A_528 = arith.constant 0 : index
        %swap3A_529 = tpu.vector_load %arg11[%swap3A, %swap3A_528] {strides = array<i32>} : memref<32x768xf32, #tpu.memory_space<vmem>>, vector<16xf32>,
        tpu.vector_store %arg11[%swap3A, %swap3A_528], %mul3A_527 {strides = array<i32>} : memref<32x768xf32, #tpu.memory_space<vmem>>, vector<16xf32>,
        %get3A_530 = arith.index_cast %scan3A_187 : i32 to index
        %get3A_531 = arith.constant 16 : index
        %get3A_532 = tpu.vector_load %arg11[%get3A_530, %get3A_531] {strides = array<i32>} : memref<32x768xf32, #tpu.memory_space<vmem>>, vector<16xf32>,
        %get3A_533 = arith.constant 16 : index
        %get3A_534 = tpu.vector_load %arg7[%get3A_533] {strides = array<i32>} : memref<768xf32, #tpu.memory_space<vmem>>, vector<16xf32>,
        %mul3A_535 = arith.mulf %get3A_532, %mul3A_518 : vector<16xf32>
        %sub3A_536 = arith.subf %mul3A_535, %mul3A_519 : vector<16xf32>
        %mul3A_537 = arith.mulf %sub3A_536, %get3A_534 : vector<16xf32>
        %swap3A_538 = arith.index_cast %scan3A_187 : i32 to index
        %swap3A_539 = arith.constant 16 : index
        %swap3A_540 = tpu.vector_load %arg11[%swap3A_538, %swap3A_539] {strides = array<i32>} : memref<32x768xf32, #tpu.memory_space<vmem>>, vector<16xf32>,
        tpu.vector_store %arg11[%swap3A_538, %swap3A_539], %mul3A_537 {strides = array<i32>} : memref<32x768xf32, #tpu.memory_space<vmem>>, vector<16xf32>,
        %get3A_541 = arith.index_cast %scan3A_187 : i32 to index
        %get3A_542 = arith.constant 32 : index
        %get3A_543 = tpu.vector_load %arg11[%get3A_541, %get3A_542] {strides = array<i32>} : memref<32x768xf32, #tpu.memory_space<vmem>>, vector<16xf32>,
        %get3A_544 = arith.constant 32 : index
        %get3A_545 = tpu.vector_load %arg7[%get3A_544] {strides = array<i32>} : memref<768xf32, #tpu.memory_space<vmem>>, vector<16xf32>,
        %mul3A_546 = arith.mulf %get3A_543, %mul3A_518 : vector<16xf32>
        %sub3A_547 = arith.subf %mul3A_546, %mul3A_519 : vector<16xf32>
        %mul3A_548 = arith.mulf %sub3A_547, %get3A_545 : vector<16xf32>
        %swap3A_549 = arith.index_cast %scan3A_187 : i32 to index
        %swap3A_550 = arith.constant 32 : index
        %swap3A_551 = tpu.vector_load %arg11[%swap3A_549, %swap3A_550] {strides = array<i32>} : memref<32x768xf32, #tpu.memory_space<vmem>>, vector<16xf32>,
        tpu.vector_store %arg11[%swap3A_549, %swap3A_550], %mul3A_548 {strides = array<i32>} : memref<32x768xf32, #tpu.memory_space<vmem>>, vector<16xf32>,
        %get3A_552 = arith.index_cast %scan3A_187 : i32 to index
        %get3A_553 = arith.constant 48 : index
        %get3A_554 = tpu.vector_load %arg11[%get3A_552, %get3A_553] {strides = array<i32>} : memref<32x768xf32, #tpu.memory_space<vmem>>, vector<16xf32>,
        %get3A_555 = arith.constant 48 : index
        %get3A_556 = tpu.vector_load %arg7[%get3A_555] {strides = array<i32>} : memref<768xf32, #tpu.memory_space<vmem>>, vector<16xf32>,
        %mul3A_557 = arith.mulf %get3A_554, %mul3A_518 : vector<16xf32>
        %sub3A_558 = arith.subf %mul3A_557, %mul3A_519 : vector<16xf32>
        %mul3A_559 = arith.mulf %sub3A_558, %get3A_556 : vector<16xf32>
        %swap3A_560 = arith.index_cast %scan3A_187 : i32 to index
        %swap3A_561 = arith.constant 48 : index
        %swap3A_562 = tpu.vector_load %arg11[%swap3A_560, %swap3A_561] {strides = array<i32>} : memref<32x768xf32, #tpu.memory_space<vmem>>, vector<16xf32>,
        tpu.vector_store %arg11[%swap3A_560, %swap3A_561], %mul3A_559 {strides = array<i32>} : memref<32x768xf32, #tpu.memory_space<vmem>>, vector<16xf32>,
        %get3A_563 = arith.index_cast %scan3A_187 : i32 to index
        %get3A_564 = arith.constant 64 : index
        %get3A_565 = tpu.vector_load %arg11[%get3A_563, %get3A_564] {strides = array<i32>} : memref<32x768xf32, #tpu.memory_space<vmem>>, vector<16xf32>,
        %get3A_566 = arith.constant 64 : index
        %get3A_567 = tpu.vector_load %arg7[%get3A_566] {strides = array<i32>} : memref<768xf32, #tpu.memory_space<vmem>>, vector<16xf32>,
        %mul3A_568 = arith.mulf %get3A_565, %mul3A_518 : vector<16xf32>
        %sub3A_569 = arith.subf %mul3A_568, %mul3A_519 : vector<16xf32>
        %mul3A_570 = arith.mulf %sub3A_569, %get3A_567 : vector<16xf32>
        %swap3A_571 = arith.index_cast %scan3A_187 : i32 to index
        %swap3A_572 = arith.constant 64 : index
        %swap3A_573 = tpu.vector_load %arg11[%swap3A_571, %swap3A_572] {strides = array<i32>} : memref<32x768xf32, #tpu.memory_space<vmem>>, vector<16xf32>,
        tpu.vector_store %arg11[%swap3A_571, %swap3A_572], %mul3A_570 {strides = array<i32>} : memref<32x768xf32, #tpu.memory_space<vmem>>, vector<16xf32>,
        %get3A_574 = arith.index_cast %scan3A_187 : i32 to index
        %get3A_575 = arith.constant 80 : index
        %get3A_576 = tpu.vector_load %arg11[%get3A_574, %get3A_575] {strides = array<i32>} : memref<32x768xf32, #tpu.memory_space<vmem>>, vector<16xf32>,
        %get3A_577 = arith.constant 80 : index
        %get3A_578 = tpu.vector_load %arg7[%get3A_577] {strides = array<i32>} : memref<768xf32, #tpu.memory_space<vmem>>, vector<16xf32>,
        %mul3A_579 = arith.mulf %get3A_576, %mul3A_518 : vector<16xf32>
        %sub3A_580 = arith.subf %mul3A_579, %mul3A_519 : vector<16xf32>
        %mul3A_581 = arith.mulf %sub3A_580, %get3A_578 : vector<16xf32>
        %swap3A_582 = arith.index_cast %scan3A_187 : i32 to index
        %swap3A_583 = arith.constant 80 : index
        %swap3A_584 = tpu.vector_load %arg11[%swap3A_582, %swap3A_583] {strides = array<i32>} : memref<32x768xf32, #tpu.memory_space<vmem>>, vector<16xf32>,
        tpu.vector_store %arg11[%swap3A_582, %swap3A_583], %mul3A_581 {strides = array<i32>} : memref<32x768xf32, #tpu.memory_space<vmem>>, vector<16xf32>,
        %get3A_585 = arith.index_cast %scan3A_187 : i32 to index
        %get3A_586 = arith.constant 96 : index
        %get3A_587 = tpu.vector_load %arg11[%get3A_585, %get3A_586] {strides = array<i32>} : memref<32x768xf32, #tpu.memory_space<vmem>>, vector<16xf32>,
        %get3A_588 = arith.constant 96 : index
        %get3A_589 = tpu.vector_load %arg7[%get3A_588] {strides = array<i32>} : memref<768xf32, #tpu.memory_space<vmem>>, vector<16xf32>,
        %mul3A_590 = arith.mulf %get3A_587, %mul3A_518 : vector<16xf32>
        %sub3A_591 = arith.subf %mul3A_590, %mul3A_519 : vector<16xf32>
        %mul3A_592 = arith.mulf %sub3A_591, %get3A_589 : vector<16xf32>
        %swap3A_593 = arith.index_cast %scan3A_187 : i32 to index
        %swap3A_594 = arith.constant 96 : index
        %swap3A_595 = tpu.vector_load %arg11[%swap3A_593, %swap3A_594] {strides = array<i32>} : memref<32x768xf32, #tpu.memory_space<vmem>>, vector<16xf32>,
        tpu.vector_store %arg11[%swap3A_593, %swap3A_594], %mul3A_592 {strides = array<i32>} : memref<32x768xf32, #tpu.memory_space<vmem>>, vector<16xf32>,
        %get3A_596 = arith.index_cast %scan3A_187 : i32 to index
        %get3A_597 = arith.constant 112 : index
        %get3A_598 = tpu.vector_load %arg11[%get3A_596, %get3A_597] {strides = array<i32>} : memref<32x768xf32, #tpu.memory_space<vmem>>, vector<16xf32>,
        %get3A_599 = arith.constant 112 : index
        %get3A_600 = tpu.vector_load %arg7[%get3A_599] {strides = array<i32>} : memref<768xf32, #tpu.memory_space<vmem>>, vector<16xf32>,
        %mul3A_601 = arith.mulf %get3A_598, %mul3A_518 : vector<16xf32>
        %sub3A_602 = arith.subf %mul3A_601, %mul3A_519 : vector<16xf32>
        %mul3A_603 = arith.mulf %sub3A_602, %get3A_600 : vector<16xf32>
        %swap3A_604 = arith.index_cast %scan3A_187 : i32 to index
        %swap3A_605 = arith.constant 112 : index
        %swap3A_606 = tpu.vector_load %arg11[%swap3A_604, %swap3A_605] {strides = array<i32>} : memref<32x768xf32, #tpu.memory_space<vmem>>, vector<16xf32>,
        tpu.vector_store %arg11[%swap3A_604, %swap3A_605], %mul3A_603 {strides = array<i32>} : memref<32x768xf32, #tpu.memory_space<vmem>>, vector<16xf32>,
        %get3A_607 = arith.index_cast %scan3A_187 : i32 to index
        %get3A_608 = arith.constant 128 : index
        %get3A_609 = tpu.vector_load %arg11[%get3A_607, %get3A_608] {strides = array<i32>} : memref<32x768xf32, #tpu.memory_space<vmem>>, vector<16xf32>,
        %get3A_610 = arith.constant 128 : index
        %get3A_611 = tpu.vector_load %arg7[%get3A_610] {strides = array<i32>} : memref<768xf32, #tpu.memory_space<vmem>>, vector<16xf32>,
        %mul3A_612 = arith.mulf %get3A_609, %mul3A_518 : vector<16xf32>
        %sub3A_613 = arith.subf %mul3A_612, %mul3A_519 : vector<16xf32>
        %mul3A_614 = arith.mulf %sub3A_613, %get3A_611 : vector<16xf32>
        %swap3A_615 = arith.index_cast %scan3A_187 : i32 to index
        %swap3A_616 = arith.constant 128 : index
        %swap3A_617 = tpu.vector_load %arg11[%swap3A_615, %swap3A_616] {strides = array<i32>} : memref<32x768xf32, #tpu.memory_space<vmem>>, vector<16xf32>,
        tpu.vector_store %arg11[%swap3A_615, %swap3A_616], %mul3A_614 {strides = array<i32>} : memref<32x768xf32, #tpu.memory_space<vmem>>, vector<16xf32>,
        %get3A_618 = arith.index_cast %scan3A_187 : i32 to index
        %get3A_619 = arith.constant 144 : index
        %get3A_620 = tpu.vector_load %arg11[%get3A_618, %get3A_619] {strides = array<i32>} : memref<32x768xf32, #tpu.memory_space<vmem>>, vector<16xf32>,
        %get3A_621 = arith.constant 144 : index
        %get3A_622 = tpu.vector_load %arg7[%get3A_621] {strides = array<i32>} : memref<768xf32, #tpu.memory_space<vmem>>, vector<16xf32>,
        %mul3A_623 = arith.mulf %get3A_620, %mul3A_518 : vector<16xf32>
        %sub3A_624 = arith.subf %mul3A_623, %mul3A_519 : vector<16xf32>
        %mul3A_625 = arith.mulf %sub3A_624, %get3A_622 : vector<16xf32>
        %swap3A_626 = arith.index_cast %scan3A_187 : i32 to index
        %swap3A_627 = arith.constant 144 : index
        %swap3A_628 = tpu.vector_load %arg11[%swap3A_626, %swap3A_627] {strides = array<i32>} : memref<32x768xf32, #tpu.memory_space<vmem>>, vector<16xf32>,
        tpu.vector_store %arg11[%swap3A_626, %swap3A_627], %mul3A_625 {strides = array<i32>} : memref<32x768xf32, #tpu.memory_space<vmem>>, vector<16xf32>,
        %get3A_629 = arith.index_cast %scan3A_187 : i32 to index
        %get3A_630 = arith.constant 160 : index
        %get3A_631 = tpu.vector_load %arg11[%get3A_629, %get3A_630] {strides = array<i32>} : memref<32x768xf32, #tpu.memory_space<vmem>>, vector<16xf32>,
        %get3A_632 = arith.constant 160 : index
        %get3A_633 = tpu.vector_load %arg7[%get3A_632] {strides = array<i32>} : memref<768xf32, #tpu.memory_space<vmem>>, vector<16xf32>,
        %mul3A_634 = arith.mulf %get3A_631, %mul3A_518 : vector<16xf32>
        %sub3A_635 = arith.subf %mul3A_634, %mul3A_519 : vector<16xf32>
        %mul3A_636 = arith.mulf %sub3A_635, %get3A_633 : vector<16xf32>
        %swap3A_637 = arith.index_cast %scan3A_187 : i32 to index
        %swap3A_638 = arith.constant 160 : index
        %swap3A_639 = tpu.vector_load %arg11[%swap3A_637, %swap3A_638] {strides = array<i32>} : memref<32x768xf32, #tpu.memory_space<vmem>>, vector<16xf32>,
        tpu.vector_store %arg11[%swap3A_637, %swap3A_638], %mul3A_636 {strides = array<i32>} : memref<32x768xf32, #tpu.memory_space<vmem>>, vector<16xf32>,
        %get3A_640 = arith.index_cast %scan3A_187 : i32 to index
        %get3A_641 = arith.constant 176 : index
        %get3A_642 = tpu.vector_load %arg11[%get3A_640, %get3A_641] {strides = array<i32>} : memref<32x768xf32, #tpu.memory_space<vmem>>, vector<16xf32>,
        %get3A_643 = arith.constant 176 : index
        %get3A_644 = tpu.vector_load %arg7[%get3A_643] {strides = array<i32>} : memref<768xf32, #tpu.memory_space<vmem>>, vector<16xf32>,
        %mul3A_645 = arith.mulf %get3A_642, %mul3A_518 : vector<16xf32>
        %sub3A_646 = arith.subf %mul3A_645, %mul3A_519 : vector<16xf32>
        %mul3A_647 = arith.mulf %sub3A_646, %get3A_644 : vector<16xf32>
        %swap3A_648 = arith.index_cast %scan3A_187 : i32 to index
        %swap3A_649 = arith.constant 176 : index
        %swap3A_650 = tpu.vector_load %arg11[%swap3A_648, %swap3A_649] {strides = array<i32>} : memref<32x768xf32, #tpu.memory_space<vmem>>, vector<16xf32>,
        tpu.vector_store %arg11[%swap3A_648, %swap3A_649], %mul3A_647 {strides = array<i32>} : memref<32x768xf32, #tpu.memory_space<vmem>>, vector<16xf32>,
        %get3A_651 = arith.index_cast %scan3A_187 : i32 to index
        %get3A_652 = arith.constant 192 : index
        %get3A_653 = tpu.vector_load %arg11[%get3A_651, %get3A_652] {strides = array<i32>} : memref<32x768xf32, #tpu.memory_space<vmem>>, vector<16xf32>,
        %get3A_654 = arith.constant 192 : index
        %get3A_655 = tpu.vector_load %arg7[%get3A_654] {strides = array<i32>} : memref<768xf32, #tpu.memory_space<vmem>>, vector<16xf32>,
        %mul3A_656 = arith.mulf %get3A_653, %mul3A_518 : vector<16xf32>
        %sub3A_657 = arith.subf %mul3A_656, %mul3A_519 : vector<16xf32>
        %mul3A_658 = arith.mulf %sub3A_657, %get3A_655 : vector<16xf32>
        %swap3A_659 = arith.index_cast %scan3A_187 : i32 to index
        %swap3A_660 = arith.constant 192 : index
        %swap3A_661 = tpu.vector_load %arg11[%swap3A_659, %swap3A_660] {strides = array<i32>} : memref<32x768xf32, #tpu.memory_space<vmem>>, vector<16xf32>,
        tpu.vector_store %arg11[%swap3A_659, %swap3A_660], %mul3A_658 {strides = array<i32>} : memref<32x768xf32, #tpu.memory_space<vmem>>, vector<16xf32>,
        %get3A_662 = arith.index_cast %scan3A_187 : i32 to index
        %get3A_663 = arith.constant 208 : index
        %get3A_664 = tpu.vector_load %arg11[%get3A_662, %get3A_663] {strides = array<i32>} : memref<32x768xf32, #tpu.memory_space<vmem>>, vector<16xf32>,
        %get3A_665 = arith.constant 208 : index
        %get3A_666 = tpu.vector_load %arg7[%get3A_665] {strides = array<i32>} : memref<768xf32, #tpu.memory_space<vmem>>, vector<16xf32>,
        %mul3A_667 = arith.mulf %get3A_664, %mul3A_518 : vector<16xf32>
        %sub3A_668 = arith.subf %mul3A_667, %mul3A_519 : vector<16xf32>
        %mul3A_669 = arith.mulf %sub3A_668, %get3A_666 : vector<16xf32>
        %swap3A_670 = arith.index_cast %scan3A_187 : i32 to index
        %swap3A_671 = arith.constant 208 : index
        %swap3A_672 = tpu.vector_load %arg11[%swap3A_670, %swap3A_671] {strides = array<i32>} : memref<32x768xf32, #tpu.memory_space<vmem>>, vector<16xf32>,
        tpu.vector_store %arg11[%swap3A_670, %swap3A_671], %mul3A_669 {strides = array<i32>} : memref<32x768xf32, #tpu.memory_space<vmem>>, vector<16xf32>,
        %get3A_673 = arith.index_cast %scan3A_187 : i32 to index
        %get3A_674 = arith.constant 224 : index
        %get3A_675 = tpu.vector_load %arg11[%get3A_673, %get3A_674] {strides = array<i32>} : memref<32x768xf32, #tpu.memory_space<vmem>>, vector<16xf32>,
        %get3A_676 = arith.constant 224 : index
        %get3A_677 = tpu.vector_load %arg7[%get3A_676] {strides = array<i32>} : memref<768xf32, #tpu.memory_space<vmem>>, vector<16xf32>,
        %mul3A_678 = arith.mulf %get3A_675, %mul3A_518 : vector<16xf32>
        %sub3A_679 = arith.subf %mul3A_678, %mul3A_519 : vector<16xf32>
        %mul3A_680 = arith.mulf %sub3A_679, %get3A_677 : vector<16xf32>
        %swap3A_681 = arith.index_cast %scan3A_187 : i32 to index
        %swap3A_682 = arith.constant 224 : index
        %swap3A_683 = tpu.vector_load %arg11[%swap3A_681, %swap3A_682] {strides = array<i32>} : memref<32x768xf32, #tpu.memory_space<vmem>>, vector<16xf32>,
        tpu.vector_store %arg11[%swap3A_681, %swap3A_682], %mul3A_680 {strides = array<i32>} : memref<32x768xf32, #tpu.memory_space<vmem>>, vector<16xf32>,
        %get3A_684 = arith.index_cast %scan3A_187 : i32 to index
        %get3A_685 = arith.constant 240 : index
        %get3A_686 = tpu.vector_load %arg11[%get3A_684, %get3A_685] {strides = array<i32>} : memref<32x768xf32, #tpu.memory_space<vmem>>, vector<16xf32>,
        %get3A_687 = arith.constant 240 : index
        %get3A_688 = tpu.vector_load %arg7[%get3A_687] {strides = array<i32>} : memref<768xf32, #tpu.memory_space<vmem>>, vector<16xf32>,
        %mul3A_689 = arith.mulf %get3A_686, %mul3A_518 : vector<16xf32>
        %sub3A_690 = arith.subf %mul3A_689, %mul3A_519 : vector<16xf32>
        %mul3A_691 = arith.mulf %sub3A_690, %get3A_688 : vector<16xf32>
        %swap3A_692 = arith.index_cast %scan3A_187 : i32 to index
        %swap3A_693 = arith.constant 240 : index
        %swap3A_694 = tpu.vector_load %arg11[%swap3A_692, %swap3A_693] {strides = array<i32>} : memref<32x768xf32, #tpu.memory_space<vmem>>, vector<16xf32>,
        tpu.vector_store %arg11[%swap3A_692, %swap3A_693], %mul3A_691 {strides = array<i32>} : memref<32x768xf32, #tpu.memory_space<vmem>>, vector<16xf32>,
        %get3A_695 = arith.index_cast %scan3A_187 : i32 to index
        %get3A_696 = arith.constant 256 : index
        %get3A_697 = tpu.vector_load %arg11[%get3A_695, %get3A_696] {strides = array<i32>} : memref<32x768xf32, #tpu.memory_space<vmem>>, vector<16xf32>,
        %get3A_698 = arith.constant 256 : index
        %get3A_699 = tpu.vector_load %arg7[%get3A_698] {strides = array<i32>} : memref<768xf32, #tpu.memory_space<vmem>>, vector<16xf32>,
        %mul3A_700 = arith.mulf %get3A_697, %mul3A_518 : vector<16xf32>
        %sub3A_701 = arith.subf %mul3A_700, %mul3A_519 : vector<16xf32>
        %mul3A_702 = arith.mulf %sub3A_701, %get3A_699 : vector<16xf32>
        %swap3A_703 = arith.index_cast %scan3A_187 : i32 to index
        %swap3A_704 = arith.constant 256 : index
        %swap3A_705 = tpu.vector_load %arg11[%swap3A_703, %swap3A_704] {strides = array<i32>} : memref<32x768xf32, #tpu.memory_space<vmem>>, vector<16xf32>,
        tpu.vector_store %arg11[%swap3A_703, %swap3A_704], %mul3A_702 {strides = array<i32>} : memref<32x768xf32, #tpu.memory_space<vmem>>, vector<16xf32>,
        %get3A_706 = arith.index_cast %scan3A_187 : i32 to index
        %get3A_707 = arith.constant 272 : index
        %get3A_708 = tpu.vector_load %arg11[%get3A_706, %get3A_707] {strides = array<i32>} : memref<32x768xf32, #tpu.memory_space<vmem>>, vector<16xf32>,
        %get3A_709 = arith.constant 272 : index
        %get3A_710 = tpu.vector_load %arg7[%get3A_709] {strides = array<i32>} : memref<768xf32, #tpu.memory_space<vmem>>, vector<16xf32>,
        %mul3A_711 = arith.mulf %get3A_708, %mul3A_518 : vector<16xf32>
        %sub3A_712 = arith.subf %mul3A_711, %mul3A_519 : vector<16xf32>
        %mul3A_713 = arith.mulf %sub3A_712, %get3A_710 : vector<16xf32>
        %swap3A_714 = arith.index_cast %scan3A_187 : i32 to index
        %swap3A_715 = arith.constant 272 : index
        %swap3A_716 = tpu.vector_load %arg11[%swap3A_714, %swap3A_715] {strides = array<i32>} : memref<32x768xf32, #tpu.memory_space<vmem>>, vector<16xf32>,
        tpu.vector_store %arg11[%swap3A_714, %swap3A_715], %mul3A_713 {strides = array<i32>} : memref<32x768xf32, #tpu.memory_space<vmem>>, vector<16xf32>,
        %get3A_717 = arith.index_cast %scan3A_187 : i32 to index
        %get3A_718 = arith.constant 288 : index
        %get3A_719 = tpu.vector_load %arg11[%get3A_717, %get3A_718] {strides = array<i32>} : memref<32x768xf32, #tpu.memory_space<vmem>>, vector<16xf32>,
        %get3A_720 = arith.constant 288 : index
        %get3A_721 = tpu.vector_load %arg7[%get3A_720] {strides = array<i32>} : memref<768xf32, #tpu.memory_space<vmem>>, vector<16xf32>,
        %mul3A_722 = arith.mulf %get3A_719, %mul3A_518 : vector<16xf32>
        %sub3A_723 = arith.subf %mul3A_722, %mul3A_519 : vector<16xf32>
        %mul3A_724 = arith.mulf %sub3A_723, %get3A_721 : vector<16xf32>
        %swap3A_725 = arith.index_cast %scan3A_187 : i32 to index
        %swap3A_726 = arith.constant 288 : index
        %swap3A_727 = tpu.vector_load %arg11[%swap3A_725, %swap3A_726] {strides = array<i32>} : memref<32x768xf32, #tpu.memory_space<vmem>>, vector<16xf32>,
        tpu.vector_store %arg11[%swap3A_725, %swap3A_726], %mul3A_724 {strides = array<i32>} : memref<32x768xf32, #tpu.memory_space<vmem>>, vector<16xf32>,
        %get3A_728 = arith.index_cast %scan3A_187 : i32 to index
        %get3A_729 = arith.constant 304 : index
        %get3A_730 = tpu.vector_load %arg11[%get3A_728, %get3A_729] {strides = array<i32>} : memref<32x768xf32, #tpu.memory_space<vmem>>, vector<16xf32>,
        %get3A_731 = arith.constant 304 : index
        %get3A_732 = tpu.vector_load %arg7[%get3A_731] {strides = array<i32>} : memref<768xf32, #tpu.memory_space<vmem>>, vector<16xf32>,
        %mul3A_733 = arith.mulf %get3A_730, %mul3A_518 : vector<16xf32>
        %sub3A_734 = arith.subf %mul3A_733, %mul3A_519 : vector<16xf32>
        %mul3A_735 = arith.mulf %sub3A_734, %get3A_732 : vector<16xf32>
        %swap3A_736 = arith.index_cast %scan3A_187 : i32 to index
        %swap3A_737 = arith.constant 304 : index
        %swap3A_738 = tpu.vector_load %arg11[%swap3A_736, %swap3A_737] {strides = array<i32>} : memref<32x768xf32, #tpu.memory_space<vmem>>, vector<16xf32>,
        tpu.vector_store %arg11[%swap3A_736, %swap3A_737], %mul3A_735 {strides = array<i32>} : memref<32x768xf32, #tpu.memory_space<vmem>>, vector<16xf32>,
        %get3A_739 = arith.index_cast %scan3A_187 : i32 to index
        %get3A_740 = arith.constant 320 : index
        %get3A_741 = tpu.vector_load %arg11[%get3A_739, %get3A_740] {strides = array<i32>} : memref<32x768xf32, #tpu.memory_space<vmem>>, vector<16xf32>,
        %get3A_742 = arith.constant 320 : index
        %get3A_743 = tpu.vector_load %arg7[%get3A_742] {strides = array<i32>} : memref<768xf32, #tpu.memory_space<vmem>>, vector<16xf32>,
        %mul3A_744 = arith.mulf %get3A_741, %mul3A_518 : vector<16xf32>
        %sub3A_745 = arith.subf %mul3A_744, %mul3A_519 : vector<16xf32>
        %mul3A_746 = arith.mulf %sub3A_745, %get3A_743 : vector<16xf32>
        %swap3A_747 = arith.index_cast %scan3A_187 : i32 to index
        %swap3A_748 = arith.constant 320 : index
        %swap3A_749 = tpu.vector_load %arg11[%swap3A_747, %swap3A_748] {strides = array<i32>} : memref<32x768xf32, #tpu.memory_space<vmem>>, vector<16xf32>,
        tpu.vector_store %arg11[%swap3A_747, %swap3A_748], %mul3A_746 {strides = array<i32>} : memref<32x768xf32, #tpu.memory_space<vmem>>, vector<16xf32>,
        %get3A_750 = arith.index_cast %scan3A_187 : i32 to index
        %get3A_751 = arith.constant 336 : index
        %get3A_752 = tpu.vector_load %arg11[%get3A_750, %get3A_751] {strides = array<i32>} : memref<32x768xf32, #tpu.memory_space<vmem>>, vector<16xf32>,
        %get3A_753 = arith.constant 336 : index
        %get3A_754 = tpu.vector_load %arg7[%get3A_753] {strides = array<i32>} : memref<768xf32, #tpu.memory_space<vmem>>, vector<16xf32>,
        %mul3A_755 = arith.mulf %get3A_752, %mul3A_518 : vector<16xf32>
        %sub3A_756 = arith.subf %mul3A_755, %mul3A_519 : vector<16xf32>
        %mul3A_757 = arith.mulf %sub3A_756, %get3A_754 : vector<16xf32>
        %swap3A_758 = arith.index_cast %scan3A_187 : i32 to index
        %swap3A_759 = arith.constant 336 : index
        %swap3A_760 = tpu.vector_load %arg11[%swap3A_758, %swap3A_759] {strides = array<i32>} : memref<32x768xf32, #tpu.memory_space<vmem>>, vector<16xf32>,
        tpu.vector_store %arg11[%swap3A_758, %swap3A_759], %mul3A_757 {strides = array<i32>} : memref<32x768xf32, #tpu.memory_space<vmem>>, vector<16xf32>,
        %get3A_761 = arith.index_cast %scan3A_187 : i32 to index
        %get3A_762 = arith.constant 352 : index
        %get3A_763 = tpu.vector_load %arg11[%get3A_761, %get3A_762] {strides = array<i32>} : memref<32x768xf32, #tpu.memory_space<vmem>>, vector<16xf32>,
        %get3A_764 = arith.constant 352 : index
        %get3A_765 = tpu.vector_load %arg7[%get3A_764] {strides = array<i32>} : memref<768xf32, #tpu.memory_space<vmem>>, vector<16xf32>,
        %mul3A_766 = arith.mulf %get3A_763, %mul3A_518 : vector<16xf32>
        %sub3A_767 = arith.subf %mul3A_766, %mul3A_519 : vector<16xf32>
        %mul3A_768 = arith.mulf %sub3A_767, %get3A_765 : vector<16xf32>
        %swap3A_769 = arith.index_cast %scan3A_187 : i32 to index
        %swap3A_770 = arith.constant 352 : index
        %swap3A_771 = tpu.vector_load %arg11[%swap3A_769, %swap3A_770] {strides = array<i32>} : memref<32x768xf32, #tpu.memory_space<vmem>>, vector<16xf32>,
        tpu.vector_store %arg11[%swap3A_769, %swap3A_770], %mul3A_768 {strides = array<i32>} : memref<32x768xf32, #tpu.memory_space<vmem>>, vector<16xf32>,
        %get3A_772 = arith.index_cast %scan3A_187 : i32 to index
        %get3A_773 = arith.constant 368 : index
        %get3A_774 = tpu.vector_load %arg11[%get3A_772, %get3A_773] {strides = array<i32>} : memref<32x768xf32, #tpu.memory_space<vmem>>, vector<16xf32>,
        %get3A_775 = arith.constant 368 : index
        %get3A_776 = tpu.vector_load %arg7[%get3A_775] {strides = array<i32>} : memref<768xf32, #tpu.memory_space<vmem>>, vector<16xf32>,
        %mul3A_777 = arith.mulf %get3A_774, %mul3A_518 : vector<16xf32>
        %sub3A_778 = arith.subf %mul3A_777, %mul3A_519 : vector<16xf32>
        %mul3A_779 = arith.mulf %sub3A_778, %get3A_776 : vector<16xf32>
        %swap3A_780 = arith.index_cast %scan3A_187 : i32 to index
        %swap3A_781 = arith.constant 368 : index
        %swap3A_782 = tpu.vector_load %arg11[%swap3A_780, %swap3A_781] {strides = array<i32>} : memref<32x768xf32, #tpu.memory_space<vmem>>, vector<16xf32>,
        tpu.vector_store %arg11[%swap3A_780, %swap3A_781], %mul3A_779 {strides = array<i32>} : memref<32x768xf32, #tpu.memory_space<vmem>>, vector<16xf32>,
        %get3A_783 = arith.index_cast %scan3A_187 : i32 to index
        %get3A_784 = arith.constant 384 : index
        %get3A_785 = tpu.vector_load %arg11[%get3A_783, %get3A_784] {strides = array<i32>} : memref<32x768xf32, #tpu.memory_space<vmem>>, vector<16xf32>,
        %get3A_786 = arith.constant 384 : index
        %get3A_787 = tpu.vector_load %arg7[%get3A_786] {strides = array<i32>} : memref<768xf32, #tpu.memory_space<vmem>>, vector<16xf32>,
        %mul3A_788 = arith.mulf %get3A_785, %mul3A_518 : vector<16xf32>
        %sub3A_789 = arith.subf %mul3A_788, %mul3A_519 : vector<16xf32>
        %mul3A_790 = arith.mulf %sub3A_789, %get3A_787 : vector<16xf32>
        %swap3A_791 = arith.index_cast %scan3A_187 : i32 to index
        %swap3A_792 = arith.constant 384 : index
        %swap3A_793 = tpu.vector_load %arg11[%swap3A_791, %swap3A_792] {strides = array<i32>} : memref<32x768xf32, #tpu.memory_space<vmem>>, vector<16xf32>,
        tpu.vector_store %arg11[%swap3A_791, %swap3A_792], %mul3A_790 {strides = array<i32>} : memref<32x768xf32, #tpu.memory_space<vmem>>, vector<16xf32>,
        %get3A_794 = arith.index_cast %scan3A_187 : i32 to index
        %get3A_795 = arith.constant 400 : index
        %get3A_796 = tpu.vector_load %arg11[%get3A_794, %get3A_795] {strides = array<i32>} : memref<32x768xf32, #tpu.memory_space<vmem>>, vector<16xf32>,
        %get3A_797 = arith.constant 400 : index
        %get3A_798 = tpu.vector_load %arg7[%get3A_797] {strides = array<i32>} : memref<768xf32, #tpu.memory_space<vmem>>, vector<16xf32>,
        %mul3A_799 = arith.mulf %get3A_796, %mul3A_518 : vector<16xf32>
        %sub3A_800 = arith.subf %mul3A_799, %mul3A_519 : vector<16xf32>
        %mul3A_801 = arith.mulf %sub3A_800, %get3A_798 : vector<16xf32>
        %swap3A_802 = arith.index_cast %scan3A_187 : i32 to index
        %swap3A_803 = arith.constant 400 : index
        %swap3A_804 = tpu.vector_load %arg11[%swap3A_802, %swap3A_803] {strides = array<i32>} : memref<32x768xf32, #tpu.memory_space<vmem>>, vector<16xf32>,
        tpu.vector_store %arg11[%swap3A_802, %swap3A_803], %mul3A_801 {strides = array<i32>} : memref<32x768xf32, #tpu.memory_space<vmem>>, vector<16xf32>,
        %get3A_805 = arith.index_cast %scan3A_187 : i32 to index
        %get3A_806 = arith.constant 416 : index
        %get3A_807 = tpu.vector_load %arg11[%get3A_805, %get3A_806] {strides = array<i32>} : memref<32x768xf32, #tpu.memory_space<vmem>>, vector<16xf32>,
        %get3A_808 = arith.constant 416 : index
        %get3A_809 = tpu.vector_load %arg7[%get3A_808] {strides = array<i32>} : memref<768xf32, #tpu.memory_space<vmem>>, vector<16xf32>,
        %mul3A_810 = arith.mulf %get3A_807, %mul3A_518 : vector<16xf32>
        %sub3A_811 = arith.subf %mul3A_810, %mul3A_519 : vector<16xf32>
        %mul3A_812 = arith.mulf %sub3A_811, %get3A_809 : vector<16xf32>
        %swap3A_813 = arith.index_cast %scan3A_187 : i32 to index
        %swap3A_814 = arith.constant 416 : index
        %swap3A_815 = tpu.vector_load %arg11[%swap3A_813, %swap3A_814] {strides = array<i32>} : memref<32x768xf32, #tpu.memory_space<vmem>>, vector<16xf32>,
        tpu.vector_store %arg11[%swap3A_813, %swap3A_814], %mul3A_812 {strides = array<i32>} : memref<32x768xf32, #tpu.memory_space<vmem>>, vector<16xf32>,
        %get3A_816 = arith.index_cast %scan3A_187 : i32 to index
        %get3A_817 = arith.constant 432 : index
        %get3A_818 = tpu.vector_load %arg11[%get3A_816, %get3A_817] {strides = array<i32>} : memref<32x768xf32, #tpu.memory_space<vmem>>, vector<16xf32>,
        %get3A_819 = arith.constant 432 : index
        %get3A_820 = tpu.vector_load %arg7[%get3A_819] {strides = array<i32>} : memref<768xf32, #tpu.memory_space<vmem>>, vector<16xf32>,
        %mul3A_821 = arith.mulf %get3A_818, %mul3A_518 : vector<16xf32>
        %sub3A_822 = arith.subf %mul3A_821, %mul3A_519 : vector<16xf32>
        %mul3A_823 = arith.mulf %sub3A_822, %get3A_820 : vector<16xf32>
        %swap3A_824 = arith.index_cast %scan3A_187 : i32 to index
        %swap3A_825 = arith.constant 432 : index
        %swap3A_826 = tpu.vector_load %arg11[%swap3A_824, %swap3A_825] {strides = array<i32>} : memref<32x768xf32, #tpu.memory_space<vmem>>, vector<16xf32>,
        tpu.vector_store %arg11[%swap3A_824, %swap3A_825], %mul3A_823 {strides = array<i32>} : memref<32x768xf32, #tpu.memory_space<vmem>>, vector<16xf32>,
        %get3A_827 = arith.index_cast %scan3A_187 : i32 to index
        %get3A_828 = arith.constant 448 : index
        %get3A_829 = tpu.vector_load %arg11[%get3A_827, %get3A_828] {strides = array<i32>} : memref<32x768xf32, #tpu.memory_space<vmem>>, vector<16xf32>,
        %get3A_830 = arith.constant 448 : index
        %get3A_831 = tpu.vector_load %arg7[%get3A_830] {strides = array<i32>} : memref<768xf32, #tpu.memory_space<vmem>>, vector<16xf32>,
        %mul3A_832 = arith.mulf %get3A_829, %mul3A_518 : vector<16xf32>
        %sub3A_833 = arith.subf %mul3A_832, %mul3A_519 : vector<16xf32>
        %mul3A_834 = arith.mulf %sub3A_833, %get3A_831 : vector<16xf32>
        %swap3A_835 = arith.index_cast %scan3A_187 : i32 to index
        %swap3A_836 = arith.constant 448 : index
        %swap3A_837 = tpu.vector_load %arg11[%swap3A_835, %swap3A_836] {strides = array<i32>} : memref<32x768xf32, #tpu.memory_space<vmem>>, vector<16xf32>,
        tpu.vector_store %arg11[%swap3A_835, %swap3A_836], %mul3A_834 {strides = array<i32>} : memref<32x768xf32, #tpu.memory_space<vmem>>, vector<16xf32>,
        %get3A_838 = arith.index_cast %scan3A_187 : i32 to index
        %get3A_839 = arith.constant 464 : index
        %get3A_840 = tpu.vector_load %arg11[%get3A_838, %get3A_839] {strides = array<i32>} : memref<32x768xf32, #tpu.memory_space<vmem>>, vector<16xf32>,
        %get3A_841 = arith.constant 464 : index
        %get3A_842 = tpu.vector_load %arg7[%get3A_841] {strides = array<i32>} : memref<768xf32, #tpu.memory_space<vmem>>, vector<16xf32>,
        %mul3A_843 = arith.mulf %get3A_840, %mul3A_518 : vector<16xf32>
        %sub3A_844 = arith.subf %mul3A_843, %mul3A_519 : vector<16xf32>
        %mul3A_845 = arith.mulf %sub3A_844, %get3A_842 : vector<16xf32>
        %swap3A_846 = arith.index_cast %scan3A_187 : i32 to index
        %swap3A_847 = arith.constant 464 : index
        %swap3A_848 = tpu.vector_load %arg11[%swap3A_846, %swap3A_847] {strides = array<i32>} : memref<32x768xf32, #tpu.memory_space<vmem>>, vector<16xf32>,
        tpu.vector_store %arg11[%swap3A_846, %swap3A_847], %mul3A_845 {strides = array<i32>} : memref<32x768xf32, #tpu.memory_space<vmem>>, vector<16xf32>,
        %get3A_849 = arith.index_cast %scan3A_187 : i32 to index
        %get3A_850 = arith.constant 480 : index
        %get3A_851 = tpu.vector_load %arg11[%get3A_849, %get3A_850] {strides = array<i32>} : memref<32x768xf32, #tpu.memory_space<vmem>>, vector<16xf32>,
        %get3A_852 = arith.constant 480 : index
        %get3A_853 = tpu.vector_load %arg7[%get3A_852] {strides = array<i32>} : memref<768xf32, #tpu.memory_space<vmem>>, vector<16xf32>,
        %mul3A_854 = arith.mulf %get3A_851, %mul3A_518 : vector<16xf32>
        %sub3A_855 = arith.subf %mul3A_854, %mul3A_519 : vector<16xf32>
        %mul3A_856 = arith.mulf %sub3A_855, %get3A_853 : vector<16xf32>
        %swap3A_857 = arith.index_cast %scan3A_187 : i32 to index
        %swap3A_858 = arith.constant 480 : index
        %swap3A_859 = tpu.vector_load %arg11[%swap3A_857, %swap3A_858] {strides = array<i32>} : memref<32x768xf32, #tpu.memory_space<vmem>>, vector<16xf32>,
        tpu.vector_store %arg11[%swap3A_857, %swap3A_858], %mul3A_856 {strides = array<i32>} : memref<32x768xf32, #tpu.memory_space<vmem>>, vector<16xf32>,
        %get3A_860 = arith.index_cast %scan3A_187 : i32 to index
        %get3A_861 = arith.constant 496 : index
        %get3A_862 = tpu.vector_load %arg11[%get3A_860, %get3A_861] {strides = array<i32>} : memref<32x768xf32, #tpu.memory_space<vmem>>, vector<16xf32>,
        %get3A_863 = arith.constant 496 : index
        %get3A_864 = tpu.vector_load %arg7[%get3A_863] {strides = array<i32>} : memref<768xf32, #tpu.memory_space<vmem>>, vector<16xf32>,
        %mul3A_865 = arith.mulf %get3A_862, %mul3A_518 : vector<16xf32>
        %sub3A_866 = arith.subf %mul3A_865, %mul3A_519 : vector<16xf32>
        %mul3A_867 = arith.mulf %sub3A_866, %get3A_864 : vector<16xf32>
        %swap3A_868 = arith.index_cast %scan3A_187 : i32 to index
        %swap3A_869 = arith.constant 496 : index
        %swap3A_870 = tpu.vector_load %arg11[%swap3A_868, %swap3A_869] {strides = array<i32>} : memref<32x768xf32, #tpu.memory_space<vmem>>, vector<16xf32>,
        tpu.vector_store %arg11[%swap3A_868, %swap3A_869], %mul3A_867 {strides = array<i32>} : memref<32x768xf32, #tpu.memory_space<vmem>>, vector<16xf32>,
        %get3A_871 = arith.index_cast %scan3A_187 : i32 to index
        %get3A_872 = arith.constant 512 : index
        %get3A_873 = tpu.vector_load %arg11[%get3A_871, %get3A_872] {strides = array<i32>} : memref<32x768xf32, #tpu.memory_space<vmem>>, vector<16xf32>,
        %get3A_874 = arith.constant 512 : index
        %get3A_875 = tpu.vector_load %arg7[%get3A_874] {strides = array<i32>} : memref<768xf32, #tpu.memory_space<vmem>>, vector<16xf32>,
        %mul3A_876 = arith.mulf %get3A_873, %mul3A_518 : vector<16xf32>
        %sub3A_877 = arith.subf %mul3A_876, %mul3A_519 : vector<16xf32>
        %mul3A_878 = arith.mulf %sub3A_877, %get3A_875 : vector<16xf32>
        %swap3A_879 = arith.index_cast %scan3A_187 : i32 to index
        %swap3A_880 = arith.constant 512 : index
        %swap3A_881 = tpu.vector_load %arg11[%swap3A_879, %swap3A_880] {strides = array<i32>} : memref<32x768xf32, #tpu.memory_space<vmem>>, vector<16xf32>,
        tpu.vector_store %arg11[%swap3A_879, %swap3A_880], %mul3A_878 {strides = array<i32>} : memref<32x768xf32, #tpu.memory_space<vmem>>, vector<16xf32>,
        %get3A_882 = arith.index_cast %scan3A_187 : i32 to index
        %get3A_883 = arith.constant 528 : index
        %get3A_884 = tpu.vector_load %arg11[%get3A_882, %get3A_883] {strides = array<i32>} : memref<32x768xf32, #tpu.memory_space<vmem>>, vector<16xf32>,
        %get3A_885 = arith.constant 528 : index
        %get3A_886 = tpu.vector_load %arg7[%get3A_885] {strides = array<i32>} : memref<768xf32, #tpu.memory_space<vmem>>, vector<16xf32>,
        %mul3A_887 = arith.mulf %get3A_884, %mul3A_518 : vector<16xf32>
        %sub3A_888 = arith.subf %mul3A_887, %mul3A_519 : vector<16xf32>
        %mul3A_889 = arith.mulf %sub3A_888, %get3A_886 : vector<16xf32>
        %swap3A_890 = arith.index_cast %scan3A_187 : i32 to index
        %swap3A_891 = arith.constant 528 : index
        %swap3A_892 = tpu.vector_load %arg11[%swap3A_890, %swap3A_891] {strides = array<i32>} : memref<32x768xf32, #tpu.memory_space<vmem>>, vector<16xf32>,
        tpu.vector_store %arg11[%swap3A_890, %swap3A_891], %mul3A_889 {strides = array<i32>} : memref<32x768xf32, #tpu.memory_space<vmem>>, vector<16xf32>,
        %get3A_893 = arith.index_cast %scan3A_187 : i32 to index
        %get3A_894 = arith.constant 544 : index
        %get3A_895 = tpu.vector_load %arg11[%get3A_893, %get3A_894] {strides = array<i32>} : memref<32x768xf32, #tpu.memory_space<vmem>>, vector<16xf32>,
        %get3A_896 = arith.constant 544 : index
        %get3A_897 = tpu.vector_load %arg7[%get3A_896] {strides = array<i32>} : memref<768xf32, #tpu.memory_space<vmem>>, vector<16xf32>,
        %mul3A_898 = arith.mulf %get3A_895, %mul3A_518 : vector<16xf32>
        %sub3A_899 = arith.subf %mul3A_898, %mul3A_519 : vector<16xf32>
        %mul3A_900 = arith.mulf %sub3A_899, %get3A_897 : vector<16xf32>
        %swap3A_901 = arith.index_cast %scan3A_187 : i32 to index
        %swap3A_902 = arith.constant 544 : index
        %swap3A_903 = tpu.vector_load %arg11[%swap3A_901, %swap3A_902] {strides = array<i32>} : memref<32x768xf32, #tpu.memory_space<vmem>>, vector<16xf32>,
        tpu.vector_store %arg11[%swap3A_901, %swap3A_902], %mul3A_900 {strides = array<i32>} : memref<32x768xf32, #tpu.memory_space<vmem>>, vector<16xf32>,
        %get3A_904 = arith.index_cast %scan3A_187 : i32 to index
        %get3A_905 = arith.constant 560 : index
        %get3A_906 = tpu.vector_load %arg11[%get3A_904, %get3A_905] {strides = array<i32>} : memref<32x768xf32, #tpu.memory_space<vmem>>, vector<16xf32>,
        %get3A_907 = arith.constant 560 : index
        %get3A_908 = tpu.vector_load %arg7[%get3A_907] {strides = array<i32>} : memref<768xf32, #tpu.memory_space<vmem>>, vector<16xf32>,
        %mul3A_909 = arith.mulf %get3A_906, %mul3A_518 : vector<16xf32>
        %sub3A_910 = arith.subf %mul3A_909, %mul3A_519 : vector<16xf32>
        %mul3A_911 = arith.mulf %sub3A_910, %get3A_908 : vector<16xf32>
        %swap3A_912 = arith.index_cast %scan3A_187 : i32 to index
        %swap3A_913 = arith.constant 560 : index
        %swap3A_914 = tpu.vector_load %arg11[%swap3A_912, %swap3A_913] {strides = array<i32>} : memref<32x768xf32, #tpu.memory_space<vmem>>, vector<16xf32>,
        tpu.vector_store %arg11[%swap3A_912, %swap3A_913], %mul3A_911 {strides = array<i32>} : memref<32x768xf32, #tpu.memory_space<vmem>>, vector<16xf32>,
        %get3A_915 = arith.index_cast %scan3A_187 : i32 to index
        %get3A_916 = arith.constant 576 : index
        %get3A_917 = tpu.vector_load %arg11[%get3A_915, %get3A_916] {strides = array<i32>} : memref<32x768xf32, #tpu.memory_space<vmem>>, vector<16xf32>,
        %get3A_918 = arith.constant 576 : index
        %get3A_919 = tpu.vector_load %arg7[%get3A_918] {strides = array<i32>} : memref<768xf32, #tpu.memory_space<vmem>>, vector<16xf32>,
        %mul3A_920 = arith.mulf %get3A_917, %mul3A_518 : vector<16xf32>
        %sub3A_921 = arith.subf %mul3A_920, %mul3A_519 : vector<16xf32>
        %mul3A_922 = arith.mulf %sub3A_921, %get3A_919 : vector<16xf32>
        %swap3A_923 = arith.index_cast %scan3A_187 : i32 to index
        %swap3A_924 = arith.constant 576 : index
        %swap3A_925 = tpu.vector_load %arg11[%swap3A_923, %swap3A_924] {strides = array<i32>} : memref<32x768xf32, #tpu.memory_space<vmem>>, vector<16xf32>,
        tpu.vector_store %arg11[%swap3A_923, %swap3A_924], %mul3A_922 {strides = array<i32>} : memref<32x768xf32, #tpu.memory_space<vmem>>, vector<16xf32>,
        %get3A_926 = arith.index_cast %scan3A_187 : i32 to index
        %get3A_927 = arith.constant 592 : index
        %get3A_928 = tpu.vector_load %arg11[%get3A_926, %get3A_927] {strides = array<i32>} : memref<32x768xf32, #tpu.memory_space<vmem>>, vector<16xf32>,
        %get3A_929 = arith.constant 592 : index
        %get3A_930 = tpu.vector_load %arg7[%get3A_929] {strides = array<i32>} : memref<768xf32, #tpu.memory_space<vmem>>, vector<16xf32>,
        %mul3A_931 = arith.mulf %get3A_928, %mul3A_518 : vector<16xf32>
        %sub3A_932 = arith.subf %mul3A_931, %mul3A_519 : vector<16xf32>
        %mul3A_933 = arith.mulf %sub3A_932, %get3A_930 : vector<16xf32>
        %swap3A_934 = arith.index_cast %scan3A_187 : i32 to index
        %swap3A_935 = arith.constant 592 : index
        %swap3A_936 = tpu.vector_load %arg11[%swap3A_934, %swap3A_935] {strides = array<i32>} : memref<32x768xf32, #tpu.memory_space<vmem>>, vector<16xf32>,
        tpu.vector_store %arg11[%swap3A_934, %swap3A_935], %mul3A_933 {strides = array<i32>} : memref<32x768xf32, #tpu.memory_space<vmem>>, vector<16xf32>,
        %get3A_937 = arith.index_cast %scan3A_187 : i32 to index
        %get3A_938 = arith.constant 608 : index
        %get3A_939 = tpu.vector_load %arg11[%get3A_937, %get3A_938] {strides = array<i32>} : memref<32x768xf32, #tpu.memory_space<vmem>>, vector<16xf32>,
        %get3A_940 = arith.constant 608 : index
        %get3A_941 = tpu.vector_load %arg7[%get3A_940] {strides = array<i32>} : memref<768xf32, #tpu.memory_space<vmem>>, vector<16xf32>,
        %mul3A_942 = arith.mulf %get3A_939, %mul3A_518 : vector<16xf32>
        %sub3A_943 = arith.subf %mul3A_942, %mul3A_519 : vector<16xf32>
        %mul3A_944 = arith.mulf %sub3A_943, %get3A_941 : vector<16xf32>
        %swap3A_945 = arith.index_cast %scan3A_187 : i32 to index
        %swap3A_946 = arith.constant 608 : index
        %swap3A_947 = tpu.vector_load %arg11[%swap3A_945, %swap3A_946] {strides = array<i32>} : memref<32x768xf32, #tpu.memory_space<vmem>>, vector<16xf32>,
        tpu.vector_store %arg11[%swap3A_945, %swap3A_946], %mul3A_944 {strides = array<i32>} : memref<32x768xf32, #tpu.memory_space<vmem>>, vector<16xf32>,
        %get3A_948 = arith.index_cast %scan3A_187 : i32 to index
        %get3A_949 = arith.constant 624 : index
        %get3A_950 = tpu.vector_load %arg11[%get3A_948, %get3A_949] {strides = array<i32>} : memref<32x768xf32, #tpu.memory_space<vmem>>, vector<16xf32>,
        %get3A_951 = arith.constant 624 : index
        %get3A_952 = tpu.vector_load %arg7[%get3A_951] {strides = array<i32>} : memref<768xf32, #tpu.memory_space<vmem>>, vector<16xf32>,
        %mul3A_953 = arith.mulf %get3A_950, %mul3A_518 : vector<16xf32>
        %sub3A_954 = arith.subf %mul3A_953, %mul3A_519 : vector<16xf32>
        %mul3A_955 = arith.mulf %sub3A_954, %get3A_952 : vector<16xf32>
        %swap3A_956 = arith.index_cast %scan3A_187 : i32 to index
        %swap3A_957 = arith.constant 624 : index
        %swap3A_958 = tpu.vector_load %arg11[%swap3A_956, %swap3A_957] {strides = array<i32>} : memref<32x768xf32, #tpu.memory_space<vmem>>, vector<16xf32>,
        tpu.vector_store %arg11[%swap3A_956, %swap3A_957], %mul3A_955 {strides = array<i32>} : memref<32x768xf32, #tpu.memory_space<vmem>>, vector<16xf32>,
        %get3A_959 = arith.index_cast %scan3A_187 : i32 to index
        %get3A_960 = arith.constant 640 : index
        %get3A_961 = tpu.vector_load %arg11[%get3A_959, %get3A_960] {strides = array<i32>} : memref<32x768xf32, #tpu.memory_space<vmem>>, vector<16xf32>,
        %get3A_962 = arith.constant 640 : index
        %get3A_963 = tpu.vector_load %arg7[%get3A_962] {strides = array<i32>} : memref<768xf32, #tpu.memory_space<vmem>>, vector<16xf32>,
        %mul3A_964 = arith.mulf %get3A_961, %mul3A_518 : vector<16xf32>
        %sub3A_965 = arith.subf %mul3A_964, %mul3A_519 : vector<16xf32>
        %mul3A_966 = arith.mulf %sub3A_965, %get3A_963 : vector<16xf32>
        %swap3A_967 = arith.index_cast %scan3A_187 : i32 to index
        %swap3A_968 = arith.constant 640 : index
        %swap3A_969 = tpu.vector_load %arg11[%swap3A_967, %swap3A_968] {strides = array<i32>} : memref<32x768xf32, #tpu.memory_space<vmem>>, vector<16xf32>,
        tpu.vector_store %arg11[%swap3A_967, %swap3A_968], %mul3A_966 {strides = array<i32>} : memref<32x768xf32, #tpu.memory_space<vmem>>, vector<16xf32>,
        %get3A_970 = arith.index_cast %scan3A_187 : i32 to index
        %get3A_971 = arith.constant 656 : index
        %get3A_972 = tpu.vector_load %arg11[%get3A_970, %get3A_971] {strides = array<i32>} : memref<32x768xf32, #tpu.memory_space<vmem>>, vector<16xf32>,
        %get3A_973 = arith.constant 656 : index
        %get3A_974 = tpu.vector_load %arg7[%get3A_973] {strides = array<i32>} : memref<768xf32, #tpu.memory_space<vmem>>, vector<16xf32>,
        %mul3A_975 = arith.mulf %get3A_972, %mul3A_518 : vector<16xf32>
        %sub3A_976 = arith.subf %mul3A_975, %mul3A_519 : vector<16xf32>
        %mul3A_977 = arith.mulf %sub3A_976, %get3A_974 : vector<16xf32>
        %swap3A_978 = arith.index_cast %scan3A_187 : i32 to index
        %swap3A_979 = arith.constant 656 : index
        %swap3A_980 = tpu.vector_load %arg11[%swap3A_978, %swap3A_979] {strides = array<i32>} : memref<32x768xf32, #tpu.memory_space<vmem>>, vector<16xf32>,
        tpu.vector_store %arg11[%swap3A_978, %swap3A_979], %mul3A_977 {strides = array<i32>} : memref<32x768xf32, #tpu.memory_space<vmem>>, vector<16xf32>,
        %get3A_981 = arith.index_cast %scan3A_187 : i32 to index
        %get3A_982 = arith.constant 672 : index
        %get3A_983 = tpu.vector_load %arg11[%get3A_981, %get3A_982] {strides = array<i32>} : memref<32x768xf32, #tpu.memory_space<vmem>>, vector<16xf32>,
        %get3A_984 = arith.constant 672 : index
        %get3A_985 = tpu.vector_load %arg7[%get3A_984] {strides = array<i32>} : memref<768xf32, #tpu.memory_space<vmem>>, vector<16xf32>,
        %mul3A_986 = arith.mulf %get3A_983, %mul3A_518 : vector<16xf32>
        %sub3A_987 = arith.subf %mul3A_986, %mul3A_519 : vector<16xf32>
        %mul3A_988 = arith.mulf %sub3A_987, %get3A_985 : vector<16xf32>
        %swap3A_989 = arith.index_cast %scan3A_187 : i32 to index
        %swap3A_990 = arith.constant 672 : index
        %swap3A_991 = tpu.vector_load %arg11[%swap3A_989, %swap3A_990] {strides = array<i32>} : memref<32x768xf32, #tpu.memory_space<vmem>>, vector<16xf32>,
        tpu.vector_store %arg11[%swap3A_989, %swap3A_990], %mul3A_988 {strides = array<i32>} : memref<32x768xf32, #tpu.memory_space<vmem>>, vector<16xf32>,
        %get3A_992 = arith.index_cast %scan3A_187 : i32 to index
        %get3A_993 = arith.constant 688 : index
        %get3A_994 = tpu.vector_load %arg11[%get3A_992, %get3A_993] {strides = array<i32>} : memref<32x768xf32, #tpu.memory_space<vmem>>, vector<16xf32>,
        %get3A_995 = arith.constant 688 : index
        %get3A_996 = tpu.vector_load %arg7[%get3A_995] {strides = array<i32>} : memref<768xf32, #tpu.memory_space<vmem>>, vector<16xf32>,
        %mul3A_997 = arith.mulf %get3A_994, %mul3A_518 : vector<16xf32>
        %sub3A_998 = arith.subf %mul3A_997, %mul3A_519 : vector<16xf32>
        %mul3A_999 = arith.mulf %sub3A_998, %get3A_996 : vector<16xf32>
        %swap3A_1000 = arith.index_cast %scan3A_187 : i32 to index
        %swap3A_1001 = arith.constant 688 : index
        %swap3A_1002 = tpu.vector_load %arg11[%swap3A_1000, %swap3A_1001] {strides = array<i32>} : memref<32x768xf32, #tpu.memory_space<vmem>>, vector<16xf32>,
        tpu.vector_store %arg11[%swap3A_1000, %swap3A_1001], %mul3A_999 {strides = array<i32>} : memref<32x768xf32, #tpu.memory_space<vmem>>, vector<16xf32>,
        %get3A_1003 = arith.index_cast %scan3A_187 : i32 to index
        %get3A_1004 = arith.constant 704 : index
        %get3A_1005 = tpu.vector_load %arg11[%get3A_1003, %get3A_1004] {strides = array<i32>} : memref<32x768xf32, #tpu.memory_space<vmem>>, vector<16xf32>,
        %get3A_1006 = arith.constant 704 : index
        %get3A_1007 = tpu.vector_load %arg7[%get3A_1006] {strides = array<i32>} : memref<768xf32, #tpu.memory_space<vmem>>, vector<16xf32>,
        %mul3A_1008 = arith.mulf %get3A_1005, %mul3A_518 : vector<16xf32>
        %sub3A_1009 = arith.subf %mul3A_1008, %mul3A_519 : vector<16xf32>
        %mul3A_1010 = arith.mulf %sub3A_1009, %get3A_1007 : vector<16xf32>
        %swap3A_1011 = arith.index_cast %scan3A_187 : i32 to index
        %swap3A_1012 = arith.constant 704 : index
        %swap3A_1013 = tpu.vector_load %arg11[%swap3A_1011, %swap3A_1012] {strides = array<i32>} : memref<32x768xf32, #tpu.memory_space<vmem>>, vector<16xf32>,
        tpu.vector_store %arg11[%swap3A_1011, %swap3A_1012], %mul3A_1010 {strides = array<i32>} : memref<32x768xf32, #tpu.memory_space<vmem>>, vector<16xf32>,
        %get3A_1014 = arith.index_cast %scan3A_187 : i32 to index
        %get3A_1015 = arith.constant 720 : index
        %get3A_1016 = tpu.vector_load %arg11[%get3A_1014, %get3A_1015] {strides = array<i32>} : memref<32x768xf32, #tpu.memory_space<vmem>>, vector<16xf32>,
        %get3A_1017 = arith.constant 720 : index
        %get3A_1018 = tpu.vector_load %arg7[%get3A_1017] {strides = array<i32>} : memref<768xf32, #tpu.memory_space<vmem>>, vector<16xf32>,
        %mul3A_1019 = arith.mulf %get3A_1016, %mul3A_518 : vector<16xf32>
        %sub3A_1020 = arith.subf %mul3A_1019, %mul3A_519 : vector<16xf32>
        %mul3A_1021 = arith.mulf %sub3A_1020, %get3A_1018 : vector<16xf32>
        %swap3A_1022 = arith.index_cast %scan3A_187 : i32 to index
        %swap3A_1023 = arith.constant 720 : index
        %swap3A_1024 = tpu.vector_load %arg11[%swap3A_1022, %swap3A_1023] {strides = array<i32>} : memref<32x768xf32, #tpu.memory_space<vmem>>, vector<16xf32>,
        tpu.vector_store %arg11[%swap3A_1022, %swap3A_1023], %mul3A_1021 {strides = array<i32>} : memref<32x768xf32, #tpu.memory_space<vmem>>, vector<16xf32>,
        %get3A_1025 = arith.index_cast %scan3A_187 : i32 to index
        %get3A_1026 = arith.constant 736 : index
        %get3A_1027 = tpu.vector_load %arg11[%get3A_1025, %get3A_1026] {strides = array<i32>} : memref<32x768xf32, #tpu.memory_space<vmem>>, vector<16xf32>,
        %get3A_1028 = arith.constant 736 : index
        %get3A_1029 = tpu.vector_load %arg7[%get3A_1028] {strides = array<i32>} : memref<768xf32, #tpu.memory_space<vmem>>, vector<16xf32>,
        %mul3A_1030 = arith.mulf %get3A_1027, %mul3A_518 : vector<16xf32>
        %sub3A_1031 = arith.subf %mul3A_1030, %mul3A_519 : vector<16xf32>
        %mul3A_1032 = arith.mulf %sub3A_1031, %get3A_1029 : vector<16xf32>
        %swap3A_1033 = arith.index_cast %scan3A_187 : i32 to index
        %swap3A_1034 = arith.constant 736 : index
        %swap3A_1035 = tpu.vector_load %arg11[%swap3A_1033, %swap3A_1034] {strides = array<i32>} : memref<32x768xf32, #tpu.memory_space<vmem>>, vector<16xf32>,
        tpu.vector_store %arg11[%swap3A_1033, %swap3A_1034], %mul3A_1032 {strides = array<i32>} : memref<32x768xf32, #tpu.memory_space<vmem>>, vector<16xf32>,
        %get3A_1036 = arith.index_cast %scan3A_187 : i32 to index
        %get3A_1037 = arith.constant 752 : index
        %get3A_1038 = tpu.vector_load %arg11[%get3A_1036, %get3A_1037] {strides = array<i32>} : memref<32x768xf32, #tpu.memory_space<vmem>>, vector<16xf32>,
        %get3A_1039 = arith.constant 752 : index
        %get3A_1040 = tpu.vector_load %arg7[%get3A_1039] {strides = array<i32>} : memref<768xf32, #tpu.memory_space<vmem>>, vector<16xf32>,
        %mul3A_1041 = arith.mulf %get3A_1038, %mul3A_518 : vector<16xf32>
        %sub3A_1042 = arith.subf %mul3A_1041, %mul3A_519 : vector<16xf32>
        %mul3A_1043 = arith.mulf %sub3A_1042, %get3A_1040 : vector<16xf32>
        %swap3A_1044 = arith.index_cast %scan3A_187 : i32 to index
        %swap3A_1045 = arith.constant 752 : index
        %swap3A_1046 = tpu.vector_load %arg11[%swap3A_1044, %swap3A_1045] {strides = array<i32>} : memref<32x768xf32, #tpu.memory_space<vmem>>, vector<16xf32>,
        tpu.vector_store %arg11[%swap3A_1044, %swap3A_1045], %mul3A_1043 {strides = array<i32>} : memref<32x768xf32, #tpu.memory_space<vmem>>, vector<16xf32>,
        %scan3A_1047 = arith.constant 0 : i32
        scf.yield %scan3A_1047 : i32
      }
      %scan3A_178 = arith.constant 32 : i32
      %mul3A_179 = arith.constant 32 : i32
      %mul3A_180 = arith.muli %add3A_152, %mul3A_179 : i32
      %add3A_181 = arith.addi %mul3A_2, %mul3A_180 : i32
      %dma_start3A_182 = arith.constant 0 : i32
      %dma_start3A_183 = tpu.memref_slice %arg5[%add3A_181, %dma_start3A_182] : memref<32768x768xf32, #tpu.memory_space<hbm>> -> memref<32x768xf32, #tpu.memory_space<hbm>>
      %dma_start3A_184 = arith.constant 0 : i32
      %dma_start3A_185 = tpu.memref_slice %arg5[%add3A_181, %dma_start3A_184] : memref<32768x768xf32, #tpu.memory_space<hbm>> -> memref<32x768xf32, #tpu.memory_space<hbm>>
      tpu.enqueue_dma source(%arg11 : memref<32x768xf32, #tpu.memory_space<vmem>>) target(%dma_start3A_185 : memref<32x768xf32, #tpu.memory_space<hbm>>) target_semaphore(%arg19 : memref<!tpu.dma_semaphore, #tpu.memory_space<semaphore_mem>>)
      %scan3A_186 = arith.constant 0 : i32
      scf.yield %scan3A_186 : i32
    }
    %scan3A_17 = arith.constant 8 : i32
    %dma_wait3A = arith.constant 0 : i32
    %dma_wait3A_18 = arith.constant 0 : i32
    %dma_wait3A_19 = tpu.memref_slice %arg5[%dma_wait3A, %dma_wait3A_18] : memref<32768x768xf32, #tpu.memory_space<hbm>> -> memref<32x768xf32, #tpu.memory_space<hbm>>
    %dma_wait3A_20 = arith.constant 0 : i32
    %dma_wait3A_21 = arith.constant 0 : i32
    %dma_wait3A_22 = tpu.memref_slice %arg5[%dma_wait3A_20, %dma_wait3A_21] : memref<32768x768xf32, #tpu.memory_space<hbm>> -> memref<32x768xf32, #tpu.memory_space<hbm>>
    tpu.wait_dma2 semaphore(%arg16 : memref<!tpu.dma_semaphore, #tpu.memory_space<semaphore_mem>>) src(%arg8 : memref<32x768xf32, #tpu.memory_space<vmem>>) dst(%dma_wait3A_22 : memref<32x768xf32, #tpu.memory_space<hbm>>)
    %dma_wait3A_23 = arith.constant 0 : i32
    %dma_wait3A_24 = arith.constant 0 : i32
    %dma_wait3A_25 = tpu.memref_slice %arg5[%dma_wait3A_23, %dma_wait3A_24] : memref<32768x768xf32, #tpu.memory_space<hbm>> -> memref<32x768xf32, #tpu.memory_space<hbm>>
    %dma_wait3A_26 = arith.constant 0 : i32
    %dma_wait3A_27 = arith.constant 0 : i32
    %dma_wait3A_28 = tpu.memref_slice %arg5[%dma_wait3A_26, %dma_wait3A_27] : memref<32768x768xf32, #tpu.memory_space<hbm>> -> memref<32x768xf32, #tpu.memory_space<hbm>>
    tpu.wait_dma2 semaphore(%arg17 : memref<!tpu.dma_semaphore, #tpu.memory_space<semaphore_mem>>) src(%arg9 : memref<32x768xf32, #tpu.memory_space<vmem>>) dst(%dma_wait3A_28 : memref<32x768xf32, #tpu.memory_space<hbm>>)
    %dma_wait3A_29 = arith.constant 0 : i32
    %dma_wait3A_30 = arith.constant 0 : i32
    %dma_wait3A_31 = tpu.memref_slice %arg5[%dma_wait3A_29, %dma_wait3A_30] : memref<32768x768xf32, #tpu.memory_space<hbm>> -> memref<32x768xf32, #tpu.memory_space<hbm>>
    %dma_wait3A_32 = arith.constant 0 : i32
    %dma_wait3A_33 = arith.constant 0 : i32
    %dma_wait3A_34 = tpu.memref_slice %arg5[%dma_wait3A_32, %dma_wait3A_33] : memref<32768x768xf32, #tpu.memory_space<hbm>> -> memref<32x768xf32, #tpu.memory_space<hbm>>
    tpu.wait_dma2 semaphore(%arg18 : memref<!tpu.dma_semaphore, #tpu.memory_space<semaphore_mem>>) src(%arg10 : memref<32x768xf32, #tpu.memory_space<vmem>>) dst(%dma_wait3A_34 : memref<32x768xf32, #tpu.memory_space<hbm>>)
    %dma_wait3A_35 = arith.constant 0 : i32
    %dma_wait3A_36 = arith.constant 0 : i32
    %dma_wait3A_37 = tpu.memref_slice %arg5[%dma_wait3A_35, %dma_wait3A_36] : memref<32768x768xf32, #tpu.memory_space<hbm>> -> memref<32x768xf32, #tpu.memory_space<hbm>>
    %dma_wait3A_38 = arith.constant 0 : i32
    %dma_wait3A_39 = arith.constant 0 : i32
    %dma_wait3A_40 = tpu.memref_slice %arg5[%dma_wait3A_38, %dma_wait3A_39] : memref<32768x768xf32, #tpu.memory_space<hbm>> -> memref<32x768xf32, #tpu.memory_space<hbm>>
    tpu.wait_dma2 semaphore(%arg19 : memref<!tpu.dma_semaphore, #tpu.memory_space<semaphore_mem>>) src(%arg11 : memref<32x768xf32, #tpu.memory_space<vmem>>) dst(%dma_wait3A_40 : memref<32x768xf32, #tpu.memory_space<hbm>>)
    return
  }
}

</mosaic_0001>

<sc_bundles>
// kernel: kernel.3.cloned.1.call-start
scs
__scs_entry_jumppad:
0x0: {  	(pc) =	sbr.rel $0x88, $3  }
0x1: {  	(tag) =	ssettag $0x0;
	lr =	simm.s32 $0x1  }
0x2: {  	[smem:$0x3F9E] =	sst lr;
	_ =	strace $0xD0000000  }
0x3: {  	_ = 	snop  }
0x4: {  	_ = 	snop  }
0x5: {  	_ = 	snop  }
0x6: {  	_ = 	snop  }
0x7: {  	_ = 	snop  }
__scs_overlays_trampoline_lowered:
0x8: {  	[smem:$0x3FAD] =	sst s0  }
0x9: {  	[smem:$0x3FAE] =	sst s1  }
0xa: {  	[smem:$0x3FAF] =	sst s2  }
0xb: {  	[smem:$0x3FB0] =	sst s3  }
0xc: {  	[smem:$0x3FB1] =	sst s4  }
0xd: {  	[smem:$0x3FB2] =	sst s5  }
0xe: {  	[smem:$0x3FB3] =	sst s6  }
0xf: {  	[smem:$0x3FB4] =	sst s7  }
0x10: {  	[smem:$0x3FB5] =	sst s8  }
0x11: {  	[smem:$0x3FB6] =	sst s9;
	s0 =	simm.s32 @!p0 $0x0  }
0x12: {  	s1 =	sld [smem:$0x3F9C];
	s0 =	simm.s32 @p0 $0x1  }
0x13: {  	[smem:$0x3FB7] =	sst s0;
	s0 =	simm.s32 @!p1 $0x0  }
0x14: {  	s2 =	sld [smem:$0x3F9B];
	s0 =	simm.s32 @p1 $0x1  }
0x15: {  	[smem:$0x3FB8] =	sst s0;
	s0 =	simm.s32 @!p2 $0x0  }
0x16: {  	s3 =	sld [smem:$0x3FDB];
	s0 =	simm.s32 @p2 $0x1  }
0x17: {  	s4 =	simm.s32 $0x1BF5;
	[smem:$0x3FBA] =	sst s0  }
0x18: {  	s0 =	sld [smem:$0x3F9D];
	_ =	swait.ge [sflag:s4], $0x0  }
0x19: {  	s7 =	sld [smem:$0x3F9E]  }
0x1a: {  	s8 =	sadd.s32 $0xFFFFE003, lr  }
0x1b: {  	s9 =	sadd.s32 $0xFFFFFEF7, lr;
	s5 =	simm.s32 $0xFFFFFFFF;
	p2 =	slt.u32 s8, $0xFFFFF086  }
0x1c: {  	p1 =	slt.u32 s9, $0xF7A;
	s5 =	simm.s32 @!p2 $0x0  }
0x1d: {  	s5 =	simm.s32 @p1 $0x1;
	p0 =	seq.s32 s7, s2  }
0x1e: {  	s7 =	smul.u32 @!p0 $0xF7A, s2;
	p2 =	seq.s32 @!p0 s5, $0x0  }
0x1f: {  	s9 =	smul.u32 $0xF7A, s1;
	s8 =	simm.s32 @!p0 $0x1BF5;
	p2 =	por !p2, p0  }
0x20: {  	[sflag:s8] =	ssyncset.s32 @!p0 $0xFFFFF086;
	s6 =	sadd.s32 @!p0 s3, s7;
	s7 =	simm.s32 @!p0 $0x108  }
0x21: {  	s3 =	sadd.s32 s3, s9;
	s6 =	sadd.s32 @!p0 $0x88, s6;
	s7 =	simm.s32 @p2 $0x1082  }
0x22: {  	[simem:s7], [sflag:s8] =	dma.local @!p0 [hbm:s6], $0xF7A  }
0x23: {  	s9 =	sor.u32 $0xD0000000, s2;
	s6 =	simm.s32 $0x108;
	_ =	swait.ge @!p0 [sflag:s8], $0x0  }
0x24: {  	s3 =	sadd.s32 $0x88, s3;
	s6 =	simm.s32 @!p1 $0x1082;
	[sflag:s4] =	ssyncset.s32 $0xFFFFF086  }
0x25: {  	[simem:s6], [sflag:s4] =	dma.local [hbm:s3], $0xF7A  }
0x26: {  	[smem:$0x3F9E] =	sst s1;
	(tag) =	ssettag s2;
	_ =	strace s9  }
0x27: {  	s1 =	sld [smem:$0x3FAE]  }
0x28: {  	s2 =	sld [smem:$0x3FAF]  }
0x29: {  	s4 =	sld [smem:$0x3FB1]  }
0x2a: {  	p0 =	seq.s32 s5, $0x0;
	s5 =	sld [smem:$0x3FB2]  }
0x2b: {  	s6 =	sld [smem:$0x3FB3]  }
0x2c: {  	s7 =	sld [smem:$0x3FB4]  }
0x2d: {  	s3 =	simm.s32 $0x108;
	s8 =	sld [smem:$0x3FB5]  }
0x2e: {  	s3 =	simm.s32 @!p0 $0x1082;
	s9 =	sld [smem:$0x3FB6]  }
0x2f: {  	lr =	sadd.s32 s0, s3;
	s0 =	sld [smem:$0x3FAD]  }
0x30: {  	s3 =	sld [smem:$0x3FB0]  }
0x31: {  	[smem:$0x3FB9] =	sst s10  }
0x32: {  	s10 =	sld [smem:$0x3FB7];
	_ =	sdelay $0x3  }
0x33: {  	p0 =	seq.s32 s10, $0x1;
	s10 =	sld [smem:$0x3FB9];
	_ =	sdelay $0x3  }
0x34: {  	[smem:$0x3FB9] =	sst s10  }
0x35: {  	s10 =	sld [smem:$0x3FB8];
	_ =	sdelay $0x3  }
0x36: {  	p1 =	seq.s32 s10, $0x1;
	s10 =	sld [smem:$0x3FB9];
	_ =	sdelay $0x3  }
0x37: {  	[smem:$0x3FB9] =	sst s10  }
0x38: {  	s10 =	sld [smem:$0x3FBA]  }
0x39: {  	_ = 	snop;
	(pc) =	sbr.ind lr, $3  }
0x3a: {  	_ = 	snop  }
0x3b: {  	_ = 	snop  }
0x3c: {  	p2 =	seq.s32 s10, $0x1;
	s10 =	sld [smem:$0x3FB9]  }
0x3d: {  	_ =	shalt  }
0x3e: {  	_ =	shalt  }
0x3f: {  	_ =	shalt  }
0x40: {  	_ =	shalt  }
0x41: {  	_ =	shalt  }
0x42: {  	_ =	shalt  }
0x43: {  	_ =	shalt  }
0x44: {  	_ =	shalt  }
0x45: {  	_ =	shalt  }
0x46: {  	_ =	shalt  }
0x47: {  	_ =	shalt  }
0x48: {  	_ =	shalt  }
0x49: {  	_ =	shalt  }
0x4a: {  	_ =	shalt  }
0x4b: {  	_ =	shalt  }
0x4c: {  	_ =	shalt  }
0x4d: {  	_ =	shalt  }
0x4e: {  	_ =	shalt  }
0x4f: {  	_ =	shalt  }
0x50: {  	_ =	shalt  }
0x51: {  	_ =	shalt  }
0x52: {  	_ =	shalt  }
0x53: {  	_ =	shalt  }
0x54: {  	_ =	shalt  }
0x55: {  	_ =	shalt  }
0x56: {  	_ =	shalt  }
0x57: {  	_ =	shalt  }
0x58: {  	_ =	shalt  }
0x59: {  	_ =	shalt  }
0x5a: {  	_ =	shalt  }
0x5b: {  	_ =	shalt  }
0x5c: {  	_ =	shalt  }
0x5d: {  	_ =	shalt  }
0x5e: {  	_ =	shalt  }
0x5f: {  	_ =	shalt  }
0x60: {  	_ =	shalt  }
0x61: {  	_ =	shalt  }
0x62: {  	_ =	shalt  }
0x63: {  	_ =	shalt  }
0x64: {  	_ =	shalt  }
0x65: {  	_ =	shalt  }
0x66: {  	_ =	shalt  }
0x67: {  	_ =	shalt  }
0x68: {  	_ =	shalt  }
0x69: {  	_ =	shalt  }
0x6a: {  	_ =	shalt  }
0x6b: {  	_ =	shalt  }
0x6c: {  	_ =	shalt  }
0x6d: {  	_ =	shalt  }
0x6e: {  	_ =	shalt  }
0x6f: {  	_ =	shalt  }
0x70: {  	_ =	shalt  }
0x71: {  	_ =	shalt  }
0x72: {  	_ =	shalt  }
0x73: {  	_ =	shalt  }
0x74: {  	_ =	shalt  }
0x75: {  	_ =	shalt  }
0x76: {  	_ =	shalt  }
0x77: {  	_ =	shalt  }
0x78: {  	_ =	shalt  }
0x79: {  	_ =	shalt  }
0x7a: {  	_ =	shalt  }
0x7b: {  	_ =	shalt  }
0x7c: {  	_ =	shalt  }
0x7d: {  	_ =	shalt  }
0x7e: {  	_ =	shalt  }
0x7f: {  	_ =	shalt  }
0x80: {  	_ =	shalt  }
0x81: {  	_ =	shalt  }
0x82: {  	_ =	shalt  }
0x83: {  	_ =	shalt  }
0x84: {  	_ =	shalt  }
0x85: {  	_ =	shalt  }
0x86: {  	_ =	shalt  }
0x87: {  	_ =	shalt  }
.Lfunc_end0:
.L_simem_size_0:
called_computation_lowered:
.L_overlay_start_0:
0x88: {  	s2 =	sld [smem:$0x3FD9]  }
0x89: {  	s3 =	sld [smem:$0x3FFE];
	_ =	sdelay $0x1  }
0x8a: {  	s1 =	srdreg.scid  }
0x8b: {  	s0 =	sand.u32 $0x1, s1  }
0x8c: {  	s17 =	sshll.u32 s0, $0xA;
	s2 =	sadd.s32 s3, s2  }
0x8d: {  	s2 =	sadd.s32 s2, s17  }
0x8e: {  	[smem:$0x3FC5] =	sst s2  }
0x8f: {  	_ = 	snop  }
0x90: {  	s2 =	sld [smem:$0x3FC8]  }
0x91: {  	s18 =	sld [smem:$0x3FC7]  }
0x92: {  	s4 =	sld [smem:$0x3FD0];
	(tm) =	ssettm $0x1  }
0x93: {  	s5 =	sld [smem:$0x3FFB];
	_ =	sdelay $0x3  }
0x94: {  	_ =	strace s5  }
0x95: {  	s5 =	sld [smem:$0x3FFC];
	_ =	sdelay $0x3  }
0x96: {  	_ =	strace s5  }
0x97: {  	s5 =	sld [smem:$0x3FFD];
	_ =	sdelay $0x3  }
0x98: {  	_ =	strace s5  }
0x99: {  	_ =	strace $0x8FFFFFFF  }
0x9a: {  	s19 =	sld [smem:$0x3FDB];
	_ =	sdelay $0x1  }
0x9b: {  	s6 =	simm.s32 $_scs_section_size  }
0x9c: {  	s7 =	simm.s32 $_size__tile_overlayer_lowered;
	s8 =	simm.s32 $_tile_overlayer_lowered  }
0x9d: {  	s22 =	simm.s32 $0x1BFF;
	s21 =	sshll.u32 s8, $0x1;
	s5 =	sadd.s32 s6, s19  }
0x9e: {  	s9 =	simm.s32 $0x0;
	s20 =	sshll.u32 s7, $0x1;
	s7 =	sadd.s32 s21, s5  }
0x9f: {  	[timem:s9], [sflag:s22] =	dma.local [hbm:s7], s20  }
0xa0: {  	_ =	swait.ge [sflag:s22], s20  }
0xa1: {  	s6 =	ssub.s32 $0x0, s20;
	[sflag:s22] =	ssyncset.done $0x0  }
0xa2: {  	[sflag:s22] =	ssyncadd.s32 s6;
	_ =	sdelay $0x1  }
0xa3: {  	s23 =	simm.s32 $0x1B8B  }
0xa4: {  	_ =	swait.ge [sflag:s23], $0x1  }
0xa5: {  	[sflag:s23] =	ssyncset.done $0x0  }
0xa6: {  	s25 =	simm.s32 $0x1B8E;
	s24 =	sld [smem:$0x3FFE];
	[sflag:s23] =	ssyncadd.s32 $0xFFFFFFFF  }
0xa7: {  	s26 =	simm.s32 $execute0_lowered;
	[smem:$0x3FD2] =	sst s25  }
0xa8: {  	s7 =	sshll.u32 s26, $0x1;
	_ =	strace $0x80000046;
	[dreg:$0x1] =	wrdreg $0xFFFFFFFF  }
0xa9: {  	s28 =	simm.s32 $_size_execute0_lowered;
	s5 =	sadd.s32 s5, s7;
	[dreg:$0x0] =	wrdreg $0x0  }
0xaa: {  	s7 =	sshll.u32 s28, $0x1;
	[dreg:$0x2] =	wrdreg s5  }
0xab: {  	[dreg:$0x3] =	wrdreg s7  }
0xac: {  	[dreg:$0x4] =	wrdreg $0xC0  }
0xad: {  	_ =	task [dreg:s9], $0x5FFFF  }
0xae: {  	[dreg:$0x1] =	wrdreg $0xFFFFFFFF  }
0xaf: {  	[dreg:$0x0] =	wrdreg $0x60  }
0xb0: {  	[dreg:$0x2] =	wrdreg s24  }
0xb1: {  	[dreg:$0x3] =	wrdreg s2  }
0xb2: {  	[dreg:$0x4] =	wrdreg s18  }
0xb3: {  	[dreg:$0x5] =	wrdreg s4  }
0xb4: {  	[dreg:$0x6] =	wrdreg $0x9  }
0xb5: {  	_ =	task.clear_ibuf [dreg:s9], $0x7FFFF;
	_ =	strace $0x90000046  }
0xb6: {  	s29 =	simm.s32 $0x9;
	_ =	strace $0x80000048  }
0xb7: {  	_ =	swait.ge [sflag:s29], $0x1  }
0xb8: {  	[sflag:s29] =	ssyncadd.s32 $0xFFFFFFFF  }
0xb9: {  	_ =	strace $0x90000048  }
0xba: {  	_ =	sfence  }
0xbb: {  	s30 =	sld [smem:$0x0];
	_ =	sdelay $0x2  }
0xbc: {  	s31 =	sshll.u32 s1, $0xD;
	s1 =	sshrl.u32 s1, $0x2  }
0xbd: {  	s3 =	sand.u32 $0x4000, s31;
	s1 =	sadd.s32 s1, s30  }
0xbe: {  	s0 =	sor.u32 s3, s0;
	s1 =	sshll.u32 s1, $0x11  }
0xbf: {  	s0 =	sor.u32 s1, s0  }
0xc0: {  	s0 =	sadd.s32 $0x8F2B, s0  }
0xc1: {  	[sflag:s0] =	ssyncadd.remote.s32 $0x1  }
0xc2: {  	_ =	sfence.sel $0xFFFF  }
0xc3: {  	[dreg:$0x0] =	wrdreg $0xFFFFFFFF;
	(pc) =	sbr.abs _section_cstart, $3  }
0xc4: {  	[dreg:$0x1] =	wrdreg $0xFFFFFFFF  }
0xc5: {  	_ =	task.clear_ibuf [dreg:s9], $0x2FFFF;
	_ =	strace $0x9FFFFFFF  }
0xc6: {  	(tm) =	ssettm $0x7FFFFFFF  }
0xc7: {  	_ =	shalt  }
tec
execute0_lowered:
.L_overlay_start_1:
0x0: {  	(tag) =	ssettag $0x1  }
0x1: {  	s0 =	rddreg [dreg:$0x0]  }
0x2: {  	s2 =	rddreg [dreg:$0x1];
	s1 =	srdreg.scid  }
0x3: {  	s4 =	rddreg [dreg:$0x3];
	s3 =	stileid.u32;
	s5 =	simm.s32 $0x0  }
0x4: {  	s13 =	simm.s32 $0x700;
	s25 =	simm.s32 $0x6700;
	s16 =	simm.s32 $0xC700  }
0x5: {  	s30 =	simm.s32 $0x1;
	s31 =	simm.s32 $0x12700;
	s14 =	simm.s32 $0x14F00  }
0x6: {  	s15 =	simm.s32 $0x15700;
	s10 =	simm.s32 $0x16700;
	s12 =	simm.s32 $0x16F00  }
0x7: {  	s17 =	simm.s32 $0x17700;
	s18 =	simm.s32 $0x17F00;
	s19 =	simm.s32 $0x2  }
0x8: {  	s20 =	simm.s32 $0x3;
	s21 =	simm.s32 $0x4;
	s1 =	sand.u32 $0x1, s1  }
0x9: {  	s3 =	sshll.u32 s3, $0xB;
	s6 =	sshll.u32 s1, $0xA;
	s1 =	ssub.s32 $0x2, s1  }
0xa: {  	[smem:$0x7FF] =	sst s5;
	s6 =	sor.u32 s6, s3;
	s7 =	sshrl.u32 s1, $0x1  }
0xb: {  	s8 =	sadd.s32 $0x100, s2;
	s3 =	sshrl.u32 s6, $0x3;
	s1 =	ssub.s32 s1, s7  }
0xc: {  	v2 =	vlaneseq.u32;
	s9 =	sadd.s32 $0x200, s2;
	s0 =	sadd.s32 s3, s0;
	s29 =	smax.u32 s1, $0x1  }
0xd: {  	vm0 =	vmmov $0xffff;
	v1 =	vshrl.u32 v2, $0x3;
	_ =	strace $0x80000047;
	s0 =	sadd.s32 $0x400, s0;
	[dreg:$0x6] =	wrdreg s29  }
0xe: {  	v0 =	vand.u32 $0x7, v2;
	v2 =	vor.u32 $0x8, v2;
	v1 =	vmul.u32 $0x8, v1;
	s7 =	simm.s32 $0x15F00;
	s3 =	simm.s32 $0x0;
	[dreg:$0x5] =	wrdreg s0  }
.LBB2_1:
0xf: {  	[dreg:$0x7] =	wrdreg s3  }
0x10: {  	s0 =	rddreg [dreg:$0x2];
	s1 =	simm.s32 $0x400;
	s22 =	simm.s32 $0x9  }
0x11: {  	[tilespmem:s1], [sflag:$0x9] =	stream.linear.gather [hbm4b:s0+s5], $0x300, $0x38;
	[tilespmem:$0x18700] =	vst v63  }
0x12: {  	_ =	swait.ge [sflag:s22], $0x300  }
0x13: {  	[sflag:s22] =	ssyncset.done $0x0  }
0x14: {  	s23 =	rddreg [dreg:$0x5];
	[sflag:s22] =	ssyncadd.s32 $0xFFFFFD00  }
0x15: {  	[tilespmem:s5], [sflag:$0x9] =	stream.linear.gather [hbm4b:s23+s5], $0x400, $0x38;
	[tilespmem:$0x18700] =	vst v63  }
0x16: {  	_ =	swait.ge [sflag:s22], $0x400  }
0x17: {  	[sflag:s22] =	ssyncset.done $0x0  }
0x18: {  	[sflag:s22] =	ssyncadd.s32 $0xFFFFFC00  }
0x19: {  	v3 =	vld [tilespmem:$0x0];
	_ =	sdelay $0x4  }
0x1a: {  	v4 =	vshrl.u32 v3, $0x3  }
0x1b: {  	v4 =	vmul.u32 $0x30, v4  }
0x1c: {  	v3 =	vand.u32 $0x7, v3  }
0x1d: {  	v3 =	vor.u32 v3, v4  }
0x1e: {  	v4 =	vperm.xlane v3, v0;
	_ =	sdelay $0x1  }
0x1f: {  	v4 =	vadd.s32 v1, v4;
	_ =	sdelay $0x3  }
0x20: {  	v3 =	vperm.xlane v3, v2  }
0x21: {  	[tilespmem:s13], [sflag:$0x1] =	stream.indirect_vreg.gather [hbm4b:s2+s5], $0x80, v4, vm0, $0xb8;
	[tilespmem:$0x18700] =	vst v63  }
0x22: {  	s24 =	simm.s32 $0xF00;
	v3 =	vadd.s32 v1, v3  }
0x23: {  	[tilespmem:s24], [sflag:$0x1] =	stream.indirect_vreg.gather [hbm4b:s8+s5], $0x80, v4, vm0, $0xb8;
	[tilespmem:$0x18700] =	vst v63  }
0x24: {  	s26 =	simm.s32 $0x1700  }
0x25: {  	[tilespmem:s26], [sflag:$0x1] =	stream.indirect_vreg.gather [hbm4b:s9+s5], $0x80, v4, vm0, $0xb8;
	[tilespmem:$0x18700] =	vst v63  }
0x26: {  	s28 =	simm.s32 $0x1F00  }
0x27: {  	[tilespmem:s28], [sflag:$0x1] =	stream.indirect_vreg.gather [hbm4b:s2+s5], $0x80, v3, vm0, $0xb8;
	[tilespmem:$0x18700] =	vst v63  }
0x28: {  	s29 =	simm.s32 $0x2700  }
0x29: {  	[tilespmem:s29], [sflag:$0x1] =	stream.indirect_vreg.gather [hbm4b:s8+s5], $0x80, v3, vm0, $0xb8;
	[tilespmem:$0x18700] =	vst v63  }
0x2a: {  	s1 =	simm.s32 $0x2F00  }
0x2b: {  	[tilespmem:s1], [sflag:$0x1] =	stream.indirect_vreg.gather [hbm4b:s9+s5], $0x80, v3, vm0, $0xb8;
	[tilespmem:$0x18700] =	vst v63  }
0x2c: {  	v3 =	vld [tilespmem:$0x10];
	_ =	sdelay $0x4  }
0x2d: {  	v61 =	vshrl.u32 v3, $0x3  }
0x2e: {  	v4 =	vmul.u32 $0x30, v61  }
0x2f: {  	v3 =	vand.u32 $0x7, v3  }
0x30: {  	v3 =	vor.u32 v3, v4  }
0x31: {  	v4 =	vperm.xlane v3, v0;
	_ =	sdelay $0x1  }
0x32: {  	v4 =	vadd.s32 v1, v4;
	_ =	sdelay $0x3  }
0x33: {  	s3 =	simm.s32 $0x3700;
	v3 =	vperm.xlane v3, v2  }
0x34: {  	[tilespmem:s3], [sflag:$0x1] =	stream.indirect_vreg.gather [hbm4b:s2+s5], $0x80, v4, vm0, $0xb8;
	[tilespmem:$0x18700] =	vst v63  }
0x35: {  	s11 =	simm.s32 $0x3F00;
	v3 =	vadd.s32 v1, v3  }
0x36: {  	[tilespmem:s11], [sflag:$0x1] =	stream.indirect_vreg.gather [hbm4b:s8+s5], $0x80, v4, vm0, $0xb8;
	[tilespmem:$0x18700] =	vst v63  }
0x37: {  	s22 =	simm.s32 $0x4700  }
0x38: {  	[tilespmem:s22], [sflag:$0x1] =	stream.indirect_vreg.gather [hbm4b:s9+s5], $0x80, v4, vm0, $0xb8;
	[tilespmem:$0x18700] =	vst v63  }
0x39: {  	s23 =	simm.s32 $0x4F00  }
0x3a: {  	[tilespmem:s23], [sflag:$0x1] =	stream.indirect_vreg.gather [hbm4b:s2+s5], $0x80, v3, vm0, $0xb8;
	[tilespmem:$0x18700] =	vst v63  }
0x3b: {  	s24 =	simm.s32 $0x5700  }
0x3c: {  	[tilespmem:s24], [sflag:$0x1] =	stream.indirect_vreg.gather [hbm4b:s8+s5], $0x80, v3, vm0, $0xb8;
	[tilespmem:$0x18700] =	vst v63  }
0x3d: {  	s26 =	simm.s32 $0x5F00  }
0x3e: {  	[tilespmem:s26], [sflag:$0x1] =	stream.indirect_vreg.gather [hbm4b:s9+s5], $0x80, v3, vm0, $0xb8;
	[tilespmem:$0x18700] =	vst v63  }
0x3f: {  	v3 =	vld [tilespmem:$0x20];
	_ =	sdelay $0x4  }
0x40: {  	v62 =	vshrl.u32 v3, $0x3  }
0x41: {  	v4 =	vmul.u32 $0x30, v62  }
0x42: {  	v3 =	vand.u32 $0x7, v3  }
0x43: {  	v3 =	vor.u32 v3, v4  }
0x44: {  	v4 =	vperm.xlane v3, v0;
	_ =	sdelay $0x1  }
0x45: {  	v4 =	vadd.s32 v1, v4;
	_ =	sdelay $0x3  }
0x46: {  	v3 =	vperm.xlane v3, v2  }
0x47: {  	[tilespmem:s25], [sflag:$0x2] =	stream.indirect_vreg.gather [hbm4b:s2+s5], $0x80, v4, vm0, $0xb8;
	[tilespmem:$0x18700] =	vst v63  }
0x48: {  	s28 =	simm.s32 $0x6F00;
	v3 =	vadd.s32 v1, v3  }
0x49: {  	[tilespmem:s28], [sflag:$0x2] =	stream.indirect_vreg.gather [hbm4b:s8+s5], $0x80, v4, vm0, $0xb8;
	[tilespmem:$0x18700] =	vst v63  }
0x4a: {  	s29 =	simm.s32 $0x7700  }
0x4b: {  	[tilespmem:s29], [sflag:$0x2] =	stream.indirect_vreg.gather [hbm4b:s9+s5], $0x80, v4, vm0, $0xb8;
	[tilespmem:$0x18700] =	vst v63  }
0x4c: {  	s1 =	simm.s32 $0x7F00  }
0x4d: {  	[tilespmem:s1], [sflag:$0x2] =	stream.indirect_vreg.gather [hbm4b:s2+s5], $0x80, v3, vm0, $0xb8;
	[tilespmem:$0x18700] =	vst v63  }
0x4e: {  	s3 =	simm.s32 $0x8700  }
0x4f: {  	[tilespmem:s3], [sflag:$0x2] =	stream.indirect_vreg.gather [hbm4b:s8+s5], $0x80, v3, vm0, $0xb8;
	[tilespmem:$0x18700] =	vst v63  }
0x50: {  	s11 =	simm.s32 $0x8F00  }
0x51: {  	[tilespmem:s11], [sflag:$0x2] =	stream.indirect_vreg.gather [hbm4b:s9+s5], $0x80, v3, vm0, $0xb8;
	[tilespmem:$0x18700] =	vst v63  }
0x52: {  	v3 =	vld [tilespmem:$0x30];
	_ =	sdelay $0x4  }
0x53: {  	v63 =	vshrl.u32 v3, $0x3  }
0x54: {  	v4 =	vmul.u32 $0x30, v63  }
0x55: {  	v3 =	vand.u32 $0x7, v3  }
0x56: {  	v3 =	vor.u32 v3, v4  }
0x57: {  	v4 =	vperm.xlane v3, v0;
	_ =	sdelay $0x1  }
0x58: {  	v4 =	vadd.s32 v1, v4;
	_ =	sdelay $0x3  }
0x59: {  	s22 =	simm.s32 $0x9700;
	v3 =	vperm.xlane v3, v2  }
0x5a: {  	[tilespmem:s22], [sflag:$0x2] =	stream.indirect_vreg.gather [hbm4b:s2+s5], $0x80, v4, vm0, $0xb8;
	[tilespmem:$0x18700] =	vst v63  }
0x5b: {  	s23 =	simm.s32 $0x9F00;
	v3 =	vadd.s32 v1, v3  }
0x5c: {  	[tilespmem:s23], [sflag:$0x2] =	stream.indirect_vreg.gather [hbm4b:s8+s5], $0x80, v4, vm0, $0xb8;
	[tilespmem:$0x18700] =	vst v63  }
0x5d: {  	s24 =	simm.s32 $0xA700  }
0x5e: {  	[tilespmem:s24], [sflag:$0x2] =	stream.indirect_vreg.gather [hbm4b:s9+s5], $0x80, v4, vm0, $0xb8;
	[tilespmem:$0x18700] =	vst v63  }
0x5f: {  	s26 =	simm.s32 $0xAF00  }
0x60: {  	[tilespmem:s26], [sflag:$0x2] =	stream.indirect_vreg.gather [hbm4b:s2+s5], $0x80, v3, vm0, $0xb8;
	[tilespmem:$0x18700] =	vst v63  }
0x61: {  	s28 =	simm.s32 $0xB700  }
0x62: {  	[tilespmem:s28], [sflag:$0x2] =	stream.indirect_vreg.gather [hbm4b:s8+s5], $0x80, v3, vm0, $0xb8;
	[tilespmem:$0x18700] =	vst v63  }
0x63: {  	s29 =	simm.s32 $0xBF00;
	s22 =	simm.s32 $0x0  }
0x64: {  	[tilespmem:s29], [sflag:$0x2] =	stream.indirect_vreg.gather [hbm4b:s9+s5], $0x80, v3, vm0, $0xb8;
	[tilespmem:$0x18700] =	vst v63  }
.LBB2_2:
0x65: {  	p0 =	seq.s32 s22, $0x0  }
0x66: {  	s23 =	sshll.u32 s22, $0x2;
	s0 =	simm.s32 @!p0 $0x7  }
0x67: {  	s1 =	sor.u32 $0x2, s23;
	_ =	swait.ge @!p0 [sflag:s0], $0x6000  }
0x68: {  	s24 =	sshll.u32 s1, $0x5;
	[sflag:s0] =	ssyncset.done @!p0 $0x0  }
0x69: {  	[sflag:s0] =	ssyncadd.s32 @!p0 $0xFFFFA000;
	s0 =	sand.u32 $0x3FFFFFE0, s24  }
0x6a: {  	v3 =	vld [tilespmem:s0+$0x0];
	_ =	sdelay $0x4  }
0x6b: {  	v4 =	vshrl.u32 v3, $0x3  }
0x6c: {  	v4 =	vmul.u32 $0x30, v4  }
0x6d: {  	v3 =	vand.u32 $0x7, v3  }
0x6e: {  	v3 =	vor.u32 v3, v4  }
0x6f: {  	v4 =	vperm.xlane v3, v0;
	_ =	sdelay $0x1  }
0x70: {  	v4 =	vadd.s32 v1, v4;
	_ =	sdelay $0x3  }
0x71: {  	s26 =	simm.s32 $0x0;
	v3 =	vperm.xlane v3, v2  }
0x72: {  	[tilespmem:s16], [sflag:$0x3] =	stream.indirect_vreg.gather [hbm4b:s2+s26], $0x80, v4, vm0, $0xb8;
	[tilespmem:$0x18700] =	vst v63  }
0x73: {  	s29 =	simm.s32 $0xCF00;
	v3 =	vadd.s32 v1, v3  }
0x74: {  	[tilespmem:s29], [sflag:$0x3] =	stream.indirect_vreg.gather [hbm4b:s8+s26], $0x80, v4, vm0, $0xb8;
	[tilespmem:$0x18700] =	vst v63  }
0x75: {  	s3 =	simm.s32 $0xD700  }
0x76: {  	[tilespmem:s3], [sflag:$0x3] =	stream.indirect_vreg.gather [hbm4b:s9+s26], $0x80, v4, vm0, $0xb8;
	[tilespmem:$0x18700] =	vst v63  }
0x77: {  	s11 =	simm.s32 $0xDF00  }
0x78: {  	[tilespmem:s11], [sflag:$0x3] =	stream.indirect_vreg.gather [hbm4b:s2+s26], $0x80, v3, vm0, $0xb8;
	[tilespmem:$0x18700] =	vst v63  }
0x79: {  	s29 =	simm.s32 $0xE700  }
0x7a: {  	[tilespmem:s29], [sflag:$0x3] =	stream.indirect_vreg.gather [hbm4b:s8+s26], $0x80, v3, vm0, $0xb8;
	[tilespmem:$0x18700] =	vst v63  }
0x7b: {  	s3 =	simm.s32 $0xEF00  }
0x7c: {  	[tilespmem:s3], [sflag:$0x3] =	stream.indirect_vreg.gather [hbm4b:s9+s26], $0x80, v3, vm0, $0xb8;
	[tilespmem:$0x18700] =	vst v63  }
0x7d: {  	v3 =	vld [tilespmem:s0+$0x10];
	_ =	sdelay $0x4  }
0x7e: {  	v63 =	vshrl.u32 v3, $0x3  }
0x7f: {  	v4 =	vmul.u32 $0x30, v63  }
0x80: {  	v3 =	vand.u32 $0x7, v3  }
0x81: {  	v3 =	vor.u32 v3, v4  }
0x82: {  	v4 =	vperm.xlane v3, v0;
	_ =	sdelay $0x1  }
0x83: {  	v4 =	vadd.s32 v1, v4;
	_ =	sdelay $0x3  }
0x84: {  	s11 =	simm.s32 $0xF700;
	v3 =	vperm.xlane v3, v2  }
0x85: {  	[tilespmem:s11], [sflag:$0x3] =	stream.indirect_vreg.gather [hbm4b:s2+s26], $0x80, v4, vm0, $0xb8;
	[tilespmem:$0x18700] =	vst v63  }
0x86: {  	s29 =	simm.s32 $0xFF00;
	v3 =	vadd.s32 v1, v3  }
0x87: {  	[tilespmem:s29], [sflag:$0x3] =	stream.indirect_vreg.gather [hbm4b:s8+s26], $0x80, v4, vm0, $0xb8;
	[tilespmem:$0x18700] =	vst v63  }
0x88: {  	s1 =	simm.s32 $0x10700  }
0x89: {  	[tilespmem:s1], [sflag:$0x3] =	stream.indirect_vreg.gather [hbm4b:s9+s26], $0x80, v4, vm0, $0xb8;
	[tilespmem:$0x18700] =	vst v63  }
0x8a: {  	s3 =	simm.s32 $0x10F00  }
0x8b: {  	[tilespmem:s3], [sflag:$0x3] =	stream.indirect_vreg.gather [hbm4b:s2+s26], $0x80, v3, vm0, $0xb8;
	[tilespmem:$0x18700] =	vst v63  }
0x8c: {  	s11 =	simm.s32 $0x11700  }
0x8d: {  	[tilespmem:s11], [sflag:$0x3] =	stream.indirect_vreg.gather [hbm4b:s8+s26], $0x80, v3, vm0, $0xb8;
	[tilespmem:$0x18700] =	vst v63  }
0x8e: {  	s29 =	simm.s32 $0x11F00  }
0x8f: {  	[tilespmem:s29], [sflag:$0x3] =	stream.indirect_vreg.gather [hbm4b:s9+s26], $0x80, v3, vm0, $0xb8;
	[tilespmem:$0x18700] =	vst v63  }
0x90: {  	_ =	swait.ge [sflag:s30], $0x6000  }
0x91: {  	[sflag:s30] =	ssyncset.done $0x0  }
0x92: {  	s28 =	simm.s32 $0x0;
	[sflag:s30] =	ssyncadd.s32 $0xFFFFA000  }
.LBB2_3:
0x93: {  	s0 =	sshrl.u32 s28, $0x3  }
0x94: {  	s0 =	smul.u32 $0x6000, s0;
	_ =	sdelay $0x1  }
0x95: {  	s1 =	sand.u32 $0x380, s26;
	s0 =	sshra.s32 s0, $0x2  }
0x96: {  	s29 =	sor.u32 s1, s0  }
0x97: {  	v20 =	vld [tilespmem:s29+$0x700]  }
0x98: {  	v19 =	vld [tilespmem:s29+$0x710]  }
0x99: {  	v18 =	vld [tilespmem:s29+$0x720]  }
0x9a: {  	v17 =	vld [tilespmem:s29+$0x730]  }
0x9b: {  	v16 =	vld [tilespmem:s29+$0x740]  }
0x9c: {  	v15 =	vld [tilespmem:s29+$0x750]  }
0x9d: {  	v14 =	vld [tilespmem:s29+$0x760]  }
0x9e: {  	v13 =	vld [tilespmem:s29+$0x770]  }
0x9f: {  	v12 =	vld [tilespmem:s29+$0xB00]  }
0xa0: {  	v11 =	vld [tilespmem:s29+$0xB10]  }
0xa1: {  	v10 =	vld [tilespmem:s29+$0xB20]  }
0xa2: {  	v9 =	vld [tilespmem:s29+$0xB30]  }
0xa3: {  	v8 =	vld [tilespmem:s29+$0xB40]  }
0xa4: {  	v7 =	vld [tilespmem:s29+$0xB50];
	v3 =	vmul.f32 v20, v20  }
0xa5: {  	v6 =	vld [tilespmem:s29+$0xB60];
	v4 =	vmul.f32 v19, v19;
	v21 =	vmul.f32 v18, v18  }
0xa6: {  	v31 =	vld [tilespmem:s29+$0xF00];
	v22 =	vmul.f32 v17, v17;
	v23 =	vmul.f32 v16, v16  }
0xa7: {  	v33 =	vld [tilespmem:s29+$0xF10];
	v24 =	vmul.f32 v15, v15;
	v25 =	vmul.f32 v14, v14  }
0xa8: {  	v35 =	vld [tilespmem:s29+$0xF20];
	v5 =	vmul.f32 v12, v12;
	v27 =	vmul.f32 v11, v11  }
0xa9: {  	v37 =	vld [tilespmem:s29+$0xF30];
	v28 =	vadd.f32 v12, v20;
	v29 =	vmul.f32 v10, v10;
	v30 =	vadd.f32 v11, v19  }
0xaa: {  	v39 =	vld [tilespmem:s29+$0xF40];
	v44 =	vmul.f32 v9, v9;
	v32 =	vadd.f32 v10, v18;
	v34 =	vadd.f32 v9, v17  }
0xab: {  	v41 =	vld [tilespmem:s29+$0xF50];
	v45 =	vmul.f32 v8, v8;
	v36 =	vadd.f32 v8, v16;
	v38 =	vadd.f32 v7, v15  }
0xac: {  	v43 =	vld [tilespmem:s29+$0xF60];
	v46 =	vmul.f32 v7, v7;
	v40 =	vadd.f32 v6, v14;
	v3 =	vadd.f32 v5, v3  }
0xad: {  	v52 =	vld [tilespmem:s29+$0xF70];
	v47 =	vmul.f32 v6, v6;
	v4 =	vadd.f32 v27, v4;
	v21 =	vadd.f32 v29, v21  }
0xae: {  	v54 =	vld [tilespmem:s29+$0x1300];
	v49 =	vmul.f32 v31, v31;
	v22 =	vadd.f32 v44, v22;
	v23 =	vadd.f32 v45, v23  }
0xaf: {  	v56 =	vld [tilespmem:s29+$0x1310];
	v50 =	vmul.f32 v33, v33;
	v24 =	vadd.f32 v46, v24;
	v25 =	vadd.f32 v47, v25  }
0xb0: {  	v58 =	vld [tilespmem:s29+$0x1320];
	v51 =	vmul.f32 v35, v35;
	v28 =	vadd.f32 v31, v28;
	v30 =	vadd.f32 v33, v30  }
0xb1: {  	v60 =	vld [tilespmem:s29+$0x1330];
	v53 =	vmul.f32 v37, v37;
	v32 =	vadd.f32 v35, v32;
	v34 =	vadd.f32 v37, v34  }
0xb2: {  	v62 =	vld [tilespmem:s29+$0x1340];
	v55 =	vmul.f32 v39, v39;
	v36 =	vadd.f32 v39, v36;
	v38 =	vadd.f32 v41, v38  }
0xb3: {  	v57 =	vmul.f32 v41, v41;
	v5 =	vld [tilespmem:s29+$0xB70];
	v40 =	vadd.f32 v43, v40;
	v3 =	vadd.f32 v49, v3  }
0xb4: {  	v59 =	vmul.f32 v43, v43;
	v45 =	vld [tilespmem:s29+$0x1350];
	v4 =	vadd.f32 v50, v4;
	v21 =	vadd.f32 v51, v21  }
0xb5: {  	v26 =	vmul.f32 v13, v13;
	v47 =	vld [tilespmem:s29+$0x1360];
	v22 =	vadd.f32 v53, v22;
	v23 =	vadd.f32 v55, v23  }
0xb6: {  	v63 =	vmul.f32 v54, v54;
	v24 =	vadd.f32 v57, v24;
	v25 =	vadd.f32 v59, v25;
	v49 =	vld [tilespmem:s29+$0x1370]  }
0xb7: {  	v46 =	vmul.f32 v56, v56;
	v28 =	vadd.f32 v54, v28;
	v30 =	vadd.f32 v56, v30;
	v51 =	vld [tilespmem:s29+$0x1700]  }
0xb8: {  	v50 =	vmul.f32 v60, v60;
	v32 =	vadd.f32 v58, v32;
	v53 =	vld [tilespmem:s29+$0x1710];
	v34 =	vadd.f32 v60, v34  }
0xb9: {  	v61 =	vmul.f32 v52, v52;
	v55 =	vld [tilespmem:s29+$0x1720];
	v36 =	vadd.f32 v62, v36;
	v3 =	vadd.f32 v63, v3  }
0xba: {  	v57 =	vld [tilespmem:s29+$0x1730];
	v4 =	vadd.f32 v46, v4;
	v22 =	vadd.f32 v50, v22;
	v48 =	vmul.f32 v5, v5  }
0xbb: {  	v59 =	vld [tilespmem:s29+$0x1740];
	v42 =	vadd.f32 v5, v13;
	v54 =	vmul.f32 v45, v45;
	v38 =	vadd.f32 v45, v38  }
0xbc: {  	v56 =	vmul.f32 v47, v47;
	v40 =	vadd.f32 v47, v40;
	v26 =	vadd.f32 v48, v26  }
0xbd: {  	v31 =	vadd.f32 v52, v42;
	v48 =	vmul.f32 v58, v58;
	v24 =	vadd.f32 v54, v24  }
0xbe: {  	v52 =	vmul.f32 v62, v62;
	v25 =	vadd.f32 v56, v25;
	v28 =	vadd.f32 v51, v28  }
0xbf: {  	v63 =	vld [tilespmem:s29+$0x1760];
	v58 =	vmul.f32 v49, v49;
	v30 =	vadd.f32 v53, v30;
	v32 =	vadd.f32 v55, v32  }
0xc0: {  	v47 =	vld [tilespmem:s29+$0x1B00];
	v60 =	vmul.f32 v51, v51;
	v34 =	vadd.f32 v57, v34;
	v36 =	vadd.f32 v59, v36  }
0xc1: {  	v45 =	vld [tilespmem:s29+$0x1770];
	v62 =	vmul.f32 v53, v53;
	v26 =	vadd.f32 v61, v26;
	v21 =	vadd.f32 v48, v21  }
0xc2: {  	v46 =	vmul.f32 v57, v57;
	v51 =	vld [tilespmem:s29+$0x1B20];
	v23 =	vadd.f32 v52, v23;
	v31 =	vadd.f32 v49, v31  }
0xc3: {  	v44 =	vmul.f32 v55, v55;
	v53 =	vld [tilespmem:s29+$0x1B30];
	v3 =	vadd.f32 v60, v3;
	v4 =	vadd.f32 v62, v4  }
0xc4: {  	v55 =	vld [tilespmem:s29+$0x1B40];
	v48 =	vmul.f32 v59, v59;
	v22 =	vadd.f32 v46, v22;
	v33 =	vadd.f32 v63, v40  }
0xc5: {  	v61 =	vld [tilespmem:s29+$0x1750];
	v52 =	vmul.f32 v63, v63;
	v28 =	vadd.f32 v47, v28;
	v26 =	vadd.f32 v58, v26  }
0xc6: {  	v49 =	vld [tilespmem:s29+$0x1B10];
	v56 =	vmul.f32 v47, v47;
	v21 =	vadd.f32 v44, v21;
	v23 =	vadd.f32 v48, v23  }
0xc7: {  	v54 =	vmul.f32 v45, v45;
	v25 =	vadd.f32 v52, v25;
	v31 =	vadd.f32 v45, v31  }
0xc8: {  	v59 =	vld [tilespmem:s29+$0x1B60];
	v3 =	vadd.f32 v56, v3;
	v60 =	vmul.f32 v51, v51;
	v32 =	vadd.f32 v51, v32  }
0xc9: {  	v62 =	vmul.f32 v53, v53;
	v34 =	vadd.f32 v53, v34;
	v36 =	vadd.f32 v55, v36  }
0xca: {  	v57 =	vld [tilespmem:s29+$0x1B50];
	v63 =	vmul.f32 v55, v55;
	v26 =	vadd.f32 v54, v26;
	v38 =	vadd.f32 v61, v38  }
0xcb: {  	v50 =	vmul.f32 v61, v61;
	v30 =	vadd.f32 v49, v30;
	v21 =	vadd.f32 v60, v21  }
0xcc: {  	v58 =	vmul.f32 v49, v49;
	v61 =	vld [tilespmem:s29+$0x1B70];
	v22 =	vadd.f32 v62, v22;
	v23 =	vadd.f32 v63, v23  }
0xcd: {  	v42 =	vmul.f32 v59, v59;
	v33 =	vadd.f32 v59, v33;
	v45 =	vadd.f32 v36, v28  }
0xce: {  	v24 =	vadd.f32 v50, v24;
	v4 =	vadd.f32 v58, v4  }
0xcf: {  	v41 =	vmul.f32 v57, v57;
	v38 =	vadd.f32 v57, v38;
	v25 =	vadd.f32 v42, v25  }
0xd0: {  	v3 =	vadd.f32 v23, v3;
	v47 =	vadd.f32 v33, v32  }
0xd1: {  	v24 =	vadd.f32 v41, v24;
	v43 =	vmul.f32 v61, v61;
	v44 =	vadd.f32 v61, v31  }
0xd2: {  	v46 =	vadd.f32 v38, v30;
	v21 =	vadd.f32 v25, v21  }
0xd3: {  	v26 =	vadd.f32 v43, v26;
	v48 =	vadd.f32 v44, v34  }
0xd4: {  	v4 =	vadd.f32 v24, v4;
	v24 =	vadd.f32 v47, v45  }
0xd5: {  	v22 =	vadd.f32 v26, v22;
	v23 =	vadd.f32 v48, v46  }
0xd6: {  	v3 =	vadd.f32 v21, v3  }
0xd7: {  	v4 =	vadd.f32 v22, v4;
	v49 =	vadd.f32 v23, v24;
	_ =	sdelay $0x1  }
0xd8: {  	v3 =	vadd.f32 v4, v3;
	(xrf2) =	vadd.scan.msk.f32 $0xffff, v49;
	_ =	sdelay $0x1  }
0xd9: {  	(xrf2) =	vadd.scan.msk.f32 $0xffff, v3;
	_ =	sdelay $0x7  }
0xda: {  	v3, _, _ =	vpop (xrf2)  }
0xdb: {  	v3 =	vmul.f32 $1.302083370e-03, v3  }
0xdc: {  	v50, _, _ =	vpop (xrf2)  }
0xdd: {  	v4 =	vmul.f32 $1.302083370e-03, v50;
	v51 =	vmul.f32 v3, v3;
	_ =	sdelay $0x1  }
0xde: {  	v4 =	vsub.f32 v4, v51;
	_ =	sdelay $0x1  }
0xdf: {  	v4 =	vadd.f32 $9.999999740e-06, v4;
	_ =	sdelay $0x1  }
0xe0: {  	v4 =	vbroadcast v4, $0xF;
	_ =	sdelay $0x1  }
0xe1: {  	v52 =	vshra.s32 v4, $0x1;
	v4 =	vmul.f32 $5.000000000e-01, v4  }
0xe2: {  	v21 =	vsub.s32 $0x5F3759DF, v52  }
0xe3: {  	v53 =	vmul.f32 v21, v4;
	_ =	sdelay $0x1  }
0xe4: {  	v22 =	vmul.f32 v21, v53;
	_ =	sdelay $0x1  }
0xe5: {  	v22 =	vsub.f32 $1.500000000e+00, v22;
	_ =	sdelay $0x1  }
0xe6: {  	v21 =	vmul.f32 v21, v22;
	_ =	sdelay $0x1  }
0xe7: {  	v22 =	vmul.f32 v21, v4;
	_ =	sdelay $0x1  }
0xe8: {  	v22 =	vmul.f32 v22, v21;
	_ =	sdelay $0x1  }
0xe9: {  	v22 =	vsub.f32 $1.500000000e+00, v22;
	_ =	sdelay $0x1  }
0xea: {  	v21 =	vmul.f32 v22, v21;
	_ =	sdelay $0x1  }
0xeb: {  	v4 =	vmul.f32 v21, v4;
	_ =	sdelay $0x1  }
0xec: {  	v4 =	vmul.f32 v4, v21;
	_ =	sdelay $0x1  }
0xed: {  	v4 =	vsub.f32 $1.500000000e+00, v4;
	_ =	sdelay $0x1  }
0xee: {  	v54 =	vbroadcast v3, $0xF;
	v3 =	vmul.f32 v4, v21  }
0xef: {  	v55 =	vld [tilespmem:$0x400]  }
0xf0: {  	v4 =	vmul.f32 v3, v54;
	v20 =	vmul.f32 v3, v20;
	_ =	sdelay $0x1  }
0xf1: {  	v20 =	vsub.f32 v20, v4;
	_ =	sdelay $0x1  }
0xf2: {  	v20 =	vmul.f32 v20, v55;
	_ =	sdelay $0x1  }
0xf3: {  	[tilespmem:s29+$0x700] =	vst v20  }
0xf4: {  	v20 =	vld [tilespmem:$0x410]  }
0xf5: {  	v19 =	vmul.f32 v3, v19;
	_ =	sdelay $0x1  }
0xf6: {  	v19 =	vsub.f32 v19, v4;
	_ =	sdelay $0x1  }
0xf7: {  	v19 =	vmul.f32 v19, v20;
	_ =	sdelay $0x1  }
0xf8: {  	[tilespmem:s29+$0x710] =	vst v19  }
0xf9: {  	v19 =	vld [tilespmem:$0x420]  }
0xfa: {  	v18 =	vmul.f32 v3, v18;
	_ =	sdelay $0x1  }
0xfb: {  	v18 =	vsub.f32 v18, v4;
	_ =	sdelay $0x1  }
0xfc: {  	v18 =	vmul.f32 v18, v19;
	_ =	sdelay $0x1  }
0xfd: {  	[tilespmem:s29+$0x720] =	vst v18  }
0xfe: {  	v18 =	vld [tilespmem:$0x430]  }
0xff: {  	v17 =	vmul.f32 v3, v17;
	_ =	sdelay $0x1  }
0x100: {  	v17 =	vsub.f32 v17, v4;
	_ =	sdelay $0x1  }
0x101: {  	v17 =	vmul.f32 v17, v18;
	_ =	sdelay $0x1  }
0x102: {  	[tilespmem:s29+$0x730] =	vst v17  }
0x103: {  	v17 =	vld [tilespmem:$0x440]  }
0x104: {  	v16 =	vmul.f32 v3, v16;
	_ =	sdelay $0x1  }
0x105: {  	v16 =	vsub.f32 v16, v4;
	_ =	sdelay $0x1  }
0x106: {  	v16 =	vmul.f32 v16, v17;
	_ =	sdelay $0x1  }
0x107: {  	[tilespmem:s29+$0x740] =	vst v16  }
0x108: {  	v16 =	vld [tilespmem:$0x450]  }
0x109: {  	v15 =	vmul.f32 v3, v15;
	_ =	sdelay $0x1  }
0x10a: {  	v15 =	vsub.f32 v15, v4;
	_ =	sdelay $0x1  }
0x10b: {  	v15 =	vmul.f32 v15, v16;
	_ =	sdelay $0x1  }
0x10c: {  	[tilespmem:s29+$0x750] =	vst v15  }
0x10d: {  	v15 =	vld [tilespmem:$0x460]  }
0x10e: {  	v14 =	vmul.f32 v3, v14;
	_ =	sdelay $0x1  }
0x10f: {  	v14 =	vsub.f32 v14, v4;
	_ =	sdelay $0x1  }
0x110: {  	v14 =	vmul.f32 v14, v15;
	_ =	sdelay $0x1  }
0x111: {  	[tilespmem:s29+$0x760] =	vst v14  }
0x112: {  	v14 =	vld [tilespmem:$0x470]  }
0x113: {  	v13 =	vmul.f32 v3, v13;
	_ =	sdelay $0x1  }
0x114: {  	v13 =	vsub.f32 v13, v4;
	_ =	sdelay $0x1  }
0x115: {  	v13 =	vmul.f32 v13, v14;
	_ =	sdelay $0x1  }
0x116: {  	[tilespmem:s29+$0x770] =	vst v13  }
0x117: {  	v13 =	vld [tilespmem:$0x480]  }
0x118: {  	v12 =	vmul.f32 v3, v12;
	_ =	sdelay $0x1  }
0x119: {  	v12 =	vsub.f32 v12, v4;
	_ =	sdelay $0x1  }
0x11a: {  	v12 =	vmul.f32 v12, v13;
	_ =	sdelay $0x1  }
0x11b: {  	[tilespmem:s29+$0xB00] =	vst v12  }
0x11c: {  	v12 =	vld [tilespmem:$0x490]  }
0x11d: {  	v11 =	vmul.f32 v3, v11;
	_ =	sdelay $0x1  }
0x11e: {  	v11 =	vsub.f32 v11, v4;
	_ =	sdelay $0x1  }
0x11f: {  	v11 =	vmul.f32 v11, v12;
	_ =	sdelay $0x1  }
0x120: {  	[tilespmem:s29+$0xB10] =	vst v11  }
0x121: {  	v11 =	vld [tilespmem:$0x4A0]  }
0x122: {  	v10 =	vmul.f32 v3, v10;
	_ =	sdelay $0x1  }
0x123: {  	v10 =	vsub.f32 v10, v4;
	_ =	sdelay $0x1  }
0x124: {  	v10 =	vmul.f32 v10, v11;
	_ =	sdelay $0x1  }
0x125: {  	[tilespmem:s29+$0xB20] =	vst v10  }
0x126: {  	v10 =	vld [tilespmem:$0x4B0]  }
0x127: {  	v9 =	vmul.f32 v3, v9;
	_ =	sdelay $0x1  }
0x128: {  	v9 =	vsub.f32 v9, v4;
	_ =	sdelay $0x1  }
0x129: {  	v9 =	vmul.f32 v9, v10;
	_ =	sdelay $0x1  }
0x12a: {  	[tilespmem:s29+$0xB30] =	vst v9  }
0x12b: {  	v9 =	vld [tilespmem:$0x4C0]  }
0x12c: {  	v8 =	vmul.f32 v3, v8;
	_ =	sdelay $0x1  }
0x12d: {  	v8 =	vsub.f32 v8, v4;
	_ =	sdelay $0x1  }
0x12e: {  	v8 =	vmul.f32 v8, v9;
	_ =	sdelay $0x1  }
0x12f: {  	[tilespmem:s29+$0xB40] =	vst v8  }
0x130: {  	v8 =	vld [tilespmem:$0x4D0]  }
0x131: {  	v7 =	vmul.f32 v3, v7;
	_ =	sdelay $0x1  }
0x132: {  	v7 =	vsub.f32 v7, v4;
	_ =	sdelay $0x1  }
0x133: {  	v7 =	vmul.f32 v7, v8;
	_ =	sdelay $0x1  }
0x134: {  	[tilespmem:s29+$0xB50] =	vst v7  }
0x135: {  	v7 =	vld [tilespmem:$0x4E0]  }
0x136: {  	v6 =	vmul.f32 v3, v6;
	_ =	sdelay $0x1  }
0x137: {  	v6 =	vsub.f32 v6, v4;
	_ =	sdelay $0x1  }
0x138: {  	v6 =	vmul.f32 v7, v6;
	_ =	sdelay $0x1  }
0x139: {  	[tilespmem:s29+$0xB60] =	vst v6  }
0x13a: {  	v6 =	vld [tilespmem:$0x4F0]  }
0x13b: {  	v5 =	vmul.f32 v3, v5;
	_ =	sdelay $0x1  }
0x13c: {  	v5 =	vsub.f32 v5, v4  }
0x13d: {  	v56 =	vld [tilespmem:s29+$0xF00]  }
0x13e: {  	v5 =	vmul.f32 v6, v5;
	_ =	sdelay $0x1  }
0x13f: {  	[tilespmem:s29+$0xB70] =	vst v5  }
0x140: {  	v5 =	vld [tilespmem:$0x500]  }
0x141: {  	v57 =	vmul.f32 v56, v3;
	_ =	sdelay $0x1  }
0x142: {  	v6 =	vsub.f32 v57, v4  }
0x143: {  	v58 =	vld [tilespmem:s29+$0xF10]  }
0x144: {  	v5 =	vmul.f32 v6, v5;
	_ =	sdelay $0x1  }
0x145: {  	[tilespmem:s29+$0xF00] =	vst v5  }
0x146: {  	v5 =	vld [tilespmem:$0x510]  }
0x147: {  	v59 =	vmul.f32 v58, v3;
	_ =	sdelay $0x1  }
0x148: {  	v6 =	vsub.f32 v59, v4  }
0x149: {  	v60 =	vld [tilespmem:s29+$0xF20]  }
0x14a: {  	v5 =	vmul.f32 v6, v5;
	_ =	sdelay $0x1  }
0x14b: {  	[tilespmem:s29+$0xF10] =	vst v5  }
0x14c: {  	v5 =	vld [tilespmem:$0x520]  }
0x14d: {  	v61 =	vmul.f32 v60, v3;
	_ =	sdelay $0x1  }
0x14e: {  	v6 =	vsub.f32 v61, v4  }
0x14f: {  	v62 =	vld [tilespmem:s29+$0xF30]  }
0x150: {  	v5 =	vmul.f32 v6, v5;
	_ =	sdelay $0x1  }
0x151: {  	[tilespmem:s29+$0xF20] =	vst v5  }
0x152: {  	v5 =	vld [tilespmem:$0x530]  }
0x153: {  	v63 =	vmul.f32 v62, v3;
	_ =	sdelay $0x1  }
0x154: {  	v6 =	vsub.f32 v63, v4  }
0x155: {  	v9 =	vld [tilespmem:s29+$0xF40]  }
0x156: {  	v5 =	vmul.f32 v6, v5;
	_ =	sdelay $0x1  }
0x157: {  	[tilespmem:s29+$0xF30] =	vst v5  }
0x158: {  	v5 =	vld [tilespmem:$0x540]  }
0x159: {  	v10 =	vmul.f32 v9, v3;
	_ =	sdelay $0x1  }
0x15a: {  	v6 =	vsub.f32 v10, v4  }
0x15b: {  	v11 =	vld [tilespmem:s29+$0xF50]  }
0x15c: {  	v5 =	vmul.f32 v6, v5;
	_ =	sdelay $0x1  }
0x15d: {  	[tilespmem:s29+$0xF40] =	vst v5  }
0x15e: {  	v5 =	vld [tilespmem:$0x550]  }
0x15f: {  	v12 =	vmul.f32 v11, v3;
	_ =	sdelay $0x1  }
0x160: {  	v6 =	vsub.f32 v12, v4  }
0x161: {  	v13 =	vld [tilespmem:s29+$0xF60]  }
0x162: {  	v5 =	vmul.f32 v6, v5;
	_ =	sdelay $0x1  }
0x163: {  	[tilespmem:s29+$0xF50] =	vst v5  }
0x164: {  	v5 =	vld [tilespmem:$0x560]  }
0x165: {  	v14 =	vmul.f32 v13, v3;
	_ =	sdelay $0x1  }
0x166: {  	v6 =	vsub.f32 v14, v4  }
0x167: {  	v15 =	vld [tilespmem:s29+$0xF70]  }
0x168: {  	v5 =	vmul.f32 v6, v5;
	_ =	sdelay $0x1  }
0x169: {  	[tilespmem:s29+$0xF60] =	vst v5  }
0x16a: {  	v5 =	vld [tilespmem:$0x570]  }
0x16b: {  	v16 =	vmul.f32 v15, v3;
	_ =	sdelay $0x1  }
0x16c: {  	v6 =	vsub.f32 v16, v4  }
0x16d: {  	v17 =	vld [tilespmem:s29+$0x1300]  }
0x16e: {  	v5 =	vmul.f32 v6, v5;
	_ =	sdelay $0x1  }
0x16f: {  	[tilespmem:s29+$0xF70] =	vst v5  }
0x170: {  	v5 =	vld [tilespmem:$0x580]  }
0x171: {  	v18 =	vmul.f32 v17, v3;
	_ =	sdelay $0x1  }
0x172: {  	v6 =	vsub.f32 v18, v4  }
0x173: {  	v19 =	vld [tilespmem:s29+$0x1310]  }
0x174: {  	v5 =	vmul.f32 v6, v5;
	_ =	sdelay $0x1  }
0x175: {  	[tilespmem:s29+$0x1300] =	vst v5  }
0x176: {  	v5 =	vld [tilespmem:$0x590]  }
0x177: {  	v20 =	vmul.f32 v19, v3;
	_ =	sdelay $0x1  }
0x178: {  	v6 =	vsub.f32 v20, v4  }
0x179: {  	v21 =	vld [tilespmem:s29+$0x1320]  }
0x17a: {  	v5 =	vmul.f32 v6, v5;
	_ =	sdelay $0x1  }
0x17b: {  	[tilespmem:s29+$0x1310] =	vst v5  }
0x17c: {  	v5 =	vld [tilespmem:$0x5A0]  }
0x17d: {  	v22 =	vmul.f32 v21, v3;
	_ =	sdelay $0x1  }
0x17e: {  	v6 =	vsub.f32 v22, v4  }
0x17f: {  	v23 =	vld [tilespmem:s29+$0x1330]  }
0x180: {  	v5 =	vmul.f32 v6, v5;
	_ =	sdelay $0x1  }
0x181: {  	[tilespmem:s29+$0x1320] =	vst v5  }
0x182: {  	v5 =	vld [tilespmem:$0x5B0]  }
0x183: {  	v24 =	vmul.f32 v23, v3;
	_ =	sdelay $0x1  }
0x184: {  	v6 =	vsub.f32 v24, v4  }
0x185: {  	v25 =	vld [tilespmem:s29+$0x1340]  }
0x186: {  	v5 =	vmul.f32 v6, v5;
	_ =	sdelay $0x1  }
0x187: {  	[tilespmem:s29+$0x1330] =	vst v5  }
0x188: {  	v5 =	vld [tilespmem:$0x5C0]  }
0x189: {  	v26 =	vmul.f32 v25, v3;
	_ =	sdelay $0x1  }
0x18a: {  	v6 =	vsub.f32 v26, v4  }
0x18b: {  	v27 =	vld [tilespmem:s29+$0x1350]  }
0x18c: {  	v5 =	vmul.f32 v6, v5;
	_ =	sdelay $0x1  }
0x18d: {  	[tilespmem:s29+$0x1340] =	vst v5  }
0x18e: {  	v5 =	vld [tilespmem:$0x5D0]  }
0x18f: {  	v28 =	vmul.f32 v27, v3;
	_ =	sdelay $0x1  }
0x190: {  	v6 =	vsub.f32 v28, v4  }
0x191: {  	v29 =	vld [tilespmem:s29+$0x1360]  }
0x192: {  	v5 =	vmul.f32 v6, v5;
	_ =	sdelay $0x1  }
0x193: {  	[tilespmem:s29+$0x1350] =	vst v5  }
0x194: {  	v5 =	vld [tilespmem:$0x5E0]  }
0x195: {  	v30 =	vmul.f32 v29, v3;
	_ =	sdelay $0x1  }
0x196: {  	v6 =	vsub.f32 v30, v4  }
0x197: {  	v31 =	vld [tilespmem:s29+$0x1370]  }
0x198: {  	v5 =	vmul.f32 v6, v5;
	_ =	sdelay $0x1  }
0x199: {  	[tilespmem:s29+$0x1360] =	vst v5  }
0x19a: {  	v5 =	vld [tilespmem:$0x5F0]  }
0x19b: {  	v32 =	vmul.f32 v31, v3;
	_ =	sdelay $0x1  }
0x19c: {  	v6 =	vsub.f32 v32, v4  }
0x19d: {  	v33 =	vld [tilespmem:s29+$0x1700]  }
0x19e: {  	v5 =	vmul.f32 v6, v5;
	_ =	sdelay $0x1  }
0x19f: {  	[tilespmem:s29+$0x1370] =	vst v5  }
0x1a0: {  	v5 =	vld [tilespmem:$0x600]  }
0x1a1: {  	v34 =	vmul.f32 v33, v3;
	_ =	sdelay $0x1  }
0x1a2: {  	v6 =	vsub.f32 v34, v4  }
0x1a3: {  	v35 =	vld [tilespmem:s29+$0x1710]  }
0x1a4: {  	v5 =	vmul.f32 v6, v5;
	_ =	sdelay $0x1  }
0x1a5: {  	[tilespmem:s29+$0x1700] =	vst v5  }
0x1a6: {  	v5 =	vld [tilespmem:$0x610]  }
0x1a7: {  	v36 =	vmul.f32 v35, v3;
	_ =	sdelay $0x1  }
0x1a8: {  	v6 =	vsub.f32 v36, v4  }
0x1a9: {  	v37 =	vld [tilespmem:s29+$0x1720]  }
0x1aa: {  	v5 =	vmul.f32 v6, v5;
	_ =	sdelay $0x1  }
0x1ab: {  	[tilespmem:s29+$0x1710] =	vst v5  }
0x1ac: {  	v5 =	vld [tilespmem:$0x620]  }
0x1ad: {  	v38 =	vmul.f32 v37, v3;
	_ =	sdelay $0x1  }
0x1ae: {  	v6 =	vsub.f32 v38, v4  }
0x1af: {  	v39 =	vld [tilespmem:s29+$0x1730]  }
0x1b0: {  	v5 =	vmul.f32 v6, v5;
	_ =	sdelay $0x1  }
0x1b1: {  	[tilespmem:s29+$0x1720] =	vst v5  }
0x1b2: {  	v5 =	vld [tilespmem:$0x630]  }
0x1b3: {  	v40 =	vmul.f32 v39, v3;
	_ =	sdelay $0x1  }
0x1b4: {  	v6 =	vsub.f32 v40, v4  }
0x1b5: {  	v41 =	vld [tilespmem:s29+$0x1740]  }
0x1b6: {  	v5 =	vmul.f32 v6, v5;
	_ =	sdelay $0x1  }
0x1b7: {  	[tilespmem:s29+$0x1730] =	vst v5  }
0x1b8: {  	v5 =	vld [tilespmem:$0x640]  }
0x1b9: {  	v42 =	vmul.f32 v41, v3;
	_ =	sdelay $0x1  }
0x1ba: {  	v6 =	vsub.f32 v42, v4  }
0x1bb: {  	v43 =	vld [tilespmem:s29+$0x1750]  }
0x1bc: {  	v5 =	vmul.f32 v6, v5;
	_ =	sdelay $0x1  }
0x1bd: {  	[tilespmem:s29+$0x1740] =	vst v5  }
0x1be: {  	v5 =	vld [tilespmem:$0x650]  }
0x1bf: {  	v44 =	vmul.f32 v43, v3;
	_ =	sdelay $0x1  }
0x1c0: {  	v6 =	vsub.f32 v44, v4  }
0x1c1: {  	v45 =	vld [tilespmem:s29+$0x1760]  }
0x1c2: {  	v5 =	vmul.f32 v6, v5;
	_ =	sdelay $0x1  }
0x1c3: {  	[tilespmem:s29+$0x1750] =	vst v5  }
0x1c4: {  	v5 =	vld [tilespmem:$0x660]  }
0x1c5: {  	v46 =	vmul.f32 v45, v3;
	_ =	sdelay $0x1  }
0x1c6: {  	v6 =	vsub.f32 v46, v4  }
0x1c7: {  	v47 =	vld [tilespmem:s29+$0x1770]  }
0x1c8: {  	v5 =	vmul.f32 v6, v5;
	_ =	sdelay $0x1  }
0x1c9: {  	[tilespmem:s29+$0x1760] =	vst v5  }
0x1ca: {  	v5 =	vld [tilespmem:$0x670]  }
0x1cb: {  	v48 =	vmul.f32 v47, v3;
	_ =	sdelay $0x1  }
0x1cc: {  	v6 =	vsub.f32 v48, v4  }
0x1cd: {  	v49 =	vld [tilespmem:s29+$0x1B00]  }
0x1ce: {  	v5 =	vmul.f32 v6, v5;
	_ =	sdelay $0x1  }
0x1cf: {  	[tilespmem:s29+$0x1770] =	vst v5  }
0x1d0: {  	v5 =	vld [tilespmem:$0x680]  }
0x1d1: {  	v50 =	vmul.f32 v49, v3;
	_ =	sdelay $0x1  }
0x1d2: {  	v6 =	vsub.f32 v50, v4  }
0x1d3: {  	v51 =	vld [tilespmem:s29+$0x1B10]  }
0x1d4: {  	v5 =	vmul.f32 v6, v5;
	_ =	sdelay $0x1  }
0x1d5: {  	[tilespmem:s29+$0x1B00] =	vst v5  }
0x1d6: {  	v5 =	vld [tilespmem:$0x690]  }
0x1d7: {  	v52 =	vmul.f32 v51, v3;
	_ =	sdelay $0x1  }
0x1d8: {  	v6 =	vsub.f32 v52, v4  }
0x1d9: {  	v53 =	vld [tilespmem:s29+$0x1B20]  }
0x1da: {  	v5 =	vmul.f32 v6, v5;
	_ =	sdelay $0x1  }
0x1db: {  	[tilespmem:s29+$0x1B10] =	vst v5  }
0x1dc: {  	v5 =	vld [tilespmem:$0x6A0]  }
0x1dd: {  	v54 =	vmul.f32 v53, v3;
	_ =	sdelay $0x1  }
0x1de: {  	v6 =	vsub.f32 v54, v4  }
0x1df: {  	v55 =	vld [tilespmem:s29+$0x1B30]  }
0x1e0: {  	v5 =	vmul.f32 v6, v5;
	_ =	sdelay $0x1  }
0x1e1: {  	[tilespmem:s29+$0x1B20] =	vst v5  }
0x1e2: {  	v5 =	vld [tilespmem:$0x6B0]  }
0x1e3: {  	v56 =	vmul.f32 v55, v3;
	_ =	sdelay $0x1  }
0x1e4: {  	v6 =	vsub.f32 v56, v4  }
0x1e5: {  	v57 =	vld [tilespmem:s29+$0x1B40]  }
0x1e6: {  	v5 =	vmul.f32 v6, v5;
	_ =	sdelay $0x1  }
0x1e7: {  	[tilespmem:s29+$0x1B30] =	vst v5  }
0x1e8: {  	v5 =	vld [tilespmem:$0x6C0]  }
0x1e9: {  	v58 =	vmul.f32 v57, v3;
	_ =	sdelay $0x1  }
0x1ea: {  	v6 =	vsub.f32 v58, v4  }
0x1eb: {  	v59 =	vld [tilespmem:s29+$0x1B50]  }
0x1ec: {  	v5 =	vmul.f32 v6, v5;
	_ =	sdelay $0x1  }
0x1ed: {  	[tilespmem:s29+$0x1B40] =	vst v5  }
0x1ee: {  	v5 =	vld [tilespmem:$0x6D0]  }
0x1ef: {  	v60 =	vmul.f32 v59, v3;
	_ =	sdelay $0x1  }
0x1f0: {  	v6 =	vsub.f32 v60, v4  }
0x1f1: {  	v61 =	vld [tilespmem:s29+$0x1B60]  }
0x1f2: {  	v5 =	vmul.f32 v6, v5;
	_ =	sdelay $0x1  }
0x1f3: {  	[tilespmem:s29+$0x1B50] =	vst v5  }
0x1f4: {  	v5 =	vld [tilespmem:$0x6E0]  }
0x1f5: {  	v62 =	vmul.f32 v61, v3;
	_ =	sdelay $0x1  }
0x1f6: {  	v6 =	vsub.f32 v62, v4  }
0x1f7: {  	v63 =	vld [tilespmem:s29+$0x1B70]  }
0x1f8: {  	v5 =	vmul.f32 v6, v5;
	_ =	sdelay $0x1  }
0x1f9: {  	[tilespmem:s29+$0x1B60] =	vst v5  }
0x1fa: {  	v5 =	vld [tilespmem:$0x6F0]  }
0x1fb: {  	v3 =	vmul.f32 v63, v3  }
0x1fc: {  	p1 =	sne.s32 s28, $0x1F  }
.Ltmp0:
0x1fd: {  	v3 =	vsub.f32 v3, v4;
	(pc) =	sbr.rel @p1 .LBB2_3-.Ltmp0, $3  }
0x1fe: {  	_ = 	snop  }
0x1ff: {  	v3 =	vmul.f32 v3, v5;
	_ =	sdelay $0x1  }
0x200: {  	s26 =	sadd.s32 $0x80, s26;
	s28 =	sadd.s32 $0x1, s28;
	[tilespmem:s29+$0x1B70] =	vst v3  }
0x201: {  	s0 =	sshll.u32 s22, $0x7  }
0x202: {  	s0 =	sor.u32 s6, s0  }
0x203: {  	s0 =	sshrl.u32 s0, $0x3  }
0x204: {  	s26 =	smul.u32 $0x300, s0;
	_ =	sdelay $0x1  }
0x205: {  	s0 =	sadd.s32 s4, s26  }
0x206: {  	[hbm4b:s0+s5] =	stream.linear.scatter [tilespmem:s13], [sflag:$0x5], $0x6000, $0x38;
	[tilespmem:$0x18700] =	vst v63  }
0x207: {  	s0 =	simm.s32 @!p0 $0x8  }
0x208: {  	s1 =	sor.u32 $0x3, s23;
	_ =	swait.ge @!p0 [sflag:s0], $0x6000  }
0x209: {  	s23 =	sshll.u32 s1, $0x5;
	[sflag:s0] =	ssyncset.done @!p0 $0x0  }
0x20a: {  	[sflag:s0] =	ssyncadd.s32 @!p0 $0xFFFFA000;
	s0 =	sand.u32 $0x3FFFFFE0, s23  }
0x20b: {  	v3 =	vld [tilespmem:s0+$0x0];
	_ =	sdelay $0x4  }
0x20c: {  	v4 =	vshrl.u32 v3, $0x3  }
0x20d: {  	v4 =	vmul.u32 $0x30, v4  }
0x20e: {  	v3 =	vand.u32 $0x7, v3  }
0x20f: {  	v3 =	vor.u32 v3, v4  }
0x210: {  	v4 =	vperm.xlane v3, v0;
	_ =	sdelay $0x1  }
0x211: {  	v4 =	vadd.s32 v1, v4;
	_ =	sdelay $0x3  }
0x212: {  	s28 =	simm.s32 $0x0;
	v3 =	vperm.xlane v3, v2  }
0x213: {  	[tilespmem:s31], [sflag:$0x4] =	stream.indirect_vreg.gather [hbm4b:s2+s28], $0x80, v4, vm0, $0xb8;
	[tilespmem:$0x18700] =	vst v63  }
0x214: {  	s3 =	simm.s32 $0x12F00;
	v3 =	vadd.s32 v1, v3  }
0x215: {  	[tilespmem:s3], [sflag:$0x4] =	stream.indirect_vreg.gather [hbm4b:s8+s28], $0x80, v4, vm0, $0xb8;
	[tilespmem:$0x18700] =	vst v63  }
0x216: {  	s11 =	simm.s32 $0x13700  }
0x217: {  	[tilespmem:s11], [sflag:$0x4] =	stream.indirect_vreg.gather [hbm4b:s9+s28], $0x80, v4, vm0, $0xb8;
	[tilespmem:$0x18700] =	vst v63  }
0x218: {  	s3 =	simm.s32 $0x13F00  }
0x219: {  	[tilespmem:s3], [sflag:$0x4] =	stream.indirect_vreg.gather [hbm4b:s2+s28], $0x80, v3, vm0, $0xb8;
	[tilespmem:$0x18700] =	vst v63  }
0x21a: {  	s11 =	simm.s32 $0x14700  }
0x21b: {  	[tilespmem:s11], [sflag:$0x4] =	stream.indirect_vreg.gather [hbm4b:s8+s28], $0x80, v3, vm0, $0xb8;
	[tilespmem:$0x18700] =	vst v63  }
0x21c: {  	_ = 	snop  }
0x21d: {  	[tilespmem:s14], [sflag:$0x4] =	stream.indirect_vreg.gather [hbm4b:s9+s28], $0x80, v3, vm0, $0xb8;
	[tilespmem:$0x18700] =	vst v63  }
0x21e: {  	v3 =	vld [tilespmem:s0+$0x10];
	_ =	sdelay $0x4  }
0x21f: {  	v63 =	vshrl.u32 v3, $0x3  }
0x220: {  	v4 =	vmul.u32 $0x30, v63  }
0x221: {  	v3 =	vand.u32 $0x7, v3  }
0x222: {  	v3 =	vor.u32 v3, v4  }
0x223: {  	v4 =	vperm.xlane v3, v0;
	_ =	sdelay $0x1  }
0x224: {  	v4 =	vadd.s32 v1, v4;
	_ =	sdelay $0x3  }
0x225: {  	v3 =	vperm.xlane v3, v2  }
0x226: {  	[tilespmem:s15], [sflag:$0x4] =	stream.indirect_vreg.gather [hbm4b:s2+s28], $0x80, v4, vm0, $0xb8;
	[tilespmem:$0x18700] =	vst v63  }
0x227: {  	v3 =	vadd.s32 v1, v3  }
0x228: {  	[tilespmem:s7], [sflag:$0x4] =	stream.indirect_vreg.gather [hbm4b:s8+s28], $0x80, v4, vm0, $0xb8;
	[tilespmem:$0x18700] =	vst v63  }
0x229: {  	_ = 	snop  }
0x22a: {  	[tilespmem:s10], [sflag:$0x4] =	stream.indirect_vreg.gather [hbm4b:s9+s28], $0x80, v4, vm0, $0xb8;
	[tilespmem:$0x18700] =	vst v63  }
0x22b: {  	_ = 	snop  }
0x22c: {  	[tilespmem:s12], [sflag:$0x4] =	stream.indirect_vreg.gather [hbm4b:s2+s28], $0x80, v3, vm0, $0xb8;
	[tilespmem:$0x18700] =	vst v63  }
0x22d: {  	_ = 	snop  }
0x22e: {  	[tilespmem:s17], [sflag:$0x4] =	stream.indirect_vreg.gather [hbm4b:s8+s28], $0x80, v3, vm0, $0xb8;
	[tilespmem:$0x18700] =	vst v63  }
0x22f: {  	_ = 	snop  }
0x230: {  	[tilespmem:s18], [sflag:$0x4] =	stream.indirect_vreg.gather [hbm4b:s9+s28], $0x80, v3, vm0, $0xb8;
	[tilespmem:$0x18700] =	vst v63  }
0x231: {  	_ =	swait.ge [sflag:s19], $0x6000  }
0x232: {  	[sflag:s19] =	ssyncset.done $0x0  }
0x233: {  	s29 =	simm.s32 $0x0;
	[sflag:s19] =	ssyncadd.s32 $0xFFFFA000  }
.LBB2_5:
0x234: {  	s0 =	sshrl.u32 s29, $0x3  }
0x235: {  	s0 =	smul.u32 $0x6000, s0;
	_ =	sdelay $0x1  }
0x236: {  	s1 =	sand.u32 $0x380, s28;
	s0 =	sshra.s32 s0, $0x2  }
0x237: {  	s0 =	sor.u32 s1, s0  }
0x238: {  	v20 =	vld [tilespmem:s0+$0x6700]  }
0x239: {  	v19 =	vld [tilespmem:s0+$0x6710]  }
0x23a: {  	v18 =	vld [tilespmem:s0+$0x6720]  }
0x23b: {  	v17 =	vld [tilespmem:s0+$0x6730]  }
0x23c: {  	v16 =	vld [tilespmem:s0+$0x6740]  }
0x23d: {  	v15 =	vld [tilespmem:s0+$0x6750]  }
0x23e: {  	v14 =	vld [tilespmem:s0+$0x6760]  }
0x23f: {  	v13 =	vld [tilespmem:s0+$0x6770]  }
0x240: {  	v12 =	vld [tilespmem:s0+$0x6B00]  }
0x241: {  	v11 =	vld [tilespmem:s0+$0x6B10]  }
0x242: {  	v10 =	vld [tilespmem:s0+$0x6B20]  }
0x243: {  	v9 =	vld [tilespmem:s0+$0x6B30]  }
0x244: {  	v8 =	vld [tilespmem:s0+$0x6B40]  }
0x245: {  	v7 =	vld [tilespmem:s0+$0x6B50];
	v3 =	vmul.f32 v20, v20  }
0x246: {  	v6 =	vld [tilespmem:s0+$0x6B60];
	v4 =	vmul.f32 v19, v19;
	v21 =	vmul.f32 v18, v18  }
0x247: {  	v31 =	vld [tilespmem:s0+$0x6F00];
	v22 =	vmul.f32 v17, v17;
	v23 =	vmul.f32 v16, v16  }
0x248: {  	v33 =	vld [tilespmem:s0+$0x6F10];
	v24 =	vmul.f32 v15, v15;
	v25 =	vmul.f32 v14, v14  }
0x249: {  	v35 =	vld [tilespmem:s0+$0x6F20];
	v5 =	vmul.f32 v12, v12;
	v27 =	vmul.f32 v11, v11  }
0x24a: {  	v37 =	vld [tilespmem:s0+$0x6F30];
	v28 =	vadd.f32 v12, v20;
	v29 =	vmul.f32 v10, v10;
	v30 =	vadd.f32 v11, v19  }
0x24b: {  	v39 =	vld [tilespmem:s0+$0x6F40];
	v44 =	vmul.f32 v9, v9;
	v32 =	vadd.f32 v10, v18;
	v34 =	vadd.f32 v9, v17  }
0x24c: {  	v41 =	vld [tilespmem:s0+$0x6F50];
	v45 =	vmul.f32 v8, v8;
	v36 =	vadd.f32 v8, v16;
	v38 =	vadd.f32 v7, v15  }
0x24d: {  	v43 =	vld [tilespmem:s0+$0x6F60];
	v46 =	vmul.f32 v7, v7;
	v40 =	vadd.f32 v6, v14;
	v3 =	vadd.f32 v5, v3  }
0x24e: {  	v52 =	vld [tilespmem:s0+$0x6F70];
	v47 =	vmul.f32 v6, v6;
	v4 =	vadd.f32 v27, v4;
	v21 =	vadd.f32 v29, v21  }
0x24f: {  	v54 =	vld [tilespmem:s0+$0x7300];
	v49 =	vmul.f32 v31, v31;
	v22 =	vadd.f32 v44, v22;
	v23 =	vadd.f32 v45, v23  }
0x250: {  	v56 =	vld [tilespmem:s0+$0x7310];
	v50 =	vmul.f32 v33, v33;
	v24 =	vadd.f32 v46, v24;
	v25 =	vadd.f32 v47, v25  }
0x251: {  	v58 =	vld [tilespmem:s0+$0x7320];
	v51 =	vmul.f32 v35, v35;
	v28 =	vadd.f32 v31, v28;
	v30 =	vadd.f32 v33, v30  }
0x252: {  	v60 =	vld [tilespmem:s0+$0x7330];
	v53 =	vmul.f32 v37, v37;
	v32 =	vadd.f32 v35, v32;
	v34 =	vadd.f32 v37, v34  }
0x253: {  	v62 =	vld [tilespmem:s0+$0x7340];
	v55 =	vmul.f32 v39, v39;
	v36 =	vadd.f32 v39, v36;
	v38 =	vadd.f32 v41, v38  }
0x254: {  	v57 =	vmul.f32 v41, v41;
	v5 =	vld [tilespmem:s0+$0x6B70];
	v40 =	vadd.f32 v43, v40;
	v3 =	vadd.f32 v49, v3  }
0x255: {  	v59 =	vmul.f32 v43, v43;
	v45 =	vld [tilespmem:s0+$0x7350];
	v4 =	vadd.f32 v50, v4;
	v21 =	vadd.f32 v51, v21  }
0x256: {  	v26 =	vmul.f32 v13, v13;
	v47 =	vld [tilespmem:s0+$0x7360];
	v22 =	vadd.f32 v53, v22;
	v23 =	vadd.f32 v55, v23  }
0x257: {  	v63 =	vmul.f32 v54, v54;
	v24 =	vadd.f32 v57, v24;
	v25 =	vadd.f32 v59, v25;
	v49 =	vld [tilespmem:s0+$0x7370]  }
0x258: {  	v46 =	vmul.f32 v56, v56;
	v28 =	vadd.f32 v54, v28;
	v30 =	vadd.f32 v56, v30;
	v51 =	vld [tilespmem:s0+$0x7700]  }
0x259: {  	v50 =	vmul.f32 v60, v60;
	v32 =	vadd.f32 v58, v32;
	v53 =	vld [tilespmem:s0+$0x7710];
	v34 =	vadd.f32 v60, v34  }
0x25a: {  	v61 =	vmul.f32 v52, v52;
	v55 =	vld [tilespmem:s0+$0x7720];
	v36 =	vadd.f32 v62, v36;
	v3 =	vadd.f32 v63, v3  }
0x25b: {  	v57 =	vld [tilespmem:s0+$0x7730];
	v4 =	vadd.f32 v46, v4;
	v22 =	vadd.f32 v50, v22;
	v48 =	vmul.f32 v5, v5  }
0x25c: {  	v59 =	vld [tilespmem:s0+$0x7740];
	v42 =	vadd.f32 v5, v13;
	v54 =	vmul.f32 v45, v45;
	v38 =	vadd.f32 v45, v38  }
0x25d: {  	v56 =	vmul.f32 v47, v47;
	v40 =	vadd.f32 v47, v40;
	v26 =	vadd.f32 v48, v26  }
0x25e: {  	v31 =	vadd.f32 v52, v42;
	v48 =	vmul.f32 v58, v58;
	v24 =	vadd.f32 v54, v24  }
0x25f: {  	v52 =	vmul.f32 v62, v62;
	v25 =	vadd.f32 v56, v25;
	v28 =	vadd.f32 v51, v28  }
0x260: {  	v63 =	vld [tilespmem:s0+$0x7760];
	v58 =	vmul.f32 v49, v49;
	v30 =	vadd.f32 v53, v30;
	v32 =	vadd.f32 v55, v32  }
0x261: {  	v47 =	vld [tilespmem:s0+$0x7B00];
	v60 =	vmul.f32 v51, v51;
	v34 =	vadd.f32 v57, v34;
	v36 =	vadd.f32 v59, v36  }
0x262: {  	v45 =	vld [tilespmem:s0+$0x7770];
	v62 =	vmul.f32 v53, v53;
	v26 =	vadd.f32 v61, v26;
	v21 =	vadd.f32 v48, v21  }
0x263: {  	v46 =	vmul.f32 v57, v57;
	v51 =	vld [tilespmem:s0+$0x7B20];
	v23 =	vadd.f32 v52, v23;
	v31 =	vadd.f32 v49, v31  }
0x264: {  	v44 =	vmul.f32 v55, v55;
	v53 =	vld [tilespmem:s0+$0x7B30];
	v3 =	vadd.f32 v60, v3;
	v4 =	vadd.f32 v62, v4  }
0x265: {  	v55 =	vld [tilespmem:s0+$0x7B40];
	v48 =	vmul.f32 v59, v59;
	v22 =	vadd.f32 v46, v22;
	v33 =	vadd.f32 v63, v40  }
0x266: {  	v61 =	vld [tilespmem:s0+$0x7750];
	v52 =	vmul.f32 v63, v63;
	v28 =	vadd.f32 v47, v28;
	v26 =	vadd.f32 v58, v26  }
0x267: {  	v49 =	vld [tilespmem:s0+$0x7B10];
	v56 =	vmul.f32 v47, v47;
	v21 =	vadd.f32 v44, v21;
	v23 =	vadd.f32 v48, v23  }
0x268: {  	v54 =	vmul.f32 v45, v45;
	v25 =	vadd.f32 v52, v25;
	v31 =	vadd.f32 v45, v31  }
0x269: {  	v59 =	vld [tilespmem:s0+$0x7B60];
	v3 =	vadd.f32 v56, v3;
	v60 =	vmul.f32 v51, v51;
	v32 =	vadd.f32 v51, v32  }
0x26a: {  	v62 =	vmul.f32 v53, v53;
	v34 =	vadd.f32 v53, v34;
	v36 =	vadd.f32 v55, v36  }
0x26b: {  	v57 =	vld [tilespmem:s0+$0x7B50];
	v63 =	vmul.f32 v55, v55;
	v26 =	vadd.f32 v54, v26;
	v38 =	vadd.f32 v61, v38  }
0x26c: {  	v50 =	vmul.f32 v61, v61;
	v30 =	vadd.f32 v49, v30;
	v21 =	vadd.f32 v60, v21  }
0x26d: {  	v58 =	vmul.f32 v49, v49;
	v61 =	vld [tilespmem:s0+$0x7B70];
	v22 =	vadd.f32 v62, v22;
	v23 =	vadd.f32 v63, v23  }
0x26e: {  	v42 =	vmul.f32 v59, v59;
	v33 =	vadd.f32 v59, v33;
	v45 =	vadd.f32 v36, v28  }
0x26f: {  	v24 =	vadd.f32 v50, v24;
	v4 =	vadd.f32 v58, v4  }
0x270: {  	v41 =	vmul.f32 v57, v57;
	v38 =	vadd.f32 v57, v38;
	v25 =	vadd.f32 v42, v25  }
0x271: {  	v3 =	vadd.f32 v23, v3;
	v47 =	vadd.f32 v33, v32  }
0x272: {  	v24 =	vadd.f32 v41, v24;
	v43 =	vmul.f32 v61, v61;
	v44 =	vadd.f32 v61, v31  }
0x273: {  	v46 =	vadd.f32 v38, v30;
	v21 =	vadd.f32 v25, v21  }
0x274: {  	v26 =	vadd.f32 v43, v26;
	v48 =	vadd.f32 v44, v34  }
0x275: {  	v4 =	vadd.f32 v24, v4;
	v24 =	vadd.f32 v47, v45  }
0x276: {  	v22 =	vadd.f32 v26, v22;
	v23 =	vadd.f32 v48, v46  }
0x277: {  	v3 =	vadd.f32 v21, v3  }
0x278: {  	v4 =	vadd.f32 v22, v4;
	v49 =	vadd.f32 v23, v24;
	_ =	sdelay $0x1  }
0x279: {  	v3 =	vadd.f32 v4, v3;
	(xrf2) =	vadd.scan.msk.f32 $0xffff, v49;
	_ =	sdelay $0x1  }
0x27a: {  	(xrf2) =	vadd.scan.msk.f32 $0xffff, v3;
	_ =	sdelay $0x7  }
0x27b: {  	v3, _, _ =	vpop (xrf2)  }
0x27c: {  	v3 =	vmul.f32 $1.302083370e-03, v3  }
0x27d: {  	v50, _, _ =	vpop (xrf2)  }
0x27e: {  	v4 =	vmul.f32 $1.302083370e-03, v50;
	v51 =	vmul.f32 v3, v3;
	_ =	sdelay $0x1  }
0x27f: {  	v4 =	vsub.f32 v4, v51;
	_ =	sdelay $0x1  }
0x280: {  	v4 =	vadd.f32 $9.999999740e-06, v4;
	_ =	sdelay $0x1  }
0x281: {  	v4 =	vbroadcast v4, $0xF;
	_ =	sdelay $0x1  }
0x282: {  	v52 =	vshra.s32 v4, $0x1;
	v4 =	vmul.f32 $5.000000000e-01, v4  }
0x283: {  	v21 =	vsub.s32 $0x5F3759DF, v52  }
0x284: {  	v53 =	vmul.f32 v21, v4;
	_ =	sdelay $0x1  }
0x285: {  	v22 =	vmul.f32 v21, v53;
	_ =	sdelay $0x1  }
0x286: {  	v22 =	vsub.f32 $1.500000000e+00, v22;
	_ =	sdelay $0x1  }
0x287: {  	v21 =	vmul.f32 v21, v22;
	_ =	sdelay $0x1  }
0x288: {  	v22 =	vmul.f32 v21, v4;
	_ =	sdelay $0x1  }
0x289: {  	v22 =	vmul.f32 v22, v21;
	_ =	sdelay $0x1  }
0x28a: {  	v22 =	vsub.f32 $1.500000000e+00, v22;
	_ =	sdelay $0x1  }
0x28b: {  	v21 =	vmul.f32 v22, v21;
	_ =	sdelay $0x1  }
0x28c: {  	v4 =	vmul.f32 v21, v4;
	_ =	sdelay $0x1  }
0x28d: {  	v4 =	vmul.f32 v4, v21;
	_ =	sdelay $0x1  }
0x28e: {  	v4 =	vsub.f32 $1.500000000e+00, v4;
	_ =	sdelay $0x1  }
0x28f: {  	v54 =	vbroadcast v3, $0xF;
	v3 =	vmul.f32 v4, v21  }
0x290: {  	v55 =	vld [tilespmem:$0x400]  }
0x291: {  	v4 =	vmul.f32 v3, v54;
	v20 =	vmul.f32 v3, v20;
	_ =	sdelay $0x1  }
0x292: {  	v20 =	vsub.f32 v20, v4;
	_ =	sdelay $0x1  }
0x293: {  	v20 =	vmul.f32 v20, v55;
	_ =	sdelay $0x1  }
0x294: {  	[tilespmem:s0+$0x6700] =	vst v20  }
0x295: {  	v20 =	vld [tilespmem:$0x410]  }
0x296: {  	v19 =	vmul.f32 v3, v19;
	_ =	sdelay $0x1  }
0x297: {  	v19 =	vsub.f32 v19, v4;
	_ =	sdelay $0x1  }
0x298: {  	v19 =	vmul.f32 v19, v20;
	_ =	sdelay $0x1  }
0x299: {  	[tilespmem:s0+$0x6710] =	vst v19  }
0x29a: {  	v19 =	vld [tilespmem:$0x420]  }
0x29b: {  	v18 =	vmul.f32 v3, v18;
	_ =	sdelay $0x1  }
0x29c: {  	v18 =	vsub.f32 v18, v4;
	_ =	sdelay $0x1  }
0x29d: {  	v18 =	vmul.f32 v18, v19;
	_ =	sdelay $0x1  }
0x29e: {  	[tilespmem:s0+$0x6720] =	vst v18  }
0x29f: {  	v18 =	vld [tilespmem:$0x430]  }
0x2a0: {  	v17 =	vmul.f32 v3, v17;
	_ =	sdelay $0x1  }
0x2a1: {  	v17 =	vsub.f32 v17, v4;
	_ =	sdelay $0x1  }
0x2a2: {  	v17 =	vmul.f32 v17, v18;
	_ =	sdelay $0x1  }
0x2a3: {  	[tilespmem:s0+$0x6730] =	vst v17  }
0x2a4: {  	v17 =	vld [tilespmem:$0x440]  }
0x2a5: {  	v16 =	vmul.f32 v3, v16;
	_ =	sdelay $0x1  }
0x2a6: {  	v16 =	vsub.f32 v16, v4;
	_ =	sdelay $0x1  }
0x2a7: {  	v16 =	vmul.f32 v16, v17;
	_ =	sdelay $0x1  }
0x2a8: {  	[tilespmem:s0+$0x6740] =	vst v16  }
0x2a9: {  	v16 =	vld [tilespmem:$0x450]  }
0x2aa: {  	v15 =	vmul.f32 v3, v15;
	_ =	sdelay $0x1  }
0x2ab: {  	v15 =	vsub.f32 v15, v4;
	_ =	sdelay $0x1  }
0x2ac: {  	v15 =	vmul.f32 v15, v16;
	_ =	sdelay $0x1  }
0x2ad: {  	[tilespmem:s0+$0x6750] =	vst v15  }
0x2ae: {  	v15 =	vld [tilespmem:$0x460]  }
0x2af: {  	v14 =	vmul.f32 v3, v14;
	_ =	sdelay $0x1  }
0x2b0: {  	v14 =	vsub.f32 v14, v4;
	_ =	sdelay $0x1  }
0x2b1: {  	v14 =	vmul.f32 v14, v15;
	_ =	sdelay $0x1  }
0x2b2: {  	[tilespmem:s0+$0x6760] =	vst v14  }
0x2b3: {  	v14 =	vld [tilespmem:$0x470]  }
0x2b4: {  	v13 =	vmul.f32 v3, v13;
	_ =	sdelay $0x1  }
0x2b5: {  	v13 =	vsub.f32 v13, v4;
	_ =	sdelay $0x1  }
0x2b6: {  	v13 =	vmul.f32 v13, v14;
	_ =	sdelay $0x1  }
0x2b7: {  	[tilespmem:s0+$0x6770] =	vst v13  }
0x2b8: {  	v13 =	vld [tilespmem:$0x480]  }
0x2b9: {  	v12 =	vmul.f32 v3, v12;
	_ =	sdelay $0x1  }
0x2ba: {  	v12 =	vsub.f32 v12, v4;
	_ =	sdelay $0x1  }
0x2bb: {  	v12 =	vmul.f32 v12, v13;
	_ =	sdelay $0x1  }
0x2bc: {  	[tilespmem:s0+$0x6B00] =	vst v12  }
0x2bd: {  	v12 =	vld [tilespmem:$0x490]  }
0x2be: {  	v11 =	vmul.f32 v3, v11;
	_ =	sdelay $0x1  }
0x2bf: {  	v11 =	vsub.f32 v11, v4;
	_ =	sdelay $0x1  }
0x2c0: {  	v11 =	vmul.f32 v11, v12;
	_ =	sdelay $0x1  }
0x2c1: {  	[tilespmem:s0+$0x6B10] =	vst v11  }
0x2c2: {  	v11 =	vld [tilespmem:$0x4A0]  }
0x2c3: {  	v10 =	vmul.f32 v3, v10;
	_ =	sdelay $0x1  }
0x2c4: {  	v10 =	vsub.f32 v10, v4;
	_ =	sdelay $0x1  }
0x2c5: {  	v10 =	vmul.f32 v10, v11;
	_ =	sdelay $0x1  }
0x2c6: {  	[tilespmem:s0+$0x6B20] =	vst v10  }
0x2c7: {  	v10 =	vld [tilespmem:$0x4B0]  }
0x2c8: {  	v9 =	vmul.f32 v3, v9;
	_ =	sdelay $0x1  }
0x2c9: {  	v9 =	vsub.f32 v9, v4;
	_ =	sdelay $0x1  }
0x2ca: {  	v9 =	vmul.f32 v9, v10;
	_ =	sdelay $0x1  }
0x2cb: {  	[tilespmem:s0+$0x6B30] =	vst v9  }
0x2cc: {  	v9 =	vld [tilespmem:$0x4C0]  }
0x2cd: {  	v8 =	vmul.f32 v3, v8;
	_ =	sdelay $0x1  }
0x2ce: {  	v8 =	vsub.f32 v8, v4;
	_ =	sdelay $0x1  }
0x2cf: {  	v8 =	vmul.f32 v8, v9;
	_ =	sdelay $0x1  }
0x2d0: {  	[tilespmem:s0+$0x6B40] =	vst v8  }
0x2d1: {  	v8 =	vld [tilespmem:$0x4D0]  }
0x2d2: {  	v7 =	vmul.f32 v3, v7;
	_ =	sdelay $0x1  }
0x2d3: {  	v7 =	vsub.f32 v7, v4;
	_ =	sdelay $0x1  }
0x2d4: {  	v7 =	vmul.f32 v7, v8;
	_ =	sdelay $0x1  }
0x2d5: {  	[tilespmem:s0+$0x6B50] =	vst v7  }
0x2d6: {  	v7 =	vld [tilespmem:$0x4E0]  }
0x2d7: {  	v6 =	vmul.f32 v3, v6;
	_ =	sdelay $0x1  }
0x2d8: {  	v6 =	vsub.f32 v6, v4;
	_ =	sdelay $0x1  }
0x2d9: {  	v6 =	vmul.f32 v7, v6;
	_ =	sdelay $0x1  }
0x2da: {  	[tilespmem:s0+$0x6B60] =	vst v6  }
0x2db: {  	v6 =	vld [tilespmem:$0x4F0]  }
0x2dc: {  	v5 =	vmul.f32 v3, v5;
	_ =	sdelay $0x1  }
0x2dd: {  	v5 =	vsub.f32 v5, v4  }
0x2de: {  	v56 =	vld [tilespmem:s0+$0x6F00]  }
0x2df: {  	v5 =	vmul.f32 v6, v5;
	_ =	sdelay $0x1  }
0x2e0: {  	[tilespmem:s0+$0x6B70] =	vst v5  }
0x2e1: {  	v5 =	vld [tilespmem:$0x500]  }
0x2e2: {  	v57 =	vmul.f32 v56, v3;
	_ =	sdelay $0x1  }
0x2e3: {  	v6 =	vsub.f32 v57, v4  }
0x2e4: {  	v58 =	vld [tilespmem:s0+$0x6F10]  }
0x2e5: {  	v5 =	vmul.f32 v6, v5;
	_ =	sdelay $0x1  }
0x2e6: {  	[tilespmem:s0+$0x6F00] =	vst v5  }
0x2e7: {  	v5 =	vld [tilespmem:$0x510]  }
0x2e8: {  	v59 =	vmul.f32 v58, v3;
	_ =	sdelay $0x1  }
0x2e9: {  	v6 =	vsub.f32 v59, v4  }
0x2ea: {  	v60 =	vld [tilespmem:s0+$0x6F20]  }
0x2eb: {  	v5 =	vmul.f32 v6, v5;
	_ =	sdelay $0x1  }
0x2ec: {  	[tilespmem:s0+$0x6F10] =	vst v5  }
0x2ed: {  	v5 =	vld [tilespmem:$0x520]  }
0x2ee: {  	v61 =	vmul.f32 v60, v3;
	_ =	sdelay $0x1  }
0x2ef: {  	v6 =	vsub.f32 v61, v4  }
0x2f0: {  	v62 =	vld [tilespmem:s0+$0x6F30]  }
0x2f1: {  	v5 =	vmul.f32 v6, v5;
	_ =	sdelay $0x1  }
0x2f2: {  	[tilespmem:s0+$0x6F20] =	vst v5  }
0x2f3: {  	v5 =	vld [tilespmem:$0x530]  }
0x2f4: {  	v63 =	vmul.f32 v62, v3;
	_ =	sdelay $0x1  }
0x2f5: {  	v6 =	vsub.f32 v63, v4  }
0x2f6: {  	v9 =	vld [tilespmem:s0+$0x6F40]  }
0x2f7: {  	v5 =	vmul.f32 v6, v5;
	_ =	sdelay $0x1  }
0x2f8: {  	[tilespmem:s0+$0x6F30] =	vst v5  }
0x2f9: {  	v5 =	vld [tilespmem:$0x540]  }
0x2fa: {  	v10 =	vmul.f32 v9, v3;
	_ =	sdelay $0x1  }
0x2fb: {  	v6 =	vsub.f32 v10, v4  }
0x2fc: {  	v11 =	vld [tilespmem:s0+$0x6F50]  }
0x2fd: {  	v5 =	vmul.f32 v6, v5;
	_ =	sdelay $0x1  }
0x2fe: {  	[tilespmem:s0+$0x6F40] =	vst v5  }
0x2ff: {  	v5 =	vld [tilespmem:$0x550]  }
0x300: {  	v12 =	vmul.f32 v11, v3;
	_ =	sdelay $0x1  }
0x301: {  	v6 =	vsub.f32 v12, v4  }
0x302: {  	v13 =	vld [tilespmem:s0+$0x6F60]  }
0x303: {  	v5 =	vmul.f32 v6, v5;
	_ =	sdelay $0x1  }
0x304: {  	[tilespmem:s0+$0x6F50] =	vst v5  }
0x305: {  	v5 =	vld [tilespmem:$0x560]  }
0x306: {  	v14 =	vmul.f32 v13, v3;
	_ =	sdelay $0x1  }
0x307: {  	v6 =	vsub.f32 v14, v4  }
0x308: {  	v15 =	vld [tilespmem:s0+$0x6F70]  }
0x309: {  	v5 =	vmul.f32 v6, v5;
	_ =	sdelay $0x1  }
0x30a: {  	[tilespmem:s0+$0x6F60] =	vst v5  }
0x30b: {  	v5 =	vld [tilespmem:$0x570]  }
0x30c: {  	v16 =	vmul.f32 v15, v3;
	_ =	sdelay $0x1  }
0x30d: {  	v6 =	vsub.f32 v16, v4  }
0x30e: {  	v17 =	vld [tilespmem:s0+$0x7300]  }
0x30f: {  	v5 =	vmul.f32 v6, v5;
	_ =	sdelay $0x1  }
0x310: {  	[tilespmem:s0+$0x6F70] =	vst v5  }
0x311: {  	v5 =	vld [tilespmem:$0x580]  }
0x312: {  	v18 =	vmul.f32 v17, v3;
	_ =	sdelay $0x1  }
0x313: {  	v6 =	vsub.f32 v18, v4  }
0x314: {  	v19 =	vld [tilespmem:s0+$0x7310]  }
0x315: {  	v5 =	vmul.f32 v6, v5;
	_ =	sdelay $0x1  }
0x316: {  	[tilespmem:s0+$0x7300] =	vst v5  }
0x317: {  	v5 =	vld [tilespmem:$0x590]  }
0x318: {  	v20 =	vmul.f32 v19, v3;
	_ =	sdelay $0x1  }
0x319: {  	v6 =	vsub.f32 v20, v4  }
0x31a: {  	v21 =	vld [tilespmem:s0+$0x7320]  }
0x31b: {  	v5 =	vmul.f32 v6, v5;
	_ =	sdelay $0x1  }
0x31c: {  	[tilespmem:s0+$0x7310] =	vst v5  }
0x31d: {  	v5 =	vld [tilespmem:$0x5A0]  }
0x31e: {  	v22 =	vmul.f32 v21, v3;
	_ =	sdelay $0x1  }
0x31f: {  	v6 =	vsub.f32 v22, v4  }
0x320: {  	v23 =	vld [tilespmem:s0+$0x7330]  }
0x321: {  	v5 =	vmul.f32 v6, v5;
	_ =	sdelay $0x1  }
0x322: {  	[tilespmem:s0+$0x7320] =	vst v5  }
0x323: {  	v5 =	vld [tilespmem:$0x5B0]  }
0x324: {  	v24 =	vmul.f32 v23, v3;
	_ =	sdelay $0x1  }
0x325: {  	v6 =	vsub.f32 v24, v4  }
0x326: {  	v25 =	vld [tilespmem:s0+$0x7340]  }
0x327: {  	v5 =	vmul.f32 v6, v5;
	_ =	sdelay $0x1  }
0x328: {  	[tilespmem:s0+$0x7330] =	vst v5  }
0x329: {  	v5 =	vld [tilespmem:$0x5C0]  }
0x32a: {  	v26 =	vmul.f32 v25, v3;
	_ =	sdelay $0x1  }
0x32b: {  	v6 =	vsub.f32 v26, v4  }
0x32c: {  	v27 =	vld [tilespmem:s0+$0x7350]  }
0x32d: {  	v5 =	vmul.f32 v6, v5;
	_ =	sdelay $0x1  }
0x32e: {  	[tilespmem:s0+$0x7340] =	vst v5  }
0x32f: {  	v5 =	vld [tilespmem:$0x5D0]  }
0x330: {  	v28 =	vmul.f32 v27, v3;
	_ =	sdelay $0x1  }
0x331: {  	v6 =	vsub.f32 v28, v4  }
0x332: {  	v29 =	vld [tilespmem:s0+$0x7360]  }
0x333: {  	v5 =	vmul.f32 v6, v5;
	_ =	sdelay $0x1  }
0x334: {  	[tilespmem:s0+$0x7350] =	vst v5  }
0x335: {  	v5 =	vld [tilespmem:$0x5E0]  }
0x336: {  	v30 =	vmul.f32 v29, v3;
	_ =	sdelay $0x1  }
0x337: {  	v6 =	vsub.f32 v30, v4  }
0x338: {  	v31 =	vld [tilespmem:s0+$0x7370]  }
0x339: {  	v5 =	vmul.f32 v6, v5;
	_ =	sdelay $0x1  }
0x33a: {  	[tilespmem:s0+$0x7360] =	vst v5  }
0x33b: {  	v5 =	vld [tilespmem:$0x5F0]  }
0x33c: {  	v32 =	vmul.f32 v31, v3;
	_ =	sdelay $0x1  }
0x33d: {  	v6 =	vsub.f32 v32, v4  }
0x33e: {  	v33 =	vld [tilespmem:s0+$0x7700]  }
0x33f: {  	v5 =	vmul.f32 v6, v5;
	_ =	sdelay $0x1  }
0x340: {  	[tilespmem:s0+$0x7370] =	vst v5  }
0x341: {  	v5 =	vld [tilespmem:$0x600]  }
0x342: {  	v34 =	vmul.f32 v33, v3;
	_ =	sdelay $0x1  }
0x343: {  	v6 =	vsub.f32 v34, v4  }
0x344: {  	v35 =	vld [tilespmem:s0+$0x7710]  }
0x345: {  	v5 =	vmul.f32 v6, v5;
	_ =	sdelay $0x1  }
0x346: {  	[tilespmem:s0+$0x7700] =	vst v5  }
0x347: {  	v5 =	vld [tilespmem:$0x610]  }
0x348: {  	v36 =	vmul.f32 v35, v3;
	_ =	sdelay $0x1  }
0x349: {  	v6 =	vsub.f32 v36, v4  }
0x34a: {  	v37 =	vld [tilespmem:s0+$0x7720]  }
0x34b: {  	v5 =	vmul.f32 v6, v5;
	_ =	sdelay $0x1  }
0x34c: {  	[tilespmem:s0+$0x7710] =	vst v5  }
0x34d: {  	v5 =	vld [tilespmem:$0x620]  }
0x34e: {  	v38 =	vmul.f32 v37, v3;
	_ =	sdelay $0x1  }
0x34f: {  	v6 =	vsub.f32 v38, v4  }
0x350: {  	v39 =	vld [tilespmem:s0+$0x7730]  }
0x351: {  	v5 =	vmul.f32 v6, v5;
	_ =	sdelay $0x1  }
0x352: {  	[tilespmem:s0+$0x7720] =	vst v5  }
0x353: {  	v5 =	vld [tilespmem:$0x630]  }
0x354: {  	v40 =	vmul.f32 v39, v3;
	_ =	sdelay $0x1  }
0x355: {  	v6 =	vsub.f32 v40, v4  }
0x356: {  	v41 =	vld [tilespmem:s0+$0x7740]  }
0x357: {  	v5 =	vmul.f32 v6, v5;
	_ =	sdelay $0x1  }
0x358: {  	[tilespmem:s0+$0x7730] =	vst v5  }
0x359: {  	v5 =	vld [tilespmem:$0x640]  }
0x35a: {  	v42 =	vmul.f32 v41, v3;
	_ =	sdelay $0x1  }
0x35b: {  	v6 =	vsub.f32 v42, v4  }
0x35c: {  	v43 =	vld [tilespmem:s0+$0x7750]  }
0x35d: {  	v5 =	vmul.f32 v6, v5;
	_ =	sdelay $0x1  }
0x35e: {  	[tilespmem:s0+$0x7740] =	vst v5  }
0x35f: {  	v5 =	vld [tilespmem:$0x650]  }
0x360: {  	v44 =	vmul.f32 v43, v3;
	_ =	sdelay $0x1  }
0x361: {  	v6 =	vsub.f32 v44, v4  }
0x362: {  	v45 =	vld [tilespmem:s0+$0x7760]  }
0x363: {  	v5 =	vmul.f32 v6, v5;
	_ =	sdelay $0x1  }
0x364: {  	[tilespmem:s0+$0x7750] =	vst v5  }
0x365: {  	v5 =	vld [tilespmem:$0x660]  }
0x366: {  	v46 =	vmul.f32 v45, v3;
	_ =	sdelay $0x1  }
0x367: {  	v6 =	vsub.f32 v46, v4  }
0x368: {  	v47 =	vld [tilespmem:s0+$0x7770]  }
0x369: {  	v5 =	vmul.f32 v6, v5;
	_ =	sdelay $0x1  }
0x36a: {  	[tilespmem:s0+$0x7760] =	vst v5  }
0x36b: {  	v5 =	vld [tilespmem:$0x670]  }
0x36c: {  	v48 =	vmul.f32 v47, v3;
	_ =	sdelay $0x1  }
0x36d: {  	v6 =	vsub.f32 v48, v4  }
0x36e: {  	v49 =	vld [tilespmem:s0+$0x7B00]  }
0x36f: {  	v5 =	vmul.f32 v6, v5;
	_ =	sdelay $0x1  }
0x370: {  	[tilespmem:s0+$0x7770] =	vst v5  }
0x371: {  	v5 =	vld [tilespmem:$0x680]  }
0x372: {  	v50 =	vmul.f32 v49, v3;
	_ =	sdelay $0x1  }
0x373: {  	v6 =	vsub.f32 v50, v4  }
0x374: {  	v51 =	vld [tilespmem:s0+$0x7B10]  }
0x375: {  	v5 =	vmul.f32 v6, v5;
	_ =	sdelay $0x1  }
0x376: {  	[tilespmem:s0+$0x7B00] =	vst v5  }
0x377: {  	v5 =	vld [tilespmem:$0x690]  }
0x378: {  	v52 =	vmul.f32 v51, v3;
	_ =	sdelay $0x1  }
0x379: {  	v6 =	vsub.f32 v52, v4  }
0x37a: {  	v53 =	vld [tilespmem:s0+$0x7B20]  }
0x37b: {  	v5 =	vmul.f32 v6, v5;
	_ =	sdelay $0x1  }
0x37c: {  	[tilespmem:s0+$0x7B10] =	vst v5  }
0x37d: {  	v5 =	vld [tilespmem:$0x6A0]  }
0x37e: {  	v54 =	vmul.f32 v53, v3;
	_ =	sdelay $0x1  }
0x37f: {  	v6 =	vsub.f32 v54, v4  }
0x380: {  	v55 =	vld [tilespmem:s0+$0x7B30]  }
0x381: {  	v5 =	vmul.f32 v6, v5;
	_ =	sdelay $0x1  }
0x382: {  	[tilespmem:s0+$0x7B20] =	vst v5  }
0x383: {  	v5 =	vld [tilespmem:$0x6B0]  }
0x384: {  	v56 =	vmul.f32 v55, v3;
	_ =	sdelay $0x1  }
0x385: {  	v6 =	vsub.f32 v56, v4  }
0x386: {  	v57 =	vld [tilespmem:s0+$0x7B40]  }
0x387: {  	v5 =	vmul.f32 v6, v5;
	_ =	sdelay $0x1  }
0x388: {  	[tilespmem:s0+$0x7B30] =	vst v5  }
0x389: {  	v5 =	vld [tilespmem:$0x6C0]  }
0x38a: {  	v58 =	vmul.f32 v57, v3;
	_ =	sdelay $0x1  }
0x38b: {  	v6 =	vsub.f32 v58, v4  }
0x38c: {  	v59 =	vld [tilespmem:s0+$0x7B50]  }
0x38d: {  	v5 =	vmul.f32 v6, v5;
	_ =	sdelay $0x1  }
0x38e: {  	[tilespmem:s0+$0x7B40] =	vst v5  }
0x38f: {  	v5 =	vld [tilespmem:$0x6D0]  }
0x390: {  	v60 =	vmul.f32 v59, v3;
	_ =	sdelay $0x1  }
0x391: {  	v6 =	vsub.f32 v60, v4  }
0x392: {  	v61 =	vld [tilespmem:s0+$0x7B60]  }
0x393: {  	v5 =	vmul.f32 v6, v5;
	_ =	sdelay $0x1  }
0x394: {  	[tilespmem:s0+$0x7B50] =	vst v5  }
0x395: {  	v5 =	vld [tilespmem:$0x6E0]  }
0x396: {  	v62 =	vmul.f32 v61, v3;
	_ =	sdelay $0x1  }
0x397: {  	v6 =	vsub.f32 v62, v4  }
0x398: {  	v63 =	vld [tilespmem:s0+$0x7B70]  }
0x399: {  	v5 =	vmul.f32 v6, v5;
	_ =	sdelay $0x1  }
0x39a: {  	[tilespmem:s0+$0x7B60] =	vst v5  }
0x39b: {  	v5 =	vld [tilespmem:$0x6F0]  }
0x39c: {  	v3 =	vmul.f32 v63, v3  }
0x39d: {  	p0 =	sne.s32 s29, $0x1F  }
.Ltmp1:
0x39e: {  	v3 =	vsub.f32 v3, v4;
	(pc) =	sbr.rel @p0 .LBB2_5-.Ltmp1, $3  }
0x39f: {  	_ = 	snop  }
0x3a0: {  	v3 =	vmul.f32 v3, v5;
	_ =	sdelay $0x1  }
0x3a1: {  	s28 =	sadd.s32 $0x80, s28;
	s29 =	sadd.s32 $0x1, s29;
	[tilespmem:s0+$0x7B70] =	vst v3  }
0x3a2: {  	s0 =	sadd.s32 s26, s4  }
0x3a3: {  	p0 =	seq.s32 s22, $0x7;
	s0 =	sadd.s32 $0xC00, s0  }
0x3a4: {  	[hbm4b:s0+s5] =	stream.linear.scatter [tilespmem:s25], [sflag:$0x6], $0x6000, $0x38;
	[tilespmem:$0x18700] =	vst v63  }
0x3a5: {  	s0 =	simm.s32 @!p0 $0x5  }
0x3a6: {  	_ =	swait.ge @!p0 [sflag:s0], $0x6000  }
0x3a7: {  	s1 =	sshll.u32 @!p0 s22, $0x7;
	[sflag:s0] =	ssyncset.done @!p0 $0x0  }
0x3a8: {  	s26 =	sand.u32 @!p0 $0x3FFFFF80, s1;
	[sflag:s0] =	ssyncadd.s32 @!p0 $0xFFFFA000  }
0x3a9: {  	v3 =	vld @!p0 [tilespmem:s26+$0x80];
	_ =	sdelay $0x4  }
0x3aa: {  	v4 =	vshrl.u32 @!p0 v3, $0x3  }
0x3ab: {  	v4 =	vmul.u32 @!p0 $0x30, v4  }
0x3ac: {  	v5 =	vlaneseq.u32 @!p0;
	v3 =	vand.u32 @!p0 $0x7, v3  }
0x3ad: {  	v6 =	vshrl.u32 @!p0 v5, $0x3;
	v3 =	vor.u32 @!p0 v3, v4;
	v4 =	vand.u32 @!p0 $0x7, v5  }
0x3ae: {  	v6 =	vmul.u32 @!p0 $0x8, v6;
	v7 =	vperm.xlane @!p0 v3, v4;
	_ =	sdelay $0x1  }
0x3af: {  	v7 =	vadd.s32 @!p0 v6, v7;
	_ =	sdelay $0x2  }
0x3b0: {  	v5 =	vor.u32 @!p0 $0x8, v5  }
0x3b1: {  	vm1 =	vmmov @!p0 $0xffff;
	s1 =	simm.s32 @!p0 $0x700;
	s0 =	simm.s32 @!p0 $0x0;
	v3 =	vperm.xlane @!p0 v3, v5  }
0x3b2: {  	[tilespmem:s1], [sflag:$0x1] =	stream.indirect_vreg.gather @!p0 [hbm4b:s2+s0], $0x80, v7, vm1, $0xb8;
	[tilespmem:$0x18700] =	vst v63  }
0x3b3: {  	v3 =	vadd.s32 @!p0 v6, v3;
	s1 =	simm.s32 @!p0 $0xF00  }
0x3b4: {  	[tilespmem:s1], [sflag:$0x1] =	stream.indirect_vreg.gather @!p0 [hbm4b:s8+s0], $0x80, v7, vm1, $0xb8;
	[tilespmem:$0x18700] =	vst v63  }
0x3b5: {  	s1 =	simm.s32 @!p0 $0x1700  }
0x3b6: {  	[tilespmem:s1], [sflag:$0x1] =	stream.indirect_vreg.gather @!p0 [hbm4b:s9+s0], $0x80, v7, vm1, $0xb8;
	[tilespmem:$0x18700] =	vst v63  }
0x3b7: {  	s1 =	simm.s32 @!p0 $0x1F00  }
0x3b8: {  	[tilespmem:s1], [sflag:$0x1] =	stream.indirect_vreg.gather @!p0 [hbm4b:s2+s0], $0x80, v3, vm1, $0xb8;
	[tilespmem:$0x18700] =	vst v63  }
0x3b9: {  	s1 =	simm.s32 @!p0 $0x2700  }
0x3ba: {  	[tilespmem:s1], [sflag:$0x1] =	stream.indirect_vreg.gather @!p0 [hbm4b:s8+s0], $0x80, v3, vm1, $0xb8;
	[tilespmem:$0x18700] =	vst v63  }
0x3bb: {  	s1 =	simm.s32 @!p0 $0x2F00  }
0x3bc: {  	[tilespmem:s1], [sflag:$0x1] =	stream.indirect_vreg.gather @!p0 [hbm4b:s9+s0], $0x80, v3, vm1, $0xb8;
	[tilespmem:$0x18700] =	vst v63  }
0x3bd: {  	v3 =	vld @!p0 [tilespmem:s26+$0x90];
	_ =	sdelay $0x4  }
0x3be: {  	v7 =	vshrl.u32 @!p0 v3, $0x3  }
0x3bf: {  	v7 =	vmul.u32 @!p0 $0x30, v7  }
0x3c0: {  	v3 =	vand.u32 @!p0 $0x7, v3  }
0x3c1: {  	v3 =	vor.u32 @!p0 v3, v7  }
0x3c2: {  	v4 =	vperm.xlane @!p0 v3, v4;
	_ =	sdelay $0x1  }
0x3c3: {  	v4 =	vadd.s32 @!p0 v6, v4;
	_ =	sdelay $0x3  }
0x3c4: {  	s1 =	simm.s32 @!p0 $0x3700;
	v3 =	vperm.xlane @!p0 v3, v5  }
0x3c5: {  	[tilespmem:s1], [sflag:$0x1] =	stream.indirect_vreg.gather @!p0 [hbm4b:s2+s0], $0x80, v4, vm1, $0xb8;
	[tilespmem:$0x18700] =	vst v63  }
0x3c6: {  	v3 =	vadd.s32 @!p0 v6, v3;
	s1 =	simm.s32 @!p0 $0x3F00  }
0x3c7: {  	[tilespmem:s1], [sflag:$0x1] =	stream.indirect_vreg.gather @!p0 [hbm4b:s8+s0], $0x80, v4, vm1, $0xb8;
	[tilespmem:$0x18700] =	vst v63  }
0x3c8: {  	s1 =	simm.s32 @!p0 $0x4700  }
0x3c9: {  	[tilespmem:s1], [sflag:$0x1] =	stream.indirect_vreg.gather @!p0 [hbm4b:s9+s0], $0x80, v4, vm1, $0xb8;
	[tilespmem:$0x18700] =	vst v63  }
0x3ca: {  	s1 =	simm.s32 @!p0 $0x4F00  }
0x3cb: {  	[tilespmem:s1], [sflag:$0x1] =	stream.indirect_vreg.gather @!p0 [hbm4b:s2+s0], $0x80, v3, vm1, $0xb8;
	[tilespmem:$0x18700] =	vst v63  }
0x3cc: {  	s1 =	simm.s32 @!p0 $0x5700  }
0x3cd: {  	[tilespmem:s1], [sflag:$0x1] =	stream.indirect_vreg.gather @!p0 [hbm4b:s8+s0], $0x80, v3, vm1, $0xb8;
	[tilespmem:$0x18700] =	vst v63  }
0x3ce: {  	s1 =	simm.s32 @!p0 $0x5F00  }
0x3cf: {  	[tilespmem:s1], [sflag:$0x1] =	stream.indirect_vreg.gather @!p0 [hbm4b:s9+s0], $0x80, v3, vm1, $0xb8;
	[tilespmem:$0x18700] =	vst v63  }
0x3d0: {  	_ =	swait.ge [sflag:s20], $0x6000  }
0x3d1: {  	[sflag:s20] =	ssyncset.done $0x0  }
0x3d2: {  	s28 =	simm.s32 $0x0;
	s29 =	simm.s32 $0x0;
	[sflag:s20] =	ssyncadd.s32 $0xFFFFA000  }
.LBB2_7:
0x3d3: {  	s0 =	sshrl.u32 s29, $0x3  }
0x3d4: {  	s0 =	smul.u32 $0x6000, s0;
	_ =	sdelay $0x1  }
0x3d5: {  	s1 =	sand.u32 $0x380, s28;
	s0 =	sshra.s32 s0, $0x2  }
0x3d6: {  	s0 =	sor.u32 s1, s0  }
0x3d7: {  	v20 =	vld [tilespmem:s0+$0xC700]  }
0x3d8: {  	v19 =	vld [tilespmem:s0+$0xC710]  }
0x3d9: {  	v18 =	vld [tilespmem:s0+$0xC720]  }
0x3da: {  	v17 =	vld [tilespmem:s0+$0xC730]  }
0x3db: {  	v16 =	vld [tilespmem:s0+$0xC740]  }
0x3dc: {  	v15 =	vld [tilespmem:s0+$0xC750]  }
0x3dd: {  	v14 =	vld [tilespmem:s0+$0xC760]  }
0x3de: {  	v13 =	vld [tilespmem:s0+$0xC770]  }
0x3df: {  	v12 =	vld [tilespmem:s0+$0xCB00]  }
0x3e0: {  	v11 =	vld [tilespmem:s0+$0xCB10]  }
0x3e1: {  	v10 =	vld [tilespmem:s0+$0xCB20]  }
0x3e2: {  	v9 =	vld [tilespmem:s0+$0xCB30]  }
0x3e3: {  	v8 =	vld [tilespmem:s0+$0xCB40]  }
0x3e4: {  	v7 =	vld [tilespmem:s0+$0xCB50];
	v3 =	vmul.f32 v20, v20  }
0x3e5: {  	v6 =	vld [tilespmem:s0+$0xCB60];
	v4 =	vmul.f32 v19, v19;
	v21 =	vmul.f32 v18, v18  }
0x3e6: {  	v31 =	vld [tilespmem:s0+$0xCF00];
	v22 =	vmul.f32 v17, v17;
	v23 =	vmul.f32 v16, v16  }
0x3e7: {  	v33 =	vld [tilespmem:s0+$0xCF10];
	v24 =	vmul.f32 v15, v15;
	v25 =	vmul.f32 v14, v14  }
0x3e8: {  	v35 =	vld [tilespmem:s0+$0xCF20];
	v5 =	vmul.f32 v12, v12;
	v27 =	vmul.f32 v11, v11  }
0x3e9: {  	v37 =	vld [tilespmem:s0+$0xCF30];
	v28 =	vadd.f32 v12, v20;
	v29 =	vmul.f32 v10, v10;
	v30 =	vadd.f32 v11, v19  }
0x3ea: {  	v39 =	vld [tilespmem:s0+$0xCF40];
	v44 =	vmul.f32 v9, v9;
	v32 =	vadd.f32 v10, v18;
	v34 =	vadd.f32 v9, v17  }
0x3eb: {  	v41 =	vld [tilespmem:s0+$0xCF50];
	v45 =	vmul.f32 v8, v8;
	v36 =	vadd.f32 v8, v16;
	v38 =	vadd.f32 v7, v15  }
0x3ec: {  	v43 =	vld [tilespmem:s0+$0xCF60];
	v46 =	vmul.f32 v7, v7;
	v40 =	vadd.f32 v6, v14;
	v3 =	vadd.f32 v5, v3  }
0x3ed: {  	v52 =	vld [tilespmem:s0+$0xCF70];
	v47 =	vmul.f32 v6, v6;
	v4 =	vadd.f32 v27, v4;
	v21 =	vadd.f32 v29, v21  }
0x3ee: {  	v54 =	vld [tilespmem:s0+$0xD300];
	v49 =	vmul.f32 v31, v31;
	v22 =	vadd.f32 v44, v22;
	v23 =	vadd.f32 v45, v23  }
0x3ef: {  	v56 =	vld [tilespmem:s0+$0xD310];
	v50 =	vmul.f32 v33, v33;
	v24 =	vadd.f32 v46, v24;
	v25 =	vadd.f32 v47, v25  }
0x3f0: {  	v58 =	vld [tilespmem:s0+$0xD320];
	v51 =	vmul.f32 v35, v35;
	v28 =	vadd.f32 v31, v28;
	v30 =	vadd.f32 v33, v30  }
0x3f1: {  	v60 =	vld [tilespmem:s0+$0xD330];
	v53 =	vmul.f32 v37, v37;
	v32 =	vadd.f32 v35, v32;
	v34 =	vadd.f32 v37, v34  }
0x3f2: {  	v62 =	vld [tilespmem:s0+$0xD340];
	v55 =	vmul.f32 v39, v39;
	v36 =	vadd.f32 v39, v36;
	v38 =	vadd.f32 v41, v38  }
0x3f3: {  	v57 =	vmul.f32 v41, v41;
	v5 =	vld [tilespmem:s0+$0xCB70];
	v40 =	vadd.f32 v43, v40;
	v3 =	vadd.f32 v49, v3  }
0x3f4: {  	v59 =	vmul.f32 v43, v43;
	v45 =	vld [tilespmem:s0+$0xD350];
	v4 =	vadd.f32 v50, v4;
	v21 =	vadd.f32 v51, v21  }
0x3f5: {  	v26 =	vmul.f32 v13, v13;
	v47 =	vld [tilespmem:s0+$0xD360];
	v22 =	vadd.f32 v53, v22;
	v23 =	vadd.f32 v55, v23  }
0x3f6: {  	v63 =	vmul.f32 v54, v54;
	v24 =	vadd.f32 v57, v24;
	v25 =	vadd.f32 v59, v25;
	v49 =	vld [tilespmem:s0+$0xD370]  }
0x3f7: {  	v46 =	vmul.f32 v56, v56;
	v28 =	vadd.f32 v54, v28;
	v30 =	vadd.f32 v56, v30;
	v51 =	vld [tilespmem:s0+$0xD700]  }
0x3f8: {  	v50 =	vmul.f32 v60, v60;
	v32 =	vadd.f32 v58, v32;
	v53 =	vld [tilespmem:s0+$0xD710];
	v34 =	vadd.f32 v60, v34  }
0x3f9: {  	v61 =	vmul.f32 v52, v52;
	v55 =	vld [tilespmem:s0+$0xD720];
	v36 =	vadd.f32 v62, v36;
	v3 =	vadd.f32 v63, v3  }
0x3fa: {  	v57 =	vld [tilespmem:s0+$0xD730];
	v4 =	vadd.f32 v46, v4;
	v22 =	vadd.f32 v50, v22;
	v48 =	vmul.f32 v5, v5  }
0x3fb: {  	v59 =	vld [tilespmem:s0+$0xD740];
	v42 =	vadd.f32 v5, v13;
	v54 =	vmul.f32 v45, v45;
	v38 =	vadd.f32 v45, v38  }
0x3fc: {  	v56 =	vmul.f32 v47, v47;
	v40 =	vadd.f32 v47, v40;
	v26 =	vadd.f32 v48, v26  }
0x3fd: {  	v31 =	vadd.f32 v52, v42;
	v48 =	vmul.f32 v58, v58;
	v24 =	vadd.f32 v54, v24  }
0x3fe: {  	v52 =	vmul.f32 v62, v62;
	v25 =	vadd.f32 v56, v25;
	v28 =	vadd.f32 v51, v28  }
0x3ff: {  	v63 =	vld [tilespmem:s0+$0xD760];
	v58 =	vmul.f32 v49, v49;
	v30 =	vadd.f32 v53, v30;
	v32 =	vadd.f32 v55, v32  }
0x400: {  	v47 =	vld [tilespmem:s0+$0xDB00];
	v60 =	vmul.f32 v51, v51;
	v34 =	vadd.f32 v57, v34;
	v36 =	vadd.f32 v59, v36  }
0x401: {  	v45 =	vld [tilespmem:s0+$0xD770];
	v62 =	vmul.f32 v53, v53;
	v26 =	vadd.f32 v61, v26;
	v21 =	vadd.f32 v48, v21  }
0x402: {  	v46 =	vmul.f32 v57, v57;
	v51 =	vld [tilespmem:s0+$0xDB20];
	v23 =	vadd.f32 v52, v23;
	v31 =	vadd.f32 v49, v31  }
0x403: {  	v44 =	vmul.f32 v55, v55;
	v53 =	vld [tilespmem:s0+$0xDB30];
	v3 =	vadd.f32 v60, v3;
	v4 =	vadd.f32 v62, v4  }
0x404: {  	v55 =	vld [tilespmem:s0+$0xDB40];
	v48 =	vmul.f32 v59, v59;
	v22 =	vadd.f32 v46, v22;
	v33 =	vadd.f32 v63, v40  }
0x405: {  	v61 =	vld [tilespmem:s0+$0xD750];
	v52 =	vmul.f32 v63, v63;
	v28 =	vadd.f32 v47, v28;
	v26 =	vadd.f32 v58, v26  }
0x406: {  	v49 =	vld [tilespmem:s0+$0xDB10];
	v56 =	vmul.f32 v47, v47;
	v21 =	vadd.f32 v44, v21;
	v23 =	vadd.f32 v48, v23  }
0x407: {  	v54 =	vmul.f32 v45, v45;
	v25 =	vadd.f32 v52, v25;
	v31 =	vadd.f32 v45, v31  }
0x408: {  	v59 =	vld [tilespmem:s0+$0xDB60];
	v3 =	vadd.f32 v56, v3;
	v60 =	vmul.f32 v51, v51;
	v32 =	vadd.f32 v51, v32  }
0x409: {  	v62 =	vmul.f32 v53, v53;
	v34 =	vadd.f32 v53, v34;
	v36 =	vadd.f32 v55, v36  }
0x40a: {  	v57 =	vld [tilespmem:s0+$0xDB50];
	v63 =	vmul.f32 v55, v55;
	v26 =	vadd.f32 v54, v26;
	v38 =	vadd.f32 v61, v38  }
0x40b: {  	v50 =	vmul.f32 v61, v61;
	v30 =	vadd.f32 v49, v30;
	v21 =	vadd.f32 v60, v21  }
0x40c: {  	v58 =	vmul.f32 v49, v49;
	v61 =	vld [tilespmem:s0+$0xDB70];
	v22 =	vadd.f32 v62, v22;
	v23 =	vadd.f32 v63, v23  }
0x40d: {  	v42 =	vmul.f32 v59, v59;
	v33 =	vadd.f32 v59, v33;
	v45 =	vadd.f32 v36, v28  }
0x40e: {  	v24 =	vadd.f32 v50, v24;
	v4 =	vadd.f32 v58, v4  }
0x40f: {  	v41 =	vmul.f32 v57, v57;
	v38 =	vadd.f32 v57, v38;
	v25 =	vadd.f32 v42, v25  }
0x410: {  	v3 =	vadd.f32 v23, v3;
	v47 =	vadd.f32 v33, v32  }
0x411: {  	v24 =	vadd.f32 v41, v24;
	v43 =	vmul.f32 v61, v61;
	v44 =	vadd.f32 v61, v31  }
0x412: {  	v46 =	vadd.f32 v38, v30;
	v21 =	vadd.f32 v25, v21  }
0x413: {  	v26 =	vadd.f32 v43, v26;
	v48 =	vadd.f32 v44, v34  }
0x414: {  	v4 =	vadd.f32 v24, v4;
	v24 =	vadd.f32 v47, v45  }
0x415: {  	v22 =	vadd.f32 v26, v22;
	v23 =	vadd.f32 v48, v46  }
0x416: {  	v3 =	vadd.f32 v21, v3  }
0x417: {  	v4 =	vadd.f32 v22, v4;
	v49 =	vadd.f32 v23, v24;
	_ =	sdelay $0x1  }
0x418: {  	v3 =	vadd.f32 v4, v3;
	(xrf2) =	vadd.scan.msk.f32 $0xffff, v49;
	_ =	sdelay $0x1  }
0x419: {  	(xrf2) =	vadd.scan.msk.f32 $0xffff, v3;
	_ =	sdelay $0x7  }
0x41a: {  	v3, _, _ =	vpop (xrf2)  }
0x41b: {  	v3 =	vmul.f32 $1.302083370e-03, v3  }
0x41c: {  	v50, _, _ =	vpop (xrf2)  }
0x41d: {  	v4 =	vmul.f32 $1.302083370e-03, v50;
	v51 =	vmul.f32 v3, v3;
	_ =	sdelay $0x1  }
0x41e: {  	v4 =	vsub.f32 v4, v51;
	_ =	sdelay $0x1  }
0x41f: {  	v4 =	vadd.f32 $9.999999740e-06, v4;
	_ =	sdelay $0x1  }
0x420: {  	v4 =	vbroadcast v4, $0xF;
	_ =	sdelay $0x1  }
0x421: {  	v52 =	vshra.s32 v4, $0x1;
	v4 =	vmul.f32 $5.000000000e-01, v4  }
0x422: {  	v21 =	vsub.s32 $0x5F3759DF, v52  }
0x423: {  	v53 =	vmul.f32 v21, v4;
	_ =	sdelay $0x1  }
0x424: {  	v22 =	vmul.f32 v21, v53;
	_ =	sdelay $0x1  }
0x425: {  	v22 =	vsub.f32 $1.500000000e+00, v22;
	_ =	sdelay $0x1  }
0x426: {  	v21 =	vmul.f32 v21, v22;
	_ =	sdelay $0x1  }
0x427: {  	v22 =	vmul.f32 v21, v4;
	_ =	sdelay $0x1  }
0x428: {  	v22 =	vmul.f32 v22, v21;
	_ =	sdelay $0x1  }
0x429: {  	v22 =	vsub.f32 $1.500000000e+00, v22;
	_ =	sdelay $0x1  }
0x42a: {  	v21 =	vmul.f32 v22, v21;
	_ =	sdelay $0x1  }
0x42b: {  	v4 =	vmul.f32 v21, v4;
	_ =	sdelay $0x1  }
0x42c: {  	v4 =	vmul.f32 v4, v21;
	_ =	sdelay $0x1  }
0x42d: {  	v4 =	vsub.f32 $1.500000000e+00, v4;
	_ =	sdelay $0x1  }
0x42e: {  	v54 =	vbroadcast v3, $0xF;
	v3 =	vmul.f32 v4, v21  }
0x42f: {  	v55 =	vld [tilespmem:$0x400]  }
0x430: {  	v4 =	vmul.f32 v3, v54;
	v20 =	vmul.f32 v3, v20;
	_ =	sdelay $0x1  }
0x431: {  	v20 =	vsub.f32 v20, v4;
	_ =	sdelay $0x1  }
0x432: {  	v20 =	vmul.f32 v20, v55;
	_ =	sdelay $0x1  }
0x433: {  	[tilespmem:s0+$0xC700] =	vst v20  }
0x434: {  	v20 =	vld [tilespmem:$0x410]  }
0x435: {  	v19 =	vmul.f32 v3, v19;
	_ =	sdelay $0x1  }
0x436: {  	v19 =	vsub.f32 v19, v4;
	_ =	sdelay $0x1  }
0x437: {  	v19 =	vmul.f32 v19, v20;
	_ =	sdelay $0x1  }
0x438: {  	[tilespmem:s0+$0xC710] =	vst v19  }
0x439: {  	v19 =	vld [tilespmem:$0x420]  }
0x43a: {  	v18 =	vmul.f32 v3, v18;
	_ =	sdelay $0x1  }
0x43b: {  	v18 =	vsub.f32 v18, v4;
	_ =	sdelay $0x1  }
0x43c: {  	v18 =	vmul.f32 v18, v19;
	_ =	sdelay $0x1  }
0x43d: {  	[tilespmem:s0+$0xC720] =	vst v18  }
0x43e: {  	v18 =	vld [tilespmem:$0x430]  }
0x43f: {  	v17 =	vmul.f32 v3, v17;
	_ =	sdelay $0x1  }
0x440: {  	v17 =	vsub.f32 v17, v4;
	_ =	sdelay $0x1  }
0x441: {  	v17 =	vmul.f32 v17, v18;
	_ =	sdelay $0x1  }
0x442: {  	[tilespmem:s0+$0xC730] =	vst v17  }
0x443: {  	v17 =	vld [tilespmem:$0x440]  }
0x444: {  	v16 =	vmul.f32 v3, v16;
	_ =	sdelay $0x1  }
0x445: {  	v16 =	vsub.f32 v16, v4;
	_ =	sdelay $0x1  }
0x446: {  	v16 =	vmul.f32 v16, v17;
	_ =	sdelay $0x1  }
0x447: {  	[tilespmem:s0+$0xC740] =	vst v16  }
0x448: {  	v16 =	vld [tilespmem:$0x450]  }
0x449: {  	v15 =	vmul.f32 v3, v15;
	_ =	sdelay $0x1  }
0x44a: {  	v15 =	vsub.f32 v15, v4;
	_ =	sdelay $0x1  }
0x44b: {  	v15 =	vmul.f32 v15, v16;
	_ =	sdelay $0x1  }
0x44c: {  	[tilespmem:s0+$0xC750] =	vst v15  }
0x44d: {  	v15 =	vld [tilespmem:$0x460]  }
0x44e: {  	v14 =	vmul.f32 v3, v14;
	_ =	sdelay $0x1  }
0x44f: {  	v14 =	vsub.f32 v14, v4;
	_ =	sdelay $0x1  }
0x450: {  	v14 =	vmul.f32 v14, v15;
	_ =	sdelay $0x1  }
0x451: {  	[tilespmem:s0+$0xC760] =	vst v14  }
0x452: {  	v14 =	vld [tilespmem:$0x470]  }
0x453: {  	v13 =	vmul.f32 v3, v13;
	_ =	sdelay $0x1  }
0x454: {  	v13 =	vsub.f32 v13, v4;
	_ =	sdelay $0x1  }
0x455: {  	v13 =	vmul.f32 v13, v14;
	_ =	sdelay $0x1  }
0x456: {  	[tilespmem:s0+$0xC770] =	vst v13  }
0x457: {  	v13 =	vld [tilespmem:$0x480]  }
0x458: {  	v12 =	vmul.f32 v3, v12;
	_ =	sdelay $0x1  }
0x459: {  	v12 =	vsub.f32 v12, v4;
	_ =	sdelay $0x1  }
0x45a: {  	v12 =	vmul.f32 v12, v13;
	_ =	sdelay $0x1  }
0x45b: {  	[tilespmem:s0+$0xCB00] =	vst v12  }
0x45c: {  	v12 =	vld [tilespmem:$0x490]  }
0x45d: {  	v11 =	vmul.f32 v3, v11;
	_ =	sdelay $0x1  }
0x45e: {  	v11 =	vsub.f32 v11, v4;
	_ =	sdelay $0x1  }
0x45f: {  	v11 =	vmul.f32 v11, v12;
	_ =	sdelay $0x1  }
0x460: {  	[tilespmem:s0+$0xCB10] =	vst v11  }
0x461: {  	v11 =	vld [tilespmem:$0x4A0]  }
0x462: {  	v10 =	vmul.f32 v3, v10;
	_ =	sdelay $0x1  }
0x463: {  	v10 =	vsub.f32 v10, v4;
	_ =	sdelay $0x1  }
0x464: {  	v10 =	vmul.f32 v10, v11;
	_ =	sdelay $0x1  }
0x465: {  	[tilespmem:s0+$0xCB20] =	vst v10  }
0x466: {  	v10 =	vld [tilespmem:$0x4B0]  }
0x467: {  	v9 =	vmul.f32 v3, v9;
	_ =	sdelay $0x1  }
0x468: {  	v9 =	vsub.f32 v9, v4;
	_ =	sdelay $0x1  }
0x469: {  	v9 =	vmul.f32 v9, v10;
	_ =	sdelay $0x1  }
0x46a: {  	[tilespmem:s0+$0xCB30] =	vst v9  }
0x46b: {  	v9 =	vld [tilespmem:$0x4C0]  }
0x46c: {  	v8 =	vmul.f32 v3, v8;
	_ =	sdelay $0x1  }
0x46d: {  	v8 =	vsub.f32 v8, v4;
	_ =	sdelay $0x1  }
0x46e: {  	v8 =	vmul.f32 v8, v9;
	_ =	sdelay $0x1  }
0x46f: {  	[tilespmem:s0+$0xCB40] =	vst v8  }
0x470: {  	v8 =	vld [tilespmem:$0x4D0]  }
0x471: {  	v7 =	vmul.f32 v3, v7;
	_ =	sdelay $0x1  }
0x472: {  	v7 =	vsub.f32 v7, v4;
	_ =	sdelay $0x1  }
0x473: {  	v7 =	vmul.f32 v7, v8;
	_ =	sdelay $0x1  }
0x474: {  	[tilespmem:s0+$0xCB50] =	vst v7  }
0x475: {  	v7 =	vld [tilespmem:$0x4E0]  }
0x476: {  	v6 =	vmul.f32 v3, v6;
	_ =	sdelay $0x1  }
0x477: {  	v6 =	vsub.f32 v6, v4;
	_ =	sdelay $0x1  }
0x478: {  	v6 =	vmul.f32 v7, v6;
	_ =	sdelay $0x1  }
0x479: {  	[tilespmem:s0+$0xCB60] =	vst v6  }
0x47a: {  	v6 =	vld [tilespmem:$0x4F0]  }
0x47b: {  	v5 =	vmul.f32 v3, v5;
	_ =	sdelay $0x1  }
0x47c: {  	v5 =	vsub.f32 v5, v4  }
0x47d: {  	v56 =	vld [tilespmem:s0+$0xCF00]  }
0x47e: {  	v5 =	vmul.f32 v6, v5;
	_ =	sdelay $0x1  }
0x47f: {  	[tilespmem:s0+$0xCB70] =	vst v5  }
0x480: {  	v5 =	vld [tilespmem:$0x500]  }
0x481: {  	v57 =	vmul.f32 v56, v3;
	_ =	sdelay $0x1  }
0x482: {  	v6 =	vsub.f32 v57, v4  }
0x483: {  	v58 =	vld [tilespmem:s0+$0xCF10]  }
0x484: {  	v5 =	vmul.f32 v6, v5;
	_ =	sdelay $0x1  }
0x485: {  	[tilespmem:s0+$0xCF00] =	vst v5  }
0x486: {  	v5 =	vld [tilespmem:$0x510]  }
0x487: {  	v59 =	vmul.f32 v58, v3;
	_ =	sdelay $0x1  }
0x488: {  	v6 =	vsub.f32 v59, v4  }
0x489: {  	v60 =	vld [tilespmem:s0+$0xCF20]  }
0x48a: {  	v5 =	vmul.f32 v6, v5;
	_ =	sdelay $0x1  }
0x48b: {  	[tilespmem:s0+$0xCF10] =	vst v5  }
0x48c: {  	v5 =	vld [tilespmem:$0x520]  }
0x48d: {  	v61 =	vmul.f32 v60, v3;
	_ =	sdelay $0x1  }
0x48e: {  	v6 =	vsub.f32 v61, v4  }
0x48f: {  	v62 =	vld [tilespmem:s0+$0xCF30]  }
0x490: {  	v5 =	vmul.f32 v6, v5;
	_ =	sdelay $0x1  }
0x491: {  	[tilespmem:s0+$0xCF20] =	vst v5  }
0x492: {  	v5 =	vld [tilespmem:$0x530]  }
0x493: {  	v63 =	vmul.f32 v62, v3;
	_ =	sdelay $0x1  }
0x494: {  	v6 =	vsub.f32 v63, v4  }
0x495: {  	v9 =	vld [tilespmem:s0+$0xCF40]  }
0x496: {  	v5 =	vmul.f32 v6, v5;
	_ =	sdelay $0x1  }
0x497: {  	[tilespmem:s0+$0xCF30] =	vst v5  }
0x498: {  	v5 =	vld [tilespmem:$0x540]  }
0x499: {  	v10 =	vmul.f32 v9, v3;
	_ =	sdelay $0x1  }
0x49a: {  	v6 =	vsub.f32 v10, v4  }
0x49b: {  	v11 =	vld [tilespmem:s0+$0xCF50]  }
0x49c: {  	v5 =	vmul.f32 v6, v5;
	_ =	sdelay $0x1  }
0x49d: {  	[tilespmem:s0+$0xCF40] =	vst v5  }
0x49e: {  	v5 =	vld [tilespmem:$0x550]  }
0x49f: {  	v12 =	vmul.f32 v11, v3;
	_ =	sdelay $0x1  }
0x4a0: {  	v6 =	vsub.f32 v12, v4  }
0x4a1: {  	v13 =	vld [tilespmem:s0+$0xCF60]  }
0x4a2: {  	v5 =	vmul.f32 v6, v5;
	_ =	sdelay $0x1  }
0x4a3: {  	[tilespmem:s0+$0xCF50] =	vst v5  }
0x4a4: {  	v5 =	vld [tilespmem:$0x560]  }
0x4a5: {  	v14 =	vmul.f32 v13, v3;
	_ =	sdelay $0x1  }
0x4a6: {  	v6 =	vsub.f32 v14, v4  }
0x4a7: {  	v15 =	vld [tilespmem:s0+$0xCF70]  }
0x4a8: {  	v5 =	vmul.f32 v6, v5;
	_ =	sdelay $0x1  }
0x4a9: {  	[tilespmem:s0+$0xCF60] =	vst v5  }
0x4aa: {  	v5 =	vld [tilespmem:$0x570]  }
0x4ab: {  	v16 =	vmul.f32 v15, v3;
	_ =	sdelay $0x1  }
0x4ac: {  	v6 =	vsub.f32 v16, v4  }
0x4ad: {  	v17 =	vld [tilespmem:s0+$0xD300]  }
0x4ae: {  	v5 =	vmul.f32 v6, v5;
	_ =	sdelay $0x1  }
0x4af: {  	[tilespmem:s0+$0xCF70] =	vst v5  }
0x4b0: {  	v5 =	vld [tilespmem:$0x580]  }
0x4b1: {  	v18 =	vmul.f32 v17, v3;
	_ =	sdelay $0x1  }
0x4b2: {  	v6 =	vsub.f32 v18, v4  }
0x4b3: {  	v19 =	vld [tilespmem:s0+$0xD310]  }
0x4b4: {  	v5 =	vmul.f32 v6, v5;
	_ =	sdelay $0x1  }
0x4b5: {  	[tilespmem:s0+$0xD300] =	vst v5  }
0x4b6: {  	v5 =	vld [tilespmem:$0x590]  }
0x4b7: {  	v20 =	vmul.f32 v19, v3;
	_ =	sdelay $0x1  }
0x4b8: {  	v6 =	vsub.f32 v20, v4  }
0x4b9: {  	v21 =	vld [tilespmem:s0+$0xD320]  }
0x4ba: {  	v5 =	vmul.f32 v6, v5;
	_ =	sdelay $0x1  }
0x4bb: {  	[tilespmem:s0+$0xD310] =	vst v5  }
0x4bc: {  	v5 =	vld [tilespmem:$0x5A0]  }
0x4bd: {  	v22 =	vmul.f32 v21, v3;
	_ =	sdelay $0x1  }
0x4be: {  	v6 =	vsub.f32 v22, v4  }
0x4bf: {  	v23 =	vld [tilespmem:s0+$0xD330]  }
0x4c0: {  	v5 =	vmul.f32 v6, v5;
	_ =	sdelay $0x1  }
0x4c1: {  	[tilespmem:s0+$0xD320] =	vst v5  }
0x4c2: {  	v5 =	vld [tilespmem:$0x5B0]  }
0x4c3: {  	v24 =	vmul.f32 v23, v3;
	_ =	sdelay $0x1  }
0x4c4: {  	v6 =	vsub.f32 v24, v4  }
0x4c5: {  	v25 =	vld [tilespmem:s0+$0xD340]  }
0x4c6: {  	v5 =	vmul.f32 v6, v5;
	_ =	sdelay $0x1  }
0x4c7: {  	[tilespmem:s0+$0xD330] =	vst v5  }
0x4c8: {  	v5 =	vld [tilespmem:$0x5C0]  }
0x4c9: {  	v26 =	vmul.f32 v25, v3;
	_ =	sdelay $0x1  }
0x4ca: {  	v6 =	vsub.f32 v26, v4  }
0x4cb: {  	v27 =	vld [tilespmem:s0+$0xD350]  }
0x4cc: {  	v5 =	vmul.f32 v6, v5;
	_ =	sdelay $0x1  }
0x4cd: {  	[tilespmem:s0+$0xD340] =	vst v5  }
0x4ce: {  	v5 =	vld [tilespmem:$0x5D0]  }
0x4cf: {  	v28 =	vmul.f32 v27, v3;
	_ =	sdelay $0x1  }
0x4d0: {  	v6 =	vsub.f32 v28, v4  }
0x4d1: {  	v29 =	vld [tilespmem:s0+$0xD360]  }
0x4d2: {  	v5 =	vmul.f32 v6, v5;
	_ =	sdelay $0x1  }
0x4d3: {  	[tilespmem:s0+$0xD350] =	vst v5  }
0x4d4: {  	v5 =	vld [tilespmem:$0x5E0]  }
0x4d5: {  	v30 =	vmul.f32 v29, v3;
	_ =	sdelay $0x1  }
0x4d6: {  	v6 =	vsub.f32 v30, v4  }
0x4d7: {  	v31 =	vld [tilespmem:s0+$0xD370]  }
0x4d8: {  	v5 =	vmul.f32 v6, v5;
	_ =	sdelay $0x1  }
0x4d9: {  	[tilespmem:s0+$0xD360] =	vst v5  }
0x4da: {  	v5 =	vld [tilespmem:$0x5F0]  }
0x4db: {  	v32 =	vmul.f32 v31, v3;
	_ =	sdelay $0x1  }
0x4dc: {  	v6 =	vsub.f32 v32, v4  }
0x4dd: {  	v33 =	vld [tilespmem:s0+$0xD700]  }
0x4de: {  	v5 =	vmul.f32 v6, v5;
	_ =	sdelay $0x1  }
0x4df: {  	[tilespmem:s0+$0xD370] =	vst v5  }
0x4e0: {  	v5 =	vld [tilespmem:$0x600]  }
0x4e1: {  	v34 =	vmul.f32 v33, v3;
	_ =	sdelay $0x1  }
0x4e2: {  	v6 =	vsub.f32 v34, v4  }
0x4e3: {  	v35 =	vld [tilespmem:s0+$0xD710]  }
0x4e4: {  	v5 =	vmul.f32 v6, v5;
	_ =	sdelay $0x1  }
0x4e5: {  	[tilespmem:s0+$0xD700] =	vst v5  }
0x4e6: {  	v5 =	vld [tilespmem:$0x610]  }
0x4e7: {  	v36 =	vmul.f32 v35, v3;
	_ =	sdelay $0x1  }
0x4e8: {  	v6 =	vsub.f32 v36, v4  }
0x4e9: {  	v37 =	vld [tilespmem:s0+$0xD720]  }
0x4ea: {  	v5 =	vmul.f32 v6, v5;
	_ =	sdelay $0x1  }
0x4eb: {  	[tilespmem:s0+$0xD710] =	vst v5  }
0x4ec: {  	v5 =	vld [tilespmem:$0x620]  }
0x4ed: {  	v38 =	vmul.f32 v37, v3;
	_ =	sdelay $0x1  }
0x4ee: {  	v6 =	vsub.f32 v38, v4  }
0x4ef: {  	v39 =	vld [tilespmem:s0+$0xD730]  }
0x4f0: {  	v5 =	vmul.f32 v6, v5;
	_ =	sdelay $0x1  }
0x4f1: {  	[tilespmem:s0+$0xD720] =	vst v5  }
0x4f2: {  	v5 =	vld [tilespmem:$0x630]  }
0x4f3: {  	v40 =	vmul.f32 v39, v3;
	_ =	sdelay $0x1  }
0x4f4: {  	v6 =	vsub.f32 v40, v4  }
0x4f5: {  	v41 =	vld [tilespmem:s0+$0xD740]  }
0x4f6: {  	v5 =	vmul.f32 v6, v5;
	_ =	sdelay $0x1  }
0x4f7: {  	[tilespmem:s0+$0xD730] =	vst v5  }
0x4f8: {  	v5 =	vld [tilespmem:$0x640]  }
0x4f9: {  	v42 =	vmul.f32 v41, v3;
	_ =	sdelay $0x1  }
0x4fa: {  	v6 =	vsub.f32 v42, v4  }
0x4fb: {  	v43 =	vld [tilespmem:s0+$0xD750]  }
0x4fc: {  	v5 =	vmul.f32 v6, v5;
	_ =	sdelay $0x1  }
0x4fd: {  	[tilespmem:s0+$0xD740] =	vst v5  }
0x4fe: {  	v5 =	vld [tilespmem:$0x650]  }
0x4ff: {  	v44 =	vmul.f32 v43, v3;
	_ =	sdelay $0x1  }
0x500: {  	v6 =	vsub.f32 v44, v4  }
0x501: {  	v45 =	vld [tilespmem:s0+$0xD760]  }
0x502: {  	v5 =	vmul.f32 v6, v5;
	_ =	sdelay $0x1  }
0x503: {  	[tilespmem:s0+$0xD750] =	vst v5  }
0x504: {  	v5 =	vld [tilespmem:$0x660]  }
0x505: {  	v46 =	vmul.f32 v45, v3;
	_ =	sdelay $0x1  }
0x506: {  	v6 =	vsub.f32 v46, v4  }
0x507: {  	v47 =	vld [tilespmem:s0+$0xD770]  }
0x508: {  	v5 =	vmul.f32 v6, v5;
	_ =	sdelay $0x1  }
0x509: {  	[tilespmem:s0+$0xD760] =	vst v5  }
0x50a: {  	v5 =	vld [tilespmem:$0x670]  }
0x50b: {  	v48 =	vmul.f32 v47, v3;
	_ =	sdelay $0x1  }
0x50c: {  	v6 =	vsub.f32 v48, v4  }
0x50d: {  	v49 =	vld [tilespmem:s0+$0xDB00]  }
0x50e: {  	v5 =	vmul.f32 v6, v5;
	_ =	sdelay $0x1  }
0x50f: {  	[tilespmem:s0+$0xD770] =	vst v5  }
0x510: {  	v5 =	vld [tilespmem:$0x680]  }
0x511: {  	v50 =	vmul.f32 v49, v3;
	_ =	sdelay $0x1  }
0x512: {  	v6 =	vsub.f32 v50, v4  }
0x513: {  	v51 =	vld [tilespmem:s0+$0xDB10]  }
0x514: {  	v5 =	vmul.f32 v6, v5;
	_ =	sdelay $0x1  }
0x515: {  	[tilespmem:s0+$0xDB00] =	vst v5  }
0x516: {  	v5 =	vld [tilespmem:$0x690]  }
0x517: {  	v52 =	vmul.f32 v51, v3;
	_ =	sdelay $0x1  }
0x518: {  	v6 =	vsub.f32 v52, v4  }
0x519: {  	v53 =	vld [tilespmem:s0+$0xDB20]  }
0x51a: {  	v5 =	vmul.f32 v6, v5;
	_ =	sdelay $0x1  }
0x51b: {  	[tilespmem:s0+$0xDB10] =	vst v5  }
0x51c: {  	v5 =	vld [tilespmem:$0x6A0]  }
0x51d: {  	v54 =	vmul.f32 v53, v3;
	_ =	sdelay $0x1  }
0x51e: {  	v6 =	vsub.f32 v54, v4  }
0x51f: {  	v55 =	vld [tilespmem:s0+$0xDB30]  }
0x520: {  	v5 =	vmul.f32 v6, v5;
	_ =	sdelay $0x1  }
0x521: {  	[tilespmem:s0+$0xDB20] =	vst v5  }
0x522: {  	v5 =	vld [tilespmem:$0x6B0]  }
0x523: {  	v56 =	vmul.f32 v55, v3;
	_ =	sdelay $0x1  }
0x524: {  	v6 =	vsub.f32 v56, v4  }
0x525: {  	v57 =	vld [tilespmem:s0+$0xDB40]  }
0x526: {  	v5 =	vmul.f32 v6, v5;
	_ =	sdelay $0x1  }
0x527: {  	[tilespmem:s0+$0xDB30] =	vst v5  }
0x528: {  	v5 =	vld [tilespmem:$0x6C0]  }
0x529: {  	v58 =	vmul.f32 v57, v3;
	_ =	sdelay $0x1  }
0x52a: {  	v6 =	vsub.f32 v58, v4  }
0x52b: {  	v59 =	vld [tilespmem:s0+$0xDB50]  }
0x52c: {  	v5 =	vmul.f32 v6, v5;
	_ =	sdelay $0x1  }
0x52d: {  	[tilespmem:s0+$0xDB40] =	vst v5  }
0x52e: {  	v5 =	vld [tilespmem:$0x6D0]  }
0x52f: {  	v60 =	vmul.f32 v59, v3;
	_ =	sdelay $0x1  }
0x530: {  	v6 =	vsub.f32 v60, v4  }
0x531: {  	v61 =	vld [tilespmem:s0+$0xDB60]  }
0x532: {  	v5 =	vmul.f32 v6, v5;
	_ =	sdelay $0x1  }
0x533: {  	[tilespmem:s0+$0xDB50] =	vst v5  }
0x534: {  	v5 =	vld [tilespmem:$0x6E0]  }
0x535: {  	v62 =	vmul.f32 v61, v3;
	_ =	sdelay $0x1  }
0x536: {  	v6 =	vsub.f32 v62, v4  }
0x537: {  	v63 =	vld [tilespmem:s0+$0xDB70]  }
0x538: {  	v5 =	vmul.f32 v6, v5;
	_ =	sdelay $0x1  }
0x539: {  	[tilespmem:s0+$0xDB60] =	vst v5  }
0x53a: {  	v5 =	vld [tilespmem:$0x6F0]  }
0x53b: {  	v3 =	vmul.f32 v63, v3  }
0x53c: {  	p1 =	sne.s32 s29, $0x1F  }
.Ltmp2:
0x53d: {  	v3 =	vsub.f32 v3, v4;
	(pc) =	sbr.rel @p1 .LBB2_7-.Ltmp2, $3  }
0x53e: {  	_ = 	snop  }
0x53f: {  	v3 =	vmul.f32 v3, v5;
	_ =	sdelay $0x1  }
0x540: {  	s28 =	sadd.s32 $0x80, s28;
	s29 =	sadd.s32 $0x1, s29;
	[tilespmem:s0+$0xDB70] =	vst v3  }
0x541: {  	s0 =	sadd.s32 s6, s24  }
0x542: {  	s0 =	sshrl.u32 s0, $0x3  }
0x543: {  	s0 =	smul.u32 $0x300, s0;
	_ =	sdelay $0x1  }
0x544: {  	s0 =	sadd.s32 s4, s0  }
0x545: {  	[hbm4b:s0+s5] =	stream.linear.scatter [tilespmem:s16], [sflag:$0x7], $0x6000, $0x38;
	[tilespmem:$0x18700] =	vst v63  }
0x546: {  	s0 =	simm.s32 @!p0 $0x6  }
0x547: {  	_ =	swait.ge @!p0 [sflag:s0], $0x6000  }
0x548: {  	[sflag:s0] =	ssyncset.done @!p0 $0x0  }
0x549: {  	[sflag:s0] =	ssyncadd.s32 @!p0 $0xFFFFA000  }
0x54a: {  	v3 =	vld @!p0 [tilespmem:s26+$0xA0];
	_ =	sdelay $0x4  }
0x54b: {  	v4 =	vshrl.u32 @!p0 v3, $0x3  }
0x54c: {  	v4 =	vmul.u32 @!p0 $0x30, v4  }
0x54d: {  	v5 =	vlaneseq.u32 @!p0;
	v3 =	vand.u32 @!p0 $0x7, v3  }
0x54e: {  	v6 =	vshrl.u32 @!p0 v5, $0x3;
	v3 =	vor.u32 @!p0 v3, v4;
	v4 =	vand.u32 @!p0 $0x7, v5  }
0x54f: {  	v6 =	vmul.u32 @!p0 $0x8, v6;
	v7 =	vperm.xlane @!p0 v3, v4;
	_ =	sdelay $0x1  }
0x550: {  	v7 =	vadd.s32 @!p0 v6, v7;
	_ =	sdelay $0x2  }
0x551: {  	v5 =	vor.u32 @!p0 $0x8, v5  }
0x552: {  	s1 =	simm.s32 @!p0 $0x6700;
	s0 =	simm.s32 @!p0 $0x0;
	v3 =	vperm.xlane @!p0 v3, v5  }
0x553: {  	[tilespmem:s1], [sflag:$0x2] =	stream.indirect_vreg.gather @!p0 [hbm4b:s2+s0], $0x80, v7, vm1, $0xb8;
	[tilespmem:$0x18700] =	vst v63  }
0x554: {  	v3 =	vadd.s32 @!p0 v6, v3;
	s1 =	simm.s32 @!p0 $0x6F00  }
0x555: {  	[tilespmem:s1], [sflag:$0x2] =	stream.indirect_vreg.gather @!p0 [hbm4b:s8+s0], $0x80, v7, vm1, $0xb8;
	[tilespmem:$0x18700] =	vst v63  }
0x556: {  	s1 =	simm.s32 @!p0 $0x7700  }
0x557: {  	[tilespmem:s1], [sflag:$0x2] =	stream.indirect_vreg.gather @!p0 [hbm4b:s9+s0], $0x80, v7, vm1, $0xb8;
	[tilespmem:$0x18700] =	vst v63  }
0x558: {  	s1 =	simm.s32 @!p0 $0x7F00  }
0x559: {  	[tilespmem:s1], [sflag:$0x2] =	stream.indirect_vreg.gather @!p0 [hbm4b:s2+s0], $0x80, v3, vm1, $0xb8;
	[tilespmem:$0x18700] =	vst v63  }
0x55a: {  	s1 =	simm.s32 @!p0 $0x8700  }
0x55b: {  	[tilespmem:s1], [sflag:$0x2] =	stream.indirect_vreg.gather @!p0 [hbm4b:s8+s0], $0x80, v3, vm1, $0xb8;
	[tilespmem:$0x18700] =	vst v63  }
0x55c: {  	s1 =	simm.s32 @!p0 $0x8F00  }
0x55d: {  	[tilespmem:s1], [sflag:$0x2] =	stream.indirect_vreg.gather @!p0 [hbm4b:s9+s0], $0x80, v3, vm1, $0xb8;
	[tilespmem:$0x18700] =	vst v63  }
0x55e: {  	v3 =	vld @!p0 [tilespmem:s26+$0xB0];
	_ =	sdelay $0x4  }
0x55f: {  	v7 =	vshrl.u32 @!p0 v3, $0x3  }
0x560: {  	v7 =	vmul.u32 @!p0 $0x30, v7  }
0x561: {  	v3 =	vand.u32 @!p0 $0x7, v3  }
0x562: {  	v3 =	vor.u32 @!p0 v3, v7  }
0x563: {  	v4 =	vperm.xlane @!p0 v3, v4;
	_ =	sdelay $0x1  }
0x564: {  	v4 =	vadd.s32 @!p0 v6, v4;
	_ =	sdelay $0x3  }
0x565: {  	s1 =	simm.s32 @!p0 $0x9700;
	v3 =	vperm.xlane @!p0 v3, v5  }
0x566: {  	[tilespmem:s1], [sflag:$0x2] =	stream.indirect_vreg.gather @!p0 [hbm4b:s2+s0], $0x80, v4, vm1, $0xb8;
	[tilespmem:$0x18700] =	vst v63  }
0x567: {  	v3 =	vadd.s32 @!p0 v6, v3;
	s1 =	simm.s32 @!p0 $0x9F00  }
0x568: {  	[tilespmem:s1], [sflag:$0x2] =	stream.indirect_vreg.gather @!p0 [hbm4b:s8+s0], $0x80, v4, vm1, $0xb8;
	[tilespmem:$0x18700] =	vst v63  }
0x569: {  	s1 =	simm.s32 @!p0 $0xA700  }
0x56a: {  	[tilespmem:s1], [sflag:$0x2] =	stream.indirect_vreg.gather @!p0 [hbm4b:s9+s0], $0x80, v4, vm1, $0xb8;
	[tilespmem:$0x18700] =	vst v63  }
0x56b: {  	s1 =	simm.s32 @!p0 $0xAF00  }
0x56c: {  	[tilespmem:s1], [sflag:$0x2] =	stream.indirect_vreg.gather @!p0 [hbm4b:s2+s0], $0x80, v3, vm1, $0xb8;
	[tilespmem:$0x18700] =	vst v63  }
0x56d: {  	s1 =	simm.s32 @!p0 $0xB700  }
0x56e: {  	[tilespmem:s1], [sflag:$0x2] =	stream.indirect_vreg.gather @!p0 [hbm4b:s8+s0], $0x80, v3, vm1, $0xb8;
	[tilespmem:$0x18700] =	vst v63  }
0x56f: {  	s1 =	simm.s32 @!p0 $0xBF00  }
0x570: {  	[tilespmem:s1], [sflag:$0x2] =	stream.indirect_vreg.gather @!p0 [hbm4b:s9+s0], $0x80, v3, vm1, $0xb8;
	[tilespmem:$0x18700] =	vst v63  }
0x571: {  	_ =	swait.ge [sflag:s21], $0x6000  }
0x572: {  	[sflag:s21] =	ssyncset.done $0x0  }
0x573: {  	s24 =	simm.s32 $0x0;
	s26 =	simm.s32 $0x0;
	[sflag:s21] =	ssyncadd.s32 $0xFFFFA000  }
.LBB2_9:
0x574: {  	s0 =	sshrl.u32 s26, $0x3  }
0x575: {  	s0 =	smul.u32 $0x6000, s0;
	_ =	sdelay $0x1  }
0x576: {  	s1 =	sand.u32 $0x380, s24;
	s0 =	sshra.s32 s0, $0x2  }
0x577: {  	s0 =	sor.u32 s1, s0  }
0x578: {  	v20 =	vld [tilespmem:s0+$0x12700]  }
0x579: {  	s11 =	sadd.s32 $0x12700, s0;
	v31 =	vld [tilespmem:s0+$0x12F00]  }
0x57a: {  	v19 =	vld [tilespmem:s11+$0x10]  }
0x57b: {  	v18 =	vld [tilespmem:s11+$0x20]  }
0x57c: {  	v17 =	vld [tilespmem:s11+$0x30]  }
0x57d: {  	v16 =	vld [tilespmem:s11+$0x40]  }
0x57e: {  	v15 =	vld [tilespmem:s11+$0x50]  }
0x57f: {  	v14 =	vld [tilespmem:s11+$0x60]  }
0x580: {  	v12 =	vld [tilespmem:s11+$0x400]  }
0x581: {  	v11 =	vld [tilespmem:s11+$0x410]  }
0x582: {  	v10 =	vld [tilespmem:s11+$0x420]  }
0x583: {  	v9 =	vld [tilespmem:s11+$0x430];
	v3 =	vmul.f32 v20, v20  }
0x584: {  	v8 =	vld [tilespmem:s11+$0x440];
	v5 =	vmul.f32 v19, v19;
	v21 =	vmul.f32 v18, v18  }
0x585: {  	v7 =	vld [tilespmem:s11+$0x450];
	v22 =	vmul.f32 v17, v17;
	v23 =	vmul.f32 v16, v16  }
0x586: {  	v6 =	vld [tilespmem:s11+$0x460];
	v24 =	vmul.f32 v15, v15;
	v25 =	vmul.f32 v14, v14  }
0x587: {  	s3 =	sadd.s32 $0x12F00, s0;
	v59 =	vld [tilespmem:s0+$0x13300];
	v4 =	vmul.f32 v12, v12;
	v27 =	vmul.f32 v11, v11  }
0x588: {  	v33 =	vld [tilespmem:s3+$0x10];
	v28 =	vadd.f32 v12, v20;
	v29 =	vmul.f32 v10, v10;
	v30 =	vadd.f32 v11, v19  }
0x589: {  	v35 =	vld [tilespmem:s3+$0x20];
	v49 =	vmul.f32 v9, v9;
	v32 =	vadd.f32 v10, v18;
	v34 =	vadd.f32 v9, v17  }
0x58a: {  	v37 =	vld [tilespmem:s3+$0x30];
	v50 =	vmul.f32 v8, v8;
	v36 =	vadd.f32 v8, v16;
	v38 =	vadd.f32 v7, v15  }
0x58b: {  	v39 =	vld [tilespmem:s3+$0x40];
	v51 =	vmul.f32 v7, v7;
	v40 =	vadd.f32 v6, v14;
	v3 =	vadd.f32 v4, v3  }
0x58c: {  	v41 =	vld [tilespmem:s3+$0x50];
	v52 =	vmul.f32 v6, v6;
	v5 =	vadd.f32 v27, v5;
	v21 =	vadd.f32 v29, v21  }
0x58d: {  	v43 =	vld [tilespmem:s3+$0x60];
	v54 =	vmul.f32 v31, v31;
	v22 =	vadd.f32 v49, v22;
	v23 =	vadd.f32 v50, v23  }
0x58e: {  	v13 =	vld [tilespmem:s11+$0x70];
	v55 =	vmul.f32 v33, v33;
	v24 =	vadd.f32 v51, v24;
	v25 =	vadd.f32 v52, v25  }
0x58f: {  	s1 =	sadd.s32 $0x13300, s0;
	v57 =	vld [tilespmem:s3+$0x70];
	v56 =	vmul.f32 v35, v35;
	v28 =	vadd.f32 v31, v28;
	v30 =	vadd.f32 v33, v30  }
0x590: {  	v61 =	vld [tilespmem:s1+$0x10];
	v58 =	vmul.f32 v37, v37;
	v32 =	vadd.f32 v35, v32;
	v34 =	vadd.f32 v37, v34  }
0x591: {  	v63 =	vld [tilespmem:s1+$0x20];
	v60 =	vmul.f32 v39, v39;
	v36 =	vadd.f32 v39, v36;
	v38 =	vadd.f32 v41, v38  }
0x592: {  	v45 =	vld [tilespmem:s1+$0x30];
	v62 =	vmul.f32 v41, v41;
	v40 =	vadd.f32 v43, v40;
	v3 =	vadd.f32 v54, v3  }
0x593: {  	v47 =	vld [tilespmem:s1+$0x40];
	v44 =	vmul.f32 v43, v43;
	v5 =	vadd.f32 v55, v5;
	v21 =	vadd.f32 v56, v21  }
0x594: {  	v48 =	vmul.f32 v59, v59;
	v4 =	vld [tilespmem:s11+$0x470];
	v22 =	vadd.f32 v58, v22;
	v23 =	vadd.f32 v60, v23  }
0x595: {  	v49 =	vld [tilespmem:s1+$0x50];
	v50 =	vmul.f32 v61, v61;
	v24 =	vadd.f32 v62, v24;
	v25 =	vadd.f32 v44, v25  }
0x596: {  	v51 =	vld [tilespmem:s1+$0x60];
	v52 =	vmul.f32 v63, v63;
	v28 =	vadd.f32 v59, v28;
	v30 =	vadd.f32 v61, v30  }
0x597: {  	s29 =	sadd.s32 $0x13700, s0;
	v54 =	vmul.f32 v45, v45;
	v55 =	vld [tilespmem:s0+$0x13700];
	v32 =	vadd.f32 v63, v32;
	v34 =	vadd.f32 v45, v34  }
0x598: {  	v56 =	vmul.f32 v47, v47;
	v59 =	vld [tilespmem:s29+$0x20];
	v36 =	vadd.f32 v47, v36;
	v3 =	vadd.f32 v48, v3  }
0x599: {  	v61 =	vld [tilespmem:s29+$0x30];
	v5 =	vadd.f32 v50, v5;
	v21 =	vadd.f32 v52, v21  }
0x59a: {  	s28 =	sadd.s32 $0x13B00, s0;
	v26 =	vmul.f32 v13, v13;
	v63 =	vld [tilespmem:s29+$0x40];
	v22 =	vadd.f32 v54, v22;
	v23 =	vadd.f32 v56, v23  }
0x59b: {  	v44 =	vld [tilespmem:s28+$0x60];
	v53 =	vmul.f32 v4, v4;
	v42 =	vadd.f32 v4, v13;
	v58 =	vmul.f32 v49, v49  }
0x59c: {  	v48 =	vld [tilespmem:s29+$0x60];
	v60 =	vmul.f32 v51, v51;
	v38 =	vadd.f32 v49, v38;
	v40 =	vadd.f32 v51, v40  }
0x59d: {  	v46 =	vmul.f32 v57, v57;
	v52 =	vld [tilespmem:s0+$0x13B00];
	v26 =	vadd.f32 v53, v26;
	v31 =	vadd.f32 v57, v42  }
0x59e: {  	v56 =	vld [tilespmem:s28+$0x20];
	v24 =	vadd.f32 v58, v24;
	v25 =	vadd.f32 v60, v25;
	v45 =	vmul.f32 v55, v55  }
0x59f: {  	v50 =	vld [tilespmem:s29+$0x70];
	v28 =	vadd.f32 v55, v28;
	v49 =	vmul.f32 v59, v59;
	v32 =	vadd.f32 v59, v32  }
0x5a0: {  	v53 =	vld [tilespmem:s1+$0x70];
	v51 =	vmul.f32 v61, v61;
	v34 =	vadd.f32 v61, v34;
	v36 =	vadd.f32 v63, v36  }
0x5a1: {  	v57 =	vld [tilespmem:s29+$0x10];
	v26 =	vadd.f32 v46, v26;
	v3 =	vadd.f32 v45, v3  }
0x5a2: {  	v58 =	vld [tilespmem:s28+$0x30];
	v21 =	vadd.f32 v49, v21;
	v22 =	vadd.f32 v51, v22  }
0x5a3: {  	v60 =	vld [tilespmem:s28+$0x40];
	v33 =	vadd.f32 v48, v40;
	v61 =	vmul.f32 v52, v52;
	v45 =	vmul.f32 v56, v56  }
0x5a4: {  	v54 =	vld [tilespmem:s28+$0x10];
	v28 =	vadd.f32 v52, v28;
	v32 =	vadd.f32 v56, v32  }
0x5a5: {  	v46 =	vld [tilespmem:s29+$0x50];
	v59 =	vmul.f32 v50, v50;
	v3 =	vadd.f32 v61, v3;
	v21 =	vadd.f32 v45, v21  }
0x5a6: {  	v33 =	vadd.f32 v44, v33;
	v62 =	vmul.f32 v53, v53;
	v31 =	vadd.f32 v53, v31  }
0x5a7: {  	v47 =	vmul.f32 v57, v57;
	v30 =	vadd.f32 v57, v30;
	v53 =	vmul.f32 v63, v63  }
0x5a8: {  	v57 =	vmul.f32 v48, v48;
	v34 =	vadd.f32 v58, v34;
	v36 =	vadd.f32 v60, v36  }
0x5a9: {  	v63 =	vmul.f32 v54, v54;
	v26 =	vadd.f32 v62, v26;
	v5 =	vadd.f32 v47, v5  }
0x5aa: {  	v48 =	vmul.f32 v60, v60;
	v23 =	vadd.f32 v53, v23;
	v38 =	vadd.f32 v46, v38  }
0x5ab: {  	v55 =	vmul.f32 v46, v46;
	v25 =	vadd.f32 v57, v25;
	v62 =	vld [tilespmem:s28+$0x50];
	v31 =	vadd.f32 v50, v31  }
0x5ac: {  	v46 =	vld [tilespmem:s28+$0x70];
	v30 =	vadd.f32 v54, v30;
	v47 =	vmul.f32 v58, v58;
	v53 =	vadd.f32 v36, v28  }
0x5ad: {  	v50 =	vmul.f32 v44, v44;
	v24 =	vadd.f32 v55, v24;
	v26 =	vadd.f32 v59, v26  }
0x5ae: {  	v5 =	vadd.f32 v63, v5;
	v23 =	vadd.f32 v48, v23  }
0x5af: {  	v22 =	vadd.f32 v47, v22;
	v25 =	vadd.f32 v50, v25  }
0x5b0: {  	v55 =	vadd.f32 v33, v32;
	v3 =	vadd.f32 v23, v3  }
0x5b1: {  	v21 =	vadd.f32 v25, v21;
	v49 =	vmul.f32 v62, v62;
	v51 =	vmul.f32 v46, v46  }
0x5b2: {  	v38 =	vadd.f32 v62, v38;
	v52 =	vadd.f32 v46, v31  }
0x5b3: {  	v24 =	vadd.f32 v49, v24;
	v26 =	vadd.f32 v51, v26  }
0x5b4: {  	v54 =	vadd.f32 v38, v30;
	v56 =	vadd.f32 v52, v34  }
0x5b5: {  	v5 =	vadd.f32 v24, v5;
	v22 =	vadd.f32 v26, v22  }
0x5b6: {  	v24 =	vadd.f32 v55, v53;
	v23 =	vadd.f32 v56, v54  }
0x5b7: {  	v3 =	vadd.f32 v21, v3  }
0x5b8: {  	v5 =	vadd.f32 v22, v5;
	v57 =	vadd.f32 v23, v24;
	_ =	sdelay $0x1  }
0x5b9: {  	v3 =	vadd.f32 v5, v3;
	(xrf2) =	vadd.scan.msk.f32 $0xffff, v57;
	_ =	sdelay $0x1  }
0x5ba: {  	(xrf2) =	vadd.scan.msk.f32 $0xffff, v3;
	_ =	sdelay $0x7  }
0x5bb: {  	v3, _, _ =	vpop (xrf2)  }
0x5bc: {  	v3 =	vmul.f32 $1.302083370e-03, v3  }
0x5bd: {  	v58, _, _ =	vpop (xrf2)  }
0x5be: {  	v5 =	vmul.f32 $1.302083370e-03, v58;
	v59 =	vmul.f32 v3, v3;
	_ =	sdelay $0x1  }
0x5bf: {  	v5 =	vsub.f32 v5, v59;
	_ =	sdelay $0x1  }
0x5c0: {  	v5 =	vadd.f32 $9.999999740e-06, v5;
	_ =	sdelay $0x1  }
0x5c1: {  	v5 =	vbroadcast v5, $0xF;
	_ =	sdelay $0x1  }
0x5c2: {  	v60 =	vshra.s32 v5, $0x1;
	v5 =	vmul.f32 $5.000000000e-01, v5  }
0x5c3: {  	v21 =	vsub.s32 $0x5F3759DF, v60  }
0x5c4: {  	v61 =	vmul.f32 v21, v5;
	_ =	sdelay $0x1  }
0x5c5: {  	v22 =	vmul.f32 v21, v61;
	_ =	sdelay $0x1  }
0x5c6: {  	v22 =	vsub.f32 $1.500000000e+00, v22;
	_ =	sdelay $0x1  }
0x5c7: {  	v21 =	vmul.f32 v21, v22;
	_ =	sdelay $0x1  }
0x5c8: {  	v22 =	vmul.f32 v21, v5;
	_ =	sdelay $0x1  }
0x5c9: {  	v22 =	vmul.f32 v22, v21;
	_ =	sdelay $0x1  }
0x5ca: {  	v22 =	vsub.f32 $1.500000000e+00, v22;
	_ =	sdelay $0x1  }
0x5cb: {  	v21 =	vmul.f32 v22, v21;
	_ =	sdelay $0x1  }
0x5cc: {  	v5 =	vmul.f32 v21, v5;
	_ =	sdelay $0x1  }
0x5cd: {  	v5 =	vmul.f32 v5, v21;
	_ =	sdelay $0x1  }
0x5ce: {  	v5 =	vsub.f32 $1.500000000e+00, v5;
	_ =	sdelay $0x1  }
0x5cf: {  	v62 =	vbroadcast v3, $0xF;
	v3 =	vmul.f32 v5, v21  }
0x5d0: {  	v63 =	vld [tilespmem:$0x400]  }
0x5d1: {  	v5 =	vmul.f32 v3, v62;
	v20 =	vmul.f32 v3, v20;
	_ =	sdelay $0x1  }
0x5d2: {  	v20 =	vsub.f32 v20, v5;
	_ =	sdelay $0x1  }
0x5d3: {  	v20 =	vmul.f32 v20, v63;
	_ =	sdelay $0x1  }
0x5d4: {  	[tilespmem:s0+$0x12700] =	vst v20  }
0x5d5: {  	v20 =	vld [tilespmem:$0x410]  }
0x5d6: {  	v19 =	vmul.f32 v3, v19;
	_ =	sdelay $0x1  }
0x5d7: {  	v19 =	vsub.f32 v19, v5;
	_ =	sdelay $0x1  }
0x5d8: {  	v19 =	vmul.f32 v19, v20;
	_ =	sdelay $0x1  }
0x5d9: {  	[tilespmem:s11+$0x10] =	vst v19  }
0x5da: {  	v19 =	vld [tilespmem:$0x420]  }
0x5db: {  	v18 =	vmul.f32 v3, v18;
	_ =	sdelay $0x1  }
0x5dc: {  	v18 =	vsub.f32 v18, v5;
	_ =	sdelay $0x1  }
0x5dd: {  	v18 =	vmul.f32 v18, v19;
	_ =	sdelay $0x1  }
0x5de: {  	[tilespmem:s11+$0x20] =	vst v18  }
0x5df: {  	v18 =	vld [tilespmem:$0x430]  }
0x5e0: {  	v17 =	vmul.f32 v3, v17;
	_ =	sdelay $0x1  }
0x5e1: {  	v17 =	vsub.f32 v17, v5;
	_ =	sdelay $0x1  }
0x5e2: {  	v17 =	vmul.f32 v17, v18;
	_ =	sdelay $0x1  }
0x5e3: {  	[tilespmem:s11+$0x30] =	vst v17  }
0x5e4: {  	v17 =	vld [tilespmem:$0x440]  }
0x5e5: {  	v16 =	vmul.f32 v3, v16;
	_ =	sdelay $0x1  }
0x5e6: {  	v16 =	vsub.f32 v16, v5;
	_ =	sdelay $0x1  }
0x5e7: {  	v16 =	vmul.f32 v16, v17;
	_ =	sdelay $0x1  }
0x5e8: {  	[tilespmem:s11+$0x40] =	vst v16  }
0x5e9: {  	v16 =	vld [tilespmem:$0x450]  }
0x5ea: {  	v15 =	vmul.f32 v3, v15;
	_ =	sdelay $0x1  }
0x5eb: {  	v15 =	vsub.f32 v15, v5;
	_ =	sdelay $0x1  }
0x5ec: {  	v15 =	vmul.f32 v15, v16;
	_ =	sdelay $0x1  }
0x5ed: {  	[tilespmem:s11+$0x50] =	vst v15  }
0x5ee: {  	v15 =	vld [tilespmem:$0x460]  }
0x5ef: {  	v14 =	vmul.f32 v3, v14;
	_ =	sdelay $0x1  }
0x5f0: {  	v14 =	vsub.f32 v14, v5;
	_ =	sdelay $0x1  }
0x5f1: {  	v14 =	vmul.f32 v14, v15;
	_ =	sdelay $0x1  }
0x5f2: {  	[tilespmem:s11+$0x60] =	vst v14  }
0x5f3: {  	v14 =	vld [tilespmem:$0x470]  }
0x5f4: {  	v13 =	vmul.f32 v3, v13;
	_ =	sdelay $0x1  }
0x5f5: {  	v13 =	vsub.f32 v13, v5;
	_ =	sdelay $0x1  }
0x5f6: {  	v13 =	vmul.f32 v13, v14;
	_ =	sdelay $0x1  }
0x5f7: {  	[tilespmem:s11+$0x70] =	vst v13  }
0x5f8: {  	v13 =	vld [tilespmem:$0x480]  }
0x5f9: {  	v12 =	vmul.f32 v3, v12;
	_ =	sdelay $0x1  }
0x5fa: {  	v12 =	vsub.f32 v12, v5;
	_ =	sdelay $0x1  }
0x5fb: {  	v12 =	vmul.f32 v12, v13;
	_ =	sdelay $0x1  }
0x5fc: {  	[tilespmem:s11+$0x400] =	vst v12  }
0x5fd: {  	v12 =	vld [tilespmem:$0x490]  }
0x5fe: {  	v11 =	vmul.f32 v3, v11;
	_ =	sdelay $0x1  }
0x5ff: {  	v11 =	vsub.f32 v11, v5;
	_ =	sdelay $0x1  }
0x600: {  	v11 =	vmul.f32 v11, v12;
	_ =	sdelay $0x1  }
0x601: {  	[tilespmem:s11+$0x410] =	vst v11  }
0x602: {  	v11 =	vld [tilespmem:$0x4A0]  }
0x603: {  	v10 =	vmul.f32 v3, v10;
	_ =	sdelay $0x1  }
0x604: {  	v10 =	vsub.f32 v10, v5;
	_ =	sdelay $0x1  }
0x605: {  	v10 =	vmul.f32 v10, v11;
	_ =	sdelay $0x1  }
0x606: {  	[tilespmem:s11+$0x420] =	vst v10  }
0x607: {  	v10 =	vld [tilespmem:$0x4B0]  }
0x608: {  	v9 =	vmul.f32 v3, v9;
	_ =	sdelay $0x1  }
0x609: {  	v9 =	vsub.f32 v9, v5;
	_ =	sdelay $0x1  }
0x60a: {  	v9 =	vmul.f32 v9, v10;
	_ =	sdelay $0x1  }
0x60b: {  	[tilespmem:s11+$0x430] =	vst v9  }
0x60c: {  	v9 =	vld [tilespmem:$0x4C0]  }
0x60d: {  	v8 =	vmul.f32 v3, v8;
	_ =	sdelay $0x1  }
0x60e: {  	v8 =	vsub.f32 v8, v5;
	_ =	sdelay $0x1  }
0x60f: {  	v8 =	vmul.f32 v8, v9;
	_ =	sdelay $0x1  }
0x610: {  	[tilespmem:s11+$0x440] =	vst v8  }
0x611: {  	v8 =	vld [tilespmem:$0x4D0]  }
0x612: {  	v7 =	vmul.f32 v3, v7;
	_ =	sdelay $0x1  }
0x613: {  	v7 =	vsub.f32 v7, v5;
	_ =	sdelay $0x1  }
0x614: {  	v7 =	vmul.f32 v7, v8;
	_ =	sdelay $0x1  }
0x615: {  	[tilespmem:s11+$0x450] =	vst v7  }
0x616: {  	v7 =	vld [tilespmem:$0x4E0]  }
0x617: {  	v6 =	vmul.f32 v3, v6;
	_ =	sdelay $0x1  }
0x618: {  	v6 =	vsub.f32 v6, v5;
	_ =	sdelay $0x1  }
0x619: {  	v6 =	vmul.f32 v7, v6;
	_ =	sdelay $0x1  }
0x61a: {  	[tilespmem:s11+$0x460] =	vst v6  }
0x61b: {  	v6 =	vld [tilespmem:$0x4F0]  }
0x61c: {  	v4 =	vmul.f32 v3, v4;
	_ =	sdelay $0x1  }
0x61d: {  	v4 =	vsub.f32 v4, v5;
	_ =	sdelay $0x1  }
0x61e: {  	v4 =	vmul.f32 v6, v4;
	_ =	sdelay $0x1  }
0x61f: {  	[tilespmem:s11+$0x470] =	vst v4  }
0x620: {  	v4 =	vld [tilespmem:s0+$0x12F00];
	_ =	sdelay $0x3  }
0x621: {  	v9 =	vld [tilespmem:$0x500]  }
0x622: {  	v4 =	vmul.f32 v4, v3;
	_ =	sdelay $0x1  }
0x623: {  	v4 =	vsub.f32 v4, v5;
	_ =	sdelay $0x1  }
0x624: {  	v4 =	vmul.f32 v4, v9;
	_ =	sdelay $0x1  }
0x625: {  	[tilespmem:s0+$0x12F00] =	vst v4  }
0x626: {  	v4 =	vld [tilespmem:s3+$0x10];
	_ =	sdelay $0x3  }
0x627: {  	v10 =	vld [tilespmem:$0x510]  }
0x628: {  	v4 =	vmul.f32 v4, v3;
	_ =	sdelay $0x1  }
0x629: {  	v4 =	vsub.f32 v4, v5  }
0x62a: {  	v11 =	vld [tilespmem:s3+$0x20]  }
0x62b: {  	v4 =	vmul.f32 v4, v10;
	_ =	sdelay $0x1  }
0x62c: {  	[tilespmem:s3+$0x10] =	vst v4  }
0x62d: {  	v4 =	vld [tilespmem:$0x520]  }
0x62e: {  	v12 =	vmul.f32 v11, v3;
	_ =	sdelay $0x1  }
0x62f: {  	v6 =	vsub.f32 v12, v5  }
0x630: {  	v13 =	vld [tilespmem:s3+$0x30]  }
0x631: {  	v4 =	vmul.f32 v6, v4;
	_ =	sdelay $0x1  }
0x632: {  	[tilespmem:s3+$0x20] =	vst v4  }
0x633: {  	v4 =	vld [tilespmem:$0x530]  }
0x634: {  	v14 =	vmul.f32 v13, v3;
	_ =	sdelay $0x1  }
0x635: {  	v6 =	vsub.f32 v14, v5  }
0x636: {  	v15 =	vld [tilespmem:s3+$0x40]  }
0x637: {  	v4 =	vmul.f32 v6, v4;
	_ =	sdelay $0x1  }
0x638: {  	[tilespmem:s3+$0x30] =	vst v4  }
0x639: {  	v4 =	vld [tilespmem:$0x540]  }
0x63a: {  	v16 =	vmul.f32 v15, v3;
	_ =	sdelay $0x1  }
0x63b: {  	v6 =	vsub.f32 v16, v5  }
0x63c: {  	v17 =	vld [tilespmem:s3+$0x50]  }
0x63d: {  	v4 =	vmul.f32 v6, v4;
	_ =	sdelay $0x1  }
0x63e: {  	[tilespmem:s3+$0x40] =	vst v4  }
0x63f: {  	v4 =	vld [tilespmem:$0x550]  }
0x640: {  	v18 =	vmul.f32 v17, v3;
	_ =	sdelay $0x1  }
0x641: {  	v6 =	vsub.f32 v18, v5  }
0x642: {  	v19 =	vld [tilespmem:s3+$0x60]  }
0x643: {  	v4 =	vmul.f32 v6, v4;
	_ =	sdelay $0x1  }
0x644: {  	[tilespmem:s3+$0x50] =	vst v4  }
0x645: {  	v4 =	vld [tilespmem:$0x560]  }
0x646: {  	v20 =	vmul.f32 v19, v3;
	_ =	sdelay $0x1  }
0x647: {  	v6 =	vsub.f32 v20, v5  }
0x648: {  	v21 =	vld [tilespmem:s3+$0x70]  }
0x649: {  	v4 =	vmul.f32 v6, v4;
	_ =	sdelay $0x1  }
0x64a: {  	[tilespmem:s3+$0x60] =	vst v4  }
0x64b: {  	v4 =	vld [tilespmem:$0x570]  }
0x64c: {  	v22 =	vmul.f32 v21, v3;
	_ =	sdelay $0x1  }
0x64d: {  	v6 =	vsub.f32 v22, v5;
	_ =	sdelay $0x1  }
0x64e: {  	v4 =	vmul.f32 v6, v4;
	_ =	sdelay $0x1  }
0x64f: {  	[tilespmem:s3+$0x70] =	vst v4  }
0x650: {  	v4 =	vld [tilespmem:s0+$0x13300];
	_ =	sdelay $0x3  }
0x651: {  	v23 =	vld [tilespmem:$0x580]  }
0x652: {  	v4 =	vmul.f32 v4, v3;
	_ =	sdelay $0x1  }
0x653: {  	v4 =	vsub.f32 v4, v5;
	_ =	sdelay $0x1  }
0x654: {  	v4 =	vmul.f32 v4, v23;
	_ =	sdelay $0x1  }
0x655: {  	[tilespmem:s0+$0x13300] =	vst v4  }
0x656: {  	v4 =	vld [tilespmem:s1+$0x10];
	_ =	sdelay $0x3  }
0x657: {  	v24 =	vld [tilespmem:$0x590]  }
0x658: {  	v4 =	vmul.f32 v4, v3;
	_ =	sdelay $0x1  }
0x659: {  	v4 =	vsub.f32 v4, v5  }
0x65a: {  	v25 =	vld [tilespmem:s1+$0x20]  }
0x65b: {  	v4 =	vmul.f32 v4, v24;
	_ =	sdelay $0x1  }
0x65c: {  	[tilespmem:s1+$0x10] =	vst v4  }
0x65d: {  	v4 =	vld [tilespmem:$0x5A0]  }
0x65e: {  	v26 =	vmul.f32 v25, v3;
	_ =	sdelay $0x1  }
0x65f: {  	v6 =	vsub.f32 v26, v5  }
0x660: {  	v27 =	vld [tilespmem:s1+$0x30]  }
0x661: {  	v4 =	vmul.f32 v6, v4;
	_ =	sdelay $0x1  }
0x662: {  	[tilespmem:s1+$0x20] =	vst v4  }
0x663: {  	v4 =	vld [tilespmem:$0x5B0]  }
0x664: {  	v28 =	vmul.f32 v27, v3;
	_ =	sdelay $0x1  }
0x665: {  	v6 =	vsub.f32 v28, v5  }
0x666: {  	v29 =	vld [tilespmem:s1+$0x40]  }
0x667: {  	v4 =	vmul.f32 v6, v4;
	_ =	sdelay $0x1  }
0x668: {  	[tilespmem:s1+$0x30] =	vst v4  }
0x669: {  	v4 =	vld [tilespmem:$0x5C0]  }
0x66a: {  	v30 =	vmul.f32 v29, v3;
	_ =	sdelay $0x1  }
0x66b: {  	v6 =	vsub.f32 v30, v5  }
0x66c: {  	v31 =	vld [tilespmem:s1+$0x50]  }
0x66d: {  	v4 =	vmul.f32 v6, v4;
	_ =	sdelay $0x1  }
0x66e: {  	[tilespmem:s1+$0x40] =	vst v4  }
0x66f: {  	v4 =	vld [tilespmem:$0x5D0]  }
0x670: {  	v32 =	vmul.f32 v31, v3;
	_ =	sdelay $0x1  }
0x671: {  	v6 =	vsub.f32 v32, v5  }
0x672: {  	v33 =	vld [tilespmem:s1+$0x60]  }
0x673: {  	v4 =	vmul.f32 v6, v4;
	_ =	sdelay $0x1  }
0x674: {  	[tilespmem:s1+$0x50] =	vst v4  }
0x675: {  	v4 =	vld [tilespmem:$0x5E0]  }
0x676: {  	v34 =	vmul.f32 v33, v3;
	_ =	sdelay $0x1  }
0x677: {  	v6 =	vsub.f32 v34, v5  }
0x678: {  	v35 =	vld [tilespmem:s1+$0x70]  }
0x679: {  	v4 =	vmul.f32 v6, v4;
	_ =	sdelay $0x1  }
0x67a: {  	[tilespmem:s1+$0x60] =	vst v4  }
0x67b: {  	v4 =	vld [tilespmem:$0x5F0]  }
0x67c: {  	v36 =	vmul.f32 v35, v3;
	_ =	sdelay $0x1  }
0x67d: {  	v6 =	vsub.f32 v36, v5;
	_ =	sdelay $0x1  }
0x67e: {  	v4 =	vmul.f32 v6, v4;
	_ =	sdelay $0x1  }
0x67f: {  	[tilespmem:s1+$0x70] =	vst v4  }
0x680: {  	v4 =	vld [tilespmem:s0+$0x13700];
	_ =	sdelay $0x3  }
0x681: {  	v37 =	vld [tilespmem:$0x600]  }
0x682: {  	v4 =	vmul.f32 v4, v3;
	_ =	sdelay $0x1  }
0x683: {  	v4 =	vsub.f32 v4, v5;
	_ =	sdelay $0x1  }
0x684: {  	v4 =	vmul.f32 v4, v37;
	_ =	sdelay $0x1  }
0x685: {  	[tilespmem:s0+$0x13700] =	vst v4  }
0x686: {  	v4 =	vld [tilespmem:s29+$0x10];
	_ =	sdelay $0x3  }
0x687: {  	v38 =	vld [tilespmem:$0x610]  }
0x688: {  	v4 =	vmul.f32 v4, v3;
	_ =	sdelay $0x1  }
0x689: {  	v4 =	vsub.f32 v4, v5  }
0x68a: {  	v39 =	vld [tilespmem:s29+$0x20]  }
0x68b: {  	v4 =	vmul.f32 v4, v38;
	_ =	sdelay $0x1  }
0x68c: {  	[tilespmem:s29+$0x10] =	vst v4  }
0x68d: {  	v4 =	vld [tilespmem:$0x620]  }
0x68e: {  	v40 =	vmul.f32 v39, v3;
	_ =	sdelay $0x1  }
0x68f: {  	v6 =	vsub.f32 v40, v5  }
0x690: {  	v41 =	vld [tilespmem:s29+$0x30]  }
0x691: {  	v4 =	vmul.f32 v6, v4;
	_ =	sdelay $0x1  }
0x692: {  	[tilespmem:s29+$0x20] =	vst v4  }
0x693: {  	v4 =	vld [tilespmem:$0x630]  }
0x694: {  	v42 =	vmul.f32 v41, v3;
	_ =	sdelay $0x1  }
0x695: {  	v6 =	vsub.f32 v42, v5  }
0x696: {  	v43 =	vld [tilespmem:s29+$0x40]  }
0x697: {  	v4 =	vmul.f32 v6, v4;
	_ =	sdelay $0x1  }
0x698: {  	[tilespmem:s29+$0x30] =	vst v4  }
0x699: {  	v4 =	vld [tilespmem:$0x640]  }
0x69a: {  	v44 =	vmul.f32 v43, v3;
	_ =	sdelay $0x1  }
0x69b: {  	v6 =	vsub.f32 v44, v5  }
0x69c: {  	v45 =	vld [tilespmem:s29+$0x50]  }
0x69d: {  	v4 =	vmul.f32 v6, v4;
	_ =	sdelay $0x1  }
0x69e: {  	[tilespmem:s29+$0x40] =	vst v4  }
0x69f: {  	v4 =	vld [tilespmem:$0x650]  }
0x6a0: {  	v46 =	vmul.f32 v45, v3;
	_ =	sdelay $0x1  }
0x6a1: {  	v6 =	vsub.f32 v46, v5  }
0x6a2: {  	v47 =	vld [tilespmem:s29+$0x60]  }
0x6a3: {  	v4 =	vmul.f32 v6, v4;
	_ =	sdelay $0x1  }
0x6a4: {  	[tilespmem:s29+$0x50] =	vst v4  }
0x6a5: {  	v4 =	vld [tilespmem:$0x660]  }
0x6a6: {  	v48 =	vmul.f32 v47, v3;
	_ =	sdelay $0x1  }
0x6a7: {  	v6 =	vsub.f32 v48, v5  }
0x6a8: {  	v49 =	vld [tilespmem:s29+$0x70]  }
0x6a9: {  	v4 =	vmul.f32 v6, v4;
	_ =	sdelay $0x1  }
0x6aa: {  	[tilespmem:s29+$0x60] =	vst v4  }
0x6ab: {  	v4 =	vld [tilespmem:$0x670]  }
0x6ac: {  	v50 =	vmul.f32 v49, v3;
	_ =	sdelay $0x1  }
0x6ad: {  	v6 =	vsub.f32 v50, v5;
	_ =	sdelay $0x1  }
0x6ae: {  	v4 =	vmul.f32 v6, v4;
	_ =	sdelay $0x1  }
0x6af: {  	[tilespmem:s29+$0x70] =	vst v4  }
0x6b0: {  	v4 =	vld [tilespmem:s0+$0x13B00];
	_ =	sdelay $0x3  }
0x6b1: {  	v51 =	vld [tilespmem:$0x680]  }
0x6b2: {  	v4 =	vmul.f32 v4, v3;
	_ =	sdelay $0x1  }
0x6b3: {  	v4 =	vsub.f32 v4, v5;
	_ =	sdelay $0x1  }
0x6b4: {  	v4 =	vmul.f32 v4, v51;
	_ =	sdelay $0x1  }
0x6b5: {  	[tilespmem:s0+$0x13B00] =	vst v4  }
0x6b6: {  	v4 =	vld [tilespmem:s28+$0x10];
	_ =	sdelay $0x3  }
0x6b7: {  	v52 =	vld [tilespmem:$0x690]  }
0x6b8: {  	v4 =	vmul.f32 v4, v3;
	_ =	sdelay $0x1  }
0x6b9: {  	v4 =	vsub.f32 v4, v5  }
0x6ba: {  	v53 =	vld [tilespmem:s28+$0x20]  }
0x6bb: {  	v4 =	vmul.f32 v4, v52;
	_ =	sdelay $0x1  }
0x6bc: {  	[tilespmem:s28+$0x10] =	vst v4  }
0x6bd: {  	v4 =	vld [tilespmem:$0x6A0]  }
0x6be: {  	v54 =	vmul.f32 v53, v3;
	_ =	sdelay $0x1  }
0x6bf: {  	v6 =	vsub.f32 v54, v5  }
0x6c0: {  	v55 =	vld [tilespmem:s28+$0x30]  }
0x6c1: {  	v4 =	vmul.f32 v6, v4;
	_ =	sdelay $0x1  }
0x6c2: {  	[tilespmem:s28+$0x20] =	vst v4  }
0x6c3: {  	v4 =	vld [tilespmem:$0x6B0]  }
0x6c4: {  	v56 =	vmul.f32 v55, v3;
	_ =	sdelay $0x1  }
0x6c5: {  	v6 =	vsub.f32 v56, v5  }
0x6c6: {  	v57 =	vld [tilespmem:s28+$0x40]  }
0x6c7: {  	v4 =	vmul.f32 v6, v4;
	_ =	sdelay $0x1  }
0x6c8: {  	[tilespmem:s28+$0x30] =	vst v4  }
0x6c9: {  	v4 =	vld [tilespmem:$0x6C0]  }
0x6ca: {  	v58 =	vmul.f32 v57, v3;
	_ =	sdelay $0x1  }
0x6cb: {  	v6 =	vsub.f32 v58, v5  }
0x6cc: {  	v59 =	vld [tilespmem:s28+$0x50]  }
0x6cd: {  	v4 =	vmul.f32 v6, v4;
	_ =	sdelay $0x1  }
0x6ce: {  	[tilespmem:s28+$0x40] =	vst v4  }
0x6cf: {  	v4 =	vld [tilespmem:$0x6D0]  }
0x6d0: {  	v60 =	vmul.f32 v59, v3;
	_ =	sdelay $0x1  }
0x6d1: {  	v6 =	vsub.f32 v60, v5  }
0x6d2: {  	v61 =	vld [tilespmem:s28+$0x60]  }
0x6d3: {  	v4 =	vmul.f32 v6, v4;
	_ =	sdelay $0x1  }
0x6d4: {  	[tilespmem:s28+$0x50] =	vst v4  }
0x6d5: {  	v4 =	vld [tilespmem:$0x6E0]  }
0x6d6: {  	v62 =	vmul.f32 v61, v3;
	_ =	sdelay $0x1  }
0x6d7: {  	v6 =	vsub.f32 v62, v5  }
0x6d8: {  	v63 =	vld [tilespmem:s28+$0x70]  }
0x6d9: {  	v4 =	vmul.f32 v6, v4;
	_ =	sdelay $0x1  }
0x6da: {  	[tilespmem:s28+$0x60] =	vst v4  }
0x6db: {  	v4 =	vld [tilespmem:$0x6F0]  }
0x6dc: {  	v3 =	vmul.f32 v63, v3  }
0x6dd: {  	p0 =	sne.s32 s26, $0x1F  }
.Ltmp3:
0x6de: {  	v3 =	vsub.f32 v3, v5;
	(pc) =	sbr.rel @p0 .LBB2_9-.Ltmp3, $3  }
0x6df: {  	_ = 	snop  }
0x6e0: {  	v3 =	vmul.f32 v3, v4;
	_ =	sdelay $0x1  }
0x6e1: {  	s24 =	sadd.s32 $0x80, s24;
	s26 =	sadd.s32 $0x1, s26;
	[tilespmem:s28+$0x70] =	vst v3  }
0x6e2: {  	s22 =	sadd.s32 $0x1, s22  }
0x6e3: {  	s0 =	sadd.s32 s6, s23;
	p0 =	sne.s32 s22, $0x8  }
.Ltmp4:
0x6e4: {  	s0 =	sshrl.u32 s0, $0x3;
	(pc) =	sbr.rel @p0 .LBB2_2-.Ltmp4, $3  }
0x6e5: {  	s0 =	smul.u32 $0x300, s0;
	_ =	sdelay $0x1  }
0x6e6: {  	s0 =	sadd.s32 s4, s0  }
0x6e7: {  	[hbm4b:s0+s5] =	stream.linear.scatter [tilespmem:s31], [sflag:$0x8], $0x6000, $0x38;
	[tilespmem:$0x18700] =	vst v63  }
0x6e8: {  	s0 =	simm.s32 $0x5  }
0x6e9: {  	_ =	swait.ge [sflag:s0], $0x6000  }
0x6ea: {  	[sflag:s0] =	ssyncset.done $0x0  }
0x6eb: {  	s26 =	simm.s32 $0x6;
	[sflag:s0] =	ssyncadd.s32 $0xFFFFA000  }
0x6ec: {  	_ =	swait.ge [sflag:s26], $0x6000  }
0x6ed: {  	[sflag:s26] =	ssyncset.done $0x0  }
0x6ee: {  	s28 =	simm.s32 $0x7;
	[sflag:s26] =	ssyncadd.s32 $0xFFFFA000  }
0x6ef: {  	_ =	swait.ge [sflag:s28], $0x6000  }
0x6f0: {  	[sflag:s28] =	ssyncset.done $0x0  }
0x6f1: {  	s1 =	simm.s32 $0x8;
	[sflag:s28] =	ssyncadd.s32 $0xFFFFA000  }
0x6f2: {  	_ =	swait.ge [sflag:s1], $0x6000  }
0x6f3: {  	s3 =	rddreg [dreg:$0x7]  }
0x6f4: {  	s29 =	rddreg [dreg:$0x6];
	s3 =	sadd.s32 $0x1, s3  }
0x6f5: {  	p0 =	sne.s32 s3, s29  }
.Ltmp5:
0x6f6: {  	_ = 	snop;
	(pc) =	sbr.rel @p0 .LBB2_1-.Ltmp5, $3  }
0x6f7: {  	_ =	sdelay $0x1  }
0x6f8: {  	[sflag:s1] =	ssyncset.done $0x0  }
0x6f9: {  	[sflag:s1] =	ssyncadd.s32 $0xFFFFA000  }
0x6fa: {  	_ =	sfence.sel $0x180000  }
0x6fb: {  	[bflag:$0x0] =	sbarrier.arrive $0xFFFF  }
0x6fc: {  	_ =	strace $0x90000047  }
0x6fd: {  	s0 =	stileid.u32;
	[bflag:$0x2] =	sbarrier.arrive $0xFFFF  }
0x6fe: {  	p0 =	sne.s32 s0, $0x0;
	s0 =	rddreg [dreg:$0x4]  }
0x6ff: {  	s0 =	sadd.s32 @!p0 $0x100000, s0  }
0x700: {  	[sflag:s0] =	ssyncadd.tile.s32 @!p0 $0x1;
	_ =	shalt  }
.Lfunc_end2:
_tile_overlayer_lowered:
.L_overlay_start_2:
0x701: {  	(tag) =	ssettag $0x2  }
0x702: {  	s0 =	rddreg [dreg:$0x0];
	s2 =	stileid.u32  }
0x703: {  	s1 =	rddreg [dreg:$0x1];
	p0 =	sne.s32 s2, $0x0  }
0x704: {  	s3 =	rddreg [dreg:$0x2];
	[bflag:$0x3] =	sbarrier.arrive $0xFFFF;
	s2 =	simm.s32 @!p0 $0x1C09  }
0x705: {  	[timem:s3], [sflag:s2] =	dma.local @!p0 [hbm:s0], s1  }
0x706: {  	s0 =	simm.s32 @!p0 $0x9  }
0x707: {  	_ =	swait.ge @!p0 [sflag:s0], s1  }
0x708: {  	s1 =	ssub.s32 @!p0 $0x0, s1;
	[sflag:s0] =	ssyncset.done @!p0 $0x0  }
0x709: {  	[sflag:s0] =	ssyncadd.s32 @!p0 s1  }
0x70a: {  	[bflag:$0x3] =	sbarrier.arrive $0xFFFF  }
0x70b: {  	_ =	shalt  }

</sc_bundles>
